<compile_context>
chip_gen: v7x
topology: tpu7x:2x2x1
jax: 0.10.2.dev20260603
libtpu: 0.0.44.dev20260713+nightly
codegen_flags: <defaults>
</compile_context>

<pallas_src>
import functools

import jax
import jax.numpy as jnp
from jax import lax
from jax.experimental import pallas as pl
from jax.experimental.pallas import tpu as pltpu
from jax.experimental.pallas import tpu_sc as plsc

L = 16
CHUNK = 128

_GATHER_DNUMS = lax.GatherDimensionNumbers(
    offset_dims=(), collapsed_slice_dims=(0,), start_index_map=(0,))


def _take16(x, idx2d):
    return lax.gather(x, idx2d, _GATHER_DNUMS, (1,),
                      mode=lax.GatherScatterMode.PROMISE_IN_BOUNDS)


def _make_sc_call(b, dim2):
    info = plsc.get_sparse_core_info()
    nc, ns = info.num_cores, info.num_subcores
    nw = nc * ns
    assert b % (nw * CHUNK) == 0
    b_side = b // nw
    b_per_w = 2 * b_side
    n_chunks = b_per_w // CHUNK
    kpg = dim2 // L
    assert n_chunks % 2 == 0 and n_chunks >= 4

    mesh = plsc.VectorSubcoreMesh(core_axis_name="c", subcore_axis_name="s")
    out_sds = jax.ShapeDtypeStruct((b,), jnp.float32)

    @functools.partial(
        pl.kernel,
        mesh=mesh,
        out_type=(out_sds, out_sds),
        scratch_types=[
            pltpu.VMEM((b_per_w,), jnp.int32),
            pltpu.VMEM((b_per_w,), jnp.int32),
            pltpu.VMEM((b_per_w,), jnp.int32),
            pltpu.VMEM((2, CHUNK, dim2), jnp.float32),
            pltpu.VMEM((2, CHUNK, dim2), jnp.float32),
            pltpu.VMEM((2, CHUNK, dim2), jnp.float32),
            pltpu.VMEM((b_per_w,), jnp.float32),
            pltpu.SemaphoreType.DMA,
            pltpu.SemaphoreType.DMA,
        ],
    )
    def sc_call(pos_h, pos_r, pos_t, neg_h, neg_r, neg_t, ent_hbm, rel_hbm,
                out_pos, out_neg, hidx_v, ridx_v, tidx_v, hbuf, rbuf, tbuf,
                outv, sem_a, sem_b):
        wid = lax.axis_index("s") * nc + lax.axis_index("c")
        base = wid * b_side

        lane = lax.iota(jnp.int32, L)
        swap2d = jnp.reshape(lane ^ 1, (L, 1))
        bfly = [jnp.reshape(lane ^ (1 << p), (L, 1)) for p in range(1, 4)]
        even = (lane & 1) == 0

        src = pl.ds(base, b_side)
        lo, hi = pl.ds(0, b_side), pl.ds(b_side, b_side)
        idx_copies = [
            pltpu.make_async_copy(pos_h.at[src], hidx_v.at[lo], sem_a),
            pltpu.make_async_copy(neg_h.at[src], hidx_v.at[hi], sem_a),
            pltpu.make_async_copy(pos_r.at[src], ridx_v.at[lo], sem_a),
            pltpu.make_async_copy(neg_r.at[src], ridx_v.at[hi], sem_a),
            pltpu.make_async_copy(pos_t.at[src], tidx_v.at[lo], sem_a),
            pltpu.make_async_copy(neg_t.at[src], tidx_v.at[hi], sem_a),
        ]
        for c in idx_copies:
            c.start()
        for c in idx_copies:
            c.wait()

        def copies(ci, slot, sem):
            ids = pl.ds(ci * CHUNK, CHUNK)
            return (
                pltpu.make_async_copy(ent_hbm.at[hidx_v.at[ids]], hbuf.at[slot], sem),
                pltpu.make_async_copy(rel_hbm.at[ridx_v.at[ids]], rbuf.at[slot], sem),
                pltpu.make_async_copy(ent_hbm.at[tidx_v.at[ids]], tbuf.at[slot], sem),
            )

        def start(ci, slot, sem):
            for c in copies(ci, slot, sem):
                c.start()

        def wait(ci, slot, sem):
            for c in copies(ci, slot, sem):
                c.wait()

        def compute(ci, slot):
            def group_body(gi, _):
                e0 = gi * L
                svec = jnp.zeros((L,), jnp.float32)
                for e16 in range(L):
                    e = e0 + e16
                    acc = jnp.zeros((L,), jnp.float32)
                    for kk in range(kpg // 2):
                        for half in range(2):
                            k = 2 * kk + half
                            h = hbuf[slot, e, pl.ds(k * L, L)]
                            t = tbuf[slot, e, pl.ds(k * L, L)]
                            r = rbuf[slot, e, pl.ds(k * L, L)]
                            ts = _take16(t, swap2d)
                            rs = _take16(r, swap2d)
                            rE = jnp.where(even, r, rs)
                            rOs = jnp.where(even, rs, -r)
                            acc = acc + h * (t * rE + ts * rOs)
                    acc = acc + _take16(acc, swap2d)
                    for p2d in bfly:
                        acc = acc + _take16(acc, p2d)
                    svec = jnp.where(lane == e16, acc, svec)
                outv[pl.ds(ci * CHUNK + e0, L)] = svec
                return 0

            lax.fori_loop(0, CHUNK // L, group_body, 0)

        start(0, 0, sem_a)

        def body(ci, _):
            slot = ci & 1

            @pl.when(ci + 1 < n_chunks)
            def _():
                @pl.when(slot == 0)
                def _():
                    start(ci + 1, 1, sem_b)

                @pl.when(slot == 1)
                def _():
                    start(ci + 1, 0, sem_a)

            @pl.when(slot == 0)
            def _():
                wait(ci, 0, sem_a)

            @pl.when(slot == 1)
            def _():
                wait(ci, 1, sem_b)

            compute(ci, slot)
            return 0

        lax.fori_loop(0, n_chunks, body, 0)
        pltpu.sync_copy(outv.at[lo], out_pos.at[src])
        pltpu.sync_copy(outv.at[hi], out_neg.at[src])

    return sc_call


def kernel(pos_h, pos_r, pos_t, neg_h, neg_r, neg_t, entity_emb, relation_emb):
    b = pos_h.shape[0]
    dim2 = entity_emb.shape[1]
    args = [pos_h, pos_r, pos_t, neg_h, neg_r, neg_t]
    args = [a if a.dtype == jnp.int32 else a.astype(jnp.int32) for a in args]
    sc_call = _make_sc_call(b, dim2)
    return sc_call(*args, entity_emb, relation_emb)

# --- scband reference (transcript-rebuilt; emitter-appended) ---
"""Pipeline reference for scband-compl-ex-89515708383573 (READ-ONLY COPY).

The authoritative reference and input builder live on the scoring server;
editing this copy changes nothing except your own understanding.
"""

import jax, jax.numpy as jnp
import numpy as np

NUM_ENTITIES = 1000000
NUM_RELATIONS = 1000
DIM = 64
BATCH = 16384


def setup_inputs(seed: int = 0) -> dict:
    key = jax.random.key(seed)
    ks = jax.random.split(key, 8)
    # xavier_uniform bounds for the embedding matrices
    bound_e = float(np.sqrt(6.0 / (NUM_ENTITIES + DIM * 2)))
    bound_r = float(np.sqrt(6.0 / (NUM_RELATIONS + DIM * 2)))
    entity_emb = jax.random.uniform(ks[0], (NUM_ENTITIES, DIM * 2), dtype=jnp.float32, minval=-bound_e, maxval=bound_e)
    relation_emb = jax.random.uniform(ks[1], (NUM_RELATIONS, DIM * 2), dtype=jnp.float32, minval=-bound_r, maxval=bound_r)
    pos_h = jax.random.randint(ks[2], (BATCH,), 0, NUM_ENTITIES, dtype=jnp.int64 if jax.config.read('jax_enable_x64') else jnp.int32)
    pos_r = jax.random.randint(ks[3], (BATCH,), 0, NUM_RELATIONS, dtype=pos_h.dtype)
    pos_t = jax.random.randint(ks[4], (BATCH,), 0, NUM_ENTITIES, dtype=pos_h.dtype)
    neg_h = jax.random.randint(ks[5], (BATCH,), 0, NUM_ENTITIES, dtype=pos_h.dtype)
    neg_r = jax.random.randint(ks[6], (BATCH,), 0, NUM_RELATIONS, dtype=pos_h.dtype)
    neg_t = jax.random.randint(ks[7], (BATCH,), 0, NUM_ENTITIES, dtype=pos_h.dtype)
    return {
        'pos_h': pos_h, 'pos_r': pos_r, 'pos_t': pos_t,
        'neg_h': neg_h, 'neg_r': neg_r, 'neg_t': neg_t,
        'entity_emb': entity_emb, 'relation_emb': relation_emb,
    }


def _score(h, r, t, entity_emb, relation_emb):
    h_emb = jnp.take(entity_emb, h, axis=0).reshape(-1, DIM, 2)
    r_emb = jnp.take(relation_emb, r, axis=0).reshape(-1, DIM, 2)
    t_emb = jnp.take(entity_emb, t, axis=0).reshape(-1, DIM, 2)
    re_h, im_h = h_emb[..., 0], h_emb[..., 1]
    re_r, im_r = r_emb[..., 0], r_emb[..., 1]
    re_t, im_t = t_emb[..., 0], t_emb[..., 1]
    score = (re_h * re_r * re_t + re_h * im_r * im_t + im_h * re_r * im_t - im_h * im_r * re_t).sum(axis=1)
    return score


def reference(pos_h, pos_r, pos_t, neg_h, neg_r, neg_t, entity_emb, relation_emb):
    pos_score = _score(pos_h, pos_r, pos_t, entity_emb, relation_emb)
    neg_score = _score(neg_h, neg_r, neg_t, entity_emb, relation_emb)
    return (pos_score, neg_score)

if __name__ == "__main__":
    import jax
    _d = setup_inputs()
    print(jax.jit(kernel)(*tuple(_d.values())))

</pallas_src>

<mosaic_0001>
#map = affine_map<(d0, d1) -> (0)>
#map1 = affine_map<(d0, d1) -> (0, 0)>
module attributes {stable_mosaic.version = 14 : i64} {
  func.func @sc_call(%arg0: i32, %arg1: i32, %arg2: memref<16384xi32, #tpu.memory_space<hbm>>, %arg3: memref<16384xi32, #tpu.memory_space<hbm>>, %arg4: memref<16384xi32, #tpu.memory_space<hbm>>, %arg5: memref<16384xi32, #tpu.memory_space<hbm>>, %arg6: memref<16384xi32, #tpu.memory_space<hbm>>, %arg7: memref<16384xi32, #tpu.memory_space<hbm>>, %arg8: memref<1000000x128xf32, #tpu.memory_space<hbm>>, %arg9: memref<1000x128xf32, #tpu.memory_space<hbm>>, %arg10: memref<16384xf32, #tpu.memory_space<hbm>>, %arg11: memref<16384xf32, #tpu.memory_space<hbm>>, %arg12: memref<1024xi32, #tpu.memory_space<vmem>>, %arg13: memref<1024xi32, #tpu.memory_space<vmem>>, %arg14: memref<1024xi32, #tpu.memory_space<vmem>>, %arg15: memref<2x128x128xf32, #tpu.memory_space<vmem>>, %arg16: memref<2x128x128xf32, #tpu.memory_space<vmem>>, %arg17: memref<2x128x128xf32, #tpu.memory_space<vmem>>, %arg18: memref<1024xf32, #tpu.memory_space<vmem>>, %arg19: memref<!tpu.dma_semaphore, #tpu.memory_space<semaphore_mem>>, %arg20: memref<!tpu.dma_semaphore, #tpu.memory_space<semaphore_mem>>) attributes {dimension_semantics = [#tpu.dimension_semantics<core_parallel>, #tpu.dimension_semantics<subcore_parallel>], iteration_bounds = array<i64: 2, 16>, scalar_prefetch = 0 : i64, scratch_operands = 9 : i64, tpu.core_type = #tpu.core_type<sc_vector_subcore>, window_params = [{transform_indices = #map}, {transform_indices = #map}, {transform_indices = #map}, {transform_indices = #map}, {transform_indices = #map}, {transform_indices = #map}, {transform_indices = #map1}, {transform_indices = #map1}, {transform_indices = #map}, {transform_indices = #map}]} {
    %mul3A = arith.constant 2 : i32
    %mul3A_0 = arith.muli %arg1, %mul3A : i32
    %add3A = arith.addi %mul3A_0, %arg0 : i32
    %mul3A_1 = arith.constant 512 : i32
    %mul3A_2 = arith.muli %add3A, %mul3A_1 : i32
    %iota3A = tpu.iota {dimensions = array<i32: 0>} : vector<16xi32>
    %xor3A = arith.constant 1 : i32
    %xor3A_3 = vector.broadcast %xor3A : i32 to vector<16xi32>
    %xor3A_4 = arith.xori %iota3A, %xor3A_3 : vector<16xi32>
    %reshape3A = vector.shape_cast %xor3A_4 : vector<16xi32> to vector<16x1xi32>
    %xor3A_5 = arith.constant 2 : i32
    %xor3A_6 = vector.broadcast %xor3A_5 : i32 to vector<16xi32>
    %xor3A_7 = arith.xori %iota3A, %xor3A_6 : vector<16xi32>
    %reshape3A_8 = vector.shape_cast %xor3A_7 : vector<16xi32> to vector<16x1xi32>
    %xor3A_9 = arith.constant 4 : i32
    %xor3A_10 = vector.broadcast %xor3A_9 : i32 to vector<16xi32>
    %xor3A_11 = arith.xori %iota3A, %xor3A_10 : vector<16xi32>
    %reshape3A_12 = vector.shape_cast %xor3A_11 : vector<16xi32> to vector<16x1xi32>
    %xor3A_13 = arith.constant 8 : i32
    %xor3A_14 = vector.broadcast %xor3A_13 : i32 to vector<16xi32>
    %xor3A_15 = arith.xori %iota3A, %xor3A_14 : vector<16xi32>
    %reshape3A_16 = vector.shape_cast %xor3A_15 : vector<16xi32> to vector<16x1xi32>
    %and3A = arith.constant 1 : i32
    %and3A_17 = vector.broadcast %and3A : i32 to vector<16xi32>
    %and3A_18 = arith.andi %iota3A, %and3A_17 : vector<16xi32>
    %eq3A = arith.constant 0 : i32
    %eq3A_19 = vector.broadcast %eq3A : i32 to vector<16xi32>
    %eq3A_20 = arith.cmpi eq, %and3A_18, %eq3A_19 : vector<16xi32>
    %dma_start3A = arith.constant 0 : i32
    %dma_start3A_21 = tpu.memref_slice %arg12[%dma_start3A] : memref<1024xi32, #tpu.memory_space<vmem>> -> memref<512xi32, #tpu.memory_space<vmem>>
    %dma_start3A_22 = tpu.memref_slice %arg2[%mul3A_2] : memref<16384xi32, #tpu.memory_space<hbm>> -> memref<512xi32, #tpu.memory_space<hbm>>
    %dma_start3A_23 = arith.constant 0 : i32
    %dma_start3A_24 = tpu.memref_slice %arg12[%dma_start3A_23] : memref<1024xi32, #tpu.memory_space<vmem>> -> memref<512xi32, #tpu.memory_space<vmem>>
    %dma_start3A_25 = tpu.memref_slice %arg2[%mul3A_2] : memref<16384xi32, #tpu.memory_space<hbm>> -> memref<512xi32, #tpu.memory_space<hbm>>
    tpu.enqueue_dma source(%dma_start3A_25 : memref<512xi32, #tpu.memory_space<hbm>>) target(%dma_start3A_24 : memref<512xi32, #tpu.memory_space<vmem>>) target_semaphore(%arg19 : memref<!tpu.dma_semaphore, #tpu.memory_space<semaphore_mem>>)
    %dma_start3A_26 = arith.constant 512 : i32
    %dma_start3A_27 = tpu.memref_slice %arg12[%dma_start3A_26] : memref<1024xi32, #tpu.memory_space<vmem>> -> memref<512xi32, #tpu.memory_space<vmem>>
    %dma_start3A_28 = tpu.memref_slice %arg5[%mul3A_2] : memref<16384xi32, #tpu.memory_space<hbm>> -> memref<512xi32, #tpu.memory_space<hbm>>
    %dma_start3A_29 = arith.constant 512 : i32
    %dma_start3A_30 = tpu.memref_slice %arg12[%dma_start3A_29] : memref<1024xi32, #tpu.memory_space<vmem>> -> memref<512xi32, #tpu.memory_space<vmem>>
    %dma_start3A_31 = tpu.memref_slice %arg5[%mul3A_2] : memref<16384xi32, #tpu.memory_space<hbm>> -> memref<512xi32, #tpu.memory_space<hbm>>
    tpu.enqueue_dma source(%dma_start3A_31 : memref<512xi32, #tpu.memory_space<hbm>>) target(%dma_start3A_30 : memref<512xi32, #tpu.memory_space<vmem>>) target_semaphore(%arg19 : memref<!tpu.dma_semaphore, #tpu.memory_space<semaphore_mem>>)
    %dma_start3A_32 = arith.constant 0 : i32
    %dma_start3A_33 = tpu.memref_slice %arg13[%dma_start3A_32] : memref<1024xi32, #tpu.memory_space<vmem>> -> memref<512xi32, #tpu.memory_space<vmem>>
    %dma_start3A_34 = tpu.memref_slice %arg3[%mul3A_2] : memref<16384xi32, #tpu.memory_space<hbm>> -> memref<512xi32, #tpu.memory_space<hbm>>
    %dma_start3A_35 = arith.constant 0 : i32
    %dma_start3A_36 = tpu.memref_slice %arg13[%dma_start3A_35] : memref<1024xi32, #tpu.memory_space<vmem>> -> memref<512xi32, #tpu.memory_space<vmem>>
    %dma_start3A_37 = tpu.memref_slice %arg3[%mul3A_2] : memref<16384xi32, #tpu.memory_space<hbm>> -> memref<512xi32, #tpu.memory_space<hbm>>
    tpu.enqueue_dma source(%dma_start3A_37 : memref<512xi32, #tpu.memory_space<hbm>>) target(%dma_start3A_36 : memref<512xi32, #tpu.memory_space<vmem>>) target_semaphore(%arg19 : memref<!tpu.dma_semaphore, #tpu.memory_space<semaphore_mem>>)
    %dma_start3A_38 = arith.constant 512 : i32
    %dma_start3A_39 = tpu.memref_slice %arg13[%dma_start3A_38] : memref<1024xi32, #tpu.memory_space<vmem>> -> memref<512xi32, #tpu.memory_space<vmem>>
    %dma_start3A_40 = tpu.memref_slice %arg6[%mul3A_2] : memref<16384xi32, #tpu.memory_space<hbm>> -> memref<512xi32, #tpu.memory_space<hbm>>
    %dma_start3A_41 = arith.constant 512 : i32
    %dma_start3A_42 = tpu.memref_slice %arg13[%dma_start3A_41] : memref<1024xi32, #tpu.memory_space<vmem>> -> memref<512xi32, #tpu.memory_space<vmem>>
    %dma_start3A_43 = tpu.memref_slice %arg6[%mul3A_2] : memref<16384xi32, #tpu.memory_space<hbm>> -> memref<512xi32, #tpu.memory_space<hbm>>
    tpu.enqueue_dma source(%dma_start3A_43 : memref<512xi32, #tpu.memory_space<hbm>>) target(%dma_start3A_42 : memref<512xi32, #tpu.memory_space<vmem>>) target_semaphore(%arg19 : memref<!tpu.dma_semaphore, #tpu.memory_space<semaphore_mem>>)
    %dma_start3A_44 = arith.constant 0 : i32
    %dma_start3A_45 = tpu.memref_slice %arg14[%dma_start3A_44] : memref<1024xi32, #tpu.memory_space<vmem>> -> memref<512xi32, #tpu.memory_space<vmem>>
    %dma_start3A_46 = tpu.memref_slice %arg4[%mul3A_2] : memref<16384xi32, #tpu.memory_space<hbm>> -> memref<512xi32, #tpu.memory_space<hbm>>
    %dma_start3A_47 = arith.constant 0 : i32
    %dma_start3A_48 = tpu.memref_slice %arg14[%dma_start3A_47] : memref<1024xi32, #tpu.memory_space<vmem>> -> memref<512xi32, #tpu.memory_space<vmem>>
    %dma_start3A_49 = tpu.memref_slice %arg4[%mul3A_2] : memref<16384xi32, #tpu.memory_space<hbm>> -> memref<512xi32, #tpu.memory_space<hbm>>
    tpu.enqueue_dma source(%dma_start3A_49 : memref<512xi32, #tpu.memory_space<hbm>>) target(%dma_start3A_48 : memref<512xi32, #tpu.memory_space<vmem>>) target_semaphore(%arg19 : memref<!tpu.dma_semaphore, #tpu.memory_space<semaphore_mem>>)
    %dma_start3A_50 = arith.constant 512 : i32
    %dma_start3A_51 = tpu.memref_slice %arg14[%dma_start3A_50] : memref<1024xi32, #tpu.memory_space<vmem>> -> memref<512xi32, #tpu.memory_space<vmem>>
    %dma_start3A_52 = tpu.memref_slice %arg7[%mul3A_2] : memref<16384xi32, #tpu.memory_space<hbm>> -> memref<512xi32, #tpu.memory_space<hbm>>
    %dma_start3A_53 = arith.constant 512 : i32
    %dma_start3A_54 = tpu.memref_slice %arg14[%dma_start3A_53] : memref<1024xi32, #tpu.memory_space<vmem>> -> memref<512xi32, #tpu.memory_space<vmem>>
    %dma_start3A_55 = tpu.memref_slice %arg7[%mul3A_2] : memref<16384xi32, #tpu.memory_space<hbm>> -> memref<512xi32, #tpu.memory_space<hbm>>
    tpu.enqueue_dma source(%dma_start3A_55 : memref<512xi32, #tpu.memory_space<hbm>>) target(%dma_start3A_54 : memref<512xi32, #tpu.memory_space<vmem>>) target_semaphore(%arg19 : memref<!tpu.dma_semaphore, #tpu.memory_space<semaphore_mem>>)
    %dma_wait3A = arith.constant 0 : i32
    %dma_wait3A_56 = tpu.memref_slice %arg12[%dma_wait3A] : memref<1024xi32, #tpu.memory_space<vmem>> -> memref<512xi32, #tpu.memory_space<vmem>>
    %dma_wait3A_57 = tpu.memref_slice %arg2[%mul3A_2] : memref<16384xi32, #tpu.memory_space<hbm>> -> memref<512xi32, #tpu.memory_space<hbm>>
    %dma_wait3A_58 = arith.constant 0 : i32
    %dma_wait3A_59 = tpu.memref_slice %arg12[%dma_wait3A_58] : memref<1024xi32, #tpu.memory_space<vmem>> -> memref<512xi32, #tpu.memory_space<vmem>>
    %dma_wait3A_60 = tpu.memref_slice %arg2[%mul3A_2] : memref<16384xi32, #tpu.memory_space<hbm>> -> memref<512xi32, #tpu.memory_space<hbm>>
    tpu.wait_dma2 semaphore(%arg19 : memref<!tpu.dma_semaphore, #tpu.memory_space<semaphore_mem>>) src(%dma_wait3A_60 : memref<512xi32, #tpu.memory_space<hbm>>) dst(%dma_wait3A_59 : memref<512xi32, #tpu.memory_space<vmem>>)
    %dma_wait3A_61 = arith.constant 512 : i32
    %dma_wait3A_62 = tpu.memref_slice %arg12[%dma_wait3A_61] : memref<1024xi32, #tpu.memory_space<vmem>> -> memref<512xi32, #tpu.memory_space<vmem>>
    %dma_wait3A_63 = tpu.memref_slice %arg5[%mul3A_2] : memref<16384xi32, #tpu.memory_space<hbm>> -> memref<512xi32, #tpu.memory_space<hbm>>
    %dma_wait3A_64 = arith.constant 512 : i32
    %dma_wait3A_65 = tpu.memref_slice %arg12[%dma_wait3A_64] : memref<1024xi32, #tpu.memory_space<vmem>> -> memref<512xi32, #tpu.memory_space<vmem>>
    %dma_wait3A_66 = tpu.memref_slice %arg5[%mul3A_2] : memref<16384xi32, #tpu.memory_space<hbm>> -> memref<512xi32, #tpu.memory_space<hbm>>
    tpu.wait_dma2 semaphore(%arg19 : memref<!tpu.dma_semaphore, #tpu.memory_space<semaphore_mem>>) src(%dma_wait3A_66 : memref<512xi32, #tpu.memory_space<hbm>>) dst(%dma_wait3A_65 : memref<512xi32, #tpu.memory_space<vmem>>)
    %dma_wait3A_67 = arith.constant 0 : i32
    %dma_wait3A_68 = tpu.memref_slice %arg13[%dma_wait3A_67] : memref<1024xi32, #tpu.memory_space<vmem>> -> memref<512xi32, #tpu.memory_space<vmem>>
    %dma_wait3A_69 = tpu.memref_slice %arg3[%mul3A_2] : memref<16384xi32, #tpu.memory_space<hbm>> -> memref<512xi32, #tpu.memory_space<hbm>>
    %dma_wait3A_70 = arith.constant 0 : i32
    %dma_wait3A_71 = tpu.memref_slice %arg13[%dma_wait3A_70] : memref<1024xi32, #tpu.memory_space<vmem>> -> memref<512xi32, #tpu.memory_space<vmem>>
    %dma_wait3A_72 = tpu.memref_slice %arg3[%mul3A_2] : memref<16384xi32, #tpu.memory_space<hbm>> -> memref<512xi32, #tpu.memory_space<hbm>>
    tpu.wait_dma2 semaphore(%arg19 : memref<!tpu.dma_semaphore, #tpu.memory_space<semaphore_mem>>) src(%dma_wait3A_72 : memref<512xi32, #tpu.memory_space<hbm>>) dst(%dma_wait3A_71 : memref<512xi32, #tpu.memory_space<vmem>>)
    %dma_wait3A_73 = arith.constant 512 : i32
    %dma_wait3A_74 = tpu.memref_slice %arg13[%dma_wait3A_73] : memref<1024xi32, #tpu.memory_space<vmem>> -> memref<512xi32, #tpu.memory_space<vmem>>
    %dma_wait3A_75 = tpu.memref_slice %arg6[%mul3A_2] : memref<16384xi32, #tpu.memory_space<hbm>> -> memref<512xi32, #tpu.memory_space<hbm>>
    %dma_wait3A_76 = arith.constant 512 : i32
    %dma_wait3A_77 = tpu.memref_slice %arg13[%dma_wait3A_76] : memref<1024xi32, #tpu.memory_space<vmem>> -> memref<512xi32, #tpu.memory_space<vmem>>
    %dma_wait3A_78 = tpu.memref_slice %arg6[%mul3A_2] : memref<16384xi32, #tpu.memory_space<hbm>> -> memref<512xi32, #tpu.memory_space<hbm>>
    tpu.wait_dma2 semaphore(%arg19 : memref<!tpu.dma_semaphore, #tpu.memory_space<semaphore_mem>>) src(%dma_wait3A_78 : memref<512xi32, #tpu.memory_space<hbm>>) dst(%dma_wait3A_77 : memref<512xi32, #tpu.memory_space<vmem>>)
    %dma_wait3A_79 = arith.constant 0 : i32
    %dma_wait3A_80 = tpu.memref_slice %arg14[%dma_wait3A_79] : memref<1024xi32, #tpu.memory_space<vmem>> -> memref<512xi32, #tpu.memory_space<vmem>>
    %dma_wait3A_81 = tpu.memref_slice %arg4[%mul3A_2] : memref<16384xi32, #tpu.memory_space<hbm>> -> memref<512xi32, #tpu.memory_space<hbm>>
    %dma_wait3A_82 = arith.constant 0 : i32
    %dma_wait3A_83 = tpu.memref_slice %arg14[%dma_wait3A_82] : memref<1024xi32, #tpu.memory_space<vmem>> -> memref<512xi32, #tpu.memory_space<vmem>>
    %dma_wait3A_84 = tpu.memref_slice %arg4[%mul3A_2] : memref<16384xi32, #tpu.memory_space<hbm>> -> memref<512xi32, #tpu.memory_space<hbm>>
    tpu.wait_dma2 semaphore(%arg19 : memref<!tpu.dma_semaphore, #tpu.memory_space<semaphore_mem>>) src(%dma_wait3A_84 : memref<512xi32, #tpu.memory_space<hbm>>) dst(%dma_wait3A_83 : memref<512xi32, #tpu.memory_space<vmem>>)
    %dma_wait3A_85 = arith.constant 512 : i32
    %dma_wait3A_86 = tpu.memref_slice %arg14[%dma_wait3A_85] : memref<1024xi32, #tpu.memory_space<vmem>> -> memref<512xi32, #tpu.memory_space<vmem>>
    %dma_wait3A_87 = tpu.memref_slice %arg7[%mul3A_2] : memref<16384xi32, #tpu.memory_space<hbm>> -> memref<512xi32, #tpu.memory_space<hbm>>
    %dma_wait3A_88 = arith.constant 512 : i32
    %dma_wait3A_89 = tpu.memref_slice %arg14[%dma_wait3A_88] : memref<1024xi32, #tpu.memory_space<vmem>> -> memref<512xi32, #tpu.memory_space<vmem>>
    %dma_wait3A_90 = tpu.memref_slice %arg7[%mul3A_2] : memref<16384xi32, #tpu.memory_space<hbm>> -> memref<512xi32, #tpu.memory_space<hbm>>
    tpu.wait_dma2 semaphore(%arg19 : memref<!tpu.dma_semaphore, #tpu.memory_space<semaphore_mem>>) src(%dma_wait3A_90 : memref<512xi32, #tpu.memory_space<hbm>>) dst(%dma_wait3A_89 : memref<512xi32, #tpu.memory_space<vmem>>)
    %dma_start3A_91 = arith.constant 0 : i32
    %dma_start3A_92 = arith.constant 0 : i32
    %dma_start3A_93 = arith.constant 0 : i32
    %dma_start3A_94 = tpu.memref_slice %arg15[%dma_start3A_91, %dma_start3A_92, %dma_start3A_93] : memref<2x128x128xf32, #tpu.memory_space<vmem>> -> memref<1x128x128xf32, #tpu.memory_space<vmem>>
    %dma_start3A_95 = tpu.memref_squeeze %dma_start3A_94 : memref<1x128x128xf32, #tpu.memory_space<vmem>> -> memref<128x128xf32, #tpu.memory_space<vmem>>
    %dma_start3A_96 = arith.constant 0 : i32
    %dma_start3A_97 = tpu.memref_slice %arg12[%dma_start3A_96] : memref<1024xi32, #tpu.memory_space<vmem>> -> memref<128xi32, #tpu.memory_space<vmem>>
    %dma_start3A_98 = arith.constant 0 : i32
    %dma_start3A_99 = arith.constant 0 : i32
    %dma_start3A_100 = tpu.memref_slice %arg8[%dma_start3A_98, %dma_start3A_99] : memref<1000000x128xf32, #tpu.memory_space<hbm>> -> memref<1000000x128xf32, #tpu.memory_space<hbm>>
    tpu.enqueue_indirect_dma source(%dma_start3A_100 : memref<1000000x128xf32, #tpu.memory_space<hbm>>) target(%dma_start3A_95 : memref<128x128xf32, #tpu.memory_space<vmem>>) offsets(%dma_start3A_97 : memref<128xi32, #tpu.memory_space<vmem>>) semaphore(%arg19 : memref<!tpu.dma_semaphore, #tpu.memory_space<semaphore_mem>>)
    %dma_start3A_101 = arith.constant 0 : i32
    %dma_start3A_102 = arith.constant 0 : i32
    %dma_start3A_103 = arith.constant 0 : i32
    %dma_start3A_104 = tpu.memref_slice %arg16[%dma_start3A_101, %dma_start3A_102, %dma_start3A_103] : memref<2x128x128xf32, #tpu.memory_space<vmem>> -> memref<1x128x128xf32, #tpu.memory_space<vmem>>
    %dma_start3A_105 = tpu.memref_squeeze %dma_start3A_104 : memref<1x128x128xf32, #tpu.memory_space<vmem>> -> memref<128x128xf32, #tpu.memory_space<vmem>>
    %dma_start3A_106 = arith.constant 0 : i32
    %dma_start3A_107 = tpu.memref_slice %arg13[%dma_start3A_106] : memref<1024xi32, #tpu.memory_space<vmem>> -> memref<128xi32, #tpu.memory_space<vmem>>
    %dma_start3A_108 = arith.constant 0 : i32
    %dma_start3A_109 = arith.constant 0 : i32
    %dma_start3A_110 = tpu.memref_slice %arg9[%dma_start3A_108, %dma_start3A_109] : memref<1000x128xf32, #tpu.memory_space<hbm>> -> memref<1000x128xf32, #tpu.memory_space<hbm>>
    tpu.enqueue_indirect_dma source(%dma_start3A_110 : memref<1000x128xf32, #tpu.memory_space<hbm>>) target(%dma_start3A_105 : memref<128x128xf32, #tpu.memory_space<vmem>>) offsets(%dma_start3A_107 : memref<128xi32, #tpu.memory_space<vmem>>) semaphore(%arg19 : memref<!tpu.dma_semaphore, #tpu.memory_space<semaphore_mem>>)
    %dma_start3A_111 = arith.constant 0 : i32
    %dma_start3A_112 = arith.constant 0 : i32
    %dma_start3A_113 = arith.constant 0 : i32
    %dma_start3A_114 = tpu.memref_slice %arg17[%dma_start3A_111, %dma_start3A_112, %dma_start3A_113] : memref<2x128x128xf32, #tpu.memory_space<vmem>> -> memref<1x128x128xf32, #tpu.memory_space<vmem>>
    %dma_start3A_115 = tpu.memref_squeeze %dma_start3A_114 : memref<1x128x128xf32, #tpu.memory_space<vmem>> -> memref<128x128xf32, #tpu.memory_space<vmem>>
    %dma_start3A_116 = arith.constant 0 : i32
    %dma_start3A_117 = tpu.memref_slice %arg14[%dma_start3A_116] : memref<1024xi32, #tpu.memory_space<vmem>> -> memref<128xi32, #tpu.memory_space<vmem>>
    %dma_start3A_118 = arith.constant 0 : i32
    %dma_start3A_119 = arith.constant 0 : i32
    %dma_start3A_120 = tpu.memref_slice %arg8[%dma_start3A_118, %dma_start3A_119] : memref<1000000x128xf32, #tpu.memory_space<hbm>> -> memref<1000000x128xf32, #tpu.memory_space<hbm>>
    tpu.enqueue_indirect_dma source(%dma_start3A_120 : memref<1000000x128xf32, #tpu.memory_space<hbm>>) target(%dma_start3A_115 : memref<128x128xf32, #tpu.memory_space<vmem>>) offsets(%dma_start3A_117 : memref<128xi32, #tpu.memory_space<vmem>>) semaphore(%arg19 : memref<!tpu.dma_semaphore, #tpu.memory_space<semaphore_mem>>)
    %scan3A = arith.constant 0 : i32
    %scan3A_121 = arith.constant 0 : i32
    %scan3A_122 = arith.constant 8 : i32
    %scan3A_123 = arith.addi %scan3A_121, %scan3A_122 : i32
    %scan3A_124 = arith.constant 1 : i32
    %scan3A_125 = scf.for %scan3A_127 = %scan3A_121 to %scan3A_123 step %scan3A_124 iter_args(%scan3A_128 = %scan3A) -> (i32)  : i32 {
      %and3A_129 = arith.constant 1 : i32
      %and3A_130 = arith.andi %scan3A_127, %and3A_129 : i32
      %add3A_131 = arith.constant 1 : i32
      %add3A_132 = arith.addi %scan3A_127, %add3A_131 : i32
      %lt3A = arith.constant 8 : i32
      %lt3A_133 = arith.cmpi slt, %add3A_132, %lt3A : i32
      %convert_element_type3A = arith.extui %lt3A_133 : i1 to i32
      %cond3A = arith.constant 0 : i32
      %cond3A_134 = arith.cmpi ne, %convert_element_type3A, %cond3A : i32
      scf.if %cond3A_134 {
        %eq3A_153 = arith.constant 0 : i32
        %eq3A_154 = arith.cmpi eq, %and3A_130, %eq3A_153 : i32
        %convert_element_type3A_155 = arith.extui %eq3A_154 : i1 to i32
        %cond3A_156 = arith.constant 0 : i32
        %cond3A_157 = arith.cmpi ne, %convert_element_type3A_155, %cond3A_156 : i32
        scf.if %cond3A_157 {
          %add3A_163 = arith.constant 1 : i32
          %add3A_164 = arith.addi %scan3A_127, %add3A_163 : i32
          %mul3A_165 = arith.constant 128 : i32
          %mul3A_166 = arith.muli %add3A_164, %mul3A_165 : i32
          %dma_start3A_167 = arith.constant 1 : i32
          %dma_start3A_168 = arith.constant 0 : i32
          %dma_start3A_169 = arith.constant 0 : i32
          %dma_start3A_170 = tpu.memref_slice %arg15[%dma_start3A_167, %dma_start3A_168, %dma_start3A_169] : memref<2x128x128xf32, #tpu.memory_space<vmem>> -> memref<1x128x128xf32, #tpu.memory_space<vmem>>
          %dma_start3A_171 = tpu.memref_squeeze %dma_start3A_170 : memref<1x128x128xf32, #tpu.memory_space<vmem>> -> memref<128x128xf32, #tpu.memory_space<vmem>>
          %dma_start3A_172 = tpu.memref_slice %arg12[%mul3A_166] : memref<1024xi32, #tpu.memory_space<vmem>> -> memref<128xi32, #tpu.memory_space<vmem>>
          %dma_start3A_173 = arith.constant 0 : i32
          %dma_start3A_174 = arith.constant 0 : i32
          %dma_start3A_175 = tpu.memref_slice %arg8[%dma_start3A_173, %dma_start3A_174] : memref<1000000x128xf32, #tpu.memory_space<hbm>> -> memref<1000000x128xf32, #tpu.memory_space<hbm>>
          tpu.enqueue_indirect_dma source(%dma_start3A_175 : memref<1000000x128xf32, #tpu.memory_space<hbm>>) target(%dma_start3A_171 : memref<128x128xf32, #tpu.memory_space<vmem>>) offsets(%dma_start3A_172 : memref<128xi32, #tpu.memory_space<vmem>>) semaphore(%arg20 : memref<!tpu.dma_semaphore, #tpu.memory_space<semaphore_mem>>)
          %dma_start3A_176 = arith.constant 1 : i32
          %dma_start3A_177 = arith.constant 0 : i32
          %dma_start3A_178 = arith.constant 0 : i32
          %dma_start3A_179 = tpu.memref_slice %arg16[%dma_start3A_176, %dma_start3A_177, %dma_start3A_178] : memref<2x128x128xf32, #tpu.memory_space<vmem>> -> memref<1x128x128xf32, #tpu.memory_space<vmem>>
          %dma_start3A_180 = tpu.memref_squeeze %dma_start3A_179 : memref<1x128x128xf32, #tpu.memory_space<vmem>> -> memref<128x128xf32, #tpu.memory_space<vmem>>
          %dma_start3A_181 = tpu.memref_slice %arg13[%mul3A_166] : memref<1024xi32, #tpu.memory_space<vmem>> -> memref<128xi32, #tpu.memory_space<vmem>>
          %dma_start3A_182 = arith.constant 0 : i32
          %dma_start3A_183 = arith.constant 0 : i32
          %dma_start3A_184 = tpu.memref_slice %arg9[%dma_start3A_182, %dma_start3A_183] : memref<1000x128xf32, #tpu.memory_space<hbm>> -> memref<1000x128xf32, #tpu.memory_space<hbm>>
          tpu.enqueue_indirect_dma source(%dma_start3A_184 : memref<1000x128xf32, #tpu.memory_space<hbm>>) target(%dma_start3A_180 : memref<128x128xf32, #tpu.memory_space<vmem>>) offsets(%dma_start3A_181 : memref<128xi32, #tpu.memory_space<vmem>>) semaphore(%arg20 : memref<!tpu.dma_semaphore, #tpu.memory_space<semaphore_mem>>)
          %dma_start3A_185 = arith.constant 1 : i32
          %dma_start3A_186 = arith.constant 0 : i32
          %dma_start3A_187 = arith.constant 0 : i32
          %dma_start3A_188 = tpu.memref_slice %arg17[%dma_start3A_185, %dma_start3A_186, %dma_start3A_187] : memref<2x128x128xf32, #tpu.memory_space<vmem>> -> memref<1x128x128xf32, #tpu.memory_space<vmem>>
          %dma_start3A_189 = tpu.memref_squeeze %dma_start3A_188 : memref<1x128x128xf32, #tpu.memory_space<vmem>> -> memref<128x128xf32, #tpu.memory_space<vmem>>
          %dma_start3A_190 = tpu.memref_slice %arg14[%mul3A_166] : memref<1024xi32, #tpu.memory_space<vmem>> -> memref<128xi32, #tpu.memory_space<vmem>>
          %dma_start3A_191 = arith.constant 0 : i32
          %dma_start3A_192 = arith.constant 0 : i32
          %dma_start3A_193 = tpu.memref_slice %arg8[%dma_start3A_191, %dma_start3A_192] : memref<1000000x128xf32, #tpu.memory_space<hbm>> -> memref<1000000x128xf32, #tpu.memory_space<hbm>>
          tpu.enqueue_indirect_dma source(%dma_start3A_193 : memref<1000000x128xf32, #tpu.memory_space<hbm>>) target(%dma_start3A_189 : memref<128x128xf32, #tpu.memory_space<vmem>>) offsets(%dma_start3A_190 : memref<128xi32, #tpu.memory_space<vmem>>) semaphore(%arg20 : memref<!tpu.dma_semaphore, #tpu.memory_space<semaphore_mem>>)
        } else {
        }
        %eq3A_158 = arith.constant 1 : i32
        %eq3A_159 = arith.cmpi eq, %and3A_130, %eq3A_158 : i32
        %convert_element_type3A_160 = arith.extui %eq3A_159 : i1 to i32
        %cond3A_161 = arith.constant 0 : i32
        %cond3A_162 = arith.cmpi ne, %convert_element_type3A_160, %cond3A_161 : i32
        scf.if %cond3A_162 {
          %add3A_163 = arith.constant 1 : i32
          %add3A_164 = arith.addi %scan3A_127, %add3A_163 : i32
          %mul3A_165 = arith.constant 128 : i32
          %mul3A_166 = arith.muli %add3A_164, %mul3A_165 : i32
          %dma_start3A_167 = arith.constant 0 : i32
          %dma_start3A_168 = arith.constant 0 : i32
          %dma_start3A_169 = arith.constant 0 : i32
          %dma_start3A_170 = tpu.memref_slice %arg15[%dma_start3A_167, %dma_start3A_168, %dma_start3A_169] : memref<2x128x128xf32, #tpu.memory_space<vmem>> -> memref<1x128x128xf32, #tpu.memory_space<vmem>>
          %dma_start3A_171 = tpu.memref_squeeze %dma_start3A_170 : memref<1x128x128xf32, #tpu.memory_space<vmem>> -> memref<128x128xf32, #tpu.memory_space<vmem>>
          %dma_start3A_172 = tpu.memref_slice %arg12[%mul3A_166] : memref<1024xi32, #tpu.memory_space<vmem>> -> memref<128xi32, #tpu.memory_space<vmem>>
          %dma_start3A_173 = arith.constant 0 : i32
          %dma_start3A_174 = arith.constant 0 : i32
          %dma_start3A_175 = tpu.memref_slice %arg8[%dma_start3A_173, %dma_start3A_174] : memref<1000000x128xf32, #tpu.memory_space<hbm>> -> memref<1000000x128xf32, #tpu.memory_space<hbm>>
          tpu.enqueue_indirect_dma source(%dma_start3A_175 : memref<1000000x128xf32, #tpu.memory_space<hbm>>) target(%dma_start3A_171 : memref<128x128xf32, #tpu.memory_space<vmem>>) offsets(%dma_start3A_172 : memref<128xi32, #tpu.memory_space<vmem>>) semaphore(%arg19 : memref<!tpu.dma_semaphore, #tpu.memory_space<semaphore_mem>>)
          %dma_start3A_176 = arith.constant 0 : i32
          %dma_start3A_177 = arith.constant 0 : i32
          %dma_start3A_178 = arith.constant 0 : i32
          %dma_start3A_179 = tpu.memref_slice %arg16[%dma_start3A_176, %dma_start3A_177, %dma_start3A_178] : memref<2x128x128xf32, #tpu.memory_space<vmem>> -> memref<1x128x128xf32, #tpu.memory_space<vmem>>
          %dma_start3A_180 = tpu.memref_squeeze %dma_start3A_179 : memref<1x128x128xf32, #tpu.memory_space<vmem>> -> memref<128x128xf32, #tpu.memory_space<vmem>>
          %dma_start3A_181 = tpu.memref_slice %arg13[%mul3A_166] : memref<1024xi32, #tpu.memory_space<vmem>> -> memref<128xi32, #tpu.memory_space<vmem>>
          %dma_start3A_182 = arith.constant 0 : i32
          %dma_start3A_183 = arith.constant 0 : i32
          %dma_start3A_184 = tpu.memref_slice %arg9[%dma_start3A_182, %dma_start3A_183] : memref<1000x128xf32, #tpu.memory_space<hbm>> -> memref<1000x128xf32, #tpu.memory_space<hbm>>
          tpu.enqueue_indirect_dma source(%dma_start3A_184 : memref<1000x128xf32, #tpu.memory_space<hbm>>) target(%dma_start3A_180 : memref<128x128xf32, #tpu.memory_space<vmem>>) offsets(%dma_start3A_181 : memref<128xi32, #tpu.memory_space<vmem>>) semaphore(%arg19 : memref<!tpu.dma_semaphore, #tpu.memory_space<semaphore_mem>>)
          %dma_start3A_185 = arith.constant 0 : i32
          %dma_start3A_186 = arith.constant 0 : i32
          %dma_start3A_187 = arith.constant 0 : i32
          %dma_start3A_188 = tpu.memref_slice %arg17[%dma_start3A_185, %dma_start3A_186, %dma_start3A_187] : memref<2x128x128xf32, #tpu.memory_space<vmem>> -> memref<1x128x128xf32, #tpu.memory_space<vmem>>
          %dma_start3A_189 = tpu.memref_squeeze %dma_start3A_188 : memref<1x128x128xf32, #tpu.memory_space<vmem>> -> memref<128x128xf32, #tpu.memory_space<vmem>>
          %dma_start3A_190 = tpu.memref_slice %arg14[%mul3A_166] : memref<1024xi32, #tpu.memory_space<vmem>> -> memref<128xi32, #tpu.memory_space<vmem>>
          %dma_start3A_191 = arith.constant 0 : i32
          %dma_start3A_192 = arith.constant 0 : i32
          %dma_start3A_193 = tpu.memref_slice %arg8[%dma_start3A_191, %dma_start3A_192] : memref<1000000x128xf32, #tpu.memory_space<hbm>> -> memref<1000000x128xf32, #tpu.memory_space<hbm>>
          tpu.enqueue_indirect_dma source(%dma_start3A_193 : memref<1000000x128xf32, #tpu.memory_space<hbm>>) target(%dma_start3A_189 : memref<128x128xf32, #tpu.memory_space<vmem>>) offsets(%dma_start3A_190 : memref<128xi32, #tpu.memory_space<vmem>>) semaphore(%arg19 : memref<!tpu.dma_semaphore, #tpu.memory_space<semaphore_mem>>)
        } else {
        }
      } else {
      }
      %eq3A_135 = arith.constant 0 : i32
      %eq3A_136 = arith.cmpi eq, %and3A_130, %eq3A_135 : i32
      %convert_element_type3A_137 = arith.extui %eq3A_136 : i1 to i32
      %cond3A_138 = arith.constant 0 : i32
      %cond3A_139 = arith.cmpi ne, %convert_element_type3A_137, %cond3A_138 : i32
      scf.if %cond3A_139 {
        %mul3A_153 = arith.constant 128 : i32
        %mul3A_154 = arith.muli %scan3A_127, %mul3A_153 : i32
        %dma_wait3A_155 = arith.constant 0 : i32
        %dma_wait3A_156 = arith.constant 0 : i32
        %dma_wait3A_157 = arith.constant 0 : i32
        %dma_wait3A_158 = tpu.memref_slice %arg15[%dma_wait3A_155, %dma_wait3A_156, %dma_wait3A_157] : memref<2x128x128xf32, #tpu.memory_space<vmem>> -> memref<1x128x128xf32, #tpu.memory_space<vmem>>
        %dma_wait3A_159 = tpu.memref_squeeze %dma_wait3A_158 : memref<1x128x128xf32, #tpu.memory_space<vmem>> -> memref<128x128xf32, #tpu.memory_space<vmem>>
        %dma_wait3A_160 = tpu.memref_slice %arg12[%mul3A_154] : memref<1024xi32, #tpu.memory_space<vmem>> -> memref<128xi32, #tpu.memory_space<vmem>>
        %dma_wait3A_161 = arith.constant 0 : i32
        %dma_wait3A_162 = arith.constant 0 : i32
        %dma_wait3A_163 = tpu.memref_slice %arg8[%dma_wait3A_161, %dma_wait3A_162] : memref<1000000x128xf32, #tpu.memory_space<hbm>> -> memref<1000000x128xf32, #tpu.memory_space<hbm>>
        tpu.wait_indirect_dma semaphore(%arg19 : memref<!tpu.dma_semaphore, #tpu.memory_space<semaphore_mem>>) src(%dma_wait3A_163 : memref<1000000x128xf32, #tpu.memory_space<hbm>>) dst(%dma_wait3A_159 : memref<128x128xf32, #tpu.memory_space<vmem>>)
        %dma_wait3A_164 = arith.constant 0 : i32
        %dma_wait3A_165 = arith.constant 0 : i32
        %dma_wait3A_166 = arith.constant 0 : i32
        %dma_wait3A_167 = tpu.memref_slice %arg16[%dma_wait3A_164, %dma_wait3A_165, %dma_wait3A_166] : memref<2x128x128xf32, #tpu.memory_space<vmem>> -> memref<1x128x128xf32, #tpu.memory_space<vmem>>
        %dma_wait3A_168 = tpu.memref_squeeze %dma_wait3A_167 : memref<1x128x128xf32, #tpu.memory_space<vmem>> -> memref<128x128xf32, #tpu.memory_space<vmem>>
        %dma_wait3A_169 = tpu.memref_slice %arg13[%mul3A_154] : memref<1024xi32, #tpu.memory_space<vmem>> -> memref<128xi32, #tpu.memory_space<vmem>>
        %dma_wait3A_170 = arith.constant 0 : i32
        %dma_wait3A_171 = arith.constant 0 : i32
        %dma_wait3A_172 = tpu.memref_slice %arg9[%dma_wait3A_170, %dma_wait3A_171] : memref<1000x128xf32, #tpu.memory_space<hbm>> -> memref<1000x128xf32, #tpu.memory_space<hbm>>
        tpu.wait_indirect_dma semaphore(%arg19 : memref<!tpu.dma_semaphore, #tpu.memory_space<semaphore_mem>>) src(%dma_wait3A_172 : memref<1000x128xf32, #tpu.memory_space<hbm>>) dst(%dma_wait3A_168 : memref<128x128xf32, #tpu.memory_space<vmem>>)
        %dma_wait3A_173 = arith.constant 0 : i32
        %dma_wait3A_174 = arith.constant 0 : i32
        %dma_wait3A_175 = arith.constant 0 : i32
        %dma_wait3A_176 = tpu.memref_slice %arg17[%dma_wait3A_173, %dma_wait3A_174, %dma_wait3A_175] : memref<2x128x128xf32, #tpu.memory_space<vmem>> -> memref<1x128x128xf32, #tpu.memory_space<vmem>>
        %dma_wait3A_177 = tpu.memref_squeeze %dma_wait3A_176 : memref<1x128x128xf32, #tpu.memory_space<vmem>> -> memref<128x128xf32, #tpu.memory_space<vmem>>
        %dma_wait3A_178 = tpu.memref_slice %arg14[%mul3A_154] : memref<1024xi32, #tpu.memory_space<vmem>> -> memref<128xi32, #tpu.memory_space<vmem>>
        %dma_wait3A_179 = arith.constant 0 : i32
        %dma_wait3A_180 = arith.constant 0 : i32
        %dma_wait3A_181 = tpu.memref_slice %arg8[%dma_wait3A_179, %dma_wait3A_180] : memref<1000000x128xf32, #tpu.memory_space<hbm>> -> memref<1000000x128xf32, #tpu.memory_space<hbm>>
        tpu.wait_indirect_dma semaphore(%arg19 : memref<!tpu.dma_semaphore, #tpu.memory_space<semaphore_mem>>) src(%dma_wait3A_181 : memref<1000000x128xf32, #tpu.memory_space<hbm>>) dst(%dma_wait3A_177 : memref<128x128xf32, #tpu.memory_space<vmem>>)
      } else {
      }
      %eq3A_140 = arith.constant 1 : i32
      %eq3A_141 = arith.cmpi eq, %and3A_130, %eq3A_140 : i32
      %convert_element_type3A_142 = arith.extui %eq3A_141 : i1 to i32
      %cond3A_143 = arith.constant 0 : i32
      %cond3A_144 = arith.cmpi ne, %convert_element_type3A_142, %cond3A_143 : i32
      scf.if %cond3A_144 {
        %mul3A_153 = arith.constant 128 : i32
        %mul3A_154 = arith.muli %scan3A_127, %mul3A_153 : i32
        %dma_wait3A_155 = arith.constant 1 : i32
        %dma_wait3A_156 = arith.constant 0 : i32
        %dma_wait3A_157 = arith.constant 0 : i32
        %dma_wait3A_158 = tpu.memref_slice %arg15[%dma_wait3A_155, %dma_wait3A_156, %dma_wait3A_157] : memref<2x128x128xf32, #tpu.memory_space<vmem>> -> memref<1x128x128xf32, #tpu.memory_space<vmem>>
        %dma_wait3A_159 = tpu.memref_squeeze %dma_wait3A_158 : memref<1x128x128xf32, #tpu.memory_space<vmem>> -> memref<128x128xf32, #tpu.memory_space<vmem>>
        %dma_wait3A_160 = tpu.memref_slice %arg12[%mul3A_154] : memref<1024xi32, #tpu.memory_space<vmem>> -> memref<128xi32, #tpu.memory_space<vmem>>
        %dma_wait3A_161 = arith.constant 0 : i32
        %dma_wait3A_162 = arith.constant 0 : i32
        %dma_wait3A_163 = tpu.memref_slice %arg8[%dma_wait3A_161, %dma_wait3A_162] : memref<1000000x128xf32, #tpu.memory_space<hbm>> -> memref<1000000x128xf32, #tpu.memory_space<hbm>>
        tpu.wait_indirect_dma semaphore(%arg20 : memref<!tpu.dma_semaphore, #tpu.memory_space<semaphore_mem>>) src(%dma_wait3A_163 : memref<1000000x128xf32, #tpu.memory_space<hbm>>) dst(%dma_wait3A_159 : memref<128x128xf32, #tpu.memory_space<vmem>>)
        %dma_wait3A_164 = arith.constant 1 : i32
        %dma_wait3A_165 = arith.constant 0 : i32
        %dma_wait3A_166 = arith.constant 0 : i32
        %dma_wait3A_167 = tpu.memref_slice %arg16[%dma_wait3A_164, %dma_wait3A_165, %dma_wait3A_166] : memref<2x128x128xf32, #tpu.memory_space<vmem>> -> memref<1x128x128xf32, #tpu.memory_space<vmem>>
        %dma_wait3A_168 = tpu.memref_squeeze %dma_wait3A_167 : memref<1x128x128xf32, #tpu.memory_space<vmem>> -> memref<128x128xf32, #tpu.memory_space<vmem>>
        %dma_wait3A_169 = tpu.memref_slice %arg13[%mul3A_154] : memref<1024xi32, #tpu.memory_space<vmem>> -> memref<128xi32, #tpu.memory_space<vmem>>
        %dma_wait3A_170 = arith.constant 0 : i32
        %dma_wait3A_171 = arith.constant 0 : i32
        %dma_wait3A_172 = tpu.memref_slice %arg9[%dma_wait3A_170, %dma_wait3A_171] : memref<1000x128xf32, #tpu.memory_space<hbm>> -> memref<1000x128xf32, #tpu.memory_space<hbm>>
        tpu.wait_indirect_dma semaphore(%arg20 : memref<!tpu.dma_semaphore, #tpu.memory_space<semaphore_mem>>) src(%dma_wait3A_172 : memref<1000x128xf32, #tpu.memory_space<hbm>>) dst(%dma_wait3A_168 : memref<128x128xf32, #tpu.memory_space<vmem>>)
        %dma_wait3A_173 = arith.constant 1 : i32
        %dma_wait3A_174 = arith.constant 0 : i32
        %dma_wait3A_175 = arith.constant 0 : i32
        %dma_wait3A_176 = tpu.memref_slice %arg17[%dma_wait3A_173, %dma_wait3A_174, %dma_wait3A_175] : memref<2x128x128xf32, #tpu.memory_space<vmem>> -> memref<1x128x128xf32, #tpu.memory_space<vmem>>
        %dma_wait3A_177 = tpu.memref_squeeze %dma_wait3A_176 : memref<1x128x128xf32, #tpu.memory_space<vmem>> -> memref<128x128xf32, #tpu.memory_space<vmem>>
        %dma_wait3A_178 = tpu.memref_slice %arg14[%mul3A_154] : memref<1024xi32, #tpu.memory_space<vmem>> -> memref<128xi32, #tpu.memory_space<vmem>>
        %dma_wait3A_179 = arith.constant 0 : i32
        %dma_wait3A_180 = arith.constant 0 : i32
        %dma_wait3A_181 = tpu.memref_slice %arg8[%dma_wait3A_179, %dma_wait3A_180] : memref<1000000x128xf32, #tpu.memory_space<hbm>> -> memref<1000000x128xf32, #tpu.memory_space<hbm>>
        tpu.wait_indirect_dma semaphore(%arg20 : memref<!tpu.dma_semaphore, #tpu.memory_space<semaphore_mem>>) src(%dma_wait3A_181 : memref<1000000x128xf32, #tpu.memory_space<hbm>>) dst(%dma_wait3A_177 : memref<128x128xf32, #tpu.memory_space<vmem>>)
      } else {
      }
      %scan3A_145 = arith.constant 0 : i32
      %scan3A_146 = arith.constant 0 : i32
      %scan3A_147 = arith.constant 8 : i32
      %scan3A_148 = arith.addi %scan3A_146, %scan3A_147 : i32
      %scan3A_149 = arith.constant 1 : i32
      %scan3A_150 = scf.for %scan3A_153 = %scan3A_146 to %scan3A_148 step %scan3A_149 iter_args(%scan3A_154 = %scan3A_145) -> (i32)  : i32 {
        %mul3A_155 = arith.constant 16 : i32
        %mul3A_156 = arith.muli %scan3A_153, %mul3A_155 : i32
        %broadcast_in_dim3A = arith.constant 0.000000e+00 : f32
        %broadcast_in_dim3A_157 = vector.broadcast %broadcast_in_dim3A : f32 to vector<16xf32>
        %add3A_158 = arith.constant 0 : i32
        %add3A_159 = arith.addi %mul3A_156, %add3A_158 : i32
        %broadcast_in_dim3A_160 = arith.constant 0.000000e+00 : f32
        %broadcast_in_dim3A_161 = vector.broadcast %broadcast_in_dim3A_160 : f32 to vector<16xf32>
        %get3A = arith.index_cast %and3A_130 : i32 to index
        %get3A_162 = arith.index_cast %add3A_159 : i32 to index
        %get3A_163 = arith.constant 0 : index
        %get3A_164 = tpu.vector_load %arg15[%get3A, %get3A_162, %get3A_163] {strides = array<i32>} : memref<2x128x128xf32, #tpu.memory_space<vmem>>, vector<1x1x16xf32>,
        %get3A_165 = vector.shape_cast %get3A_164 : vector<1x1x16xf32> to vector<16xf32>
        %get3A_166 = arith.index_cast %and3A_130 : i32 to index
        %get3A_167 = arith.index_cast %add3A_159 : i32 to index
        %get3A_168 = arith.constant 0 : index
        %get3A_169 = tpu.vector_load %arg17[%get3A_166, %get3A_167, %get3A_168] {strides = array<i32>} : memref<2x128x128xf32, #tpu.memory_space<vmem>>, vector<1x1x16xf32>,
        %get3A_170 = vector.shape_cast %get3A_169 : vector<1x1x16xf32> to vector<16xf32>
        %get3A_171 = arith.index_cast %and3A_130 : i32 to index
        %get3A_172 = arith.index_cast %add3A_159 : i32 to index
        %get3A_173 = arith.constant 0 : index
        %get3A_174 = tpu.vector_load %arg16[%get3A_171, %get3A_172, %get3A_173] {strides = array<i32>} : memref<2x128x128xf32, #tpu.memory_space<vmem>>, vector<1x1x16xf32>,
        %get3A_175 = vector.shape_cast %get3A_174 : vector<1x1x16xf32> to vector<16xf32>
        %gather3A = vector.shape_cast %reshape3A : vector<16x1xi32> to vector<16xi32>
        %gather3A_176 = tpu.dynamic_gather %get3A_170[%gather3A] in [0] : vector<16xf32>, vector<16xi32> -> vector<16xf32>
        %gather3A_177 = vector.shape_cast %reshape3A : vector<16x1xi32> to vector<16xi32>
        %gather3A_178 = tpu.dynamic_gather %get3A_175[%gather3A_177] in [0] : vector<16xf32>, vector<16xi32> -> vector<16xf32>
        %select_n3A = arith.select %eq3A_20, %get3A_175, %gather3A_178 : vector<16xi1>, vector<16xf32>
        %neg3A = arith.constant 0.000000e+00 : f32
        %neg3A_179 = vector.broadcast %neg3A : f32 to vector<16xf32>
        %neg3A_180 = arith.subf %neg3A_179, %get3A_175 : vector<16xf32>
        %select_n3A_181 = arith.select %eq3A_20, %gather3A_178, %neg3A_180 : vector<16xi1>, vector<16xf32>
        %mul3A_182 = arith.mulf %get3A_170, %select_n3A : vector<16xf32>
        %mul3A_183 = arith.mulf %gather3A_176, %select_n3A_181 : vector<16xf32>
        %add3A_184 = arith.addf %mul3A_182, %mul3A_183 : vector<16xf32>
        %mul3A_185 = arith.mulf %get3A_165, %add3A_184 : vector<16xf32>
        %add3A_186 = arith.addf %broadcast_in_dim3A_161, %mul3A_185 : vector<16xf32>
        %get3A_187 = arith.index_cast %and3A_130 : i32 to index
        %get3A_188 = arith.index_cast %add3A_159 : i32 to index
        %get3A_189 = arith.constant 16 : index
        %get3A_190 = tpu.vector_load %arg15[%get3A_187, %get3A_188, %get3A_189] {strides = array<i32>} : memref<2x128x128xf32, #tpu.memory_space<vmem>>, vector<1x1x16xf32>,
        %get3A_191 = vector.shape_cast %get3A_190 : vector<1x1x16xf32> to vector<16xf32>
        %get3A_192 = arith.index_cast %and3A_130 : i32 to index
        %get3A_193 = arith.index_cast %add3A_159 : i32 to index
        %get3A_194 = arith.constant 16 : index
        %get3A_195 = tpu.vector_load %arg17[%get3A_192, %get3A_193, %get3A_194] {strides = array<i32>} : memref<2x128x128xf32, #tpu.memory_space<vmem>>, vector<1x1x16xf32>,
        %get3A_196 = vector.shape_cast %get3A_195 : vector<1x1x16xf32> to vector<16xf32>
        %get3A_197 = arith.index_cast %and3A_130 : i32 to index
        %get3A_198 = arith.index_cast %add3A_159 : i32 to index
        %get3A_199 = arith.constant 16 : index
        %get3A_200 = tpu.vector_load %arg16[%get3A_197, %get3A_198, %get3A_199] {strides = array<i32>} : memref<2x128x128xf32, #tpu.memory_space<vmem>>, vector<1x1x16xf32>,
        %get3A_201 = vector.shape_cast %get3A_200 : vector<1x1x16xf32> to vector<16xf32>
        %gather3A_202 = vector.shape_cast %reshape3A : vector<16x1xi32> to vector<16xi32>
        %gather3A_203 = tpu.dynamic_gather %get3A_196[%gather3A_202] in [0] : vector<16xf32>, vector<16xi32> -> vector<16xf32>
        %gather3A_204 = vector.shape_cast %reshape3A : vector<16x1xi32> to vector<16xi32>
        %gather3A_205 = tpu.dynamic_gather %get3A_201[%gather3A_204] in [0] : vector<16xf32>, vector<16xi32> -> vector<16xf32>
        %select_n3A_206 = arith.select %eq3A_20, %get3A_201, %gather3A_205 : vector<16xi1>, vector<16xf32>
        %neg3A_207 = arith.constant 0.000000e+00 : f32
        %neg3A_208 = vector.broadcast %neg3A_207 : f32 to vector<16xf32>
        %neg3A_209 = arith.subf %neg3A_208, %get3A_201 : vector<16xf32>
        %select_n3A_210 = arith.select %eq3A_20, %gather3A_205, %neg3A_209 : vector<16xi1>, vector<16xf32>
        %mul3A_211 = arith.mulf %get3A_196, %select_n3A_206 : vector<16xf32>
        %mul3A_212 = arith.mulf %gather3A_203, %select_n3A_210 : vector<16xf32>
        %add3A_213 = arith.addf %mul3A_211, %mul3A_212 : vector<16xf32>
        %mul3A_214 = arith.mulf %get3A_191, %add3A_213 : vector<16xf32>
        %add3A_215 = arith.addf %add3A_186, %mul3A_214 : vector<16xf32>
        %get3A_216 = arith.index_cast %and3A_130 : i32 to index
        %get3A_217 = arith.index_cast %add3A_159 : i32 to index
        %get3A_218 = arith.constant 32 : index
        %get3A_219 = tpu.vector_load %arg15[%get3A_216, %get3A_217, %get3A_218] {strides = array<i32>} : memref<2x128x128xf32, #tpu.memory_space<vmem>>, vector<1x1x16xf32>,
        %get3A_220 = vector.shape_cast %get3A_219 : vector<1x1x16xf32> to vector<16xf32>
        %get3A_221 = arith.index_cast %and3A_130 : i32 to index
        %get3A_222 = arith.index_cast %add3A_159 : i32 to index
        %get3A_223 = arith.constant 32 : index
        %get3A_224 = tpu.vector_load %arg17[%get3A_221, %get3A_222, %get3A_223] {strides = array<i32>} : memref<2x128x128xf32, #tpu.memory_space<vmem>>, vector<1x1x16xf32>,
        %get3A_225 = vector.shape_cast %get3A_224 : vector<1x1x16xf32> to vector<16xf32>
        %get3A_226 = arith.index_cast %and3A_130 : i32 to index
        %get3A_227 = arith.index_cast %add3A_159 : i32 to index
        %get3A_228 = arith.constant 32 : index
        %get3A_229 = tpu.vector_load %arg16[%get3A_226, %get3A_227, %get3A_228] {strides = array<i32>} : memref<2x128x128xf32, #tpu.memory_space<vmem>>, vector<1x1x16xf32>,
        %get3A_230 = vector.shape_cast %get3A_229 : vector<1x1x16xf32> to vector<16xf32>
        %gather3A_231 = vector.shape_cast %reshape3A : vector<16x1xi32> to vector<16xi32>
        %gather3A_232 = tpu.dynamic_gather %get3A_225[%gather3A_231] in [0] : vector<16xf32>, vector<16xi32> -> vector<16xf32>
        %gather3A_233 = vector.shape_cast %reshape3A : vector<16x1xi32> to vector<16xi32>
        %gather3A_234 = tpu.dynamic_gather %get3A_230[%gather3A_233] in [0] : vector<16xf32>, vector<16xi32> -> vector<16xf32>
        %select_n3A_235 = arith.select %eq3A_20, %get3A_230, %gather3A_234 : vector<16xi1>, vector<16xf32>
        %neg3A_236 = arith.constant 0.000000e+00 : f32
        %neg3A_237 = vector.broadcast %neg3A_236 : f32 to vector<16xf32>
        %neg3A_238 = arith.subf %neg3A_237, %get3A_230 : vector<16xf32>
        %select_n3A_239 = arith.select %eq3A_20, %gather3A_234, %neg3A_238 : vector<16xi1>, vector<16xf32>
        %mul3A_240 = arith.mulf %get3A_225, %select_n3A_235 : vector<16xf32>
        %mul3A_241 = arith.mulf %gather3A_232, %select_n3A_239 : vector<16xf32>
        %add3A_242 = arith.addf %mul3A_240, %mul3A_241 : vector<16xf32>
        %mul3A_243 = arith.mulf %get3A_220, %add3A_242 : vector<16xf32>
        %add3A_244 = arith.addf %add3A_215, %mul3A_243 : vector<16xf32>
        %get3A_245 = arith.index_cast %and3A_130 : i32 to index
        %get3A_246 = arith.index_cast %add3A_159 : i32 to index
        %get3A_247 = arith.constant 48 : index
        %get3A_248 = tpu.vector_load %arg15[%get3A_245, %get3A_246, %get3A_247] {strides = array<i32>} : memref<2x128x128xf32, #tpu.memory_space<vmem>>, vector<1x1x16xf32>,
        %get3A_249 = vector.shape_cast %get3A_248 : vector<1x1x16xf32> to vector<16xf32>
        %get3A_250 = arith.index_cast %and3A_130 : i32 to index
        %get3A_251 = arith.index_cast %add3A_159 : i32 to index
        %get3A_252 = arith.constant 48 : index
        %get3A_253 = tpu.vector_load %arg17[%get3A_250, %get3A_251, %get3A_252] {strides = array<i32>} : memref<2x128x128xf32, #tpu.memory_space<vmem>>, vector<1x1x16xf32>,
        %get3A_254 = vector.shape_cast %get3A_253 : vector<1x1x16xf32> to vector<16xf32>
        %get3A_255 = arith.index_cast %and3A_130 : i32 to index
        %get3A_256 = arith.index_cast %add3A_159 : i32 to index
        %get3A_257 = arith.constant 48 : index
        %get3A_258 = tpu.vector_load %arg16[%get3A_255, %get3A_256, %get3A_257] {strides = array<i32>} : memref<2x128x128xf32, #tpu.memory_space<vmem>>, vector<1x1x16xf32>,
        %get3A_259 = vector.shape_cast %get3A_258 : vector<1x1x16xf32> to vector<16xf32>
        %gather3A_260 = vector.shape_cast %reshape3A : vector<16x1xi32> to vector<16xi32>
        %gather3A_261 = tpu.dynamic_gather %get3A_254[%gather3A_260] in [0] : vector<16xf32>, vector<16xi32> -> vector<16xf32>
        %gather3A_262 = vector.shape_cast %reshape3A : vector<16x1xi32> to vector<16xi32>
        %gather3A_263 = tpu.dynamic_gather %get3A_259[%gather3A_262] in [0] : vector<16xf32>, vector<16xi32> -> vector<16xf32>
        %select_n3A_264 = arith.select %eq3A_20, %get3A_259, %gather3A_263 : vector<16xi1>, vector<16xf32>
        %neg3A_265 = arith.constant 0.000000e+00 : f32
        %neg3A_266 = vector.broadcast %neg3A_265 : f32 to vector<16xf32>
        %neg3A_267 = arith.subf %neg3A_266, %get3A_259 : vector<16xf32>
        %select_n3A_268 = arith.select %eq3A_20, %gather3A_263, %neg3A_267 : vector<16xi1>, vector<16xf32>
        %mul3A_269 = arith.mulf %get3A_254, %select_n3A_264 : vector<16xf32>
        %mul3A_270 = arith.mulf %gather3A_261, %select_n3A_268 : vector<16xf32>
        %add3A_271 = arith.addf %mul3A_269, %mul3A_270 : vector<16xf32>
        %mul3A_272 = arith.mulf %get3A_249, %add3A_271 : vector<16xf32>
        %add3A_273 = arith.addf %add3A_244, %mul3A_272 : vector<16xf32>
        %get3A_274 = arith.index_cast %and3A_130 : i32 to index
        %get3A_275 = arith.index_cast %add3A_159 : i32 to index
        %get3A_276 = arith.constant 64 : index
        %get3A_277 = tpu.vector_load %arg15[%get3A_274, %get3A_275, %get3A_276] {strides = array<i32>} : memref<2x128x128xf32, #tpu.memory_space<vmem>>, vector<1x1x16xf32>,
        %get3A_278 = vector.shape_cast %get3A_277 : vector<1x1x16xf32> to vector<16xf32>
        %get3A_279 = arith.index_cast %and3A_130 : i32 to index
        %get3A_280 = arith.index_cast %add3A_159 : i32 to index
        %get3A_281 = arith.constant 64 : index
        %get3A_282 = tpu.vector_load %arg17[%get3A_279, %get3A_280, %get3A_281] {strides = array<i32>} : memref<2x128x128xf32, #tpu.memory_space<vmem>>, vector<1x1x16xf32>,
        %get3A_283 = vector.shape_cast %get3A_282 : vector<1x1x16xf32> to vector<16xf32>
        %get3A_284 = arith.index_cast %and3A_130 : i32 to index
        %get3A_285 = arith.index_cast %add3A_159 : i32 to index
        %get3A_286 = arith.constant 64 : index
        %get3A_287 = tpu.vector_load %arg16[%get3A_284, %get3A_285, %get3A_286] {strides = array<i32>} : memref<2x128x128xf32, #tpu.memory_space<vmem>>, vector<1x1x16xf32>,
        %get3A_288 = vector.shape_cast %get3A_287 : vector<1x1x16xf32> to vector<16xf32>
        %gather3A_289 = vector.shape_cast %reshape3A : vector<16x1xi32> to vector<16xi32>
        %gather3A_290 = tpu.dynamic_gather %get3A_283[%gather3A_289] in [0] : vector<16xf32>, vector<16xi32> -> vector<16xf32>
        %gather3A_291 = vector.shape_cast %reshape3A : vector<16x1xi32> to vector<16xi32>
        %gather3A_292 = tpu.dynamic_gather %get3A_288[%gather3A_291] in [0] : vector<16xf32>, vector<16xi32> -> vector<16xf32>
        %select_n3A_293 = arith.select %eq3A_20, %get3A_288, %gather3A_292 : vector<16xi1>, vector<16xf32>
        %neg3A_294 = arith.constant 0.000000e+00 : f32
        %neg3A_295 = vector.broadcast %neg3A_294 : f32 to vector<16xf32>
        %neg3A_296 = arith.subf %neg3A_295, %get3A_288 : vector<16xf32>
        %select_n3A_297 = arith.select %eq3A_20, %gather3A_292, %neg3A_296 : vector<16xi1>, vector<16xf32>
        %mul3A_298 = arith.mulf %get3A_283, %select_n3A_293 : vector<16xf32>
        %mul3A_299 = arith.mulf %gather3A_290, %select_n3A_297 : vector<16xf32>
        %add3A_300 = arith.addf %mul3A_298, %mul3A_299 : vector<16xf32>
        %mul3A_301 = arith.mulf %get3A_278, %add3A_300 : vector<16xf32>
        %add3A_302 = arith.addf %add3A_273, %mul3A_301 : vector<16xf32>
        %get3A_303 = arith.index_cast %and3A_130 : i32 to index
        %get3A_304 = arith.index_cast %add3A_159 : i32 to index
        %get3A_305 = arith.constant 80 : index
        %get3A_306 = tpu.vector_load %arg15[%get3A_303, %get3A_304, %get3A_305] {strides = array<i32>} : memref<2x128x128xf32, #tpu.memory_space<vmem>>, vector<1x1x16xf32>,
        %get3A_307 = vector.shape_cast %get3A_306 : vector<1x1x16xf32> to vector<16xf32>
        %get3A_308 = arith.index_cast %and3A_130 : i32 to index
        %get3A_309 = arith.index_cast %add3A_159 : i32 to index
        %get3A_310 = arith.constant 80 : index
        %get3A_311 = tpu.vector_load %arg17[%get3A_308, %get3A_309, %get3A_310] {strides = array<i32>} : memref<2x128x128xf32, #tpu.memory_space<vmem>>, vector<1x1x16xf32>,
        %get3A_312 = vector.shape_cast %get3A_311 : vector<1x1x16xf32> to vector<16xf32>
        %get3A_313 = arith.index_cast %and3A_130 : i32 to index
        %get3A_314 = arith.index_cast %add3A_159 : i32 to index
        %get3A_315 = arith.constant 80 : index
        %get3A_316 = tpu.vector_load %arg16[%get3A_313, %get3A_314, %get3A_315] {strides = array<i32>} : memref<2x128x128xf32, #tpu.memory_space<vmem>>, vector<1x1x16xf32>,
        %get3A_317 = vector.shape_cast %get3A_316 : vector<1x1x16xf32> to vector<16xf32>
        %gather3A_318 = vector.shape_cast %reshape3A : vector<16x1xi32> to vector<16xi32>
        %gather3A_319 = tpu.dynamic_gather %get3A_312[%gather3A_318] in [0] : vector<16xf32>, vector<16xi32> -> vector<16xf32>
        %gather3A_320 = vector.shape_cast %reshape3A : vector<16x1xi32> to vector<16xi32>
        %gather3A_321 = tpu.dynamic_gather %get3A_317[%gather3A_320] in [0] : vector<16xf32>, vector<16xi32> -> vector<16xf32>
        %select_n3A_322 = arith.select %eq3A_20, %get3A_317, %gather3A_321 : vector<16xi1>, vector<16xf32>
        %neg3A_323 = arith.constant 0.000000e+00 : f32
        %neg3A_324 = vector.broadcast %neg3A_323 : f32 to vector<16xf32>
        %neg3A_325 = arith.subf %neg3A_324, %get3A_317 : vector<16xf32>
        %select_n3A_326 = arith.select %eq3A_20, %gather3A_321, %neg3A_325 : vector<16xi1>, vector<16xf32>
        %mul3A_327 = arith.mulf %get3A_312, %select_n3A_322 : vector<16xf32>
        %mul3A_328 = arith.mulf %gather3A_319, %select_n3A_326 : vector<16xf32>
        %add3A_329 = arith.addf %mul3A_327, %mul3A_328 : vector<16xf32>
        %mul3A_330 = arith.mulf %get3A_307, %add3A_329 : vector<16xf32>
        %add3A_331 = arith.addf %add3A_302, %mul3A_330 : vector<16xf32>
        %get3A_332 = arith.index_cast %and3A_130 : i32 to index
        %get3A_333 = arith.index_cast %add3A_159 : i32 to index
        %get3A_334 = arith.constant 96 : index
        %get3A_335 = tpu.vector_load %arg15[%get3A_332, %get3A_333, %get3A_334] {strides = array<i32>} : memref<2x128x128xf32, #tpu.memory_space<vmem>>, vector<1x1x16xf32>,
        %get3A_336 = vector.shape_cast %get3A_335 : vector<1x1x16xf32> to vector<16xf32>
        %get3A_337 = arith.index_cast %and3A_130 : i32 to index
        %get3A_338 = arith.index_cast %add3A_159 : i32 to index
        %get3A_339 = arith.constant 96 : index
        %get3A_340 = tpu.vector_load %arg17[%get3A_337, %get3A_338, %get3A_339] {strides = array<i32>} : memref<2x128x128xf32, #tpu.memory_space<vmem>>, vector<1x1x16xf32>,
        %get3A_341 = vector.shape_cast %get3A_340 : vector<1x1x16xf32> to vector<16xf32>
        %get3A_342 = arith.index_cast %and3A_130 : i32 to index
        %get3A_343 = arith.index_cast %add3A_159 : i32 to index
        %get3A_344 = arith.constant 96 : index
        %get3A_345 = tpu.vector_load %arg16[%get3A_342, %get3A_343, %get3A_344] {strides = array<i32>} : memref<2x128x128xf32, #tpu.memory_space<vmem>>, vector<1x1x16xf32>,
        %get3A_346 = vector.shape_cast %get3A_345 : vector<1x1x16xf32> to vector<16xf32>
        %gather3A_347 = vector.shape_cast %reshape3A : vector<16x1xi32> to vector<16xi32>
        %gather3A_348 = tpu.dynamic_gather %get3A_341[%gather3A_347] in [0] : vector<16xf32>, vector<16xi32> -> vector<16xf32>
        %gather3A_349 = vector.shape_cast %reshape3A : vector<16x1xi32> to vector<16xi32>
        %gather3A_350 = tpu.dynamic_gather %get3A_346[%gather3A_349] in [0] : vector<16xf32>, vector<16xi32> -> vector<16xf32>
        %select_n3A_351 = arith.select %eq3A_20, %get3A_346, %gather3A_350 : vector<16xi1>, vector<16xf32>
        %neg3A_352 = arith.constant 0.000000e+00 : f32
        %neg3A_353 = vector.broadcast %neg3A_352 : f32 to vector<16xf32>
        %neg3A_354 = arith.subf %neg3A_353, %get3A_346 : vector<16xf32>
        %select_n3A_355 = arith.select %eq3A_20, %gather3A_350, %neg3A_354 : vector<16xi1>, vector<16xf32>
        %mul3A_356 = arith.mulf %get3A_341, %select_n3A_351 : vector<16xf32>
        %mul3A_357 = arith.mulf %gather3A_348, %select_n3A_355 : vector<16xf32>
        %add3A_358 = arith.addf %mul3A_356, %mul3A_357 : vector<16xf32>
        %mul3A_359 = arith.mulf %get3A_336, %add3A_358 : vector<16xf32>
        %add3A_360 = arith.addf %add3A_331, %mul3A_359 : vector<16xf32>
        %get3A_361 = arith.index_cast %and3A_130 : i32 to index
        %get3A_362 = arith.index_cast %add3A_159 : i32 to index
        %get3A_363 = arith.constant 112 : index
        %get3A_364 = tpu.vector_load %arg15[%get3A_361, %get3A_362, %get3A_363] {strides = array<i32>} : memref<2x128x128xf32, #tpu.memory_space<vmem>>, vector<1x1x16xf32>,
        %get3A_365 = vector.shape_cast %get3A_364 : vector<1x1x16xf32> to vector<16xf32>
        %get3A_366 = arith.index_cast %and3A_130 : i32 to index
        %get3A_367 = arith.index_cast %add3A_159 : i32 to index
        %get3A_368 = arith.constant 112 : index
        %get3A_369 = tpu.vector_load %arg17[%get3A_366, %get3A_367, %get3A_368] {strides = array<i32>} : memref<2x128x128xf32, #tpu.memory_space<vmem>>, vector<1x1x16xf32>,
        %get3A_370 = vector.shape_cast %get3A_369 : vector<1x1x16xf32> to vector<16xf32>
        %get3A_371 = arith.index_cast %and3A_130 : i32 to index
        %get3A_372 = arith.index_cast %add3A_159 : i32 to index
        %get3A_373 = arith.constant 112 : index
        %get3A_374 = tpu.vector_load %arg16[%get3A_371, %get3A_372, %get3A_373] {strides = array<i32>} : memref<2x128x128xf32, #tpu.memory_space<vmem>>, vector<1x1x16xf32>,
        %get3A_375 = vector.shape_cast %get3A_374 : vector<1x1x16xf32> to vector<16xf32>
        %gather3A_376 = vector.shape_cast %reshape3A : vector<16x1xi32> to vector<16xi32>
        %gather3A_377 = tpu.dynamic_gather %get3A_370[%gather3A_376] in [0] : vector<16xf32>, vector<16xi32> -> vector<16xf32>
        %gather3A_378 = vector.shape_cast %reshape3A : vector<16x1xi32> to vector<16xi32>
        %gather3A_379 = tpu.dynamic_gather %get3A_375[%gather3A_378] in [0] : vector<16xf32>, vector<16xi32> -> vector<16xf32>
        %select_n3A_380 = arith.select %eq3A_20, %get3A_375, %gather3A_379 : vector<16xi1>, vector<16xf32>
        %neg3A_381 = arith.constant 0.000000e+00 : f32
        %neg3A_382 = vector.broadcast %neg3A_381 : f32 to vector<16xf32>
        %neg3A_383 = arith.subf %neg3A_382, %get3A_375 : vector<16xf32>
        %select_n3A_384 = arith.select %eq3A_20, %gather3A_379, %neg3A_383 : vector<16xi1>, vector<16xf32>
        %mul3A_385 = arith.mulf %get3A_370, %select_n3A_380 : vector<16xf32>
        %mul3A_386 = arith.mulf %gather3A_377, %select_n3A_384 : vector<16xf32>
        %add3A_387 = arith.addf %mul3A_385, %mul3A_386 : vector<16xf32>
        %mul3A_388 = arith.mulf %get3A_365, %add3A_387 : vector<16xf32>
        %add3A_389 = arith.addf %add3A_360, %mul3A_388 : vector<16xf32>
        %gather3A_390 = vector.shape_cast %reshape3A : vector<16x1xi32> to vector<16xi32>
        %gather3A_391 = tpu.dynamic_gather %add3A_389[%gather3A_390] in [0] : vector<16xf32>, vector<16xi32> -> vector<16xf32>
        %add3A_392 = arith.addf %add3A_389, %gather3A_391 : vector<16xf32>
        %gather3A_393 = vector.shape_cast %reshape3A_8 : vector<16x1xi32> to vector<16xi32>
        %gather3A_394 = tpu.dynamic_gather %add3A_392[%gather3A_393] in [0] : vector<16xf32>, vector<16xi32> -> vector<16xf32>
        %add3A_395 = arith.addf %add3A_392, %gather3A_394 : vector<16xf32>
        %gather3A_396 = vector.shape_cast %reshape3A_12 : vector<16x1xi32> to vector<16xi32>
        %gather3A_397 = tpu.dynamic_gather %add3A_395[%gather3A_396] in [0] : vector<16xf32>, vector<16xi32> -> vector<16xf32>
        %add3A_398 = arith.addf %add3A_395, %gather3A_397 : vector<16xf32>
        %gather3A_399 = vector.shape_cast %reshape3A_16 : vector<16x1xi32> to vector<16xi32>
        %gather3A_400 = tpu.dynamic_gather %add3A_398[%gather3A_399] in [0] : vector<16xf32>, vector<16xi32> -> vector<16xf32>
        %add3A_401 = arith.addf %add3A_398, %gather3A_400 : vector<16xf32>
        %eq3A_402 = arith.constant 0 : i32
        %eq3A_403 = vector.broadcast %eq3A_402 : i32 to vector<16xi32>
        %eq3A_404 = arith.cmpi eq, %iota3A, %eq3A_403 : vector<16xi32>
        %select_n3A_405 = arith.select %eq3A_404, %add3A_401, %broadcast_in_dim3A_157 : vector<16xi1>, vector<16xf32>
        %add3A_406 = arith.constant 1 : i32
        %add3A_407 = arith.addi %mul3A_156, %add3A_406 : i32
        %broadcast_in_dim3A_408 = arith.constant 0.000000e+00 : f32
        %broadcast_in_dim3A_409 = vector.broadcast %broadcast_in_dim3A_408 : f32 to vector<16xf32>
        %get3A_410 = arith.index_cast %and3A_130 : i32 to index
        %get3A_411 = arith.index_cast %add3A_407 : i32 to index
        %get3A_412 = arith.constant 0 : index
        %get3A_413 = tpu.vector_load %arg15[%get3A_410, %get3A_411, %get3A_412] {strides = array<i32>} : memref<2x128x128xf32, #tpu.memory_space<vmem>>, vector<1x1x16xf32>,
        %get3A_414 = vector.shape_cast %get3A_413 : vector<1x1x16xf32> to vector<16xf32>
        %get3A_415 = arith.index_cast %and3A_130 : i32 to index
        %get3A_416 = arith.index_cast %add3A_407 : i32 to index
        %get3A_417 = arith.constant 0 : index
        %get3A_418 = tpu.vector_load %arg17[%get3A_415, %get3A_416, %get3A_417] {strides = array<i32>} : memref<2x128x128xf32, #tpu.memory_space<vmem>>, vector<1x1x16xf32>,
        %get3A_419 = vector.shape_cast %get3A_418 : vector<1x1x16xf32> to vector<16xf32>
        %get3A_420 = arith.index_cast %and3A_130 : i32 to index
        %get3A_421 = arith.index_cast %add3A_407 : i32 to index
        %get3A_422 = arith.constant 0 : index
        %get3A_423 = tpu.vector_load %arg16[%get3A_420, %get3A_421, %get3A_422] {strides = array<i32>} : memref<2x128x128xf32, #tpu.memory_space<vmem>>, vector<1x1x16xf32>,
        %get3A_424 = vector.shape_cast %get3A_423 : vector<1x1x16xf32> to vector<16xf32>
        %gather3A_425 = vector.shape_cast %reshape3A : vector<16x1xi32> to vector<16xi32>
        %gather3A_426 = tpu.dynamic_gather %get3A_419[%gather3A_425] in [0] : vector<16xf32>, vector<16xi32> -> vector<16xf32>
        %gather3A_427 = vector.shape_cast %reshape3A : vector<16x1xi32> to vector<16xi32>
        %gather3A_428 = tpu.dynamic_gather %get3A_424[%gather3A_427] in [0] : vector<16xf32>, vector<16xi32> -> vector<16xf32>
        %select_n3A_429 = arith.select %eq3A_20, %get3A_424, %gather3A_428 : vector<16xi1>, vector<16xf32>
        %neg3A_430 = arith.constant 0.000000e+00 : f32
        %neg3A_431 = vector.broadcast %neg3A_430 : f32 to vector<16xf32>
        %neg3A_432 = arith.subf %neg3A_431, %get3A_424 : vector<16xf32>
        %select_n3A_433 = arith.select %eq3A_20, %gather3A_428, %neg3A_432 : vector<16xi1>, vector<16xf32>
        %mul3A_434 = arith.mulf %get3A_419, %select_n3A_429 : vector<16xf32>
        %mul3A_435 = arith.mulf %gather3A_426, %select_n3A_433 : vector<16xf32>
        %add3A_436 = arith.addf %mul3A_434, %mul3A_435 : vector<16xf32>
        %mul3A_437 = arith.mulf %get3A_414, %add3A_436 : vector<16xf32>
        %add3A_438 = arith.addf %broadcast_in_dim3A_409, %mul3A_437 : vector<16xf32>
        %get3A_439 = arith.index_cast %and3A_130 : i32 to index
        %get3A_440 = arith.index_cast %add3A_407 : i32 to index
        %get3A_441 = arith.constant 16 : index
        %get3A_442 = tpu.vector_load %arg15[%get3A_439, %get3A_440, %get3A_441] {strides = array<i32>} : memref<2x128x128xf32, #tpu.memory_space<vmem>>, vector<1x1x16xf32>,
        %get3A_443 = vector.shape_cast %get3A_442 : vector<1x1x16xf32> to vector<16xf32>
        %get3A_444 = arith.index_cast %and3A_130 : i32 to index
        %get3A_445 = arith.index_cast %add3A_407 : i32 to index
        %get3A_446 = arith.constant 16 : index
        %get3A_447 = tpu.vector_load %arg17[%get3A_444, %get3A_445, %get3A_446] {strides = array<i32>} : memref<2x128x128xf32, #tpu.memory_space<vmem>>, vector<1x1x16xf32>,
        %get3A_448 = vector.shape_cast %get3A_447 : vector<1x1x16xf32> to vector<16xf32>
        %get3A_449 = arith.index_cast %and3A_130 : i32 to index
        %get3A_450 = arith.index_cast %add3A_407 : i32 to index
        %get3A_451 = arith.constant 16 : index
        %get3A_452 = tpu.vector_load %arg16[%get3A_449, %get3A_450, %get3A_451] {strides = array<i32>} : memref<2x128x128xf32, #tpu.memory_space<vmem>>, vector<1x1x16xf32>,
        %get3A_453 = vector.shape_cast %get3A_452 : vector<1x1x16xf32> to vector<16xf32>
        %gather3A_454 = vector.shape_cast %reshape3A : vector<16x1xi32> to vector<16xi32>
        %gather3A_455 = tpu.dynamic_gather %get3A_448[%gather3A_454] in [0] : vector<16xf32>, vector<16xi32> -> vector<16xf32>
        %gather3A_456 = vector.shape_cast %reshape3A : vector<16x1xi32> to vector<16xi32>
        %gather3A_457 = tpu.dynamic_gather %get3A_453[%gather3A_456] in [0] : vector<16xf32>, vector<16xi32> -> vector<16xf32>
        %select_n3A_458 = arith.select %eq3A_20, %get3A_453, %gather3A_457 : vector<16xi1>, vector<16xf32>
        %neg3A_459 = arith.constant 0.000000e+00 : f32
        %neg3A_460 = vector.broadcast %neg3A_459 : f32 to vector<16xf32>
        %neg3A_461 = arith.subf %neg3A_460, %get3A_453 : vector<16xf32>
        %select_n3A_462 = arith.select %eq3A_20, %gather3A_457, %neg3A_461 : vector<16xi1>, vector<16xf32>
        %mul3A_463 = arith.mulf %get3A_448, %select_n3A_458 : vector<16xf32>
        %mul3A_464 = arith.mulf %gather3A_455, %select_n3A_462 : vector<16xf32>
        %add3A_465 = arith.addf %mul3A_463, %mul3A_464 : vector<16xf32>
        %mul3A_466 = arith.mulf %get3A_443, %add3A_465 : vector<16xf32>
        %add3A_467 = arith.addf %add3A_438, %mul3A_466 : vector<16xf32>
        %get3A_468 = arith.index_cast %and3A_130 : i32 to index
        %get3A_469 = arith.index_cast %add3A_407 : i32 to index
        %get3A_470 = arith.constant 32 : index
        %get3A_471 = tpu.vector_load %arg15[%get3A_468, %get3A_469, %get3A_470] {strides = array<i32>} : memref<2x128x128xf32, #tpu.memory_space<vmem>>, vector<1x1x16xf32>,
        %get3A_472 = vector.shape_cast %get3A_471 : vector<1x1x16xf32> to vector<16xf32>
        %get3A_473 = arith.index_cast %and3A_130 : i32 to index
        %get3A_474 = arith.index_cast %add3A_407 : i32 to index
        %get3A_475 = arith.constant 32 : index
        %get3A_476 = tpu.vector_load %arg17[%get3A_473, %get3A_474, %get3A_475] {strides = array<i32>} : memref<2x128x128xf32, #tpu.memory_space<vmem>>, vector<1x1x16xf32>,
        %get3A_477 = vector.shape_cast %get3A_476 : vector<1x1x16xf32> to vector<16xf32>
        %get3A_478 = arith.index_cast %and3A_130 : i32 to index
        %get3A_479 = arith.index_cast %add3A_407 : i32 to index
        %get3A_480 = arith.constant 32 : index
        %get3A_481 = tpu.vector_load %arg16[%get3A_478, %get3A_479, %get3A_480] {strides = array<i32>} : memref<2x128x128xf32, #tpu.memory_space<vmem>>, vector<1x1x16xf32>,
        %get3A_482 = vector.shape_cast %get3A_481 : vector<1x1x16xf32> to vector<16xf32>
        %gather3A_483 = vector.shape_cast %reshape3A : vector<16x1xi32> to vector<16xi32>
        %gather3A_484 = tpu.dynamic_gather %get3A_477[%gather3A_483] in [0] : vector<16xf32>, vector<16xi32> -> vector<16xf32>
        %gather3A_485 = vector.shape_cast %reshape3A : vector<16x1xi32> to vector<16xi32>
        %gather3A_486 = tpu.dynamic_gather %get3A_482[%gather3A_485] in [0] : vector<16xf32>, vector<16xi32> -> vector<16xf32>
        %select_n3A_487 = arith.select %eq3A_20, %get3A_482, %gather3A_486 : vector<16xi1>, vector<16xf32>
        %neg3A_488 = arith.constant 0.000000e+00 : f32
        %neg3A_489 = vector.broadcast %neg3A_488 : f32 to vector<16xf32>
        %neg3A_490 = arith.subf %neg3A_489, %get3A_482 : vector<16xf32>
        %select_n3A_491 = arith.select %eq3A_20, %gather3A_486, %neg3A_490 : vector<16xi1>, vector<16xf32>
        %mul3A_492 = arith.mulf %get3A_477, %select_n3A_487 : vector<16xf32>
        %mul3A_493 = arith.mulf %gather3A_484, %select_n3A_491 : vector<16xf32>
        %add3A_494 = arith.addf %mul3A_492, %mul3A_493 : vector<16xf32>
        %mul3A_495 = arith.mulf %get3A_472, %add3A_494 : vector<16xf32>
        %add3A_496 = arith.addf %add3A_467, %mul3A_495 : vector<16xf32>
        %get3A_497 = arith.index_cast %and3A_130 : i32 to index
        %get3A_498 = arith.index_cast %add3A_407 : i32 to index
        %get3A_499 = arith.constant 48 : index
        %get3A_500 = tpu.vector_load %arg15[%get3A_497, %get3A_498, %get3A_499] {strides = array<i32>} : memref<2x128x128xf32, #tpu.memory_space<vmem>>, vector<1x1x16xf32>,
        %get3A_501 = vector.shape_cast %get3A_500 : vector<1x1x16xf32> to vector<16xf32>
        %get3A_502 = arith.index_cast %and3A_130 : i32 to index
        %get3A_503 = arith.index_cast %add3A_407 : i32 to index
        %get3A_504 = arith.constant 48 : index
        %get3A_505 = tpu.vector_load %arg17[%get3A_502, %get3A_503, %get3A_504] {strides = array<i32>} : memref<2x128x128xf32, #tpu.memory_space<vmem>>, vector<1x1x16xf32>,
        %get3A_506 = vector.shape_cast %get3A_505 : vector<1x1x16xf32> to vector<16xf32>
        %get3A_507 = arith.index_cast %and3A_130 : i32 to index
        %get3A_508 = arith.index_cast %add3A_407 : i32 to index
        %get3A_509 = arith.constant 48 : index
        %get3A_510 = tpu.vector_load %arg16[%get3A_507, %get3A_508, %get3A_509] {strides = array<i32>} : memref<2x128x128xf32, #tpu.memory_space<vmem>>, vector<1x1x16xf32>,
        %get3A_511 = vector.shape_cast %get3A_510 : vector<1x1x16xf32> to vector<16xf32>
        %gather3A_512 = vector.shape_cast %reshape3A : vector<16x1xi32> to vector<16xi32>
        %gather3A_513 = tpu.dynamic_gather %get3A_506[%gather3A_512] in [0] : vector<16xf32>, vector<16xi32> -> vector<16xf32>
        %gather3A_514 = vector.shape_cast %reshape3A : vector<16x1xi32> to vector<16xi32>
        %gather3A_515 = tpu.dynamic_gather %get3A_511[%gather3A_514] in [0] : vector<16xf32>, vector<16xi32> -> vector<16xf32>
        %select_n3A_516 = arith.select %eq3A_20, %get3A_511, %gather3A_515 : vector<16xi1>, vector<16xf32>
        %neg3A_517 = arith.constant 0.000000e+00 : f32
        %neg3A_518 = vector.broadcast %neg3A_517 : f32 to vector<16xf32>
        %neg3A_519 = arith.subf %neg3A_518, %get3A_511 : vector<16xf32>
        %select_n3A_520 = arith.select %eq3A_20, %gather3A_515, %neg3A_519 : vector<16xi1>, vector<16xf32>
        %mul3A_521 = arith.mulf %get3A_506, %select_n3A_516 : vector<16xf32>
        %mul3A_522 = arith.mulf %gather3A_513, %select_n3A_520 : vector<16xf32>
        %add3A_523 = arith.addf %mul3A_521, %mul3A_522 : vector<16xf32>
        %mul3A_524 = arith.mulf %get3A_501, %add3A_523 : vector<16xf32>
        %add3A_525 = arith.addf %add3A_496, %mul3A_524 : vector<16xf32>
        %get3A_526 = arith.index_cast %and3A_130 : i32 to index
        %get3A_527 = arith.index_cast %add3A_407 : i32 to index
        %get3A_528 = arith.constant 64 : index
        %get3A_529 = tpu.vector_load %arg15[%get3A_526, %get3A_527, %get3A_528] {strides = array<i32>} : memref<2x128x128xf32, #tpu.memory_space<vmem>>, vector<1x1x16xf32>,
        %get3A_530 = vector.shape_cast %get3A_529 : vector<1x1x16xf32> to vector<16xf32>
        %get3A_531 = arith.index_cast %and3A_130 : i32 to index
        %get3A_532 = arith.index_cast %add3A_407 : i32 to index
        %get3A_533 = arith.constant 64 : index
        %get3A_534 = tpu.vector_load %arg17[%get3A_531, %get3A_532, %get3A_533] {strides = array<i32>} : memref<2x128x128xf32, #tpu.memory_space<vmem>>, vector<1x1x16xf32>,
        %get3A_535 = vector.shape_cast %get3A_534 : vector<1x1x16xf32> to vector<16xf32>
        %get3A_536 = arith.index_cast %and3A_130 : i32 to index
        %get3A_537 = arith.index_cast %add3A_407 : i32 to index
        %get3A_538 = arith.constant 64 : index
        %get3A_539 = tpu.vector_load %arg16[%get3A_536, %get3A_537, %get3A_538] {strides = array<i32>} : memref<2x128x128xf32, #tpu.memory_space<vmem>>, vector<1x1x16xf32>,
        %get3A_540 = vector.shape_cast %get3A_539 : vector<1x1x16xf32> to vector<16xf32>
        %gather3A_541 = vector.shape_cast %reshape3A : vector<16x1xi32> to vector<16xi32>
        %gather3A_542 = tpu.dynamic_gather %get3A_535[%gather3A_541] in [0] : vector<16xf32>, vector<16xi32> -> vector<16xf32>
        %gather3A_543 = vector.shape_cast %reshape3A : vector<16x1xi32> to vector<16xi32>
        %gather3A_544 = tpu.dynamic_gather %get3A_540[%gather3A_543] in [0] : vector<16xf32>, vector<16xi32> -> vector<16xf32>
        %select_n3A_545 = arith.select %eq3A_20, %get3A_540, %gather3A_544 : vector<16xi1>, vector<16xf32>
        %neg3A_546 = arith.constant 0.000000e+00 : f32
        %neg3A_547 = vector.broadcast %neg3A_546 : f32 to vector<16xf32>
        %neg3A_548 = arith.subf %neg3A_547, %get3A_540 : vector<16xf32>
        %select_n3A_549 = arith.select %eq3A_20, %gather3A_544, %neg3A_548 : vector<16xi1>, vector<16xf32>
        %mul3A_550 = arith.mulf %get3A_535, %select_n3A_545 : vector<16xf32>
        %mul3A_551 = arith.mulf %gather3A_542, %select_n3A_549 : vector<16xf32>
        %add3A_552 = arith.addf %mul3A_550, %mul3A_551 : vector<16xf32>
        %mul3A_553 = arith.mulf %get3A_530, %add3A_552 : vector<16xf32>
        %add3A_554 = arith.addf %add3A_525, %mul3A_553 : vector<16xf32>
        %get3A_555 = arith.index_cast %and3A_130 : i32 to index
        %get3A_556 = arith.index_cast %add3A_407 : i32 to index
        %get3A_557 = arith.constant 80 : index
        %get3A_558 = tpu.vector_load %arg15[%get3A_555, %get3A_556, %get3A_557] {strides = array<i32>} : memref<2x128x128xf32, #tpu.memory_space<vmem>>, vector<1x1x16xf32>,
        %get3A_559 = vector.shape_cast %get3A_558 : vector<1x1x16xf32> to vector<16xf32>
        %get3A_560 = arith.index_cast %and3A_130 : i32 to index
        %get3A_561 = arith.index_cast %add3A_407 : i32 to index
        %get3A_562 = arith.constant 80 : index
        %get3A_563 = tpu.vector_load %arg17[%get3A_560, %get3A_561, %get3A_562] {strides = array<i32>} : memref<2x128x128xf32, #tpu.memory_space<vmem>>, vector<1x1x16xf32>,
        %get3A_564 = vector.shape_cast %get3A_563 : vector<1x1x16xf32> to vector<16xf32>
        %get3A_565 = arith.index_cast %and3A_130 : i32 to index
        %get3A_566 = arith.index_cast %add3A_407 : i32 to index
        %get3A_567 = arith.constant 80 : index
        %get3A_568 = tpu.vector_load %arg16[%get3A_565, %get3A_566, %get3A_567] {strides = array<i32>} : memref<2x128x128xf32, #tpu.memory_space<vmem>>, vector<1x1x16xf32>,
        %get3A_569 = vector.shape_cast %get3A_568 : vector<1x1x16xf32> to vector<16xf32>
        %gather3A_570 = vector.shape_cast %reshape3A : vector<16x1xi32> to vector<16xi32>
        %gather3A_571 = tpu.dynamic_gather %get3A_564[%gather3A_570] in [0] : vector<16xf32>, vector<16xi32> -> vector<16xf32>
        %gather3A_572 = vector.shape_cast %reshape3A : vector<16x1xi32> to vector<16xi32>
        %gather3A_573 = tpu.dynamic_gather %get3A_569[%gather3A_572] in [0] : vector<16xf32>, vector<16xi32> -> vector<16xf32>
        %select_n3A_574 = arith.select %eq3A_20, %get3A_569, %gather3A_573 : vector<16xi1>, vector<16xf32>
        %neg3A_575 = arith.constant 0.000000e+00 : f32
        %neg3A_576 = vector.broadcast %neg3A_575 : f32 to vector<16xf32>
        %neg3A_577 = arith.subf %neg3A_576, %get3A_569 : vector<16xf32>
        %select_n3A_578 = arith.select %eq3A_20, %gather3A_573, %neg3A_577 : vector<16xi1>, vector<16xf32>
        %mul3A_579 = arith.mulf %get3A_564, %select_n3A_574 : vector<16xf32>
        %mul3A_580 = arith.mulf %gather3A_571, %select_n3A_578 : vector<16xf32>
        %add3A_581 = arith.addf %mul3A_579, %mul3A_580 : vector<16xf32>
        %mul3A_582 = arith.mulf %get3A_559, %add3A_581 : vector<16xf32>
        %add3A_583 = arith.addf %add3A_554, %mul3A_582 : vector<16xf32>
        %get3A_584 = arith.index_cast %and3A_130 : i32 to index
        %get3A_585 = arith.index_cast %add3A_407 : i32 to index
        %get3A_586 = arith.constant 96 : index
        %get3A_587 = tpu.vector_load %arg15[%get3A_584, %get3A_585, %get3A_586] {strides = array<i32>} : memref<2x128x128xf32, #tpu.memory_space<vmem>>, vector<1x1x16xf32>,
        %get3A_588 = vector.shape_cast %get3A_587 : vector<1x1x16xf32> to vector<16xf32>
        %get3A_589 = arith.index_cast %and3A_130 : i32 to index
        %get3A_590 = arith.index_cast %add3A_407 : i32 to index
        %get3A_591 = arith.constant 96 : index
        %get3A_592 = tpu.vector_load %arg17[%get3A_589, %get3A_590, %get3A_591] {strides = array<i32>} : memref<2x128x128xf32, #tpu.memory_space<vmem>>, vector<1x1x16xf32>,
        %get3A_593 = vector.shape_cast %get3A_592 : vector<1x1x16xf32> to vector<16xf32>
        %get3A_594 = arith.index_cast %and3A_130 : i32 to index
        %get3A_595 = arith.index_cast %add3A_407 : i32 to index
        %get3A_596 = arith.constant 96 : index
        %get3A_597 = tpu.vector_load %arg16[%get3A_594, %get3A_595, %get3A_596] {strides = array<i32>} : memref<2x128x128xf32, #tpu.memory_space<vmem>>, vector<1x1x16xf32>,
        %get3A_598 = vector.shape_cast %get3A_597 : vector<1x1x16xf32> to vector<16xf32>
        %gather3A_599 = vector.shape_cast %reshape3A : vector<16x1xi32> to vector<16xi32>
        %gather3A_600 = tpu.dynamic_gather %get3A_593[%gather3A_599] in [0] : vector<16xf32>, vector<16xi32> -> vector<16xf32>
        %gather3A_601 = vector.shape_cast %reshape3A : vector<16x1xi32> to vector<16xi32>
        %gather3A_602 = tpu.dynamic_gather %get3A_598[%gather3A_601] in [0] : vector<16xf32>, vector<16xi32> -> vector<16xf32>
        %select_n3A_603 = arith.select %eq3A_20, %get3A_598, %gather3A_602 : vector<16xi1>, vector<16xf32>
        %neg3A_604 = arith.constant 0.000000e+00 : f32
        %neg3A_605 = vector.broadcast %neg3A_604 : f32 to vector<16xf32>
        %neg3A_606 = arith.subf %neg3A_605, %get3A_598 : vector<16xf32>
        %select_n3A_607 = arith.select %eq3A_20, %gather3A_602, %neg3A_606 : vector<16xi1>, vector<16xf32>
        %mul3A_608 = arith.mulf %get3A_593, %select_n3A_603 : vector<16xf32>
        %mul3A_609 = arith.mulf %gather3A_600, %select_n3A_607 : vector<16xf32>
        %add3A_610 = arith.addf %mul3A_608, %mul3A_609 : vector<16xf32>
        %mul3A_611 = arith.mulf %get3A_588, %add3A_610 : vector<16xf32>
        %add3A_612 = arith.addf %add3A_583, %mul3A_611 : vector<16xf32>
        %get3A_613 = arith.index_cast %and3A_130 : i32 to index
        %get3A_614 = arith.index_cast %add3A_407 : i32 to index
        %get3A_615 = arith.constant 112 : index
        %get3A_616 = tpu.vector_load %arg15[%get3A_613, %get3A_614, %get3A_615] {strides = array<i32>} : memref<2x128x128xf32, #tpu.memory_space<vmem>>, vector<1x1x16xf32>,
        %get3A_617 = vector.shape_cast %get3A_616 : vector<1x1x16xf32> to vector<16xf32>
        %get3A_618 = arith.index_cast %and3A_130 : i32 to index
        %get3A_619 = arith.index_cast %add3A_407 : i32 to index
        %get3A_620 = arith.constant 112 : index
        %get3A_621 = tpu.vector_load %arg17[%get3A_618, %get3A_619, %get3A_620] {strides = array<i32>} : memref<2x128x128xf32, #tpu.memory_space<vmem>>, vector<1x1x16xf32>,
        %get3A_622 = vector.shape_cast %get3A_621 : vector<1x1x16xf32> to vector<16xf32>
        %get3A_623 = arith.index_cast %and3A_130 : i32 to index
        %get3A_624 = arith.index_cast %add3A_407 : i32 to index
        %get3A_625 = arith.constant 112 : index
        %get3A_626 = tpu.vector_load %arg16[%get3A_623, %get3A_624, %get3A_625] {strides = array<i32>} : memref<2x128x128xf32, #tpu.memory_space<vmem>>, vector<1x1x16xf32>,
        %get3A_627 = vector.shape_cast %get3A_626 : vector<1x1x16xf32> to vector<16xf32>
        %gather3A_628 = vector.shape_cast %reshape3A : vector<16x1xi32> to vector<16xi32>
        %gather3A_629 = tpu.dynamic_gather %get3A_622[%gather3A_628] in [0] : vector<16xf32>, vector<16xi32> -> vector<16xf32>
        %gather3A_630 = vector.shape_cast %reshape3A : vector<16x1xi32> to vector<16xi32>
        %gather3A_631 = tpu.dynamic_gather %get3A_627[%gather3A_630] in [0] : vector<16xf32>, vector<16xi32> -> vector<16xf32>
        %select_n3A_632 = arith.select %eq3A_20, %get3A_627, %gather3A_631 : vector<16xi1>, vector<16xf32>
        %neg3A_633 = arith.constant 0.000000e+00 : f32
        %neg3A_634 = vector.broadcast %neg3A_633 : f32 to vector<16xf32>
        %neg3A_635 = arith.subf %neg3A_634, %get3A_627 : vector<16xf32>
        %select_n3A_636 = arith.select %eq3A_20, %gather3A_631, %neg3A_635 : vector<16xi1>, vector<16xf32>
        %mul3A_637 = arith.mulf %get3A_622, %select_n3A_632 : vector<16xf32>
        %mul3A_638 = arith.mulf %gather3A_629, %select_n3A_636 : vector<16xf32>
        %add3A_639 = arith.addf %mul3A_637, %mul3A_638 : vector<16xf32>
        %mul3A_640 = arith.mulf %get3A_617, %add3A_639 : vector<16xf32>
        %add3A_641 = arith.addf %add3A_612, %mul3A_640 : vector<16xf32>
        %gather3A_642 = vector.shape_cast %reshape3A : vector<16x1xi32> to vector<16xi32>
        %gather3A_643 = tpu.dynamic_gather %add3A_641[%gather3A_642] in [0] : vector<16xf32>, vector<16xi32> -> vector<16xf32>
        %add3A_644 = arith.addf %add3A_641, %gather3A_643 : vector<16xf32>
        %gather3A_645 = vector.shape_cast %reshape3A_8 : vector<16x1xi32> to vector<16xi32>
        %gather3A_646 = tpu.dynamic_gather %add3A_644[%gather3A_645] in [0] : vector<16xf32>, vector<16xi32> -> vector<16xf32>
        %add3A_647 = arith.addf %add3A_644, %gather3A_646 : vector<16xf32>
        %gather3A_648 = vector.shape_cast %reshape3A_12 : vector<16x1xi32> to vector<16xi32>
        %gather3A_649 = tpu.dynamic_gather %add3A_647[%gather3A_648] in [0] : vector<16xf32>, vector<16xi32> -> vector<16xf32>
        %add3A_650 = arith.addf %add3A_647, %gather3A_649 : vector<16xf32>
        %gather3A_651 = vector.shape_cast %reshape3A_16 : vector<16x1xi32> to vector<16xi32>
        %gather3A_652 = tpu.dynamic_gather %add3A_650[%gather3A_651] in [0] : vector<16xf32>, vector<16xi32> -> vector<16xf32>
        %add3A_653 = arith.addf %add3A_650, %gather3A_652 : vector<16xf32>
        %eq3A_654 = arith.constant 1 : i32
        %eq3A_655 = vector.broadcast %eq3A_654 : i32 to vector<16xi32>
        %eq3A_656 = arith.cmpi eq, %iota3A, %eq3A_655 : vector<16xi32>
        %select_n3A_657 = arith.select %eq3A_656, %add3A_653, %select_n3A_405 : vector<16xi1>, vector<16xf32>
        %add3A_658 = arith.constant 2 : i32
        %add3A_659 = arith.addi %mul3A_156, %add3A_658 : i32
        %broadcast_in_dim3A_660 = arith.constant 0.000000e+00 : f32
        %broadcast_in_dim3A_661 = vector.broadcast %broadcast_in_dim3A_660 : f32 to vector<16xf32>
        %get3A_662 = arith.index_cast %and3A_130 : i32 to index
        %get3A_663 = arith.index_cast %add3A_659 : i32 to index
        %get3A_664 = arith.constant 0 : index
        %get3A_665 = tpu.vector_load %arg15[%get3A_662, %get3A_663, %get3A_664] {strides = array<i32>} : memref<2x128x128xf32, #tpu.memory_space<vmem>>, vector<1x1x16xf32>,
        %get3A_666 = vector.shape_cast %get3A_665 : vector<1x1x16xf32> to vector<16xf32>
        %get3A_667 = arith.index_cast %and3A_130 : i32 to index
        %get3A_668 = arith.index_cast %add3A_659 : i32 to index
        %get3A_669 = arith.constant 0 : index
        %get3A_670 = tpu.vector_load %arg17[%get3A_667, %get3A_668, %get3A_669] {strides = array<i32>} : memref<2x128x128xf32, #tpu.memory_space<vmem>>, vector<1x1x16xf32>,
        %get3A_671 = vector.shape_cast %get3A_670 : vector<1x1x16xf32> to vector<16xf32>
        %get3A_672 = arith.index_cast %and3A_130 : i32 to index
        %get3A_673 = arith.index_cast %add3A_659 : i32 to index
        %get3A_674 = arith.constant 0 : index
        %get3A_675 = tpu.vector_load %arg16[%get3A_672, %get3A_673, %get3A_674] {strides = array<i32>} : memref<2x128x128xf32, #tpu.memory_space<vmem>>, vector<1x1x16xf32>,
        %get3A_676 = vector.shape_cast %get3A_675 : vector<1x1x16xf32> to vector<16xf32>
        %gather3A_677 = vector.shape_cast %reshape3A : vector<16x1xi32> to vector<16xi32>
        %gather3A_678 = tpu.dynamic_gather %get3A_671[%gather3A_677] in [0] : vector<16xf32>, vector<16xi32> -> vector<16xf32>
        %gather3A_679 = vector.shape_cast %reshape3A : vector<16x1xi32> to vector<16xi32>
        %gather3A_680 = tpu.dynamic_gather %get3A_676[%gather3A_679] in [0] : vector<16xf32>, vector<16xi32> -> vector<16xf32>
        %select_n3A_681 = arith.select %eq3A_20, %get3A_676, %gather3A_680 : vector<16xi1>, vector<16xf32>
        %neg3A_682 = arith.constant 0.000000e+00 : f32
        %neg3A_683 = vector.broadcast %neg3A_682 : f32 to vector<16xf32>
        %neg3A_684 = arith.subf %neg3A_683, %get3A_676 : vector<16xf32>
        %select_n3A_685 = arith.select %eq3A_20, %gather3A_680, %neg3A_684 : vector<16xi1>, vector<16xf32>
        %mul3A_686 = arith.mulf %get3A_671, %select_n3A_681 : vector<16xf32>
        %mul3A_687 = arith.mulf %gather3A_678, %select_n3A_685 : vector<16xf32>
        %add3A_688 = arith.addf %mul3A_686, %mul3A_687 : vector<16xf32>
        %mul3A_689 = arith.mulf %get3A_666, %add3A_688 : vector<16xf32>
        %add3A_690 = arith.addf %broadcast_in_dim3A_661, %mul3A_689 : vector<16xf32>
        %get3A_691 = arith.index_cast %and3A_130 : i32 to index
        %get3A_692 = arith.index_cast %add3A_659 : i32 to index
        %get3A_693 = arith.constant 16 : index
        %get3A_694 = tpu.vector_load %arg15[%get3A_691, %get3A_692, %get3A_693] {strides = array<i32>} : memref<2x128x128xf32, #tpu.memory_space<vmem>>, vector<1x1x16xf32>,
        %get3A_695 = vector.shape_cast %get3A_694 : vector<1x1x16xf32> to vector<16xf32>
        %get3A_696 = arith.index_cast %and3A_130 : i32 to index
        %get3A_697 = arith.index_cast %add3A_659 : i32 to index
        %get3A_698 = arith.constant 16 : index
        %get3A_699 = tpu.vector_load %arg17[%get3A_696, %get3A_697, %get3A_698] {strides = array<i32>} : memref<2x128x128xf32, #tpu.memory_space<vmem>>, vector<1x1x16xf32>,
        %get3A_700 = vector.shape_cast %get3A_699 : vector<1x1x16xf32> to vector<16xf32>
        %get3A_701 = arith.index_cast %and3A_130 : i32 to index
        %get3A_702 = arith.index_cast %add3A_659 : i32 to index
        %get3A_703 = arith.constant 16 : index
        %get3A_704 = tpu.vector_load %arg16[%get3A_701, %get3A_702, %get3A_703] {strides = array<i32>} : memref<2x128x128xf32, #tpu.memory_space<vmem>>, vector<1x1x16xf32>,
        %get3A_705 = vector.shape_cast %get3A_704 : vector<1x1x16xf32> to vector<16xf32>
        %gather3A_706 = vector.shape_cast %reshape3A : vector<16x1xi32> to vector<16xi32>
        %gather3A_707 = tpu.dynamic_gather %get3A_700[%gather3A_706] in [0] : vector<16xf32>, vector<16xi32> -> vector<16xf32>
        %gather3A_708 = vector.shape_cast %reshape3A : vector<16x1xi32> to vector<16xi32>
        %gather3A_709 = tpu.dynamic_gather %get3A_705[%gather3A_708] in [0] : vector<16xf32>, vector<16xi32> -> vector<16xf32>
        %select_n3A_710 = arith.select %eq3A_20, %get3A_705, %gather3A_709 : vector<16xi1>, vector<16xf32>
        %neg3A_711 = arith.constant 0.000000e+00 : f32
        %neg3A_712 = vector.broadcast %neg3A_711 : f32 to vector<16xf32>
        %neg3A_713 = arith.subf %neg3A_712, %get3A_705 : vector<16xf32>
        %select_n3A_714 = arith.select %eq3A_20, %gather3A_709, %neg3A_713 : vector<16xi1>, vector<16xf32>
        %mul3A_715 = arith.mulf %get3A_700, %select_n3A_710 : vector<16xf32>
        %mul3A_716 = arith.mulf %gather3A_707, %select_n3A_714 : vector<16xf32>
        %add3A_717 = arith.addf %mul3A_715, %mul3A_716 : vector<16xf32>
        %mul3A_718 = arith.mulf %get3A_695, %add3A_717 : vector<16xf32>
        %add3A_719 = arith.addf %add3A_690, %mul3A_718 : vector<16xf32>
        %get3A_720 = arith.index_cast %and3A_130 : i32 to index
        %get3A_721 = arith.index_cast %add3A_659 : i32 to index
        %get3A_722 = arith.constant 32 : index
        %get3A_723 = tpu.vector_load %arg15[%get3A_720, %get3A_721, %get3A_722] {strides = array<i32>} : memref<2x128x128xf32, #tpu.memory_space<vmem>>, vector<1x1x16xf32>,
        %get3A_724 = vector.shape_cast %get3A_723 : vector<1x1x16xf32> to vector<16xf32>
        %get3A_725 = arith.index_cast %and3A_130 : i32 to index
        %get3A_726 = arith.index_cast %add3A_659 : i32 to index
        %get3A_727 = arith.constant 32 : index
        %get3A_728 = tpu.vector_load %arg17[%get3A_725, %get3A_726, %get3A_727] {strides = array<i32>} : memref<2x128x128xf32, #tpu.memory_space<vmem>>, vector<1x1x16xf32>,
        %get3A_729 = vector.shape_cast %get3A_728 : vector<1x1x16xf32> to vector<16xf32>
        %get3A_730 = arith.index_cast %and3A_130 : i32 to index
        %get3A_731 = arith.index_cast %add3A_659 : i32 to index
        %get3A_732 = arith.constant 32 : index
        %get3A_733 = tpu.vector_load %arg16[%get3A_730, %get3A_731, %get3A_732] {strides = array<i32>} : memref<2x128x128xf32, #tpu.memory_space<vmem>>, vector<1x1x16xf32>,
        %get3A_734 = vector.shape_cast %get3A_733 : vector<1x1x16xf32> to vector<16xf32>
        %gather3A_735 = vector.shape_cast %reshape3A : vector<16x1xi32> to vector<16xi32>
        %gather3A_736 = tpu.dynamic_gather %get3A_729[%gather3A_735] in [0] : vector<16xf32>, vector<16xi32> -> vector<16xf32>
        %gather3A_737 = vector.shape_cast %reshape3A : vector<16x1xi32> to vector<16xi32>
        %gather3A_738 = tpu.dynamic_gather %get3A_734[%gather3A_737] in [0] : vector<16xf32>, vector<16xi32> -> vector<16xf32>
        %select_n3A_739 = arith.select %eq3A_20, %get3A_734, %gather3A_738 : vector<16xi1>, vector<16xf32>
        %neg3A_740 = arith.constant 0.000000e+00 : f32
        %neg3A_741 = vector.broadcast %neg3A_740 : f32 to vector<16xf32>
        %neg3A_742 = arith.subf %neg3A_741, %get3A_734 : vector<16xf32>
        %select_n3A_743 = arith.select %eq3A_20, %gather3A_738, %neg3A_742 : vector<16xi1>, vector<16xf32>
        %mul3A_744 = arith.mulf %get3A_729, %select_n3A_739 : vector<16xf32>
        %mul3A_745 = arith.mulf %gather3A_736, %select_n3A_743 : vector<16xf32>
        %add3A_746 = arith.addf %mul3A_744, %mul3A_745 : vector<16xf32>
        %mul3A_747 = arith.mulf %get3A_724, %add3A_746 : vector<16xf32>
        %add3A_748 = arith.addf %add3A_719, %mul3A_747 : vector<16xf32>
        %get3A_749 = arith.index_cast %and3A_130 : i32 to index
        %get3A_750 = arith.index_cast %add3A_659 : i32 to index
        %get3A_751 = arith.constant 48 : index
        %get3A_752 = tpu.vector_load %arg15[%get3A_749, %get3A_750, %get3A_751] {strides = array<i32>} : memref<2x128x128xf32, #tpu.memory_space<vmem>>, vector<1x1x16xf32>,
        %get3A_753 = vector.shape_cast %get3A_752 : vector<1x1x16xf32> to vector<16xf32>
        %get3A_754 = arith.index_cast %and3A_130 : i32 to index
        %get3A_755 = arith.index_cast %add3A_659 : i32 to index
        %get3A_756 = arith.constant 48 : index
        %get3A_757 = tpu.vector_load %arg17[%get3A_754, %get3A_755, %get3A_756] {strides = array<i32>} : memref<2x128x128xf32, #tpu.memory_space<vmem>>, vector<1x1x16xf32>,
        %get3A_758 = vector.shape_cast %get3A_757 : vector<1x1x16xf32> to vector<16xf32>
        %get3A_759 = arith.index_cast %and3A_130 : i32 to index
        %get3A_760 = arith.index_cast %add3A_659 : i32 to index
        %get3A_761 = arith.constant 48 : index
        %get3A_762 = tpu.vector_load %arg16[%get3A_759, %get3A_760, %get3A_761] {strides = array<i32>} : memref<2x128x128xf32, #tpu.memory_space<vmem>>, vector<1x1x16xf32>,
        %get3A_763 = vector.shape_cast %get3A_762 : vector<1x1x16xf32> to vector<16xf32>
        %gather3A_764 = vector.shape_cast %reshape3A : vector<16x1xi32> to vector<16xi32>
        %gather3A_765 = tpu.dynamic_gather %get3A_758[%gather3A_764] in [0] : vector<16xf32>, vector<16xi32> -> vector<16xf32>
        %gather3A_766 = vector.shape_cast %reshape3A : vector<16x1xi32> to vector<16xi32>
        %gather3A_767 = tpu.dynamic_gather %get3A_763[%gather3A_766] in [0] : vector<16xf32>, vector<16xi32> -> vector<16xf32>
        %select_n3A_768 = arith.select %eq3A_20, %get3A_763, %gather3A_767 : vector<16xi1>, vector<16xf32>
        %neg3A_769 = arith.constant 0.000000e+00 : f32
        %neg3A_770 = vector.broadcast %neg3A_769 : f32 to vector<16xf32>
        %neg3A_771 = arith.subf %neg3A_770, %get3A_763 : vector<16xf32>
        %select_n3A_772 = arith.select %eq3A_20, %gather3A_767, %neg3A_771 : vector<16xi1>, vector<16xf32>
        %mul3A_773 = arith.mulf %get3A_758, %select_n3A_768 : vector<16xf32>
        %mul3A_774 = arith.mulf %gather3A_765, %select_n3A_772 : vector<16xf32>
        %add3A_775 = arith.addf %mul3A_773, %mul3A_774 : vector<16xf32>
        %mul3A_776 = arith.mulf %get3A_753, %add3A_775 : vector<16xf32>
        %add3A_777 = arith.addf %add3A_748, %mul3A_776 : vector<16xf32>
        %get3A_778 = arith.index_cast %and3A_130 : i32 to index
        %get3A_779 = arith.index_cast %add3A_659 : i32 to index
        %get3A_780 = arith.constant 64 : index
        %get3A_781 = tpu.vector_load %arg15[%get3A_778, %get3A_779, %get3A_780] {strides = array<i32>} : memref<2x128x128xf32, #tpu.memory_space<vmem>>, vector<1x1x16xf32>,
        %get3A_782 = vector.shape_cast %get3A_781 : vector<1x1x16xf32> to vector<16xf32>
        %get3A_783 = arith.index_cast %and3A_130 : i32 to index
        %get3A_784 = arith.index_cast %add3A_659 : i32 to index
        %get3A_785 = arith.constant 64 : index
        %get3A_786 = tpu.vector_load %arg17[%get3A_783, %get3A_784, %get3A_785] {strides = array<i32>} : memref<2x128x128xf32, #tpu.memory_space<vmem>>, vector<1x1x16xf32>,
        %get3A_787 = vector.shape_cast %get3A_786 : vector<1x1x16xf32> to vector<16xf32>
        %get3A_788 = arith.index_cast %and3A_130 : i32 to index
        %get3A_789 = arith.index_cast %add3A_659 : i32 to index
        %get3A_790 = arith.constant 64 : index
        %get3A_791 = tpu.vector_load %arg16[%get3A_788, %get3A_789, %get3A_790] {strides = array<i32>} : memref<2x128x128xf32, #tpu.memory_space<vmem>>, vector<1x1x16xf32>,
        %get3A_792 = vector.shape_cast %get3A_791 : vector<1x1x16xf32> to vector<16xf32>
        %gather3A_793 = vector.shape_cast %reshape3A : vector<16x1xi32> to vector<16xi32>
        %gather3A_794 = tpu.dynamic_gather %get3A_787[%gather3A_793] in [0] : vector<16xf32>, vector<16xi32> -> vector<16xf32>
        %gather3A_795 = vector.shape_cast %reshape3A : vector<16x1xi32> to vector<16xi32>
        %gather3A_796 = tpu.dynamic_gather %get3A_792[%gather3A_795] in [0] : vector<16xf32>, vector<16xi32> -> vector<16xf32>
        %select_n3A_797 = arith.select %eq3A_20, %get3A_792, %gather3A_796 : vector<16xi1>, vector<16xf32>
        %neg3A_798 = arith.constant 0.000000e+00 : f32
        %neg3A_799 = vector.broadcast %neg3A_798 : f32 to vector<16xf32>
        %neg3A_800 = arith.subf %neg3A_799, %get3A_792 : vector<16xf32>
        %select_n3A_801 = arith.select %eq3A_20, %gather3A_796, %neg3A_800 : vector<16xi1>, vector<16xf32>
        %mul3A_802 = arith.mulf %get3A_787, %select_n3A_797 : vector<16xf32>
        %mul3A_803 = arith.mulf %gather3A_794, %select_n3A_801 : vector<16xf32>
        %add3A_804 = arith.addf %mul3A_802, %mul3A_803 : vector<16xf32>
        %mul3A_805 = arith.mulf %get3A_782, %add3A_804 : vector<16xf32>
        %add3A_806 = arith.addf %add3A_777, %mul3A_805 : vector<16xf32>
        %get3A_807 = arith.index_cast %and3A_130 : i32 to index
        %get3A_808 = arith.index_cast %add3A_659 : i32 to index
        %get3A_809 = arith.constant 80 : index
        %get3A_810 = tpu.vector_load %arg15[%get3A_807, %get3A_808, %get3A_809] {strides = array<i32>} : memref<2x128x128xf32, #tpu.memory_space<vmem>>, vector<1x1x16xf32>,
        %get3A_811 = vector.shape_cast %get3A_810 : vector<1x1x16xf32> to vector<16xf32>
        %get3A_812 = arith.index_cast %and3A_130 : i32 to index
        %get3A_813 = arith.index_cast %add3A_659 : i32 to index
        %get3A_814 = arith.constant 80 : index
        %get3A_815 = tpu.vector_load %arg17[%get3A_812, %get3A_813, %get3A_814] {strides = array<i32>} : memref<2x128x128xf32, #tpu.memory_space<vmem>>, vector<1x1x16xf32>,
        %get3A_816 = vector.shape_cast %get3A_815 : vector<1x1x16xf32> to vector<16xf32>
        %get3A_817 = arith.index_cast %and3A_130 : i32 to index
        %get3A_818 = arith.index_cast %add3A_659 : i32 to index
        %get3A_819 = arith.constant 80 : index
        %get3A_820 = tpu.vector_load %arg16[%get3A_817, %get3A_818, %get3A_819] {strides = array<i32>} : memref<2x128x128xf32, #tpu.memory_space<vmem>>, vector<1x1x16xf32>,
        %get3A_821 = vector.shape_cast %get3A_820 : vector<1x1x16xf32> to vector<16xf32>
        %gather3A_822 = vector.shape_cast %reshape3A : vector<16x1xi32> to vector<16xi32>
        %gather3A_823 = tpu.dynamic_gather %get3A_816[%gather3A_822] in [0] : vector<16xf32>, vector<16xi32> -> vector<16xf32>
        %gather3A_824 = vector.shape_cast %reshape3A : vector<16x1xi32> to vector<16xi32>
        %gather3A_825 = tpu.dynamic_gather %get3A_821[%gather3A_824] in [0] : vector<16xf32>, vector<16xi32> -> vector<16xf32>
        %select_n3A_826 = arith.select %eq3A_20, %get3A_821, %gather3A_825 : vector<16xi1>, vector<16xf32>
        %neg3A_827 = arith.constant 0.000000e+00 : f32
        %neg3A_828 = vector.broadcast %neg3A_827 : f32 to vector<16xf32>
        %neg3A_829 = arith.subf %neg3A_828, %get3A_821 : vector<16xf32>
        %select_n3A_830 = arith.select %eq3A_20, %gather3A_825, %neg3A_829 : vector<16xi1>, vector<16xf32>
        %mul3A_831 = arith.mulf %get3A_816, %select_n3A_826 : vector<16xf32>
        %mul3A_832 = arith.mulf %gather3A_823, %select_n3A_830 : vector<16xf32>
        %add3A_833 = arith.addf %mul3A_831, %mul3A_832 : vector<16xf32>
        %mul3A_834 = arith.mulf %get3A_811, %add3A_833 : vector<16xf32>
        %add3A_835 = arith.addf %add3A_806, %mul3A_834 : vector<16xf32>
        %get3A_836 = arith.index_cast %and3A_130 : i32 to index
        %get3A_837 = arith.index_cast %add3A_659 : i32 to index
        %get3A_838 = arith.constant 96 : index
        %get3A_839 = tpu.vector_load %arg15[%get3A_836, %get3A_837, %get3A_838] {strides = array<i32>} : memref<2x128x128xf32, #tpu.memory_space<vmem>>, vector<1x1x16xf32>,
        %get3A_840 = vector.shape_cast %get3A_839 : vector<1x1x16xf32> to vector<16xf32>
        %get3A_841 = arith.index_cast %and3A_130 : i32 to index
        %get3A_842 = arith.index_cast %add3A_659 : i32 to index
        %get3A_843 = arith.constant 96 : index
        %get3A_844 = tpu.vector_load %arg17[%get3A_841, %get3A_842, %get3A_843] {strides = array<i32>} : memref<2x128x128xf32, #tpu.memory_space<vmem>>, vector<1x1x16xf32>,
        %get3A_845 = vector.shape_cast %get3A_844 : vector<1x1x16xf32> to vector<16xf32>
        %get3A_846 = arith.index_cast %and3A_130 : i32 to index
        %get3A_847 = arith.index_cast %add3A_659 : i32 to index
        %get3A_848 = arith.constant 96 : index
        %get3A_849 = tpu.vector_load %arg16[%get3A_846, %get3A_847, %get3A_848] {strides = array<i32>} : memref<2x128x128xf32, #tpu.memory_space<vmem>>, vector<1x1x16xf32>,
        %get3A_850 = vector.shape_cast %get3A_849 : vector<1x1x16xf32> to vector<16xf32>
        %gather3A_851 = vector.shape_cast %reshape3A : vector<16x1xi32> to vector<16xi32>
        %gather3A_852 = tpu.dynamic_gather %get3A_845[%gather3A_851] in [0] : vector<16xf32>, vector<16xi32> -> vector<16xf32>
        %gather3A_853 = vector.shape_cast %reshape3A : vector<16x1xi32> to vector<16xi32>
        %gather3A_854 = tpu.dynamic_gather %get3A_850[%gather3A_853] in [0] : vector<16xf32>, vector<16xi32> -> vector<16xf32>
        %select_n3A_855 = arith.select %eq3A_20, %get3A_850, %gather3A_854 : vector<16xi1>, vector<16xf32>
        %neg3A_856 = arith.constant 0.000000e+00 : f32
        %neg3A_857 = vector.broadcast %neg3A_856 : f32 to vector<16xf32>
        %neg3A_858 = arith.subf %neg3A_857, %get3A_850 : vector<16xf32>
        %select_n3A_859 = arith.select %eq3A_20, %gather3A_854, %neg3A_858 : vector<16xi1>, vector<16xf32>
        %mul3A_860 = arith.mulf %get3A_845, %select_n3A_855 : vector<16xf32>
        %mul3A_861 = arith.mulf %gather3A_852, %select_n3A_859 : vector<16xf32>
        %add3A_862 = arith.addf %mul3A_860, %mul3A_861 : vector<16xf32>
        %mul3A_863 = arith.mulf %get3A_840, %add3A_862 : vector<16xf32>
        %add3A_864 = arith.addf %add3A_835, %mul3A_863 : vector<16xf32>
        %get3A_865 = arith.index_cast %and3A_130 : i32 to index
        %get3A_866 = arith.index_cast %add3A_659 : i32 to index
        %get3A_867 = arith.constant 112 : index
        %get3A_868 = tpu.vector_load %arg15[%get3A_865, %get3A_866, %get3A_867] {strides = array<i32>} : memref<2x128x128xf32, #tpu.memory_space<vmem>>, vector<1x1x16xf32>,
        %get3A_869 = vector.shape_cast %get3A_868 : vector<1x1x16xf32> to vector<16xf32>
        %get3A_870 = arith.index_cast %and3A_130 : i32 to index
        %get3A_871 = arith.index_cast %add3A_659 : i32 to index
        %get3A_872 = arith.constant 112 : index
        %get3A_873 = tpu.vector_load %arg17[%get3A_870, %get3A_871, %get3A_872] {strides = array<i32>} : memref<2x128x128xf32, #tpu.memory_space<vmem>>, vector<1x1x16xf32>,
        %get3A_874 = vector.shape_cast %get3A_873 : vector<1x1x16xf32> to vector<16xf32>
        %get3A_875 = arith.index_cast %and3A_130 : i32 to index
        %get3A_876 = arith.index_cast %add3A_659 : i32 to index
        %get3A_877 = arith.constant 112 : index
        %get3A_878 = tpu.vector_load %arg16[%get3A_875, %get3A_876, %get3A_877] {strides = array<i32>} : memref<2x128x128xf32, #tpu.memory_space<vmem>>, vector<1x1x16xf32>,
        %get3A_879 = vector.shape_cast %get3A_878 : vector<1x1x16xf32> to vector<16xf32>
        %gather3A_880 = vector.shape_cast %reshape3A : vector<16x1xi32> to vector<16xi32>
        %gather3A_881 = tpu.dynamic_gather %get3A_874[%gather3A_880] in [0] : vector<16xf32>, vector<16xi32> -> vector<16xf32>
        %gather3A_882 = vector.shape_cast %reshape3A : vector<16x1xi32> to vector<16xi32>
        %gather3A_883 = tpu.dynamic_gather %get3A_879[%gather3A_882] in [0] : vector<16xf32>, vector<16xi32> -> vector<16xf32>
        %select_n3A_884 = arith.select %eq3A_20, %get3A_879, %gather3A_883 : vector<16xi1>, vector<16xf32>
        %neg3A_885 = arith.constant 0.000000e+00 : f32
        %neg3A_886 = vector.broadcast %neg3A_885 : f32 to vector<16xf32>
        %neg3A_887 = arith.subf %neg3A_886, %get3A_879 : vector<16xf32>
        %select_n3A_888 = arith.select %eq3A_20, %gather3A_883, %neg3A_887 : vector<16xi1>, vector<16xf32>
        %mul3A_889 = arith.mulf %get3A_874, %select_n3A_884 : vector<16xf32>
        %mul3A_890 = arith.mulf %gather3A_881, %select_n3A_888 : vector<16xf32>
        %add3A_891 = arith.addf %mul3A_889, %mul3A_890 : vector<16xf32>
        %mul3A_892 = arith.mulf %get3A_869, %add3A_891 : vector<16xf32>
        %add3A_893 = arith.addf %add3A_864, %mul3A_892 : vector<16xf32>
        %gather3A_894 = vector.shape_cast %reshape3A : vector<16x1xi32> to vector<16xi32>
        %gather3A_895 = tpu.dynamic_gather %add3A_893[%gather3A_894] in [0] : vector<16xf32>, vector<16xi32> -> vector<16xf32>
        %add3A_896 = arith.addf %add3A_893, %gather3A_895 : vector<16xf32>
        %gather3A_897 = vector.shape_cast %reshape3A_8 : vector<16x1xi32> to vector<16xi32>
        %gather3A_898 = tpu.dynamic_gather %add3A_896[%gather3A_897] in [0] : vector<16xf32>, vector<16xi32> -> vector<16xf32>
        %add3A_899 = arith.addf %add3A_896, %gather3A_898 : vector<16xf32>
        %gather3A_900 = vector.shape_cast %reshape3A_12 : vector<16x1xi32> to vector<16xi32>
        %gather3A_901 = tpu.dynamic_gather %add3A_899[%gather3A_900] in [0] : vector<16xf32>, vector<16xi32> -> vector<16xf32>
        %add3A_902 = arith.addf %add3A_899, %gather3A_901 : vector<16xf32>
        %gather3A_903 = vector.shape_cast %reshape3A_16 : vector<16x1xi32> to vector<16xi32>
        %gather3A_904 = tpu.dynamic_gather %add3A_902[%gather3A_903] in [0] : vector<16xf32>, vector<16xi32> -> vector<16xf32>
        %add3A_905 = arith.addf %add3A_902, %gather3A_904 : vector<16xf32>
        %eq3A_906 = arith.constant 2 : i32
        %eq3A_907 = vector.broadcast %eq3A_906 : i32 to vector<16xi32>
        %eq3A_908 = arith.cmpi eq, %iota3A, %eq3A_907 : vector<16xi32>
        %select_n3A_909 = arith.select %eq3A_908, %add3A_905, %select_n3A_657 : vector<16xi1>, vector<16xf32>
        %add3A_910 = arith.constant 3 : i32
        %add3A_911 = arith.addi %mul3A_156, %add3A_910 : i32
        %broadcast_in_dim3A_912 = arith.constant 0.000000e+00 : f32
        %broadcast_in_dim3A_913 = vector.broadcast %broadcast_in_dim3A_912 : f32 to vector<16xf32>
        %get3A_914 = arith.index_cast %and3A_130 : i32 to index
        %get3A_915 = arith.index_cast %add3A_911 : i32 to index
        %get3A_916 = arith.constant 0 : index
        %get3A_917 = tpu.vector_load %arg15[%get3A_914, %get3A_915, %get3A_916] {strides = array<i32>} : memref<2x128x128xf32, #tpu.memory_space<vmem>>, vector<1x1x16xf32>,
        %get3A_918 = vector.shape_cast %get3A_917 : vector<1x1x16xf32> to vector<16xf32>
        %get3A_919 = arith.index_cast %and3A_130 : i32 to index
        %get3A_920 = arith.index_cast %add3A_911 : i32 to index
        %get3A_921 = arith.constant 0 : index
        %get3A_922 = tpu.vector_load %arg17[%get3A_919, %get3A_920, %get3A_921] {strides = array<i32>} : memref<2x128x128xf32, #tpu.memory_space<vmem>>, vector<1x1x16xf32>,
        %get3A_923 = vector.shape_cast %get3A_922 : vector<1x1x16xf32> to vector<16xf32>
        %get3A_924 = arith.index_cast %and3A_130 : i32 to index
        %get3A_925 = arith.index_cast %add3A_911 : i32 to index
        %get3A_926 = arith.constant 0 : index
        %get3A_927 = tpu.vector_load %arg16[%get3A_924, %get3A_925, %get3A_926] {strides = array<i32>} : memref<2x128x128xf32, #tpu.memory_space<vmem>>, vector<1x1x16xf32>,
        %get3A_928 = vector.shape_cast %get3A_927 : vector<1x1x16xf32> to vector<16xf32>
        %gather3A_929 = vector.shape_cast %reshape3A : vector<16x1xi32> to vector<16xi32>
        %gather3A_930 = tpu.dynamic_gather %get3A_923[%gather3A_929] in [0] : vector<16xf32>, vector<16xi32> -> vector<16xf32>
        %gather3A_931 = vector.shape_cast %reshape3A : vector<16x1xi32> to vector<16xi32>
        %gather3A_932 = tpu.dynamic_gather %get3A_928[%gather3A_931] in [0] : vector<16xf32>, vector<16xi32> -> vector<16xf32>
        %select_n3A_933 = arith.select %eq3A_20, %get3A_928, %gather3A_932 : vector<16xi1>, vector<16xf32>
        %neg3A_934 = arith.constant 0.000000e+00 : f32
        %neg3A_935 = vector.broadcast %neg3A_934 : f32 to vector<16xf32>
        %neg3A_936 = arith.subf %neg3A_935, %get3A_928 : vector<16xf32>
        %select_n3A_937 = arith.select %eq3A_20, %gather3A_932, %neg3A_936 : vector<16xi1>, vector<16xf32>
        %mul3A_938 = arith.mulf %get3A_923, %select_n3A_933 : vector<16xf32>
        %mul3A_939 = arith.mulf %gather3A_930, %select_n3A_937 : vector<16xf32>
        %add3A_940 = arith.addf %mul3A_938, %mul3A_939 : vector<16xf32>
        %mul3A_941 = arith.mulf %get3A_918, %add3A_940 : vector<16xf32>
        %add3A_942 = arith.addf %broadcast_in_dim3A_913, %mul3A_941 : vector<16xf32>
        %get3A_943 = arith.index_cast %and3A_130 : i32 to index
        %get3A_944 = arith.index_cast %add3A_911 : i32 to index
        %get3A_945 = arith.constant 16 : index
        %get3A_946 = tpu.vector_load %arg15[%get3A_943, %get3A_944, %get3A_945] {strides = array<i32>} : memref<2x128x128xf32, #tpu.memory_space<vmem>>, vector<1x1x16xf32>,
        %get3A_947 = vector.shape_cast %get3A_946 : vector<1x1x16xf32> to vector<16xf32>
        %get3A_948 = arith.index_cast %and3A_130 : i32 to index
        %get3A_949 = arith.index_cast %add3A_911 : i32 to index
        %get3A_950 = arith.constant 16 : index
        %get3A_951 = tpu.vector_load %arg17[%get3A_948, %get3A_949, %get3A_950] {strides = array<i32>} : memref<2x128x128xf32, #tpu.memory_space<vmem>>, vector<1x1x16xf32>,
        %get3A_952 = vector.shape_cast %get3A_951 : vector<1x1x16xf32> to vector<16xf32>
        %get3A_953 = arith.index_cast %and3A_130 : i32 to index
        %get3A_954 = arith.index_cast %add3A_911 : i32 to index
        %get3A_955 = arith.constant 16 : index
        %get3A_956 = tpu.vector_load %arg16[%get3A_953, %get3A_954, %get3A_955] {strides = array<i32>} : memref<2x128x128xf32, #tpu.memory_space<vmem>>, vector<1x1x16xf32>,
        %get3A_957 = vector.shape_cast %get3A_956 : vector<1x1x16xf32> to vector<16xf32>
        %gather3A_958 = vector.shape_cast %reshape3A : vector<16x1xi32> to vector<16xi32>
        %gather3A_959 = tpu.dynamic_gather %get3A_952[%gather3A_958] in [0] : vector<16xf32>, vector<16xi32> -> vector<16xf32>
        %gather3A_960 = vector.shape_cast %reshape3A : vector<16x1xi32> to vector<16xi32>
        %gather3A_961 = tpu.dynamic_gather %get3A_957[%gather3A_960] in [0] : vector<16xf32>, vector<16xi32> -> vector<16xf32>
        %select_n3A_962 = arith.select %eq3A_20, %get3A_957, %gather3A_961 : vector<16xi1>, vector<16xf32>
        %neg3A_963 = arith.constant 0.000000e+00 : f32
        %neg3A_964 = vector.broadcast %neg3A_963 : f32 to vector<16xf32>
        %neg3A_965 = arith.subf %neg3A_964, %get3A_957 : vector<16xf32>
        %select_n3A_966 = arith.select %eq3A_20, %gather3A_961, %neg3A_965 : vector<16xi1>, vector<16xf32>
        %mul3A_967 = arith.mulf %get3A_952, %select_n3A_962 : vector<16xf32>
        %mul3A_968 = arith.mulf %gather3A_959, %select_n3A_966 : vector<16xf32>
        %add3A_969 = arith.addf %mul3A_967, %mul3A_968 : vector<16xf32>
        %mul3A_970 = arith.mulf %get3A_947, %add3A_969 : vector<16xf32>
        %add3A_971 = arith.addf %add3A_942, %mul3A_970 : vector<16xf32>
        %get3A_972 = arith.index_cast %and3A_130 : i32 to index
        %get3A_973 = arith.index_cast %add3A_911 : i32 to index
        %get3A_974 = arith.constant 32 : index
        %get3A_975 = tpu.vector_load %arg15[%get3A_972, %get3A_973, %get3A_974] {strides = array<i32>} : memref<2x128x128xf32, #tpu.memory_space<vmem>>, vector<1x1x16xf32>,
        %get3A_976 = vector.shape_cast %get3A_975 : vector<1x1x16xf32> to vector<16xf32>
        %get3A_977 = arith.index_cast %and3A_130 : i32 to index
        %get3A_978 = arith.index_cast %add3A_911 : i32 to index
        %get3A_979 = arith.constant 32 : index
        %get3A_980 = tpu.vector_load %arg17[%get3A_977, %get3A_978, %get3A_979] {strides = array<i32>} : memref<2x128x128xf32, #tpu.memory_space<vmem>>, vector<1x1x16xf32>,
        %get3A_981 = vector.shape_cast %get3A_980 : vector<1x1x16xf32> to vector<16xf32>
        %get3A_982 = arith.index_cast %and3A_130 : i32 to index
        %get3A_983 = arith.index_cast %add3A_911 : i32 to index
        %get3A_984 = arith.constant 32 : index
        %get3A_985 = tpu.vector_load %arg16[%get3A_982, %get3A_983, %get3A_984] {strides = array<i32>} : memref<2x128x128xf32, #tpu.memory_space<vmem>>, vector<1x1x16xf32>,
        %get3A_986 = vector.shape_cast %get3A_985 : vector<1x1x16xf32> to vector<16xf32>
        %gather3A_987 = vector.shape_cast %reshape3A : vector<16x1xi32> to vector<16xi32>
        %gather3A_988 = tpu.dynamic_gather %get3A_981[%gather3A_987] in [0] : vector<16xf32>, vector<16xi32> -> vector<16xf32>
        %gather3A_989 = vector.shape_cast %reshape3A : vector<16x1xi32> to vector<16xi32>
        %gather3A_990 = tpu.dynamic_gather %get3A_986[%gather3A_989] in [0] : vector<16xf32>, vector<16xi32> -> vector<16xf32>
        %select_n3A_991 = arith.select %eq3A_20, %get3A_986, %gather3A_990 : vector<16xi1>, vector<16xf32>
        %neg3A_992 = arith.constant 0.000000e+00 : f32
        %neg3A_993 = vector.broadcast %neg3A_992 : f32 to vector<16xf32>
        %neg3A_994 = arith.subf %neg3A_993, %get3A_986 : vector<16xf32>
        %select_n3A_995 = arith.select %eq3A_20, %gather3A_990, %neg3A_994 : vector<16xi1>, vector<16xf32>
        %mul3A_996 = arith.mulf %get3A_981, %select_n3A_991 : vector<16xf32>
        %mul3A_997 = arith.mulf %gather3A_988, %select_n3A_995 : vector<16xf32>
        %add3A_998 = arith.addf %mul3A_996, %mul3A_997 : vector<16xf32>
        %mul3A_999 = arith.mulf %get3A_976, %add3A_998 : vector<16xf32>
        %add3A_1000 = arith.addf %add3A_971, %mul3A_999 : vector<16xf32>
        %get3A_1001 = arith.index_cast %and3A_130 : i32 to index
        %get3A_1002 = arith.index_cast %add3A_911 : i32 to index
        %get3A_1003 = arith.constant 48 : index
        %get3A_1004 = tpu.vector_load %arg15[%get3A_1001, %get3A_1002, %get3A_1003] {strides = array<i32>} : memref<2x128x128xf32, #tpu.memory_space<vmem>>, vector<1x1x16xf32>,
        %get3A_1005 = vector.shape_cast %get3A_1004 : vector<1x1x16xf32> to vector<16xf32>
        %get3A_1006 = arith.index_cast %and3A_130 : i32 to index
        %get3A_1007 = arith.index_cast %add3A_911 : i32 to index
        %get3A_1008 = arith.constant 48 : index
        %get3A_1009 = tpu.vector_load %arg17[%get3A_1006, %get3A_1007, %get3A_1008] {strides = array<i32>} : memref<2x128x128xf32, #tpu.memory_space<vmem>>, vector<1x1x16xf32>,
        %get3A_1010 = vector.shape_cast %get3A_1009 : vector<1x1x16xf32> to vector<16xf32>
        %get3A_1011 = arith.index_cast %and3A_130 : i32 to index
        %get3A_1012 = arith.index_cast %add3A_911 : i32 to index
        %get3A_1013 = arith.constant 48 : index
        %get3A_1014 = tpu.vector_load %arg16[%get3A_1011, %get3A_1012, %get3A_1013] {strides = array<i32>} : memref<2x128x128xf32, #tpu.memory_space<vmem>>, vector<1x1x16xf32>,
        %get3A_1015 = vector.shape_cast %get3A_1014 : vector<1x1x16xf32> to vector<16xf32>
        %gather3A_1016 = vector.shape_cast %reshape3A : vector<16x1xi32> to vector<16xi32>
        %gather3A_1017 = tpu.dynamic_gather %get3A_1010[%gather3A_1016] in [0] : vector<16xf32>, vector<16xi32> -> vector<16xf32>
        %gather3A_1018 = vector.shape_cast %reshape3A : vector<16x1xi32> to vector<16xi32>
        %gather3A_1019 = tpu.dynamic_gather %get3A_1015[%gather3A_1018] in [0] : vector<16xf32>, vector<16xi32> -> vector<16xf32>
        %select_n3A_1020 = arith.select %eq3A_20, %get3A_1015, %gather3A_1019 : vector<16xi1>, vector<16xf32>
        %neg3A_1021 = arith.constant 0.000000e+00 : f32
        %neg3A_1022 = vector.broadcast %neg3A_1021 : f32 to vector<16xf32>
        %neg3A_1023 = arith.subf %neg3A_1022, %get3A_1015 : vector<16xf32>
        %select_n3A_1024 = arith.select %eq3A_20, %gather3A_1019, %neg3A_1023 : vector<16xi1>, vector<16xf32>
        %mul3A_1025 = arith.mulf %get3A_1010, %select_n3A_1020 : vector<16xf32>
        %mul3A_1026 = arith.mulf %gather3A_1017, %select_n3A_1024 : vector<16xf32>
        %add3A_1027 = arith.addf %mul3A_1025, %mul3A_1026 : vector<16xf32>
        %mul3A_1028 = arith.mulf %get3A_1005, %add3A_1027 : vector<16xf32>
        %add3A_1029 = arith.addf %add3A_1000, %mul3A_1028 : vector<16xf32>
        %get3A_1030 = arith.index_cast %and3A_130 : i32 to index
        %get3A_1031 = arith.index_cast %add3A_911 : i32 to index
        %get3A_1032 = arith.constant 64 : index
        %get3A_1033 = tpu.vector_load %arg15[%get3A_1030, %get3A_1031, %get3A_1032] {strides = array<i32>} : memref<2x128x128xf32, #tpu.memory_space<vmem>>, vector<1x1x16xf32>,
        %get3A_1034 = vector.shape_cast %get3A_1033 : vector<1x1x16xf32> to vector<16xf32>
        %get3A_1035 = arith.index_cast %and3A_130 : i32 to index
        %get3A_1036 = arith.index_cast %add3A_911 : i32 to index
        %get3A_1037 = arith.constant 64 : index
        %get3A_1038 = tpu.vector_load %arg17[%get3A_1035, %get3A_1036, %get3A_1037] {strides = array<i32>} : memref<2x128x128xf32, #tpu.memory_space<vmem>>, vector<1x1x16xf32>,
        %get3A_1039 = vector.shape_cast %get3A_1038 : vector<1x1x16xf32> to vector<16xf32>
        %get3A_1040 = arith.index_cast %and3A_130 : i32 to index
        %get3A_1041 = arith.index_cast %add3A_911 : i32 to index
        %get3A_1042 = arith.constant 64 : index
        %get3A_1043 = tpu.vector_load %arg16[%get3A_1040, %get3A_1041, %get3A_1042] {strides = array<i32>} : memref<2x128x128xf32, #tpu.memory_space<vmem>>, vector<1x1x16xf32>,
        %get3A_1044 = vector.shape_cast %get3A_1043 : vector<1x1x16xf32> to vector<16xf32>
        %gather3A_1045 = vector.shape_cast %reshape3A : vector<16x1xi32> to vector<16xi32>
        %gather3A_1046 = tpu.dynamic_gather %get3A_1039[%gather3A_1045] in [0] : vector<16xf32>, vector<16xi32> -> vector<16xf32>
        %gather3A_1047 = vector.shape_cast %reshape3A : vector<16x1xi32> to vector<16xi32>
        %gather3A_1048 = tpu.dynamic_gather %get3A_1044[%gather3A_1047] in [0] : vector<16xf32>, vector<16xi32> -> vector<16xf32>
        %select_n3A_1049 = arith.select %eq3A_20, %get3A_1044, %gather3A_1048 : vector<16xi1>, vector<16xf32>
        %neg3A_1050 = arith.constant 0.000000e+00 : f32
        %neg3A_1051 = vector.broadcast %neg3A_1050 : f32 to vector<16xf32>
        %neg3A_1052 = arith.subf %neg3A_1051, %get3A_1044 : vector<16xf32>
        %select_n3A_1053 = arith.select %eq3A_20, %gather3A_1048, %neg3A_1052 : vector<16xi1>, vector<16xf32>
        %mul3A_1054 = arith.mulf %get3A_1039, %select_n3A_1049 : vector<16xf32>
        %mul3A_1055 = arith.mulf %gather3A_1046, %select_n3A_1053 : vector<16xf32>
        %add3A_1056 = arith.addf %mul3A_1054, %mul3A_1055 : vector<16xf32>
        %mul3A_1057 = arith.mulf %get3A_1034, %add3A_1056 : vector<16xf32>
        %add3A_1058 = arith.addf %add3A_1029, %mul3A_1057 : vector<16xf32>
        %get3A_1059 = arith.index_cast %and3A_130 : i32 to index
        %get3A_1060 = arith.index_cast %add3A_911 : i32 to index
        %get3A_1061 = arith.constant 80 : index
        %get3A_1062 = tpu.vector_load %arg15[%get3A_1059, %get3A_1060, %get3A_1061] {strides = array<i32>} : memref<2x128x128xf32, #tpu.memory_space<vmem>>, vector<1x1x16xf32>,
        %get3A_1063 = vector.shape_cast %get3A_1062 : vector<1x1x16xf32> to vector<16xf32>
        %get3A_1064 = arith.index_cast %and3A_130 : i32 to index
        %get3A_1065 = arith.index_cast %add3A_911 : i32 to index
        %get3A_1066 = arith.constant 80 : index
        %get3A_1067 = tpu.vector_load %arg17[%get3A_1064, %get3A_1065, %get3A_1066] {strides = array<i32>} : memref<2x128x128xf32, #tpu.memory_space<vmem>>, vector<1x1x16xf32>,
        %get3A_1068 = vector.shape_cast %get3A_1067 : vector<1x1x16xf32> to vector<16xf32>
        %get3A_1069 = arith.index_cast %and3A_130 : i32 to index
        %get3A_1070 = arith.index_cast %add3A_911 : i32 to index
        %get3A_1071 = arith.constant 80 : index
        %get3A_1072 = tpu.vector_load %arg16[%get3A_1069, %get3A_1070, %get3A_1071] {strides = array<i32>} : memref<2x128x128xf32, #tpu.memory_space<vmem>>, vector<1x1x16xf32>,
        %get3A_1073 = vector.shape_cast %get3A_1072 : vector<1x1x16xf32> to vector<16xf32>
        %gather3A_1074 = vector.shape_cast %reshape3A : vector<16x1xi32> to vector<16xi32>
        %gather3A_1075 = tpu.dynamic_gather %get3A_1068[%gather3A_1074] in [0] : vector<16xf32>, vector<16xi32> -> vector<16xf32>
        %gather3A_1076 = vector.shape_cast %reshape3A : vector<16x1xi32> to vector<16xi32>
        %gather3A_1077 = tpu.dynamic_gather %get3A_1073[%gather3A_1076] in [0] : vector<16xf32>, vector<16xi32> -> vector<16xf32>
        %select_n3A_1078 = arith.select %eq3A_20, %get3A_1073, %gather3A_1077 : vector<16xi1>, vector<16xf32>
        %neg3A_1079 = arith.constant 0.000000e+00 : f32
        %neg3A_1080 = vector.broadcast %neg3A_1079 : f32 to vector<16xf32>
        %neg3A_1081 = arith.subf %neg3A_1080, %get3A_1073 : vector<16xf32>
        %select_n3A_1082 = arith.select %eq3A_20, %gather3A_1077, %neg3A_1081 : vector<16xi1>, vector<16xf32>
        %mul3A_1083 = arith.mulf %get3A_1068, %select_n3A_1078 : vector<16xf32>
        %mul3A_1084 = arith.mulf %gather3A_1075, %select_n3A_1082 : vector<16xf32>
        %add3A_1085 = arith.addf %mul3A_1083, %mul3A_1084 : vector<16xf32>
        %mul3A_1086 = arith.mulf %get3A_1063, %add3A_1085 : vector<16xf32>
        %add3A_1087 = arith.addf %add3A_1058, %mul3A_1086 : vector<16xf32>
        %get3A_1088 = arith.index_cast %and3A_130 : i32 to index
        %get3A_1089 = arith.index_cast %add3A_911 : i32 to index
        %get3A_1090 = arith.constant 96 : index
        %get3A_1091 = tpu.vector_load %arg15[%get3A_1088, %get3A_1089, %get3A_1090] {strides = array<i32>} : memref<2x128x128xf32, #tpu.memory_space<vmem>>, vector<1x1x16xf32>,
        %get3A_1092 = vector.shape_cast %get3A_1091 : vector<1x1x16xf32> to vector<16xf32>
        %get3A_1093 = arith.index_cast %and3A_130 : i32 to index
        %get3A_1094 = arith.index_cast %add3A_911 : i32 to index
        %get3A_1095 = arith.constant 96 : index
        %get3A_1096 = tpu.vector_load %arg17[%get3A_1093, %get3A_1094, %get3A_1095] {strides = array<i32>} : memref<2x128x128xf32, #tpu.memory_space<vmem>>, vector<1x1x16xf32>,
        %get3A_1097 = vector.shape_cast %get3A_1096 : vector<1x1x16xf32> to vector<16xf32>
        %get3A_1098 = arith.index_cast %and3A_130 : i32 to index
        %get3A_1099 = arith.index_cast %add3A_911 : i32 to index
        %get3A_1100 = arith.constant 96 : index
        %get3A_1101 = tpu.vector_load %arg16[%get3A_1098, %get3A_1099, %get3A_1100] {strides = array<i32>} : memref<2x128x128xf32, #tpu.memory_space<vmem>>, vector<1x1x16xf32>,
        %get3A_1102 = vector.shape_cast %get3A_1101 : vector<1x1x16xf32> to vector<16xf32>
        %gather3A_1103 = vector.shape_cast %reshape3A : vector<16x1xi32> to vector<16xi32>
        %gather3A_1104 = tpu.dynamic_gather %get3A_1097[%gather3A_1103] in [0] : vector<16xf32>, vector<16xi32> -> vector<16xf32>
        %gather3A_1105 = vector.shape_cast %reshape3A : vector<16x1xi32> to vector<16xi32>
        %gather3A_1106 = tpu.dynamic_gather %get3A_1102[%gather3A_1105] in [0] : vector<16xf32>, vector<16xi32> -> vector<16xf32>
        %select_n3A_1107 = arith.select %eq3A_20, %get3A_1102, %gather3A_1106 : vector<16xi1>, vector<16xf32>
        %neg3A_1108 = arith.constant 0.000000e+00 : f32
        %neg3A_1109 = vector.broadcast %neg3A_1108 : f32 to vector<16xf32>
        %neg3A_1110 = arith.subf %neg3A_1109, %get3A_1102 : vector<16xf32>
        %select_n3A_1111 = arith.select %eq3A_20, %gather3A_1106, %neg3A_1110 : vector<16xi1>, vector<16xf32>
        %mul3A_1112 = arith.mulf %get3A_1097, %select_n3A_1107 : vector<16xf32>
        %mul3A_1113 = arith.mulf %gather3A_1104, %select_n3A_1111 : vector<16xf32>
        %add3A_1114 = arith.addf %mul3A_1112, %mul3A_1113 : vector<16xf32>
        %mul3A_1115 = arith.mulf %get3A_1092, %add3A_1114 : vector<16xf32>
        %add3A_1116 = arith.addf %add3A_1087, %mul3A_1115 : vector<16xf32>
        %get3A_1117 = arith.index_cast %and3A_130 : i32 to index
        %get3A_1118 = arith.index_cast %add3A_911 : i32 to index
        %get3A_1119 = arith.constant 112 : index
        %get3A_1120 = tpu.vector_load %arg15[%get3A_1117, %get3A_1118, %get3A_1119] {strides = array<i32>} : memref<2x128x128xf32, #tpu.memory_space<vmem>>, vector<1x1x16xf32>,
        %get3A_1121 = vector.shape_cast %get3A_1120 : vector<1x1x16xf32> to vector<16xf32>
        %get3A_1122 = arith.index_cast %and3A_130 : i32 to index
        %get3A_1123 = arith.index_cast %add3A_911 : i32 to index
        %get3A_1124 = arith.constant 112 : index
        %get3A_1125 = tpu.vector_load %arg17[%get3A_1122, %get3A_1123, %get3A_1124] {strides = array<i32>} : memref<2x128x128xf32, #tpu.memory_space<vmem>>, vector<1x1x16xf32>,
        %get3A_1126 = vector.shape_cast %get3A_1125 : vector<1x1x16xf32> to vector<16xf32>
        %get3A_1127 = arith.index_cast %and3A_130 : i32 to index
        %get3A_1128 = arith.index_cast %add3A_911 : i32 to index
        %get3A_1129 = arith.constant 112 : index
        %get3A_1130 = tpu.vector_load %arg16[%get3A_1127, %get3A_1128, %get3A_1129] {strides = array<i32>} : memref<2x128x128xf32, #tpu.memory_space<vmem>>, vector<1x1x16xf32>,
        %get3A_1131 = vector.shape_cast %get3A_1130 : vector<1x1x16xf32> to vector<16xf32>
        %gather3A_1132 = vector.shape_cast %reshape3A : vector<16x1xi32> to vector<16xi32>
        %gather3A_1133 = tpu.dynamic_gather %get3A_1126[%gather3A_1132] in [0] : vector<16xf32>, vector<16xi32> -> vector<16xf32>
        %gather3A_1134 = vector.shape_cast %reshape3A : vector<16x1xi32> to vector<16xi32>
        %gather3A_1135 = tpu.dynamic_gather %get3A_1131[%gather3A_1134] in [0] : vector<16xf32>, vector<16xi32> -> vector<16xf32>
        %select_n3A_1136 = arith.select %eq3A_20, %get3A_1131, %gather3A_1135 : vector<16xi1>, vector<16xf32>
        %neg3A_1137 = arith.constant 0.000000e+00 : f32
        %neg3A_1138 = vector.broadcast %neg3A_1137 : f32 to vector<16xf32>
        %neg3A_1139 = arith.subf %neg3A_1138, %get3A_1131 : vector<16xf32>
        %select_n3A_1140 = arith.select %eq3A_20, %gather3A_1135, %neg3A_1139 : vector<16xi1>, vector<16xf32>
        %mul3A_1141 = arith.mulf %get3A_1126, %select_n3A_1136 : vector<16xf32>
        %mul3A_1142 = arith.mulf %gather3A_1133, %select_n3A_1140 : vector<16xf32>
        %add3A_1143 = arith.addf %mul3A_1141, %mul3A_1142 : vector<16xf32>
        %mul3A_1144 = arith.mulf %get3A_1121, %add3A_1143 : vector<16xf32>
        %add3A_1145 = arith.addf %add3A_1116, %mul3A_1144 : vector<16xf32>
        %gather3A_1146 = vector.shape_cast %reshape3A : vector<16x1xi32> to vector<16xi32>
        %gather3A_1147 = tpu.dynamic_gather %add3A_1145[%gather3A_1146] in [0] : vector<16xf32>, vector<16xi32> -> vector<16xf32>
        %add3A_1148 = arith.addf %add3A_1145, %gather3A_1147 : vector<16xf32>
        %gather3A_1149 = vector.shape_cast %reshape3A_8 : vector<16x1xi32> to vector<16xi32>
        %gather3A_1150 = tpu.dynamic_gather %add3A_1148[%gather3A_1149] in [0] : vector<16xf32>, vector<16xi32> -> vector<16xf32>
        %add3A_1151 = arith.addf %add3A_1148, %gather3A_1150 : vector<16xf32>
        %gather3A_1152 = vector.shape_cast %reshape3A_12 : vector<16x1xi32> to vector<16xi32>
        %gather3A_1153 = tpu.dynamic_gather %add3A_1151[%gather3A_1152] in [0] : vector<16xf32>, vector<16xi32> -> vector<16xf32>
        %add3A_1154 = arith.addf %add3A_1151, %gather3A_1153 : vector<16xf32>
        %gather3A_1155 = vector.shape_cast %reshape3A_16 : vector<16x1xi32> to vector<16xi32>
        %gather3A_1156 = tpu.dynamic_gather %add3A_1154[%gather3A_1155] in [0] : vector<16xf32>, vector<16xi32> -> vector<16xf32>
        %add3A_1157 = arith.addf %add3A_1154, %gather3A_1156 : vector<16xf32>
        %eq3A_1158 = arith.constant 3 : i32
        %eq3A_1159 = vector.broadcast %eq3A_1158 : i32 to vector<16xi32>
        %eq3A_1160 = arith.cmpi eq, %iota3A, %eq3A_1159 : vector<16xi32>
        %select_n3A_1161 = arith.select %eq3A_1160, %add3A_1157, %select_n3A_909 : vector<16xi1>, vector<16xf32>
        %add3A_1162 = arith.constant 4 : i32
        %add3A_1163 = arith.addi %mul3A_156, %add3A_1162 : i32
        %broadcast_in_dim3A_1164 = arith.constant 0.000000e+00 : f32
        %broadcast_in_dim3A_1165 = vector.broadcast %broadcast_in_dim3A_1164 : f32 to vector<16xf32>
        %get3A_1166 = arith.index_cast %and3A_130 : i32 to index
        %get3A_1167 = arith.index_cast %add3A_1163 : i32 to index
        %get3A_1168 = arith.constant 0 : index
        %get3A_1169 = tpu.vector_load %arg15[%get3A_1166, %get3A_1167, %get3A_1168] {strides = array<i32>} : memref<2x128x128xf32, #tpu.memory_space<vmem>>, vector<1x1x16xf32>,
        %get3A_1170 = vector.shape_cast %get3A_1169 : vector<1x1x16xf32> to vector<16xf32>
        %get3A_1171 = arith.index_cast %and3A_130 : i32 to index
        %get3A_1172 = arith.index_cast %add3A_1163 : i32 to index
        %get3A_1173 = arith.constant 0 : index
        %get3A_1174 = tpu.vector_load %arg17[%get3A_1171, %get3A_1172, %get3A_1173] {strides = array<i32>} : memref<2x128x128xf32, #tpu.memory_space<vmem>>, vector<1x1x16xf32>,
        %get3A_1175 = vector.shape_cast %get3A_1174 : vector<1x1x16xf32> to vector<16xf32>
        %get3A_1176 = arith.index_cast %and3A_130 : i32 to index
        %get3A_1177 = arith.index_cast %add3A_1163 : i32 to index
        %get3A_1178 = arith.constant 0 : index
        %get3A_1179 = tpu.vector_load %arg16[%get3A_1176, %get3A_1177, %get3A_1178] {strides = array<i32>} : memref<2x128x128xf32, #tpu.memory_space<vmem>>, vector<1x1x16xf32>,
        %get3A_1180 = vector.shape_cast %get3A_1179 : vector<1x1x16xf32> to vector<16xf32>
        %gather3A_1181 = vector.shape_cast %reshape3A : vector<16x1xi32> to vector<16xi32>
        %gather3A_1182 = tpu.dynamic_gather %get3A_1175[%gather3A_1181] in [0] : vector<16xf32>, vector<16xi32> -> vector<16xf32>
        %gather3A_1183 = vector.shape_cast %reshape3A : vector<16x1xi32> to vector<16xi32>
        %gather3A_1184 = tpu.dynamic_gather %get3A_1180[%gather3A_1183] in [0] : vector<16xf32>, vector<16xi32> -> vector<16xf32>
        %select_n3A_1185 = arith.select %eq3A_20, %get3A_1180, %gather3A_1184 : vector<16xi1>, vector<16xf32>
        %neg3A_1186 = arith.constant 0.000000e+00 : f32
        %neg3A_1187 = vector.broadcast %neg3A_1186 : f32 to vector<16xf32>
        %neg3A_1188 = arith.subf %neg3A_1187, %get3A_1180 : vector<16xf32>
        %select_n3A_1189 = arith.select %eq3A_20, %gather3A_1184, %neg3A_1188 : vector<16xi1>, vector<16xf32>
        %mul3A_1190 = arith.mulf %get3A_1175, %select_n3A_1185 : vector<16xf32>
        %mul3A_1191 = arith.mulf %gather3A_1182, %select_n3A_1189 : vector<16xf32>
        %add3A_1192 = arith.addf %mul3A_1190, %mul3A_1191 : vector<16xf32>
        %mul3A_1193 = arith.mulf %get3A_1170, %add3A_1192 : vector<16xf32>
        %add3A_1194 = arith.addf %broadcast_in_dim3A_1165, %mul3A_1193 : vector<16xf32>
        %get3A_1195 = arith.index_cast %and3A_130 : i32 to index
        %get3A_1196 = arith.index_cast %add3A_1163 : i32 to index
        %get3A_1197 = arith.constant 16 : index
        %get3A_1198 = tpu.vector_load %arg15[%get3A_1195, %get3A_1196, %get3A_1197] {strides = array<i32>} : memref<2x128x128xf32, #tpu.memory_space<vmem>>, vector<1x1x16xf32>,
        %get3A_1199 = vector.shape_cast %get3A_1198 : vector<1x1x16xf32> to vector<16xf32>
        %get3A_1200 = arith.index_cast %and3A_130 : i32 to index
        %get3A_1201 = arith.index_cast %add3A_1163 : i32 to index
        %get3A_1202 = arith.constant 16 : index
        %get3A_1203 = tpu.vector_load %arg17[%get3A_1200, %get3A_1201, %get3A_1202] {strides = array<i32>} : memref<2x128x128xf32, #tpu.memory_space<vmem>>, vector<1x1x16xf32>,
        %get3A_1204 = vector.shape_cast %get3A_1203 : vector<1x1x16xf32> to vector<16xf32>
        %get3A_1205 = arith.index_cast %and3A_130 : i32 to index
        %get3A_1206 = arith.index_cast %add3A_1163 : i32 to index
        %get3A_1207 = arith.constant 16 : index
        %get3A_1208 = tpu.vector_load %arg16[%get3A_1205, %get3A_1206, %get3A_1207] {strides = array<i32>} : memref<2x128x128xf32, #tpu.memory_space<vmem>>, vector<1x1x16xf32>,
        %get3A_1209 = vector.shape_cast %get3A_1208 : vector<1x1x16xf32> to vector<16xf32>
        %gather3A_1210 = vector.shape_cast %reshape3A : vector<16x1xi32> to vector<16xi32>
        %gather3A_1211 = tpu.dynamic_gather %get3A_1204[%gather3A_1210] in [0] : vector<16xf32>, vector<16xi32> -> vector<16xf32>
        %gather3A_1212 = vector.shape_cast %reshape3A : vector<16x1xi32> to vector<16xi32>
        %gather3A_1213 = tpu.dynamic_gather %get3A_1209[%gather3A_1212] in [0] : vector<16xf32>, vector<16xi32> -> vector<16xf32>
        %select_n3A_1214 = arith.select %eq3A_20, %get3A_1209, %gather3A_1213 : vector<16xi1>, vector<16xf32>
        %neg3A_1215 = arith.constant 0.000000e+00 : f32
        %neg3A_1216 = vector.broadcast %neg3A_1215 : f32 to vector<16xf32>
        %neg3A_1217 = arith.subf %neg3A_1216, %get3A_1209 : vector<16xf32>
        %select_n3A_1218 = arith.select %eq3A_20, %gather3A_1213, %neg3A_1217 : vector<16xi1>, vector<16xf32>
        %mul3A_1219 = arith.mulf %get3A_1204, %select_n3A_1214 : vector<16xf32>
        %mul3A_1220 = arith.mulf %gather3A_1211, %select_n3A_1218 : vector<16xf32>
        %add3A_1221 = arith.addf %mul3A_1219, %mul3A_1220 : vector<16xf32>
        %mul3A_1222 = arith.mulf %get3A_1199, %add3A_1221 : vector<16xf32>
        %add3A_1223 = arith.addf %add3A_1194, %mul3A_1222 : vector<16xf32>
        %get3A_1224 = arith.index_cast %and3A_130 : i32 to index
        %get3A_1225 = arith.index_cast %add3A_1163 : i32 to index
        %get3A_1226 = arith.constant 32 : index
        %get3A_1227 = tpu.vector_load %arg15[%get3A_1224, %get3A_1225, %get3A_1226] {strides = array<i32>} : memref<2x128x128xf32, #tpu.memory_space<vmem>>, vector<1x1x16xf32>,
        %get3A_1228 = vector.shape_cast %get3A_1227 : vector<1x1x16xf32> to vector<16xf32>
        %get3A_1229 = arith.index_cast %and3A_130 : i32 to index
        %get3A_1230 = arith.index_cast %add3A_1163 : i32 to index
        %get3A_1231 = arith.constant 32 : index
        %get3A_1232 = tpu.vector_load %arg17[%get3A_1229, %get3A_1230, %get3A_1231] {strides = array<i32>} : memref<2x128x128xf32, #tpu.memory_space<vmem>>, vector<1x1x16xf32>,
        %get3A_1233 = vector.shape_cast %get3A_1232 : vector<1x1x16xf32> to vector<16xf32>
        %get3A_1234 = arith.index_cast %and3A_130 : i32 to index
        %get3A_1235 = arith.index_cast %add3A_1163 : i32 to index
        %get3A_1236 = arith.constant 32 : index
        %get3A_1237 = tpu.vector_load %arg16[%get3A_1234, %get3A_1235, %get3A_1236] {strides = array<i32>} : memref<2x128x128xf32, #tpu.memory_space<vmem>>, vector<1x1x16xf32>,
        %get3A_1238 = vector.shape_cast %get3A_1237 : vector<1x1x16xf32> to vector<16xf32>
        %gather3A_1239 = vector.shape_cast %reshape3A : vector<16x1xi32> to vector<16xi32>
        %gather3A_1240 = tpu.dynamic_gather %get3A_1233[%gather3A_1239] in [0] : vector<16xf32>, vector<16xi32> -> vector<16xf32>
        %gather3A_1241 = vector.shape_cast %reshape3A : vector<16x1xi32> to vector<16xi32>
        %gather3A_1242 = tpu.dynamic_gather %get3A_1238[%gather3A_1241] in [0] : vector<16xf32>, vector<16xi32> -> vector<16xf32>
        %select_n3A_1243 = arith.select %eq3A_20, %get3A_1238, %gather3A_1242 : vector<16xi1>, vector<16xf32>
        %neg3A_1244 = arith.constant 0.000000e+00 : f32
        %neg3A_1245 = vector.broadcast %neg3A_1244 : f32 to vector<16xf32>
        %neg3A_1246 = arith.subf %neg3A_1245, %get3A_1238 : vector<16xf32>
        %select_n3A_1247 = arith.select %eq3A_20, %gather3A_1242, %neg3A_1246 : vector<16xi1>, vector<16xf32>
        %mul3A_1248 = arith.mulf %get3A_1233, %select_n3A_1243 : vector<16xf32>
        %mul3A_1249 = arith.mulf %gather3A_1240, %select_n3A_1247 : vector<16xf32>
        %add3A_1250 = arith.addf %mul3A_1248, %mul3A_1249 : vector<16xf32>
        %mul3A_1251 = arith.mulf %get3A_1228, %add3A_1250 : vector<16xf32>
        %add3A_1252 = arith.addf %add3A_1223, %mul3A_1251 : vector<16xf32>
        %get3A_1253 = arith.index_cast %and3A_130 : i32 to index
        %get3A_1254 = arith.index_cast %add3A_1163 : i32 to index
        %get3A_1255 = arith.constant 48 : index
        %get3A_1256 = tpu.vector_load %arg15[%get3A_1253, %get3A_1254, %get3A_1255] {strides = array<i32>} : memref<2x128x128xf32, #tpu.memory_space<vmem>>, vector<1x1x16xf32>,
        %get3A_1257 = vector.shape_cast %get3A_1256 : vector<1x1x16xf32> to vector<16xf32>
        %get3A_1258 = arith.index_cast %and3A_130 : i32 to index
        %get3A_1259 = arith.index_cast %add3A_1163 : i32 to index
        %get3A_1260 = arith.constant 48 : index
        %get3A_1261 = tpu.vector_load %arg17[%get3A_1258, %get3A_1259, %get3A_1260] {strides = array<i32>} : memref<2x128x128xf32, #tpu.memory_space<vmem>>, vector<1x1x16xf32>,
        %get3A_1262 = vector.shape_cast %get3A_1261 : vector<1x1x16xf32> to vector<16xf32>
        %get3A_1263 = arith.index_cast %and3A_130 : i32 to index
        %get3A_1264 = arith.index_cast %add3A_1163 : i32 to index
        %get3A_1265 = arith.constant 48 : index
        %get3A_1266 = tpu.vector_load %arg16[%get3A_1263, %get3A_1264, %get3A_1265] {strides = array<i32>} : memref<2x128x128xf32, #tpu.memory_space<vmem>>, vector<1x1x16xf32>,
        %get3A_1267 = vector.shape_cast %get3A_1266 : vector<1x1x16xf32> to vector<16xf32>
        %gather3A_1268 = vector.shape_cast %reshape3A : vector<16x1xi32> to vector<16xi32>
        %gather3A_1269 = tpu.dynamic_gather %get3A_1262[%gather3A_1268] in [0] : vector<16xf32>, vector<16xi32> -> vector<16xf32>
        %gather3A_1270 = vector.shape_cast %reshape3A : vector<16x1xi32> to vector<16xi32>
        %gather3A_1271 = tpu.dynamic_gather %get3A_1267[%gather3A_1270] in [0] : vector<16xf32>, vector<16xi32> -> vector<16xf32>
        %select_n3A_1272 = arith.select %eq3A_20, %get3A_1267, %gather3A_1271 : vector<16xi1>, vector<16xf32>
        %neg3A_1273 = arith.constant 0.000000e+00 : f32
        %neg3A_1274 = vector.broadcast %neg3A_1273 : f32 to vector<16xf32>
        %neg3A_1275 = arith.subf %neg3A_1274, %get3A_1267 : vector<16xf32>
        %select_n3A_1276 = arith.select %eq3A_20, %gather3A_1271, %neg3A_1275 : vector<16xi1>, vector<16xf32>
        %mul3A_1277 = arith.mulf %get3A_1262, %select_n3A_1272 : vector<16xf32>
        %mul3A_1278 = arith.mulf %gather3A_1269, %select_n3A_1276 : vector<16xf32>
        %add3A_1279 = arith.addf %mul3A_1277, %mul3A_1278 : vector<16xf32>
        %mul3A_1280 = arith.mulf %get3A_1257, %add3A_1279 : vector<16xf32>
        %add3A_1281 = arith.addf %add3A_1252, %mul3A_1280 : vector<16xf32>
        %get3A_1282 = arith.index_cast %and3A_130 : i32 to index
        %get3A_1283 = arith.index_cast %add3A_1163 : i32 to index
        %get3A_1284 = arith.constant 64 : index
        %get3A_1285 = tpu.vector_load %arg15[%get3A_1282, %get3A_1283, %get3A_1284] {strides = array<i32>} : memref<2x128x128xf32, #tpu.memory_space<vmem>>, vector<1x1x16xf32>,
        %get3A_1286 = vector.shape_cast %get3A_1285 : vector<1x1x16xf32> to vector<16xf32>
        %get3A_1287 = arith.index_cast %and3A_130 : i32 to index
        %get3A_1288 = arith.index_cast %add3A_1163 : i32 to index
        %get3A_1289 = arith.constant 64 : index
        %get3A_1290 = tpu.vector_load %arg17[%get3A_1287, %get3A_1288, %get3A_1289] {strides = array<i32>} : memref<2x128x128xf32, #tpu.memory_space<vmem>>, vector<1x1x16xf32>,
        %get3A_1291 = vector.shape_cast %get3A_1290 : vector<1x1x16xf32> to vector<16xf32>
        %get3A_1292 = arith.index_cast %and3A_130 : i32 to index
        %get3A_1293 = arith.index_cast %add3A_1163 : i32 to index
        %get3A_1294 = arith.constant 64 : index
        %get3A_1295 = tpu.vector_load %arg16[%get3A_1292, %get3A_1293, %get3A_1294] {strides = array<i32>} : memref<2x128x128xf32, #tpu.memory_space<vmem>>, vector<1x1x16xf32>,
        %get3A_1296 = vector.shape_cast %get3A_1295 : vector<1x1x16xf32> to vector<16xf32>
        %gather3A_1297 = vector.shape_cast %reshape3A : vector<16x1xi32> to vector<16xi32>
        %gather3A_1298 = tpu.dynamic_gather %get3A_1291[%gather3A_1297] in [0] : vector<16xf32>, vector<16xi32> -> vector<16xf32>
        %gather3A_1299 = vector.shape_cast %reshape3A : vector<16x1xi32> to vector<16xi32>
        %gather3A_1300 = tpu.dynamic_gather %get3A_1296[%gather3A_1299] in [0] : vector<16xf32>, vector<16xi32> -> vector<16xf32>
        %select_n3A_1301 = arith.select %eq3A_20, %get3A_1296, %gather3A_1300 : vector<16xi1>, vector<16xf32>
        %neg3A_1302 = arith.constant 0.000000e+00 : f32
        %neg3A_1303 = vector.broadcast %neg3A_1302 : f32 to vector<16xf32>
        %neg3A_1304 = arith.subf %neg3A_1303, %get3A_1296 : vector<16xf32>
        %select_n3A_1305 = arith.select %eq3A_20, %gather3A_1300, %neg3A_1304 : vector<16xi1>, vector<16xf32>
        %mul3A_1306 = arith.mulf %get3A_1291, %select_n3A_1301 : vector<16xf32>
        %mul3A_1307 = arith.mulf %gather3A_1298, %select_n3A_1305 : vector<16xf32>
        %add3A_1308 = arith.addf %mul3A_1306, %mul3A_1307 : vector<16xf32>
        %mul3A_1309 = arith.mulf %get3A_1286, %add3A_1308 : vector<16xf32>
        %add3A_1310 = arith.addf %add3A_1281, %mul3A_1309 : vector<16xf32>
        %get3A_1311 = arith.index_cast %and3A_130 : i32 to index
        %get3A_1312 = arith.index_cast %add3A_1163 : i32 to index
        %get3A_1313 = arith.constant 80 : index
        %get3A_1314 = tpu.vector_load %arg15[%get3A_1311, %get3A_1312, %get3A_1313] {strides = array<i32>} : memref<2x128x128xf32, #tpu.memory_space<vmem>>, vector<1x1x16xf32>,
        %get3A_1315 = vector.shape_cast %get3A_1314 : vector<1x1x16xf32> to vector<16xf32>
        %get3A_1316 = arith.index_cast %and3A_130 : i32 to index
        %get3A_1317 = arith.index_cast %add3A_1163 : i32 to index
        %get3A_1318 = arith.constant 80 : index
        %get3A_1319 = tpu.vector_load %arg17[%get3A_1316, %get3A_1317, %get3A_1318] {strides = array<i32>} : memref<2x128x128xf32, #tpu.memory_space<vmem>>, vector<1x1x16xf32>,
        %get3A_1320 = vector.shape_cast %get3A_1319 : vector<1x1x16xf32> to vector<16xf32>
        %get3A_1321 = arith.index_cast %and3A_130 : i32 to index
        %get3A_1322 = arith.index_cast %add3A_1163 : i32 to index
        %get3A_1323 = arith.constant 80 : index
        %get3A_1324 = tpu.vector_load %arg16[%get3A_1321, %get3A_1322, %get3A_1323] {strides = array<i32>} : memref<2x128x128xf32, #tpu.memory_space<vmem>>, vector<1x1x16xf32>,
        %get3A_1325 = vector.shape_cast %get3A_1324 : vector<1x1x16xf32> to vector<16xf32>
        %gather3A_1326 = vector.shape_cast %reshape3A : vector<16x1xi32> to vector<16xi32>
        %gather3A_1327 = tpu.dynamic_gather %get3A_1320[%gather3A_1326] in [0] : vector<16xf32>, vector<16xi32> -> vector<16xf32>
        %gather3A_1328 = vector.shape_cast %reshape3A : vector<16x1xi32> to vector<16xi32>
        %gather3A_1329 = tpu.dynamic_gather %get3A_1325[%gather3A_1328] in [0] : vector<16xf32>, vector<16xi32> -> vector<16xf32>
        %select_n3A_1330 = arith.select %eq3A_20, %get3A_1325, %gather3A_1329 : vector<16xi1>, vector<16xf32>
        %neg3A_1331 = arith.constant 0.000000e+00 : f32
        %neg3A_1332 = vector.broadcast %neg3A_1331 : f32 to vector<16xf32>
        %neg3A_1333 = arith.subf %neg3A_1332, %get3A_1325 : vector<16xf32>
        %select_n3A_1334 = arith.select %eq3A_20, %gather3A_1329, %neg3A_1333 : vector<16xi1>, vector<16xf32>
        %mul3A_1335 = arith.mulf %get3A_1320, %select_n3A_1330 : vector<16xf32>
        %mul3A_1336 = arith.mulf %gather3A_1327, %select_n3A_1334 : vector<16xf32>
        %add3A_1337 = arith.addf %mul3A_1335, %mul3A_1336 : vector<16xf32>
        %mul3A_1338 = arith.mulf %get3A_1315, %add3A_1337 : vector<16xf32>
        %add3A_1339 = arith.addf %add3A_1310, %mul3A_1338 : vector<16xf32>
        %get3A_1340 = arith.index_cast %and3A_130 : i32 to index
        %get3A_1341 = arith.index_cast %add3A_1163 : i32 to index
        %get3A_1342 = arith.constant 96 : index
        %get3A_1343 = tpu.vector_load %arg15[%get3A_1340, %get3A_1341, %get3A_1342] {strides = array<i32>} : memref<2x128x128xf32, #tpu.memory_space<vmem>>, vector<1x1x16xf32>,
        %get3A_1344 = vector.shape_cast %get3A_1343 : vector<1x1x16xf32> to vector<16xf32>
        %get3A_1345 = arith.index_cast %and3A_130 : i32 to index
        %get3A_1346 = arith.index_cast %add3A_1163 : i32 to index
        %get3A_1347 = arith.constant 96 : index
        %get3A_1348 = tpu.vector_load %arg17[%get3A_1345, %get3A_1346, %get3A_1347] {strides = array<i32>} : memref<2x128x128xf32, #tpu.memory_space<vmem>>, vector<1x1x16xf32>,
        %get3A_1349 = vector.shape_cast %get3A_1348 : vector<1x1x16xf32> to vector<16xf32>
        %get3A_1350 = arith.index_cast %and3A_130 : i32 to index
        %get3A_1351 = arith.index_cast %add3A_1163 : i32 to index
        %get3A_1352 = arith.constant 96 : index
        %get3A_1353 = tpu.vector_load %arg16[%get3A_1350, %get3A_1351, %get3A_1352] {strides = array<i32>} : memref<2x128x128xf32, #tpu.memory_space<vmem>>, vector<1x1x16xf32>,
        %get3A_1354 = vector.shape_cast %get3A_1353 : vector<1x1x16xf32> to vector<16xf32>
        %gather3A_1355 = vector.shape_cast %reshape3A : vector<16x1xi32> to vector<16xi32>
        %gather3A_1356 = tpu.dynamic_gather %get3A_1349[%gather3A_1355] in [0] : vector<16xf32>, vector<16xi32> -> vector<16xf32>
        %gather3A_1357 = vector.shape_cast %reshape3A : vector<16x1xi32> to vector<16xi32>
        %gather3A_1358 = tpu.dynamic_gather %get3A_1354[%gather3A_1357] in [0] : vector<16xf32>, vector<16xi32> -> vector<16xf32>
        %select_n3A_1359 = arith.select %eq3A_20, %get3A_1354, %gather3A_1358 : vector<16xi1>, vector<16xf32>
        %neg3A_1360 = arith.constant 0.000000e+00 : f32
        %neg3A_1361 = vector.broadcast %neg3A_1360 : f32 to vector<16xf32>
        %neg3A_1362 = arith.subf %neg3A_1361, %get3A_1354 : vector<16xf32>
        %select_n3A_1363 = arith.select %eq3A_20, %gather3A_1358, %neg3A_1362 : vector<16xi1>, vector<16xf32>
        %mul3A_1364 = arith.mulf %get3A_1349, %select_n3A_1359 : vector<16xf32>
        %mul3A_1365 = arith.mulf %gather3A_1356, %select_n3A_1363 : vector<16xf32>
        %add3A_1366 = arith.addf %mul3A_1364, %mul3A_1365 : vector<16xf32>
        %mul3A_1367 = arith.mulf %get3A_1344, %add3A_1366 : vector<16xf32>
        %add3A_1368 = arith.addf %add3A_1339, %mul3A_1367 : vector<16xf32>
        %get3A_1369 = arith.index_cast %and3A_130 : i32 to index
        %get3A_1370 = arith.index_cast %add3A_1163 : i32 to index
        %get3A_1371 = arith.constant 112 : index
        %get3A_1372 = tpu.vector_load %arg15[%get3A_1369, %get3A_1370, %get3A_1371] {strides = array<i32>} : memref<2x128x128xf32, #tpu.memory_space<vmem>>, vector<1x1x16xf32>,
        %get3A_1373 = vector.shape_cast %get3A_1372 : vector<1x1x16xf32> to vector<16xf32>
        %get3A_1374 = arith.index_cast %and3A_130 : i32 to index
        %get3A_1375 = arith.index_cast %add3A_1163 : i32 to index
        %get3A_1376 = arith.constant 112 : index
        %get3A_1377 = tpu.vector_load %arg17[%get3A_1374, %get3A_1375, %get3A_1376] {strides = array<i32>} : memref<2x128x128xf32, #tpu.memory_space<vmem>>, vector<1x1x16xf32>,
        %get3A_1378 = vector.shape_cast %get3A_1377 : vector<1x1x16xf32> to vector<16xf32>
        %get3A_1379 = arith.index_cast %and3A_130 : i32 to index
        %get3A_1380 = arith.index_cast %add3A_1163 : i32 to index
        %get3A_1381 = arith.constant 112 : index
        %get3A_1382 = tpu.vector_load %arg16[%get3A_1379, %get3A_1380, %get3A_1381] {strides = array<i32>} : memref<2x128x128xf32, #tpu.memory_space<vmem>>, vector<1x1x16xf32>,
        %get3A_1383 = vector.shape_cast %get3A_1382 : vector<1x1x16xf32> to vector<16xf32>
        %gather3A_1384 = vector.shape_cast %reshape3A : vector<16x1xi32> to vector<16xi32>
        %gather3A_1385 = tpu.dynamic_gather %get3A_1378[%gather3A_1384] in [0] : vector<16xf32>, vector<16xi32> -> vector<16xf32>
        %gather3A_1386 = vector.shape_cast %reshape3A : vector<16x1xi32> to vector<16xi32>
        %gather3A_1387 = tpu.dynamic_gather %get3A_1383[%gather3A_1386] in [0] : vector<16xf32>, vector<16xi32> -> vector<16xf32>
        %select_n3A_1388 = arith.select %eq3A_20, %get3A_1383, %gather3A_1387 : vector<16xi1>, vector<16xf32>
        %neg3A_1389 = arith.constant 0.000000e+00 : f32
        %neg3A_1390 = vector.broadcast %neg3A_1389 : f32 to vector<16xf32>
        %neg3A_1391 = arith.subf %neg3A_1390, %get3A_1383 : vector<16xf32>
        %select_n3A_1392 = arith.select %eq3A_20, %gather3A_1387, %neg3A_1391 : vector<16xi1>, vector<16xf32>
        %mul3A_1393 = arith.mulf %get3A_1378, %select_n3A_1388 : vector<16xf32>
        %mul3A_1394 = arith.mulf %gather3A_1385, %select_n3A_1392 : vector<16xf32>
        %add3A_1395 = arith.addf %mul3A_1393, %mul3A_1394 : vector<16xf32>
        %mul3A_1396 = arith.mulf %get3A_1373, %add3A_1395 : vector<16xf32>
        %add3A_1397 = arith.addf %add3A_1368, %mul3A_1396 : vector<16xf32>
        %gather3A_1398 = vector.shape_cast %reshape3A : vector<16x1xi32> to vector<16xi32>
        %gather3A_1399 = tpu.dynamic_gather %add3A_1397[%gather3A_1398] in [0] : vector<16xf32>, vector<16xi32> -> vector<16xf32>
        %add3A_1400 = arith.addf %add3A_1397, %gather3A_1399 : vector<16xf32>
        %gather3A_1401 = vector.shape_cast %reshape3A_8 : vector<16x1xi32> to vector<16xi32>
        %gather3A_1402 = tpu.dynamic_gather %add3A_1400[%gather3A_1401] in [0] : vector<16xf32>, vector<16xi32> -> vector<16xf32>
        %add3A_1403 = arith.addf %add3A_1400, %gather3A_1402 : vector<16xf32>
        %gather3A_1404 = vector.shape_cast %reshape3A_12 : vector<16x1xi32> to vector<16xi32>
        %gather3A_1405 = tpu.dynamic_gather %add3A_1403[%gather3A_1404] in [0] : vector<16xf32>, vector<16xi32> -> vector<16xf32>
        %add3A_1406 = arith.addf %add3A_1403, %gather3A_1405 : vector<16xf32>
        %gather3A_1407 = vector.shape_cast %reshape3A_16 : vector<16x1xi32> to vector<16xi32>
        %gather3A_1408 = tpu.dynamic_gather %add3A_1406[%gather3A_1407] in [0] : vector<16xf32>, vector<16xi32> -> vector<16xf32>
        %add3A_1409 = arith.addf %add3A_1406, %gather3A_1408 : vector<16xf32>
        %eq3A_1410 = arith.constant 4 : i32
        %eq3A_1411 = vector.broadcast %eq3A_1410 : i32 to vector<16xi32>
        %eq3A_1412 = arith.cmpi eq, %iota3A, %eq3A_1411 : vector<16xi32>
        %select_n3A_1413 = arith.select %eq3A_1412, %add3A_1409, %select_n3A_1161 : vector<16xi1>, vector<16xf32>
        %add3A_1414 = arith.constant 5 : i32
        %add3A_1415 = arith.addi %mul3A_156, %add3A_1414 : i32
        %broadcast_in_dim3A_1416 = arith.constant 0.000000e+00 : f32
        %broadcast_in_dim3A_1417 = vector.broadcast %broadcast_in_dim3A_1416 : f32 to vector<16xf32>
        %get3A_1418 = arith.index_cast %and3A_130 : i32 to index
        %get3A_1419 = arith.index_cast %add3A_1415 : i32 to index
        %get3A_1420 = arith.constant 0 : index
        %get3A_1421 = tpu.vector_load %arg15[%get3A_1418, %get3A_1419, %get3A_1420] {strides = array<i32>} : memref<2x128x128xf32, #tpu.memory_space<vmem>>, vector<1x1x16xf32>,
        %get3A_1422 = vector.shape_cast %get3A_1421 : vector<1x1x16xf32> to vector<16xf32>
        %get3A_1423 = arith.index_cast %and3A_130 : i32 to index
        %get3A_1424 = arith.index_cast %add3A_1415 : i32 to index
        %get3A_1425 = arith.constant 0 : index
        %get3A_1426 = tpu.vector_load %arg17[%get3A_1423, %get3A_1424, %get3A_1425] {strides = array<i32>} : memref<2x128x128xf32, #tpu.memory_space<vmem>>, vector<1x1x16xf32>,
        %get3A_1427 = vector.shape_cast %get3A_1426 : vector<1x1x16xf32> to vector<16xf32>
        %get3A_1428 = arith.index_cast %and3A_130 : i32 to index
        %get3A_1429 = arith.index_cast %add3A_1415 : i32 to index
        %get3A_1430 = arith.constant 0 : index
        %get3A_1431 = tpu.vector_load %arg16[%get3A_1428, %get3A_1429, %get3A_1430] {strides = array<i32>} : memref<2x128x128xf32, #tpu.memory_space<vmem>>, vector<1x1x16xf32>,
        %get3A_1432 = vector.shape_cast %get3A_1431 : vector<1x1x16xf32> to vector<16xf32>
        %gather3A_1433 = vector.shape_cast %reshape3A : vector<16x1xi32> to vector<16xi32>
        %gather3A_1434 = tpu.dynamic_gather %get3A_1427[%gather3A_1433] in [0] : vector<16xf32>, vector<16xi32> -> vector<16xf32>
        %gather3A_1435 = vector.shape_cast %reshape3A : vector<16x1xi32> to vector<16xi32>
        %gather3A_1436 = tpu.dynamic_gather %get3A_1432[%gather3A_1435] in [0] : vector<16xf32>, vector<16xi32> -> vector<16xf32>
        %select_n3A_1437 = arith.select %eq3A_20, %get3A_1432, %gather3A_1436 : vector<16xi1>, vector<16xf32>
        %neg3A_1438 = arith.constant 0.000000e+00 : f32
        %neg3A_1439 = vector.broadcast %neg3A_1438 : f32 to vector<16xf32>
        %neg3A_1440 = arith.subf %neg3A_1439, %get3A_1432 : vector<16xf32>
        %select_n3A_1441 = arith.select %eq3A_20, %gather3A_1436, %neg3A_1440 : vector<16xi1>, vector<16xf32>
        %mul3A_1442 = arith.mulf %get3A_1427, %select_n3A_1437 : vector<16xf32>
        %mul3A_1443 = arith.mulf %gather3A_1434, %select_n3A_1441 : vector<16xf32>
        %add3A_1444 = arith.addf %mul3A_1442, %mul3A_1443 : vector<16xf32>
        %mul3A_1445 = arith.mulf %get3A_1422, %add3A_1444 : vector<16xf32>
        %add3A_1446 = arith.addf %broadcast_in_dim3A_1417, %mul3A_1445 : vector<16xf32>
        %get3A_1447 = arith.index_cast %and3A_130 : i32 to index
        %get3A_1448 = arith.index_cast %add3A_1415 : i32 to index
        %get3A_1449 = arith.constant 16 : index
        %get3A_1450 = tpu.vector_load %arg15[%get3A_1447, %get3A_1448, %get3A_1449] {strides = array<i32>} : memref<2x128x128xf32, #tpu.memory_space<vmem>>, vector<1x1x16xf32>,
        %get3A_1451 = vector.shape_cast %get3A_1450 : vector<1x1x16xf32> to vector<16xf32>
        %get3A_1452 = arith.index_cast %and3A_130 : i32 to index
        %get3A_1453 = arith.index_cast %add3A_1415 : i32 to index
        %get3A_1454 = arith.constant 16 : index
        %get3A_1455 = tpu.vector_load %arg17[%get3A_1452, %get3A_1453, %get3A_1454] {strides = array<i32>} : memref<2x128x128xf32, #tpu.memory_space<vmem>>, vector<1x1x16xf32>,
        %get3A_1456 = vector.shape_cast %get3A_1455 : vector<1x1x16xf32> to vector<16xf32>
        %get3A_1457 = arith.index_cast %and3A_130 : i32 to index
        %get3A_1458 = arith.index_cast %add3A_1415 : i32 to index
        %get3A_1459 = arith.constant 16 : index
        %get3A_1460 = tpu.vector_load %arg16[%get3A_1457, %get3A_1458, %get3A_1459] {strides = array<i32>} : memref<2x128x128xf32, #tpu.memory_space<vmem>>, vector<1x1x16xf32>,
        %get3A_1461 = vector.shape_cast %get3A_1460 : vector<1x1x16xf32> to vector<16xf32>
        %gather3A_1462 = vector.shape_cast %reshape3A : vector<16x1xi32> to vector<16xi32>
        %gather3A_1463 = tpu.dynamic_gather %get3A_1456[%gather3A_1462] in [0] : vector<16xf32>, vector<16xi32> -> vector<16xf32>
        %gather3A_1464 = vector.shape_cast %reshape3A : vector<16x1xi32> to vector<16xi32>
        %gather3A_1465 = tpu.dynamic_gather %get3A_1461[%gather3A_1464] in [0] : vector<16xf32>, vector<16xi32> -> vector<16xf32>
        %select_n3A_1466 = arith.select %eq3A_20, %get3A_1461, %gather3A_1465 : vector<16xi1>, vector<16xf32>
        %neg3A_1467 = arith.constant 0.000000e+00 : f32
        %neg3A_1468 = vector.broadcast %neg3A_1467 : f32 to vector<16xf32>
        %neg3A_1469 = arith.subf %neg3A_1468, %get3A_1461 : vector<16xf32>
        %select_n3A_1470 = arith.select %eq3A_20, %gather3A_1465, %neg3A_1469 : vector<16xi1>, vector<16xf32>
        %mul3A_1471 = arith.mulf %get3A_1456, %select_n3A_1466 : vector<16xf32>
        %mul3A_1472 = arith.mulf %gather3A_1463, %select_n3A_1470 : vector<16xf32>
        %add3A_1473 = arith.addf %mul3A_1471, %mul3A_1472 : vector<16xf32>
        %mul3A_1474 = arith.mulf %get3A_1451, %add3A_1473 : vector<16xf32>
        %add3A_1475 = arith.addf %add3A_1446, %mul3A_1474 : vector<16xf32>
        %get3A_1476 = arith.index_cast %and3A_130 : i32 to index
        %get3A_1477 = arith.index_cast %add3A_1415 : i32 to index
        %get3A_1478 = arith.constant 32 : index
        %get3A_1479 = tpu.vector_load %arg15[%get3A_1476, %get3A_1477, %get3A_1478] {strides = array<i32>} : memref<2x128x128xf32, #tpu.memory_space<vmem>>, vector<1x1x16xf32>,
        %get3A_1480 = vector.shape_cast %get3A_1479 : vector<1x1x16xf32> to vector<16xf32>
        %get3A_1481 = arith.index_cast %and3A_130 : i32 to index
        %get3A_1482 = arith.index_cast %add3A_1415 : i32 to index
        %get3A_1483 = arith.constant 32 : index
        %get3A_1484 = tpu.vector_load %arg17[%get3A_1481, %get3A_1482, %get3A_1483] {strides = array<i32>} : memref<2x128x128xf32, #tpu.memory_space<vmem>>, vector<1x1x16xf32>,
        %get3A_1485 = vector.shape_cast %get3A_1484 : vector<1x1x16xf32> to vector<16xf32>
        %get3A_1486 = arith.index_cast %and3A_130 : i32 to index
        %get3A_1487 = arith.index_cast %add3A_1415 : i32 to index
        %get3A_1488 = arith.constant 32 : index
        %get3A_1489 = tpu.vector_load %arg16[%get3A_1486, %get3A_1487, %get3A_1488] {strides = array<i32>} : memref<2x128x128xf32, #tpu.memory_space<vmem>>, vector<1x1x16xf32>,
        %get3A_1490 = vector.shape_cast %get3A_1489 : vector<1x1x16xf32> to vector<16xf32>
        %gather3A_1491 = vector.shape_cast %reshape3A : vector<16x1xi32> to vector<16xi32>
        %gather3A_1492 = tpu.dynamic_gather %get3A_1485[%gather3A_1491] in [0] : vector<16xf32>, vector<16xi32> -> vector<16xf32>
        %gather3A_1493 = vector.shape_cast %reshape3A : vector<16x1xi32> to vector<16xi32>
        %gather3A_1494 = tpu.dynamic_gather %get3A_1490[%gather3A_1493] in [0] : vector<16xf32>, vector<16xi32> -> vector<16xf32>
        %select_n3A_1495 = arith.select %eq3A_20, %get3A_1490, %gather3A_1494 : vector<16xi1>, vector<16xf32>
        %neg3A_1496 = arith.constant 0.000000e+00 : f32
        %neg3A_1497 = vector.broadcast %neg3A_1496 : f32 to vector<16xf32>
        %neg3A_1498 = arith.subf %neg3A_1497, %get3A_1490 : vector<16xf32>
        %select_n3A_1499 = arith.select %eq3A_20, %gather3A_1494, %neg3A_1498 : vector<16xi1>, vector<16xf32>
        %mul3A_1500 = arith.mulf %get3A_1485, %select_n3A_1495 : vector<16xf32>
        %mul3A_1501 = arith.mulf %gather3A_1492, %select_n3A_1499 : vector<16xf32>
        %add3A_1502 = arith.addf %mul3A_1500, %mul3A_1501 : vector<16xf32>
        %mul3A_1503 = arith.mulf %get3A_1480, %add3A_1502 : vector<16xf32>
        %add3A_1504 = arith.addf %add3A_1475, %mul3A_1503 : vector<16xf32>
        %get3A_1505 = arith.index_cast %and3A_130 : i32 to index
        %get3A_1506 = arith.index_cast %add3A_1415 : i32 to index
        %get3A_1507 = arith.constant 48 : index
        %get3A_1508 = tpu.vector_load %arg15[%get3A_1505, %get3A_1506, %get3A_1507] {strides = array<i32>} : memref<2x128x128xf32, #tpu.memory_space<vmem>>, vector<1x1x16xf32>,
        %get3A_1509 = vector.shape_cast %get3A_1508 : vector<1x1x16xf32> to vector<16xf32>
        %get3A_1510 = arith.index_cast %and3A_130 : i32 to index
        %get3A_1511 = arith.index_cast %add3A_1415 : i32 to index
        %get3A_1512 = arith.constant 48 : index
        %get3A_1513 = tpu.vector_load %arg17[%get3A_1510, %get3A_1511, %get3A_1512] {strides = array<i32>} : memref<2x128x128xf32, #tpu.memory_space<vmem>>, vector<1x1x16xf32>,
        %get3A_1514 = vector.shape_cast %get3A_1513 : vector<1x1x16xf32> to vector<16xf32>
        %get3A_1515 = arith.index_cast %and3A_130 : i32 to index
        %get3A_1516 = arith.index_cast %add3A_1415 : i32 to index
        %get3A_1517 = arith.constant 48 : index
        %get3A_1518 = tpu.vector_load %arg16[%get3A_1515, %get3A_1516, %get3A_1517] {strides = array<i32>} : memref<2x128x128xf32, #tpu.memory_space<vmem>>, vector<1x1x16xf32>,
        %get3A_1519 = vector.shape_cast %get3A_1518 : vector<1x1x16xf32> to vector<16xf32>
        %gather3A_1520 = vector.shape_cast %reshape3A : vector<16x1xi32> to vector<16xi32>
        %gather3A_1521 = tpu.dynamic_gather %get3A_1514[%gather3A_1520] in [0] : vector<16xf32>, vector<16xi32> -> vector<16xf32>
        %gather3A_1522 = vector.shape_cast %reshape3A : vector<16x1xi32> to vector<16xi32>
        %gather3A_1523 = tpu.dynamic_gather %get3A_1519[%gather3A_1522] in [0] : vector<16xf32>, vector<16xi32> -> vector<16xf32>
        %select_n3A_1524 = arith.select %eq3A_20, %get3A_1519, %gather3A_1523 : vector<16xi1>, vector<16xf32>
        %neg3A_1525 = arith.constant 0.000000e+00 : f32
        %neg3A_1526 = vector.broadcast %neg3A_1525 : f32 to vector<16xf32>
        %neg3A_1527 = arith.subf %neg3A_1526, %get3A_1519 : vector<16xf32>
        %select_n3A_1528 = arith.select %eq3A_20, %gather3A_1523, %neg3A_1527 : vector<16xi1>, vector<16xf32>
        %mul3A_1529 = arith.mulf %get3A_1514, %select_n3A_1524 : vector<16xf32>
        %mul3A_1530 = arith.mulf %gather3A_1521, %select_n3A_1528 : vector<16xf32>
        %add3A_1531 = arith.addf %mul3A_1529, %mul3A_1530 : vector<16xf32>
        %mul3A_1532 = arith.mulf %get3A_1509, %add3A_1531 : vector<16xf32>
        %add3A_1533 = arith.addf %add3A_1504, %mul3A_1532 : vector<16xf32>
        %get3A_1534 = arith.index_cast %and3A_130 : i32 to index
        %get3A_1535 = arith.index_cast %add3A_1415 : i32 to index
        %get3A_1536 = arith.constant 64 : index
        %get3A_1537 = tpu.vector_load %arg15[%get3A_1534, %get3A_1535, %get3A_1536] {strides = array<i32>} : memref<2x128x128xf32, #tpu.memory_space<vmem>>, vector<1x1x16xf32>,
        %get3A_1538 = vector.shape_cast %get3A_1537 : vector<1x1x16xf32> to vector<16xf32>
        %get3A_1539 = arith.index_cast %and3A_130 : i32 to index
        %get3A_1540 = arith.index_cast %add3A_1415 : i32 to index
        %get3A_1541 = arith.constant 64 : index
        %get3A_1542 = tpu.vector_load %arg17[%get3A_1539, %get3A_1540, %get3A_1541] {strides = array<i32>} : memref<2x128x128xf32, #tpu.memory_space<vmem>>, vector<1x1x16xf32>,
        %get3A_1543 = vector.shape_cast %get3A_1542 : vector<1x1x16xf32> to vector<16xf32>
        %get3A_1544 = arith.index_cast %and3A_130 : i32 to index
        %get3A_1545 = arith.index_cast %add3A_1415 : i32 to index
        %get3A_1546 = arith.constant 64 : index
        %get3A_1547 = tpu.vector_load %arg16[%get3A_1544, %get3A_1545, %get3A_1546] {strides = array<i32>} : memref<2x128x128xf32, #tpu.memory_space<vmem>>, vector<1x1x16xf32>,
        %get3A_1548 = vector.shape_cast %get3A_1547 : vector<1x1x16xf32> to vector<16xf32>
        %gather3A_1549 = vector.shape_cast %reshape3A : vector<16x1xi32> to vector<16xi32>
        %gather3A_1550 = tpu.dynamic_gather %get3A_1543[%gather3A_1549] in [0] : vector<16xf32>, vector<16xi32> -> vector<16xf32>
        %gather3A_1551 = vector.shape_cast %reshape3A : vector<16x1xi32> to vector<16xi32>
        %gather3A_1552 = tpu.dynamic_gather %get3A_1548[%gather3A_1551] in [0] : vector<16xf32>, vector<16xi32> -> vector<16xf32>
        %select_n3A_1553 = arith.select %eq3A_20, %get3A_1548, %gather3A_1552 : vector<16xi1>, vector<16xf32>
        %neg3A_1554 = arith.constant 0.000000e+00 : f32
        %neg3A_1555 = vector.broadcast %neg3A_1554 : f32 to vector<16xf32>
        %neg3A_1556 = arith.subf %neg3A_1555, %get3A_1548 : vector<16xf32>
        %select_n3A_1557 = arith.select %eq3A_20, %gather3A_1552, %neg3A_1556 : vector<16xi1>, vector<16xf32>
        %mul3A_1558 = arith.mulf %get3A_1543, %select_n3A_1553 : vector<16xf32>
        %mul3A_1559 = arith.mulf %gather3A_1550, %select_n3A_1557 : vector<16xf32>
        %add3A_1560 = arith.addf %mul3A_1558, %mul3A_1559 : vector<16xf32>
        %mul3A_1561 = arith.mulf %get3A_1538, %add3A_1560 : vector<16xf32>
        %add3A_1562 = arith.addf %add3A_1533, %mul3A_1561 : vector<16xf32>
        %get3A_1563 = arith.index_cast %and3A_130 : i32 to index
        %get3A_1564 = arith.index_cast %add3A_1415 : i32 to index
        %get3A_1565 = arith.constant 80 : index
        %get3A_1566 = tpu.vector_load %arg15[%get3A_1563, %get3A_1564, %get3A_1565] {strides = array<i32>} : memref<2x128x128xf32, #tpu.memory_space<vmem>>, vector<1x1x16xf32>,
        %get3A_1567 = vector.shape_cast %get3A_1566 : vector<1x1x16xf32> to vector<16xf32>
        %get3A_1568 = arith.index_cast %and3A_130 : i32 to index
        %get3A_1569 = arith.index_cast %add3A_1415 : i32 to index
        %get3A_1570 = arith.constant 80 : index
        %get3A_1571 = tpu.vector_load %arg17[%get3A_1568, %get3A_1569, %get3A_1570] {strides = array<i32>} : memref<2x128x128xf32, #tpu.memory_space<vmem>>, vector<1x1x16xf32>,
        %get3A_1572 = vector.shape_cast %get3A_1571 : vector<1x1x16xf32> to vector<16xf32>
        %get3A_1573 = arith.index_cast %and3A_130 : i32 to index
        %get3A_1574 = arith.index_cast %add3A_1415 : i32 to index
        %get3A_1575 = arith.constant 80 : index
        %get3A_1576 = tpu.vector_load %arg16[%get3A_1573, %get3A_1574, %get3A_1575] {strides = array<i32>} : memref<2x128x128xf32, #tpu.memory_space<vmem>>, vector<1x1x16xf32>,
        %get3A_1577 = vector.shape_cast %get3A_1576 : vector<1x1x16xf32> to vector<16xf32>
        %gather3A_1578 = vector.shape_cast %reshape3A : vector<16x1xi32> to vector<16xi32>
        %gather3A_1579 = tpu.dynamic_gather %get3A_1572[%gather3A_1578] in [0] : vector<16xf32>, vector<16xi32> -> vector<16xf32>
        %gather3A_1580 = vector.shape_cast %reshape3A : vector<16x1xi32> to vector<16xi32>
        %gather3A_1581 = tpu.dynamic_gather %get3A_1577[%gather3A_1580] in [0] : vector<16xf32>, vector<16xi32> -> vector<16xf32>
        %select_n3A_1582 = arith.select %eq3A_20, %get3A_1577, %gather3A_1581 : vector<16xi1>, vector<16xf32>
        %neg3A_1583 = arith.constant 0.000000e+00 : f32
        %neg3A_1584 = vector.broadcast %neg3A_1583 : f32 to vector<16xf32>
        %neg3A_1585 = arith.subf %neg3A_1584, %get3A_1577 : vector<16xf32>
        %select_n3A_1586 = arith.select %eq3A_20, %gather3A_1581, %neg3A_1585 : vector<16xi1>, vector<16xf32>
        %mul3A_1587 = arith.mulf %get3A_1572, %select_n3A_1582 : vector<16xf32>
        %mul3A_1588 = arith.mulf %gather3A_1579, %select_n3A_1586 : vector<16xf32>
        %add3A_1589 = arith.addf %mul3A_1587, %mul3A_1588 : vector<16xf32>
        %mul3A_1590 = arith.mulf %get3A_1567, %add3A_1589 : vector<16xf32>
        %add3A_1591 = arith.addf %add3A_1562, %mul3A_1590 : vector<16xf32>
        %get3A_1592 = arith.index_cast %and3A_130 : i32 to index
        %get3A_1593 = arith.index_cast %add3A_1415 : i32 to index
        %get3A_1594 = arith.constant 96 : index
        %get3A_1595 = tpu.vector_load %arg15[%get3A_1592, %get3A_1593, %get3A_1594] {strides = array<i32>} : memref<2x128x128xf32, #tpu.memory_space<vmem>>, vector<1x1x16xf32>,
        %get3A_1596 = vector.shape_cast %get3A_1595 : vector<1x1x16xf32> to vector<16xf32>
        %get3A_1597 = arith.index_cast %and3A_130 : i32 to index
        %get3A_1598 = arith.index_cast %add3A_1415 : i32 to index
        %get3A_1599 = arith.constant 96 : index
        %get3A_1600 = tpu.vector_load %arg17[%get3A_1597, %get3A_1598, %get3A_1599] {strides = array<i32>} : memref<2x128x128xf32, #tpu.memory_space<vmem>>, vector<1x1x16xf32>,
        %get3A_1601 = vector.shape_cast %get3A_1600 : vector<1x1x16xf32> to vector<16xf32>
        %get3A_1602 = arith.index_cast %and3A_130 : i32 to index
        %get3A_1603 = arith.index_cast %add3A_1415 : i32 to index
        %get3A_1604 = arith.constant 96 : index
        %get3A_1605 = tpu.vector_load %arg16[%get3A_1602, %get3A_1603, %get3A_1604] {strides = array<i32>} : memref<2x128x128xf32, #tpu.memory_space<vmem>>, vector<1x1x16xf32>,
        %get3A_1606 = vector.shape_cast %get3A_1605 : vector<1x1x16xf32> to vector<16xf32>
        %gather3A_1607 = vector.shape_cast %reshape3A : vector<16x1xi32> to vector<16xi32>
        %gather3A_1608 = tpu.dynamic_gather %get3A_1601[%gather3A_1607] in [0] : vector<16xf32>, vector<16xi32> -> vector<16xf32>
        %gather3A_1609 = vector.shape_cast %reshape3A : vector<16x1xi32> to vector<16xi32>
        %gather3A_1610 = tpu.dynamic_gather %get3A_1606[%gather3A_1609] in [0] : vector<16xf32>, vector<16xi32> -> vector<16xf32>
        %select_n3A_1611 = arith.select %eq3A_20, %get3A_1606, %gather3A_1610 : vector<16xi1>, vector<16xf32>
        %neg3A_1612 = arith.constant 0.000000e+00 : f32
        %neg3A_1613 = vector.broadcast %neg3A_1612 : f32 to vector<16xf32>
        %neg3A_1614 = arith.subf %neg3A_1613, %get3A_1606 : vector<16xf32>
        %select_n3A_1615 = arith.select %eq3A_20, %gather3A_1610, %neg3A_1614 : vector<16xi1>, vector<16xf32>
        %mul3A_1616 = arith.mulf %get3A_1601, %select_n3A_1611 : vector<16xf32>
        %mul3A_1617 = arith.mulf %gather3A_1608, %select_n3A_1615 : vector<16xf32>
        %add3A_1618 = arith.addf %mul3A_1616, %mul3A_1617 : vector<16xf32>
        %mul3A_1619 = arith.mulf %get3A_1596, %add3A_1618 : vector<16xf32>
        %add3A_1620 = arith.addf %add3A_1591, %mul3A_1619 : vector<16xf32>
        %get3A_1621 = arith.index_cast %and3A_130 : i32 to index
        %get3A_1622 = arith.index_cast %add3A_1415 : i32 to index
        %get3A_1623 = arith.constant 112 : index
        %get3A_1624 = tpu.vector_load %arg15[%get3A_1621, %get3A_1622, %get3A_1623] {strides = array<i32>} : memref<2x128x128xf32, #tpu.memory_space<vmem>>, vector<1x1x16xf32>,
        %get3A_1625 = vector.shape_cast %get3A_1624 : vector<1x1x16xf32> to vector<16xf32>
        %get3A_1626 = arith.index_cast %and3A_130 : i32 to index
        %get3A_1627 = arith.index_cast %add3A_1415 : i32 to index
        %get3A_1628 = arith.constant 112 : index
        %get3A_1629 = tpu.vector_load %arg17[%get3A_1626, %get3A_1627, %get3A_1628] {strides = array<i32>} : memref<2x128x128xf32, #tpu.memory_space<vmem>>, vector<1x1x16xf32>,
        %get3A_1630 = vector.shape_cast %get3A_1629 : vector<1x1x16xf32> to vector<16xf32>
        %get3A_1631 = arith.index_cast %and3A_130 : i32 to index
        %get3A_1632 = arith.index_cast %add3A_1415 : i32 to index
        %get3A_1633 = arith.constant 112 : index
        %get3A_1634 = tpu.vector_load %arg16[%get3A_1631, %get3A_1632, %get3A_1633] {strides = array<i32>} : memref<2x128x128xf32, #tpu.memory_space<vmem>>, vector<1x1x16xf32>,
        %get3A_1635 = vector.shape_cast %get3A_1634 : vector<1x1x16xf32> to vector<16xf32>
        %gather3A_1636 = vector.shape_cast %reshape3A : vector<16x1xi32> to vector<16xi32>
        %gather3A_1637 = tpu.dynamic_gather %get3A_1630[%gather3A_1636] in [0] : vector<16xf32>, vector<16xi32> -> vector<16xf32>
        %gather3A_1638 = vector.shape_cast %reshape3A : vector<16x1xi32> to vector<16xi32>
        %gather3A_1639 = tpu.dynamic_gather %get3A_1635[%gather3A_1638] in [0] : vector<16xf32>, vector<16xi32> -> vector<16xf32>
        %select_n3A_1640 = arith.select %eq3A_20, %get3A_1635, %gather3A_1639 : vector<16xi1>, vector<16xf32>
        %neg3A_1641 = arith.constant 0.000000e+00 : f32
        %neg3A_1642 = vector.broadcast %neg3A_1641 : f32 to vector<16xf32>
        %neg3A_1643 = arith.subf %neg3A_1642, %get3A_1635 : vector<16xf32>
        %select_n3A_1644 = arith.select %eq3A_20, %gather3A_1639, %neg3A_1643 : vector<16xi1>, vector<16xf32>
        %mul3A_1645 = arith.mulf %get3A_1630, %select_n3A_1640 : vector<16xf32>
        %mul3A_1646 = arith.mulf %gather3A_1637, %select_n3A_1644 : vector<16xf32>
        %add3A_1647 = arith.addf %mul3A_1645, %mul3A_1646 : vector<16xf32>
        %mul3A_1648 = arith.mulf %get3A_1625, %add3A_1647 : vector<16xf32>
        %add3A_1649 = arith.addf %add3A_1620, %mul3A_1648 : vector<16xf32>
        %gather3A_1650 = vector.shape_cast %reshape3A : vector<16x1xi32> to vector<16xi32>
        %gather3A_1651 = tpu.dynamic_gather %add3A_1649[%gather3A_1650] in [0] : vector<16xf32>, vector<16xi32> -> vector<16xf32>
        %add3A_1652 = arith.addf %add3A_1649, %gather3A_1651 : vector<16xf32>
        %gather3A_1653 = vector.shape_cast %reshape3A_8 : vector<16x1xi32> to vector<16xi32>
        %gather3A_1654 = tpu.dynamic_gather %add3A_1652[%gather3A_1653] in [0] : vector<16xf32>, vector<16xi32> -> vector<16xf32>
        %add3A_1655 = arith.addf %add3A_1652, %gather3A_1654 : vector<16xf32>
        %gather3A_1656 = vector.shape_cast %reshape3A_12 : vector<16x1xi32> to vector<16xi32>
        %gather3A_1657 = tpu.dynamic_gather %add3A_1655[%gather3A_1656] in [0] : vector<16xf32>, vector<16xi32> -> vector<16xf32>
        %add3A_1658 = arith.addf %add3A_1655, %gather3A_1657 : vector<16xf32>
        %gather3A_1659 = vector.shape_cast %reshape3A_16 : vector<16x1xi32> to vector<16xi32>
        %gather3A_1660 = tpu.dynamic_gather %add3A_1658[%gather3A_1659] in [0] : vector<16xf32>, vector<16xi32> -> vector<16xf32>
        %add3A_1661 = arith.addf %add3A_1658, %gather3A_1660 : vector<16xf32>
        %eq3A_1662 = arith.constant 5 : i32
        %eq3A_1663 = vector.broadcast %eq3A_1662 : i32 to vector<16xi32>
        %eq3A_1664 = arith.cmpi eq, %iota3A, %eq3A_1663 : vector<16xi32>
        %select_n3A_1665 = arith.select %eq3A_1664, %add3A_1661, %select_n3A_1413 : vector<16xi1>, vector<16xf32>
        %add3A_1666 = arith.constant 6 : i32
        %add3A_1667 = arith.addi %mul3A_156, %add3A_1666 : i32
        %broadcast_in_dim3A_1668 = arith.constant 0.000000e+00 : f32
        %broadcast_in_dim3A_1669 = vector.broadcast %broadcast_in_dim3A_1668 : f32 to vector<16xf32>
        %get3A_1670 = arith.index_cast %and3A_130 : i32 to index
        %get3A_1671 = arith.index_cast %add3A_1667 : i32 to index
        %get3A_1672 = arith.constant 0 : index
        %get3A_1673 = tpu.vector_load %arg15[%get3A_1670, %get3A_1671, %get3A_1672] {strides = array<i32>} : memref<2x128x128xf32, #tpu.memory_space<vmem>>, vector<1x1x16xf32>,
        %get3A_1674 = vector.shape_cast %get3A_1673 : vector<1x1x16xf32> to vector<16xf32>
        %get3A_1675 = arith.index_cast %and3A_130 : i32 to index
        %get3A_1676 = arith.index_cast %add3A_1667 : i32 to index
        %get3A_1677 = arith.constant 0 : index
        %get3A_1678 = tpu.vector_load %arg17[%get3A_1675, %get3A_1676, %get3A_1677] {strides = array<i32>} : memref<2x128x128xf32, #tpu.memory_space<vmem>>, vector<1x1x16xf32>,
        %get3A_1679 = vector.shape_cast %get3A_1678 : vector<1x1x16xf32> to vector<16xf32>
        %get3A_1680 = arith.index_cast %and3A_130 : i32 to index
        %get3A_1681 = arith.index_cast %add3A_1667 : i32 to index
        %get3A_1682 = arith.constant 0 : index
        %get3A_1683 = tpu.vector_load %arg16[%get3A_1680, %get3A_1681, %get3A_1682] {strides = array<i32>} : memref<2x128x128xf32, #tpu.memory_space<vmem>>, vector<1x1x16xf32>,
        %get3A_1684 = vector.shape_cast %get3A_1683 : vector<1x1x16xf32> to vector<16xf32>
        %gather3A_1685 = vector.shape_cast %reshape3A : vector<16x1xi32> to vector<16xi32>
        %gather3A_1686 = tpu.dynamic_gather %get3A_1679[%gather3A_1685] in [0] : vector<16xf32>, vector<16xi32> -> vector<16xf32>
        %gather3A_1687 = vector.shape_cast %reshape3A : vector<16x1xi32> to vector<16xi32>
        %gather3A_1688 = tpu.dynamic_gather %get3A_1684[%gather3A_1687] in [0] : vector<16xf32>, vector<16xi32> -> vector<16xf32>
        %select_n3A_1689 = arith.select %eq3A_20, %get3A_1684, %gather3A_1688 : vector<16xi1>, vector<16xf32>
        %neg3A_1690 = arith.constant 0.000000e+00 : f32
        %neg3A_1691 = vector.broadcast %neg3A_1690 : f32 to vector<16xf32>
        %neg3A_1692 = arith.subf %neg3A_1691, %get3A_1684 : vector<16xf32>
        %select_n3A_1693 = arith.select %eq3A_20, %gather3A_1688, %neg3A_1692 : vector<16xi1>, vector<16xf32>
        %mul3A_1694 = arith.mulf %get3A_1679, %select_n3A_1689 : vector<16xf32>
        %mul3A_1695 = arith.mulf %gather3A_1686, %select_n3A_1693 : vector<16xf32>
        %add3A_1696 = arith.addf %mul3A_1694, %mul3A_1695 : vector<16xf32>
        %mul3A_1697 = arith.mulf %get3A_1674, %add3A_1696 : vector<16xf32>
        %add3A_1698 = arith.addf %broadcast_in_dim3A_1669, %mul3A_1697 : vector<16xf32>
        %get3A_1699 = arith.index_cast %and3A_130 : i32 to index
        %get3A_1700 = arith.index_cast %add3A_1667 : i32 to index
        %get3A_1701 = arith.constant 16 : index
        %get3A_1702 = tpu.vector_load %arg15[%get3A_1699, %get3A_1700, %get3A_1701] {strides = array<i32>} : memref<2x128x128xf32, #tpu.memory_space<vmem>>, vector<1x1x16xf32>,
        %get3A_1703 = vector.shape_cast %get3A_1702 : vector<1x1x16xf32> to vector<16xf32>
        %get3A_1704 = arith.index_cast %and3A_130 : i32 to index
        %get3A_1705 = arith.index_cast %add3A_1667 : i32 to index
        %get3A_1706 = arith.constant 16 : index
        %get3A_1707 = tpu.vector_load %arg17[%get3A_1704, %get3A_1705, %get3A_1706] {strides = array<i32>} : memref<2x128x128xf32, #tpu.memory_space<vmem>>, vector<1x1x16xf32>,
        %get3A_1708 = vector.shape_cast %get3A_1707 : vector<1x1x16xf32> to vector<16xf32>
        %get3A_1709 = arith.index_cast %and3A_130 : i32 to index
        %get3A_1710 = arith.index_cast %add3A_1667 : i32 to index
        %get3A_1711 = arith.constant 16 : index
        %get3A_1712 = tpu.vector_load %arg16[%get3A_1709, %get3A_1710, %get3A_1711] {strides = array<i32>} : memref<2x128x128xf32, #tpu.memory_space<vmem>>, vector<1x1x16xf32>,
        %get3A_1713 = vector.shape_cast %get3A_1712 : vector<1x1x16xf32> to vector<16xf32>
        %gather3A_1714 = vector.shape_cast %reshape3A : vector<16x1xi32> to vector<16xi32>
        %gather3A_1715 = tpu.dynamic_gather %get3A_1708[%gather3A_1714] in [0] : vector<16xf32>, vector<16xi32> -> vector<16xf32>
        %gather3A_1716 = vector.shape_cast %reshape3A : vector<16x1xi32> to vector<16xi32>
        %gather3A_1717 = tpu.dynamic_gather %get3A_1713[%gather3A_1716] in [0] : vector<16xf32>, vector<16xi32> -> vector<16xf32>
        %select_n3A_1718 = arith.select %eq3A_20, %get3A_1713, %gather3A_1717 : vector<16xi1>, vector<16xf32>
        %neg3A_1719 = arith.constant 0.000000e+00 : f32
        %neg3A_1720 = vector.broadcast %neg3A_1719 : f32 to vector<16xf32>
        %neg3A_1721 = arith.subf %neg3A_1720, %get3A_1713 : vector<16xf32>
        %select_n3A_1722 = arith.select %eq3A_20, %gather3A_1717, %neg3A_1721 : vector<16xi1>, vector<16xf32>
        %mul3A_1723 = arith.mulf %get3A_1708, %select_n3A_1718 : vector<16xf32>
        %mul3A_1724 = arith.mulf %gather3A_1715, %select_n3A_1722 : vector<16xf32>
        %add3A_1725 = arith.addf %mul3A_1723, %mul3A_1724 : vector<16xf32>
        %mul3A_1726 = arith.mulf %get3A_1703, %add3A_1725 : vector<16xf32>
        %add3A_1727 = arith.addf %add3A_1698, %mul3A_1726 : vector<16xf32>
        %get3A_1728 = arith.index_cast %and3A_130 : i32 to index
        %get3A_1729 = arith.index_cast %add3A_1667 : i32 to index
        %get3A_1730 = arith.constant 32 : index
        %get3A_1731 = tpu.vector_load %arg15[%get3A_1728, %get3A_1729, %get3A_1730] {strides = array<i32>} : memref<2x128x128xf32, #tpu.memory_space<vmem>>, vector<1x1x16xf32>,
        %get3A_1732 = vector.shape_cast %get3A_1731 : vector<1x1x16xf32> to vector<16xf32>
        %get3A_1733 = arith.index_cast %and3A_130 : i32 to index
        %get3A_1734 = arith.index_cast %add3A_1667 : i32 to index
        %get3A_1735 = arith.constant 32 : index
        %get3A_1736 = tpu.vector_load %arg17[%get3A_1733, %get3A_1734, %get3A_1735] {strides = array<i32>} : memref<2x128x128xf32, #tpu.memory_space<vmem>>, vector<1x1x16xf32>,
        %get3A_1737 = vector.shape_cast %get3A_1736 : vector<1x1x16xf32> to vector<16xf32>
        %get3A_1738 = arith.index_cast %and3A_130 : i32 to index
        %get3A_1739 = arith.index_cast %add3A_1667 : i32 to index
        %get3A_1740 = arith.constant 32 : index
        %get3A_1741 = tpu.vector_load %arg16[%get3A_1738, %get3A_1739, %get3A_1740] {strides = array<i32>} : memref<2x128x128xf32, #tpu.memory_space<vmem>>, vector<1x1x16xf32>,
        %get3A_1742 = vector.shape_cast %get3A_1741 : vector<1x1x16xf32> to vector<16xf32>
        %gather3A_1743 = vector.shape_cast %reshape3A : vector<16x1xi32> to vector<16xi32>
        %gather3A_1744 = tpu.dynamic_gather %get3A_1737[%gather3A_1743] in [0] : vector<16xf32>, vector<16xi32> -> vector<16xf32>
        %gather3A_1745 = vector.shape_cast %reshape3A : vector<16x1xi32> to vector<16xi32>
        %gather3A_1746 = tpu.dynamic_gather %get3A_1742[%gather3A_1745] in [0] : vector<16xf32>, vector<16xi32> -> vector<16xf32>
        %select_n3A_1747 = arith.select %eq3A_20, %get3A_1742, %gather3A_1746 : vector<16xi1>, vector<16xf32>
        %neg3A_1748 = arith.constant 0.000000e+00 : f32
        %neg3A_1749 = vector.broadcast %neg3A_1748 : f32 to vector<16xf32>
        %neg3A_1750 = arith.subf %neg3A_1749, %get3A_1742 : vector<16xf32>
        %select_n3A_1751 = arith.select %eq3A_20, %gather3A_1746, %neg3A_1750 : vector<16xi1>, vector<16xf32>
        %mul3A_1752 = arith.mulf %get3A_1737, %select_n3A_1747 : vector<16xf32>
        %mul3A_1753 = arith.mulf %gather3A_1744, %select_n3A_1751 : vector<16xf32>
        %add3A_1754 = arith.addf %mul3A_1752, %mul3A_1753 : vector<16xf32>
        %mul3A_1755 = arith.mulf %get3A_1732, %add3A_1754 : vector<16xf32>
        %add3A_1756 = arith.addf %add3A_1727, %mul3A_1755 : vector<16xf32>
        %get3A_1757 = arith.index_cast %and3A_130 : i32 to index
        %get3A_1758 = arith.index_cast %add3A_1667 : i32 to index
        %get3A_1759 = arith.constant 48 : index
        %get3A_1760 = tpu.vector_load %arg15[%get3A_1757, %get3A_1758, %get3A_1759] {strides = array<i32>} : memref<2x128x128xf32, #tpu.memory_space<vmem>>, vector<1x1x16xf32>,
        %get3A_1761 = vector.shape_cast %get3A_1760 : vector<1x1x16xf32> to vector<16xf32>
        %get3A_1762 = arith.index_cast %and3A_130 : i32 to index
        %get3A_1763 = arith.index_cast %add3A_1667 : i32 to index
        %get3A_1764 = arith.constant 48 : index
        %get3A_1765 = tpu.vector_load %arg17[%get3A_1762, %get3A_1763, %get3A_1764] {strides = array<i32>} : memref<2x128x128xf32, #tpu.memory_space<vmem>>, vector<1x1x16xf32>,
        %get3A_1766 = vector.shape_cast %get3A_1765 : vector<1x1x16xf32> to vector<16xf32>
        %get3A_1767 = arith.index_cast %and3A_130 : i32 to index
        %get3A_1768 = arith.index_cast %add3A_1667 : i32 to index
        %get3A_1769 = arith.constant 48 : index
        %get3A_1770 = tpu.vector_load %arg16[%get3A_1767, %get3A_1768, %get3A_1769] {strides = array<i32>} : memref<2x128x128xf32, #tpu.memory_space<vmem>>, vector<1x1x16xf32>,
        %get3A_1771 = vector.shape_cast %get3A_1770 : vector<1x1x16xf32> to vector<16xf32>
        %gather3A_1772 = vector.shape_cast %reshape3A : vector<16x1xi32> to vector<16xi32>
        %gather3A_1773 = tpu.dynamic_gather %get3A_1766[%gather3A_1772] in [0] : vector<16xf32>, vector<16xi32> -> vector<16xf32>
        %gather3A_1774 = vector.shape_cast %reshape3A : vector<16x1xi32> to vector<16xi32>
        %gather3A_1775 = tpu.dynamic_gather %get3A_1771[%gather3A_1774] in [0] : vector<16xf32>, vector<16xi32> -> vector<16xf32>
        %select_n3A_1776 = arith.select %eq3A_20, %get3A_1771, %gather3A_1775 : vector<16xi1>, vector<16xf32>
        %neg3A_1777 = arith.constant 0.000000e+00 : f32
        %neg3A_1778 = vector.broadcast %neg3A_1777 : f32 to vector<16xf32>
        %neg3A_1779 = arith.subf %neg3A_1778, %get3A_1771 : vector<16xf32>
        %select_n3A_1780 = arith.select %eq3A_20, %gather3A_1775, %neg3A_1779 : vector<16xi1>, vector<16xf32>
        %mul3A_1781 = arith.mulf %get3A_1766, %select_n3A_1776 : vector<16xf32>
        %mul3A_1782 = arith.mulf %gather3A_1773, %select_n3A_1780 : vector<16xf32>
        %add3A_1783 = arith.addf %mul3A_1781, %mul3A_1782 : vector<16xf32>
        %mul3A_1784 = arith.mulf %get3A_1761, %add3A_1783 : vector<16xf32>
        %add3A_1785 = arith.addf %add3A_1756, %mul3A_1784 : vector<16xf32>
        %get3A_1786 = arith.index_cast %and3A_130 : i32 to index
        %get3A_1787 = arith.index_cast %add3A_1667 : i32 to index
        %get3A_1788 = arith.constant 64 : index
        %get3A_1789 = tpu.vector_load %arg15[%get3A_1786, %get3A_1787, %get3A_1788] {strides = array<i32>} : memref<2x128x128xf32, #tpu.memory_space<vmem>>, vector<1x1x16xf32>,
        %get3A_1790 = vector.shape_cast %get3A_1789 : vector<1x1x16xf32> to vector<16xf32>
        %get3A_1791 = arith.index_cast %and3A_130 : i32 to index
        %get3A_1792 = arith.index_cast %add3A_1667 : i32 to index
        %get3A_1793 = arith.constant 64 : index
        %get3A_1794 = tpu.vector_load %arg17[%get3A_1791, %get3A_1792, %get3A_1793] {strides = array<i32>} : memref<2x128x128xf32, #tpu.memory_space<vmem>>, vector<1x1x16xf32>,
        %get3A_1795 = vector.shape_cast %get3A_1794 : vector<1x1x16xf32> to vector<16xf32>
        %get3A_1796 = arith.index_cast %and3A_130 : i32 to index
        %get3A_1797 = arith.index_cast %add3A_1667 : i32 to index
        %get3A_1798 = arith.constant 64 : index
        %get3A_1799 = tpu.vector_load %arg16[%get3A_1796, %get3A_1797, %get3A_1798] {strides = array<i32>} : memref<2x128x128xf32, #tpu.memory_space<vmem>>, vector<1x1x16xf32>,
        %get3A_1800 = vector.shape_cast %get3A_1799 : vector<1x1x16xf32> to vector<16xf32>
        %gather3A_1801 = vector.shape_cast %reshape3A : vector<16x1xi32> to vector<16xi32>
        %gather3A_1802 = tpu.dynamic_gather %get3A_1795[%gather3A_1801] in [0] : vector<16xf32>, vector<16xi32> -> vector<16xf32>
        %gather3A_1803 = vector.shape_cast %reshape3A : vector<16x1xi32> to vector<16xi32>
        %gather3A_1804 = tpu.dynamic_gather %get3A_1800[%gather3A_1803] in [0] : vector<16xf32>, vector<16xi32> -> vector<16xf32>
        %select_n3A_1805 = arith.select %eq3A_20, %get3A_1800, %gather3A_1804 : vector<16xi1>, vector<16xf32>
        %neg3A_1806 = arith.constant 0.000000e+00 : f32
        %neg3A_1807 = vector.broadcast %neg3A_1806 : f32 to vector<16xf32>
        %neg3A_1808 = arith.subf %neg3A_1807, %get3A_1800 : vector<16xf32>
        %select_n3A_1809 = arith.select %eq3A_20, %gather3A_1804, %neg3A_1808 : vector<16xi1>, vector<16xf32>
        %mul3A_1810 = arith.mulf %get3A_1795, %select_n3A_1805 : vector<16xf32>
        %mul3A_1811 = arith.mulf %gather3A_1802, %select_n3A_1809 : vector<16xf32>
        %add3A_1812 = arith.addf %mul3A_1810, %mul3A_1811 : vector<16xf32>
        %mul3A_1813 = arith.mulf %get3A_1790, %add3A_1812 : vector<16xf32>
        %add3A_1814 = arith.addf %add3A_1785, %mul3A_1813 : vector<16xf32>
        %get3A_1815 = arith.index_cast %and3A_130 : i32 to index
        %get3A_1816 = arith.index_cast %add3A_1667 : i32 to index
        %get3A_1817 = arith.constant 80 : index
        %get3A_1818 = tpu.vector_load %arg15[%get3A_1815, %get3A_1816, %get3A_1817] {strides = array<i32>} : memref<2x128x128xf32, #tpu.memory_space<vmem>>, vector<1x1x16xf32>,
        %get3A_1819 = vector.shape_cast %get3A_1818 : vector<1x1x16xf32> to vector<16xf32>
        %get3A_1820 = arith.index_cast %and3A_130 : i32 to index
        %get3A_1821 = arith.index_cast %add3A_1667 : i32 to index
        %get3A_1822 = arith.constant 80 : index
        %get3A_1823 = tpu.vector_load %arg17[%get3A_1820, %get3A_1821, %get3A_1822] {strides = array<i32>} : memref<2x128x128xf32, #tpu.memory_space<vmem>>, vector<1x1x16xf32>,
        %get3A_1824 = vector.shape_cast %get3A_1823 : vector<1x1x16xf32> to vector<16xf32>
        %get3A_1825 = arith.index_cast %and3A_130 : i32 to index
        %get3A_1826 = arith.index_cast %add3A_1667 : i32 to index
        %get3A_1827 = arith.constant 80 : index
        %get3A_1828 = tpu.vector_load %arg16[%get3A_1825, %get3A_1826, %get3A_1827] {strides = array<i32>} : memref<2x128x128xf32, #tpu.memory_space<vmem>>, vector<1x1x16xf32>,
        %get3A_1829 = vector.shape_cast %get3A_1828 : vector<1x1x16xf32> to vector<16xf32>
        %gather3A_1830 = vector.shape_cast %reshape3A : vector<16x1xi32> to vector<16xi32>
        %gather3A_1831 = tpu.dynamic_gather %get3A_1824[%gather3A_1830] in [0] : vector<16xf32>, vector<16xi32> -> vector<16xf32>
        %gather3A_1832 = vector.shape_cast %reshape3A : vector<16x1xi32> to vector<16xi32>
        %gather3A_1833 = tpu.dynamic_gather %get3A_1829[%gather3A_1832] in [0] : vector<16xf32>, vector<16xi32> -> vector<16xf32>
        %select_n3A_1834 = arith.select %eq3A_20, %get3A_1829, %gather3A_1833 : vector<16xi1>, vector<16xf32>
        %neg3A_1835 = arith.constant 0.000000e+00 : f32
        %neg3A_1836 = vector.broadcast %neg3A_1835 : f32 to vector<16xf32>
        %neg3A_1837 = arith.subf %neg3A_1836, %get3A_1829 : vector<16xf32>
        %select_n3A_1838 = arith.select %eq3A_20, %gather3A_1833, %neg3A_1837 : vector<16xi1>, vector<16xf32>
        %mul3A_1839 = arith.mulf %get3A_1824, %select_n3A_1834 : vector<16xf32>
        %mul3A_1840 = arith.mulf %gather3A_1831, %select_n3A_1838 : vector<16xf32>
        %add3A_1841 = arith.addf %mul3A_1839, %mul3A_1840 : vector<16xf32>
        %mul3A_1842 = arith.mulf %get3A_1819, %add3A_1841 : vector<16xf32>
        %add3A_1843 = arith.addf %add3A_1814, %mul3A_1842 : vector<16xf32>
        %get3A_1844 = arith.index_cast %and3A_130 : i32 to index
        %get3A_1845 = arith.index_cast %add3A_1667 : i32 to index
        %get3A_1846 = arith.constant 96 : index
        %get3A_1847 = tpu.vector_load %arg15[%get3A_1844, %get3A_1845, %get3A_1846] {strides = array<i32>} : memref<2x128x128xf32, #tpu.memory_space<vmem>>, vector<1x1x16xf32>,
        %get3A_1848 = vector.shape_cast %get3A_1847 : vector<1x1x16xf32> to vector<16xf32>
        %get3A_1849 = arith.index_cast %and3A_130 : i32 to index
        %get3A_1850 = arith.index_cast %add3A_1667 : i32 to index
        %get3A_1851 = arith.constant 96 : index
        %get3A_1852 = tpu.vector_load %arg17[%get3A_1849, %get3A_1850, %get3A_1851] {strides = array<i32>} : memref<2x128x128xf32, #tpu.memory_space<vmem>>, vector<1x1x16xf32>,
        %get3A_1853 = vector.shape_cast %get3A_1852 : vector<1x1x16xf32> to vector<16xf32>
        %get3A_1854 = arith.index_cast %and3A_130 : i32 to index
        %get3A_1855 = arith.index_cast %add3A_1667 : i32 to index
        %get3A_1856 = arith.constant 96 : index
        %get3A_1857 = tpu.vector_load %arg16[%get3A_1854, %get3A_1855, %get3A_1856] {strides = array<i32>} : memref<2x128x128xf32, #tpu.memory_space<vmem>>, vector<1x1x16xf32>,
        %get3A_1858 = vector.shape_cast %get3A_1857 : vector<1x1x16xf32> to vector<16xf32>
        %gather3A_1859 = vector.shape_cast %reshape3A : vector<16x1xi32> to vector<16xi32>
        %gather3A_1860 = tpu.dynamic_gather %get3A_1853[%gather3A_1859] in [0] : vector<16xf32>, vector<16xi32> -> vector<16xf32>
        %gather3A_1861 = vector.shape_cast %reshape3A : vector<16x1xi32> to vector<16xi32>
        %gather3A_1862 = tpu.dynamic_gather %get3A_1858[%gather3A_1861] in [0] : vector<16xf32>, vector<16xi32> -> vector<16xf32>
        %select_n3A_1863 = arith.select %eq3A_20, %get3A_1858, %gather3A_1862 : vector<16xi1>, vector<16xf32>
        %neg3A_1864 = arith.constant 0.000000e+00 : f32
        %neg3A_1865 = vector.broadcast %neg3A_1864 : f32 to vector<16xf32>
        %neg3A_1866 = arith.subf %neg3A_1865, %get3A_1858 : vector<16xf32>
        %select_n3A_1867 = arith.select %eq3A_20, %gather3A_1862, %neg3A_1866 : vector<16xi1>, vector<16xf32>
        %mul3A_1868 = arith.mulf %get3A_1853, %select_n3A_1863 : vector<16xf32>
        %mul3A_1869 = arith.mulf %gather3A_1860, %select_n3A_1867 : vector<16xf32>
        %add3A_1870 = arith.addf %mul3A_1868, %mul3A_1869 : vector<16xf32>
        %mul3A_1871 = arith.mulf %get3A_1848, %add3A_1870 : vector<16xf32>
        %add3A_1872 = arith.addf %add3A_1843, %mul3A_1871 : vector<16xf32>
        %get3A_1873 = arith.index_cast %and3A_130 : i32 to index
        %get3A_1874 = arith.index_cast %add3A_1667 : i32 to index
        %get3A_1875 = arith.constant 112 : index
        %get3A_1876 = tpu.vector_load %arg15[%get3A_1873, %get3A_1874, %get3A_1875] {strides = array<i32>} : memref<2x128x128xf32, #tpu.memory_space<vmem>>, vector<1x1x16xf32>,
        %get3A_1877 = vector.shape_cast %get3A_1876 : vector<1x1x16xf32> to vector<16xf32>
        %get3A_1878 = arith.index_cast %and3A_130 : i32 to index
        %get3A_1879 = arith.index_cast %add3A_1667 : i32 to index
        %get3A_1880 = arith.constant 112 : index
        %get3A_1881 = tpu.vector_load %arg17[%get3A_1878, %get3A_1879, %get3A_1880] {strides = array<i32>} : memref<2x128x128xf32, #tpu.memory_space<vmem>>, vector<1x1x16xf32>,
        %get3A_1882 = vector.shape_cast %get3A_1881 : vector<1x1x16xf32> to vector<16xf32>
        %get3A_1883 = arith.index_cast %and3A_130 : i32 to index
        %get3A_1884 = arith.index_cast %add3A_1667 : i32 to index
        %get3A_1885 = arith.constant 112 : index
        %get3A_1886 = tpu.vector_load %arg16[%get3A_1883, %get3A_1884, %get3A_1885] {strides = array<i32>} : memref<2x128x128xf32, #tpu.memory_space<vmem>>, vector<1x1x16xf32>,
        %get3A_1887 = vector.shape_cast %get3A_1886 : vector<1x1x16xf32> to vector<16xf32>
        %gather3A_1888 = vector.shape_cast %reshape3A : vector<16x1xi32> to vector<16xi32>
        %gather3A_1889 = tpu.dynamic_gather %get3A_1882[%gather3A_1888] in [0] : vector<16xf32>, vector<16xi32> -> vector<16xf32>
        %gather3A_1890 = vector.shape_cast %reshape3A : vector<16x1xi32> to vector<16xi32>
        %gather3A_1891 = tpu.dynamic_gather %get3A_1887[%gather3A_1890] in [0] : vector<16xf32>, vector<16xi32> -> vector<16xf32>
        %select_n3A_1892 = arith.select %eq3A_20, %get3A_1887, %gather3A_1891 : vector<16xi1>, vector<16xf32>
        %neg3A_1893 = arith.constant 0.000000e+00 : f32
        %neg3A_1894 = vector.broadcast %neg3A_1893 : f32 to vector<16xf32>
        %neg3A_1895 = arith.subf %neg3A_1894, %get3A_1887 : vector<16xf32>
        %select_n3A_1896 = arith.select %eq3A_20, %gather3A_1891, %neg3A_1895 : vector<16xi1>, vector<16xf32>
        %mul3A_1897 = arith.mulf %get3A_1882, %select_n3A_1892 : vector<16xf32>
        %mul3A_1898 = arith.mulf %gather3A_1889, %select_n3A_1896 : vector<16xf32>
        %add3A_1899 = arith.addf %mul3A_1897, %mul3A_1898 : vector<16xf32>
        %mul3A_1900 = arith.mulf %get3A_1877, %add3A_1899 : vector<16xf32>
        %add3A_1901 = arith.addf %add3A_1872, %mul3A_1900 : vector<16xf32>
        %gather3A_1902 = vector.shape_cast %reshape3A : vector<16x1xi32> to vector<16xi32>
        %gather3A_1903 = tpu.dynamic_gather %add3A_1901[%gather3A_1902] in [0] : vector<16xf32>, vector<16xi32> -> vector<16xf32>
        %add3A_1904 = arith.addf %add3A_1901, %gather3A_1903 : vector<16xf32>
        %gather3A_1905 = vector.shape_cast %reshape3A_8 : vector<16x1xi32> to vector<16xi32>
        %gather3A_1906 = tpu.dynamic_gather %add3A_1904[%gather3A_1905] in [0] : vector<16xf32>, vector<16xi32> -> vector<16xf32>
        %add3A_1907 = arith.addf %add3A_1904, %gather3A_1906 : vector<16xf32>
        %gather3A_1908 = vector.shape_cast %reshape3A_12 : vector<16x1xi32> to vector<16xi32>
        %gather3A_1909 = tpu.dynamic_gather %add3A_1907[%gather3A_1908] in [0] : vector<16xf32>, vector<16xi32> -> vector<16xf32>
        %add3A_1910 = arith.addf %add3A_1907, %gather3A_1909 : vector<16xf32>
        %gather3A_1911 = vector.shape_cast %reshape3A_16 : vector<16x1xi32> to vector<16xi32>
        %gather3A_1912 = tpu.dynamic_gather %add3A_1910[%gather3A_1911] in [0] : vector<16xf32>, vector<16xi32> -> vector<16xf32>
        %add3A_1913 = arith.addf %add3A_1910, %gather3A_1912 : vector<16xf32>
        %eq3A_1914 = arith.constant 6 : i32
        %eq3A_1915 = vector.broadcast %eq3A_1914 : i32 to vector<16xi32>
        %eq3A_1916 = arith.cmpi eq, %iota3A, %eq3A_1915 : vector<16xi32>
        %select_n3A_1917 = arith.select %eq3A_1916, %add3A_1913, %select_n3A_1665 : vector<16xi1>, vector<16xf32>
        %add3A_1918 = arith.constant 7 : i32
        %add3A_1919 = arith.addi %mul3A_156, %add3A_1918 : i32
        %broadcast_in_dim3A_1920 = arith.constant 0.000000e+00 : f32
        %broadcast_in_dim3A_1921 = vector.broadcast %broadcast_in_dim3A_1920 : f32 to vector<16xf32>
        %get3A_1922 = arith.index_cast %and3A_130 : i32 to index
        %get3A_1923 = arith.index_cast %add3A_1919 : i32 to index
        %get3A_1924 = arith.constant 0 : index
        %get3A_1925 = tpu.vector_load %arg15[%get3A_1922, %get3A_1923, %get3A_1924] {strides = array<i32>} : memref<2x128x128xf32, #tpu.memory_space<vmem>>, vector<1x1x16xf32>,
        %get3A_1926 = vector.shape_cast %get3A_1925 : vector<1x1x16xf32> to vector<16xf32>
        %get3A_1927 = arith.index_cast %and3A_130 : i32 to index
        %get3A_1928 = arith.index_cast %add3A_1919 : i32 to index
        %get3A_1929 = arith.constant 0 : index
        %get3A_1930 = tpu.vector_load %arg17[%get3A_1927, %get3A_1928, %get3A_1929] {strides = array<i32>} : memref<2x128x128xf32, #tpu.memory_space<vmem>>, vector<1x1x16xf32>,
        %get3A_1931 = vector.shape_cast %get3A_1930 : vector<1x1x16xf32> to vector<16xf32>
        %get3A_1932 = arith.index_cast %and3A_130 : i32 to index
        %get3A_1933 = arith.index_cast %add3A_1919 : i32 to index
        %get3A_1934 = arith.constant 0 : index
        %get3A_1935 = tpu.vector_load %arg16[%get3A_1932, %get3A_1933, %get3A_1934] {strides = array<i32>} : memref<2x128x128xf32, #tpu.memory_space<vmem>>, vector<1x1x16xf32>,
        %get3A_1936 = vector.shape_cast %get3A_1935 : vector<1x1x16xf32> to vector<16xf32>
        %gather3A_1937 = vector.shape_cast %reshape3A : vector<16x1xi32> to vector<16xi32>
        %gather3A_1938 = tpu.dynamic_gather %get3A_1931[%gather3A_1937] in [0] : vector<16xf32>, vector<16xi32> -> vector<16xf32>
        %gather3A_1939 = vector.shape_cast %reshape3A : vector<16x1xi32> to vector<16xi32>
        %gather3A_1940 = tpu.dynamic_gather %get3A_1936[%gather3A_1939] in [0] : vector<16xf32>, vector<16xi32> -> vector<16xf32>
        %select_n3A_1941 = arith.select %eq3A_20, %get3A_1936, %gather3A_1940 : vector<16xi1>, vector<16xf32>
        %neg3A_1942 = arith.constant 0.000000e+00 : f32
        %neg3A_1943 = vector.broadcast %neg3A_1942 : f32 to vector<16xf32>
        %neg3A_1944 = arith.subf %neg3A_1943, %get3A_1936 : vector<16xf32>
        %select_n3A_1945 = arith.select %eq3A_20, %gather3A_1940, %neg3A_1944 : vector<16xi1>, vector<16xf32>
        %mul3A_1946 = arith.mulf %get3A_1931, %select_n3A_1941 : vector<16xf32>
        %mul3A_1947 = arith.mulf %gather3A_1938, %select_n3A_1945 : vector<16xf32>
        %add3A_1948 = arith.addf %mul3A_1946, %mul3A_1947 : vector<16xf32>
        %mul3A_1949 = arith.mulf %get3A_1926, %add3A_1948 : vector<16xf32>
        %add3A_1950 = arith.addf %broadcast_in_dim3A_1921, %mul3A_1949 : vector<16xf32>
        %get3A_1951 = arith.index_cast %and3A_130 : i32 to index
        %get3A_1952 = arith.index_cast %add3A_1919 : i32 to index
        %get3A_1953 = arith.constant 16 : index
        %get3A_1954 = tpu.vector_load %arg15[%get3A_1951, %get3A_1952, %get3A_1953] {strides = array<i32>} : memref<2x128x128xf32, #tpu.memory_space<vmem>>, vector<1x1x16xf32>,
        %get3A_1955 = vector.shape_cast %get3A_1954 : vector<1x1x16xf32> to vector<16xf32>
        %get3A_1956 = arith.index_cast %and3A_130 : i32 to index
        %get3A_1957 = arith.index_cast %add3A_1919 : i32 to index
        %get3A_1958 = arith.constant 16 : index
        %get3A_1959 = tpu.vector_load %arg17[%get3A_1956, %get3A_1957, %get3A_1958] {strides = array<i32>} : memref<2x128x128xf32, #tpu.memory_space<vmem>>, vector<1x1x16xf32>,
        %get3A_1960 = vector.shape_cast %get3A_1959 : vector<1x1x16xf32> to vector<16xf32>
        %get3A_1961 = arith.index_cast %and3A_130 : i32 to index
        %get3A_1962 = arith.index_cast %add3A_1919 : i32 to index
        %get3A_1963 = arith.constant 16 : index
        %get3A_1964 = tpu.vector_load %arg16[%get3A_1961, %get3A_1962, %get3A_1963] {strides = array<i32>} : memref<2x128x128xf32, #tpu.memory_space<vmem>>, vector<1x1x16xf32>,
        %get3A_1965 = vector.shape_cast %get3A_1964 : vector<1x1x16xf32> to vector<16xf32>
        %gather3A_1966 = vector.shape_cast %reshape3A : vector<16x1xi32> to vector<16xi32>
        %gather3A_1967 = tpu.dynamic_gather %get3A_1960[%gather3A_1966] in [0] : vector<16xf32>, vector<16xi32> -> vector<16xf32>
        %gather3A_1968 = vector.shape_cast %reshape3A : vector<16x1xi32> to vector<16xi32>
        %gather3A_1969 = tpu.dynamic_gather %get3A_1965[%gather3A_1968] in [0] : vector<16xf32>, vector<16xi32> -> vector<16xf32>
        %select_n3A_1970 = arith.select %eq3A_20, %get3A_1965, %gather3A_1969 : vector<16xi1>, vector<16xf32>
        %neg3A_1971 = arith.constant 0.000000e+00 : f32
        %neg3A_1972 = vector.broadcast %neg3A_1971 : f32 to vector<16xf32>
        %neg3A_1973 = arith.subf %neg3A_1972, %get3A_1965 : vector<16xf32>
        %select_n3A_1974 = arith.select %eq3A_20, %gather3A_1969, %neg3A_1973 : vector<16xi1>, vector<16xf32>
        %mul3A_1975 = arith.mulf %get3A_1960, %select_n3A_1970 : vector<16xf32>
        %mul3A_1976 = arith.mulf %gather3A_1967, %select_n3A_1974 : vector<16xf32>
        %add3A_1977 = arith.addf %mul3A_1975, %mul3A_1976 : vector<16xf32>
        %mul3A_1978 = arith.mulf %get3A_1955, %add3A_1977 : vector<16xf32>
        %add3A_1979 = arith.addf %add3A_1950, %mul3A_1978 : vector<16xf32>
        %get3A_1980 = arith.index_cast %and3A_130 : i32 to index
        %get3A_1981 = arith.index_cast %add3A_1919 : i32 to index
        %get3A_1982 = arith.constant 32 : index
        %get3A_1983 = tpu.vector_load %arg15[%get3A_1980, %get3A_1981, %get3A_1982] {strides = array<i32>} : memref<2x128x128xf32, #tpu.memory_space<vmem>>, vector<1x1x16xf32>,
        %get3A_1984 = vector.shape_cast %get3A_1983 : vector<1x1x16xf32> to vector<16xf32>
        %get3A_1985 = arith.index_cast %and3A_130 : i32 to index
        %get3A_1986 = arith.index_cast %add3A_1919 : i32 to index
        %get3A_1987 = arith.constant 32 : index
        %get3A_1988 = tpu.vector_load %arg17[%get3A_1985, %get3A_1986, %get3A_1987] {strides = array<i32>} : memref<2x128x128xf32, #tpu.memory_space<vmem>>, vector<1x1x16xf32>,
        %get3A_1989 = vector.shape_cast %get3A_1988 : vector<1x1x16xf32> to vector<16xf32>
        %get3A_1990 = arith.index_cast %and3A_130 : i32 to index
        %get3A_1991 = arith.index_cast %add3A_1919 : i32 to index
        %get3A_1992 = arith.constant 32 : index
        %get3A_1993 = tpu.vector_load %arg16[%get3A_1990, %get3A_1991, %get3A_1992] {strides = array<i32>} : memref<2x128x128xf32, #tpu.memory_space<vmem>>, vector<1x1x16xf32>,
        %get3A_1994 = vector.shape_cast %get3A_1993 : vector<1x1x16xf32> to vector<16xf32>
        %gather3A_1995 = vector.shape_cast %reshape3A : vector<16x1xi32> to vector<16xi32>
        %gather3A_1996 = tpu.dynamic_gather %get3A_1989[%gather3A_1995] in [0] : vector<16xf32>, vector<16xi32> -> vector<16xf32>
        %gather3A_1997 = vector.shape_cast %reshape3A : vector<16x1xi32> to vector<16xi32>
        %gather3A_1998 = tpu.dynamic_gather %get3A_1994[%gather3A_1997] in [0] : vector<16xf32>, vector<16xi32> -> vector<16xf32>
        %select_n3A_1999 = arith.select %eq3A_20, %get3A_1994, %gather3A_1998 : vector<16xi1>, vector<16xf32>
        %neg3A_2000 = arith.constant 0.000000e+00 : f32
        %neg3A_2001 = vector.broadcast %neg3A_2000 : f32 to vector<16xf32>
        %neg3A_2002 = arith.subf %neg3A_2001, %get3A_1994 : vector<16xf32>
        %select_n3A_2003 = arith.select %eq3A_20, %gather3A_1998, %neg3A_2002 : vector<16xi1>, vector<16xf32>
        %mul3A_2004 = arith.mulf %get3A_1989, %select_n3A_1999 : vector<16xf32>
        %mul3A_2005 = arith.mulf %gather3A_1996, %select_n3A_2003 : vector<16xf32>
        %add3A_2006 = arith.addf %mul3A_2004, %mul3A_2005 : vector<16xf32>
        %mul3A_2007 = arith.mulf %get3A_1984, %add3A_2006 : vector<16xf32>
        %add3A_2008 = arith.addf %add3A_1979, %mul3A_2007 : vector<16xf32>
        %get3A_2009 = arith.index_cast %and3A_130 : i32 to index
        %get3A_2010 = arith.index_cast %add3A_1919 : i32 to index
        %get3A_2011 = arith.constant 48 : index
        %get3A_2012 = tpu.vector_load %arg15[%get3A_2009, %get3A_2010, %get3A_2011] {strides = array<i32>} : memref<2x128x128xf32, #tpu.memory_space<vmem>>, vector<1x1x16xf32>,
        %get3A_2013 = vector.shape_cast %get3A_2012 : vector<1x1x16xf32> to vector<16xf32>
        %get3A_2014 = arith.index_cast %and3A_130 : i32 to index
        %get3A_2015 = arith.index_cast %add3A_1919 : i32 to index
        %get3A_2016 = arith.constant 48 : index
        %get3A_2017 = tpu.vector_load %arg17[%get3A_2014, %get3A_2015, %get3A_2016] {strides = array<i32>} : memref<2x128x128xf32, #tpu.memory_space<vmem>>, vector<1x1x16xf32>,
        %get3A_2018 = vector.shape_cast %get3A_2017 : vector<1x1x16xf32> to vector<16xf32>
        %get3A_2019 = arith.index_cast %and3A_130 : i32 to index
        %get3A_2020 = arith.index_cast %add3A_1919 : i32 to index
        %get3A_2021 = arith.constant 48 : index
        %get3A_2022 = tpu.vector_load %arg16[%get3A_2019, %get3A_2020, %get3A_2021] {strides = array<i32>} : memref<2x128x128xf32, #tpu.memory_space<vmem>>, vector<1x1x16xf32>,
        %get3A_2023 = vector.shape_cast %get3A_2022 : vector<1x1x16xf32> to vector<16xf32>
        %gather3A_2024 = vector.shape_cast %reshape3A : vector<16x1xi32> to vector<16xi32>
        %gather3A_2025 = tpu.dynamic_gather %get3A_2018[%gather3A_2024] in [0] : vector<16xf32>, vector<16xi32> -> vector<16xf32>
        %gather3A_2026 = vector.shape_cast %reshape3A : vector<16x1xi32> to vector<16xi32>
        %gather3A_2027 = tpu.dynamic_gather %get3A_2023[%gather3A_2026] in [0] : vector<16xf32>, vector<16xi32> -> vector<16xf32>
        %select_n3A_2028 = arith.select %eq3A_20, %get3A_2023, %gather3A_2027 : vector<16xi1>, vector<16xf32>
        %neg3A_2029 = arith.constant 0.000000e+00 : f32
        %neg3A_2030 = vector.broadcast %neg3A_2029 : f32 to vector<16xf32>
        %neg3A_2031 = arith.subf %neg3A_2030, %get3A_2023 : vector<16xf32>
        %select_n3A_2032 = arith.select %eq3A_20, %gather3A_2027, %neg3A_2031 : vector<16xi1>, vector<16xf32>
        %mul3A_2033 = arith.mulf %get3A_2018, %select_n3A_2028 : vector<16xf32>
        %mul3A_2034 = arith.mulf %gather3A_2025, %select_n3A_2032 : vector<16xf32>
        %add3A_2035 = arith.addf %mul3A_2033, %mul3A_2034 : vector<16xf32>
        %mul3A_2036 = arith.mulf %get3A_2013, %add3A_2035 : vector<16xf32>
        %add3A_2037 = arith.addf %add3A_2008, %mul3A_2036 : vector<16xf32>
        %get3A_2038 = arith.index_cast %and3A_130 : i32 to index
        %get3A_2039 = arith.index_cast %add3A_1919 : i32 to index
        %get3A_2040 = arith.constant 64 : index
        %get3A_2041 = tpu.vector_load %arg15[%get3A_2038, %get3A_2039, %get3A_2040] {strides = array<i32>} : memref<2x128x128xf32, #tpu.memory_space<vmem>>, vector<1x1x16xf32>,
        %get3A_2042 = vector.shape_cast %get3A_2041 : vector<1x1x16xf32> to vector<16xf32>
        %get3A_2043 = arith.index_cast %and3A_130 : i32 to index
        %get3A_2044 = arith.index_cast %add3A_1919 : i32 to index
        %get3A_2045 = arith.constant 64 : index
        %get3A_2046 = tpu.vector_load %arg17[%get3A_2043, %get3A_2044, %get3A_2045] {strides = array<i32>} : memref<2x128x128xf32, #tpu.memory_space<vmem>>, vector<1x1x16xf32>,
        %get3A_2047 = vector.shape_cast %get3A_2046 : vector<1x1x16xf32> to vector<16xf32>
        %get3A_2048 = arith.index_cast %and3A_130 : i32 to index
        %get3A_2049 = arith.index_cast %add3A_1919 : i32 to index
        %get3A_2050 = arith.constant 64 : index
        %get3A_2051 = tpu.vector_load %arg16[%get3A_2048, %get3A_2049, %get3A_2050] {strides = array<i32>} : memref<2x128x128xf32, #tpu.memory_space<vmem>>, vector<1x1x16xf32>,
        %get3A_2052 = vector.shape_cast %get3A_2051 : vector<1x1x16xf32> to vector<16xf32>
        %gather3A_2053 = vector.shape_cast %reshape3A : vector<16x1xi32> to vector<16xi32>
        %gather3A_2054 = tpu.dynamic_gather %get3A_2047[%gather3A_2053] in [0] : vector<16xf32>, vector<16xi32> -> vector<16xf32>
        %gather3A_2055 = vector.shape_cast %reshape3A : vector<16x1xi32> to vector<16xi32>
        %gather3A_2056 = tpu.dynamic_gather %get3A_2052[%gather3A_2055] in [0] : vector<16xf32>, vector<16xi32> -> vector<16xf32>
        %select_n3A_2057 = arith.select %eq3A_20, %get3A_2052, %gather3A_2056 : vector<16xi1>, vector<16xf32>
        %neg3A_2058 = arith.constant 0.000000e+00 : f32
        %neg3A_2059 = vector.broadcast %neg3A_2058 : f32 to vector<16xf32>
        %neg3A_2060 = arith.subf %neg3A_2059, %get3A_2052 : vector<16xf32>
        %select_n3A_2061 = arith.select %eq3A_20, %gather3A_2056, %neg3A_2060 : vector<16xi1>, vector<16xf32>
        %mul3A_2062 = arith.mulf %get3A_2047, %select_n3A_2057 : vector<16xf32>
        %mul3A_2063 = arith.mulf %gather3A_2054, %select_n3A_2061 : vector<16xf32>
        %add3A_2064 = arith.addf %mul3A_2062, %mul3A_2063 : vector<16xf32>
        %mul3A_2065 = arith.mulf %get3A_2042, %add3A_2064 : vector<16xf32>
        %add3A_2066 = arith.addf %add3A_2037, %mul3A_2065 : vector<16xf32>
        %get3A_2067 = arith.index_cast %and3A_130 : i32 to index
        %get3A_2068 = arith.index_cast %add3A_1919 : i32 to index
        %get3A_2069 = arith.constant 80 : index
        %get3A_2070 = tpu.vector_load %arg15[%get3A_2067, %get3A_2068, %get3A_2069] {strides = array<i32>} : memref<2x128x128xf32, #tpu.memory_space<vmem>>, vector<1x1x16xf32>,
        %get3A_2071 = vector.shape_cast %get3A_2070 : vector<1x1x16xf32> to vector<16xf32>
        %get3A_2072 = arith.index_cast %and3A_130 : i32 to index
        %get3A_2073 = arith.index_cast %add3A_1919 : i32 to index
        %get3A_2074 = arith.constant 80 : index
        %get3A_2075 = tpu.vector_load %arg17[%get3A_2072, %get3A_2073, %get3A_2074] {strides = array<i32>} : memref<2x128x128xf32, #tpu.memory_space<vmem>>, vector<1x1x16xf32>,
        %get3A_2076 = vector.shape_cast %get3A_2075 : vector<1x1x16xf32> to vector<16xf32>
        %get3A_2077 = arith.index_cast %and3A_130 : i32 to index
        %get3A_2078 = arith.index_cast %add3A_1919 : i32 to index
        %get3A_2079 = arith.constant 80 : index
        %get3A_2080 = tpu.vector_load %arg16[%get3A_2077, %get3A_2078, %get3A_2079] {strides = array<i32>} : memref<2x128x128xf32, #tpu.memory_space<vmem>>, vector<1x1x16xf32>,
        %get3A_2081 = vector.shape_cast %get3A_2080 : vector<1x1x16xf32> to vector<16xf32>
        %gather3A_2082 = vector.shape_cast %reshape3A : vector<16x1xi32> to vector<16xi32>
        %gather3A_2083 = tpu.dynamic_gather %get3A_2076[%gather3A_2082] in [0] : vector<16xf32>, vector<16xi32> -> vector<16xf32>
        %gather3A_2084 = vector.shape_cast %reshape3A : vector<16x1xi32> to vector<16xi32>
        %gather3A_2085 = tpu.dynamic_gather %get3A_2081[%gather3A_2084] in [0] : vector<16xf32>, vector<16xi32> -> vector<16xf32>
        %select_n3A_2086 = arith.select %eq3A_20, %get3A_2081, %gather3A_2085 : vector<16xi1>, vector<16xf32>
        %neg3A_2087 = arith.constant 0.000000e+00 : f32
        %neg3A_2088 = vector.broadcast %neg3A_2087 : f32 to vector<16xf32>
        %neg3A_2089 = arith.subf %neg3A_2088, %get3A_2081 : vector<16xf32>
        %select_n3A_2090 = arith.select %eq3A_20, %gather3A_2085, %neg3A_2089 : vector<16xi1>, vector<16xf32>
        %mul3A_2091 = arith.mulf %get3A_2076, %select_n3A_2086 : vector<16xf32>
        %mul3A_2092 = arith.mulf %gather3A_2083, %select_n3A_2090 : vector<16xf32>
        %add3A_2093 = arith.addf %mul3A_2091, %mul3A_2092 : vector<16xf32>
        %mul3A_2094 = arith.mulf %get3A_2071, %add3A_2093 : vector<16xf32>
        %add3A_2095 = arith.addf %add3A_2066, %mul3A_2094 : vector<16xf32>
        %get3A_2096 = arith.index_cast %and3A_130 : i32 to index
        %get3A_2097 = arith.index_cast %add3A_1919 : i32 to index
        %get3A_2098 = arith.constant 96 : index
        %get3A_2099 = tpu.vector_load %arg15[%get3A_2096, %get3A_2097, %get3A_2098] {strides = array<i32>} : memref<2x128x128xf32, #tpu.memory_space<vmem>>, vector<1x1x16xf32>,
        %get3A_2100 = vector.shape_cast %get3A_2099 : vector<1x1x16xf32> to vector<16xf32>
        %get3A_2101 = arith.index_cast %and3A_130 : i32 to index
        %get3A_2102 = arith.index_cast %add3A_1919 : i32 to index
        %get3A_2103 = arith.constant 96 : index
        %get3A_2104 = tpu.vector_load %arg17[%get3A_2101, %get3A_2102, %get3A_2103] {strides = array<i32>} : memref<2x128x128xf32, #tpu.memory_space<vmem>>, vector<1x1x16xf32>,
        %get3A_2105 = vector.shape_cast %get3A_2104 : vector<1x1x16xf32> to vector<16xf32>
        %get3A_2106 = arith.index_cast %and3A_130 : i32 to index
        %get3A_2107 = arith.index_cast %add3A_1919 : i32 to index
        %get3A_2108 = arith.constant 96 : index
        %get3A_2109 = tpu.vector_load %arg16[%get3A_2106, %get3A_2107, %get3A_2108] {strides = array<i32>} : memref<2x128x128xf32, #tpu.memory_space<vmem>>, vector<1x1x16xf32>,
        %get3A_2110 = vector.shape_cast %get3A_2109 : vector<1x1x16xf32> to vector<16xf32>
        %gather3A_2111 = vector.shape_cast %reshape3A : vector<16x1xi32> to vector<16xi32>
        %gather3A_2112 = tpu.dynamic_gather %get3A_2105[%gather3A_2111] in [0] : vector<16xf32>, vector<16xi32> -> vector<16xf32>
        %gather3A_2113 = vector.shape_cast %reshape3A : vector<16x1xi32> to vector<16xi32>
        %gather3A_2114 = tpu.dynamic_gather %get3A_2110[%gather3A_2113] in [0] : vector<16xf32>, vector<16xi32> -> vector<16xf32>
        %select_n3A_2115 = arith.select %eq3A_20, %get3A_2110, %gather3A_2114 : vector<16xi1>, vector<16xf32>
        %neg3A_2116 = arith.constant 0.000000e+00 : f32
        %neg3A_2117 = vector.broadcast %neg3A_2116 : f32 to vector<16xf32>
        %neg3A_2118 = arith.subf %neg3A_2117, %get3A_2110 : vector<16xf32>
        %select_n3A_2119 = arith.select %eq3A_20, %gather3A_2114, %neg3A_2118 : vector<16xi1>, vector<16xf32>
        %mul3A_2120 = arith.mulf %get3A_2105, %select_n3A_2115 : vector<16xf32>
        %mul3A_2121 = arith.mulf %gather3A_2112, %select_n3A_2119 : vector<16xf32>
        %add3A_2122 = arith.addf %mul3A_2120, %mul3A_2121 : vector<16xf32>
        %mul3A_2123 = arith.mulf %get3A_2100, %add3A_2122 : vector<16xf32>
        %add3A_2124 = arith.addf %add3A_2095, %mul3A_2123 : vector<16xf32>
        %get3A_2125 = arith.index_cast %and3A_130 : i32 to index
        %get3A_2126 = arith.index_cast %add3A_1919 : i32 to index
        %get3A_2127 = arith.constant 112 : index
        %get3A_2128 = tpu.vector_load %arg15[%get3A_2125, %get3A_2126, %get3A_2127] {strides = array<i32>} : memref<2x128x128xf32, #tpu.memory_space<vmem>>, vector<1x1x16xf32>,
        %get3A_2129 = vector.shape_cast %get3A_2128 : vector<1x1x16xf32> to vector<16xf32>
        %get3A_2130 = arith.index_cast %and3A_130 : i32 to index
        %get3A_2131 = arith.index_cast %add3A_1919 : i32 to index
        %get3A_2132 = arith.constant 112 : index
        %get3A_2133 = tpu.vector_load %arg17[%get3A_2130, %get3A_2131, %get3A_2132] {strides = array<i32>} : memref<2x128x128xf32, #tpu.memory_space<vmem>>, vector<1x1x16xf32>,
        %get3A_2134 = vector.shape_cast %get3A_2133 : vector<1x1x16xf32> to vector<16xf32>
        %get3A_2135 = arith.index_cast %and3A_130 : i32 to index
        %get3A_2136 = arith.index_cast %add3A_1919 : i32 to index
        %get3A_2137 = arith.constant 112 : index
        %get3A_2138 = tpu.vector_load %arg16[%get3A_2135, %get3A_2136, %get3A_2137] {strides = array<i32>} : memref<2x128x128xf32, #tpu.memory_space<vmem>>, vector<1x1x16xf32>,
        %get3A_2139 = vector.shape_cast %get3A_2138 : vector<1x1x16xf32> to vector<16xf32>
        %gather3A_2140 = vector.shape_cast %reshape3A : vector<16x1xi32> to vector<16xi32>
        %gather3A_2141 = tpu.dynamic_gather %get3A_2134[%gather3A_2140] in [0] : vector<16xf32>, vector<16xi32> -> vector<16xf32>
        %gather3A_2142 = vector.shape_cast %reshape3A : vector<16x1xi32> to vector<16xi32>
        %gather3A_2143 = tpu.dynamic_gather %get3A_2139[%gather3A_2142] in [0] : vector<16xf32>, vector<16xi32> -> vector<16xf32>
        %select_n3A_2144 = arith.select %eq3A_20, %get3A_2139, %gather3A_2143 : vector<16xi1>, vector<16xf32>
        %neg3A_2145 = arith.constant 0.000000e+00 : f32
        %neg3A_2146 = vector.broadcast %neg3A_2145 : f32 to vector<16xf32>
        %neg3A_2147 = arith.subf %neg3A_2146, %get3A_2139 : vector<16xf32>
        %select_n3A_2148 = arith.select %eq3A_20, %gather3A_2143, %neg3A_2147 : vector<16xi1>, vector<16xf32>
        %mul3A_2149 = arith.mulf %get3A_2134, %select_n3A_2144 : vector<16xf32>
        %mul3A_2150 = arith.mulf %gather3A_2141, %select_n3A_2148 : vector<16xf32>
        %add3A_2151 = arith.addf %mul3A_2149, %mul3A_2150 : vector<16xf32>
        %mul3A_2152 = arith.mulf %get3A_2129, %add3A_2151 : vector<16xf32>
        %add3A_2153 = arith.addf %add3A_2124, %mul3A_2152 : vector<16xf32>
        %gather3A_2154 = vector.shape_cast %reshape3A : vector<16x1xi32> to vector<16xi32>
        %gather3A_2155 = tpu.dynamic_gather %add3A_2153[%gather3A_2154] in [0] : vector<16xf32>, vector<16xi32> -> vector<16xf32>
        %add3A_2156 = arith.addf %add3A_2153, %gather3A_2155 : vector<16xf32>
        %gather3A_2157 = vector.shape_cast %reshape3A_8 : vector<16x1xi32> to vector<16xi32>
        %gather3A_2158 = tpu.dynamic_gather %add3A_2156[%gather3A_2157] in [0] : vector<16xf32>, vector<16xi32> -> vector<16xf32>
        %add3A_2159 = arith.addf %add3A_2156, %gather3A_2158 : vector<16xf32>
        %gather3A_2160 = vector.shape_cast %reshape3A_12 : vector<16x1xi32> to vector<16xi32>
        %gather3A_2161 = tpu.dynamic_gather %add3A_2159[%gather3A_2160] in [0] : vector<16xf32>, vector<16xi32> -> vector<16xf32>
        %add3A_2162 = arith.addf %add3A_2159, %gather3A_2161 : vector<16xf32>
        %gather3A_2163 = vector.shape_cast %reshape3A_16 : vector<16x1xi32> to vector<16xi32>
        %gather3A_2164 = tpu.dynamic_gather %add3A_2162[%gather3A_2163] in [0] : vector<16xf32>, vector<16xi32> -> vector<16xf32>
        %add3A_2165 = arith.addf %add3A_2162, %gather3A_2164 : vector<16xf32>
        %eq3A_2166 = arith.constant 7 : i32
        %eq3A_2167 = vector.broadcast %eq3A_2166 : i32 to vector<16xi32>
        %eq3A_2168 = arith.cmpi eq, %iota3A, %eq3A_2167 : vector<16xi32>
        %select_n3A_2169 = arith.select %eq3A_2168, %add3A_2165, %select_n3A_1917 : vector<16xi1>, vector<16xf32>
        %add3A_2170 = arith.constant 8 : i32
        %add3A_2171 = arith.addi %mul3A_156, %add3A_2170 : i32
        %broadcast_in_dim3A_2172 = arith.constant 0.000000e+00 : f32
        %broadcast_in_dim3A_2173 = vector.broadcast %broadcast_in_dim3A_2172 : f32 to vector<16xf32>
        %get3A_2174 = arith.index_cast %and3A_130 : i32 to index
        %get3A_2175 = arith.index_cast %add3A_2171 : i32 to index
        %get3A_2176 = arith.constant 0 : index
        %get3A_2177 = tpu.vector_load %arg15[%get3A_2174, %get3A_2175, %get3A_2176] {strides = array<i32>} : memref<2x128x128xf32, #tpu.memory_space<vmem>>, vector<1x1x16xf32>,
        %get3A_2178 = vector.shape_cast %get3A_2177 : vector<1x1x16xf32> to vector<16xf32>
        %get3A_2179 = arith.index_cast %and3A_130 : i32 to index
        %get3A_2180 = arith.index_cast %add3A_2171 : i32 to index
        %get3A_2181 = arith.constant 0 : index
        %get3A_2182 = tpu.vector_load %arg17[%get3A_2179, %get3A_2180, %get3A_2181] {strides = array<i32>} : memref<2x128x128xf32, #tpu.memory_space<vmem>>, vector<1x1x16xf32>,
        %get3A_2183 = vector.shape_cast %get3A_2182 : vector<1x1x16xf32> to vector<16xf32>
        %get3A_2184 = arith.index_cast %and3A_130 : i32 to index
        %get3A_2185 = arith.index_cast %add3A_2171 : i32 to index
        %get3A_2186 = arith.constant 0 : index
        %get3A_2187 = tpu.vector_load %arg16[%get3A_2184, %get3A_2185, %get3A_2186] {strides = array<i32>} : memref<2x128x128xf32, #tpu.memory_space<vmem>>, vector<1x1x16xf32>,
        %get3A_2188 = vector.shape_cast %get3A_2187 : vector<1x1x16xf32> to vector<16xf32>
        %gather3A_2189 = vector.shape_cast %reshape3A : vector<16x1xi32> to vector<16xi32>
        %gather3A_2190 = tpu.dynamic_gather %get3A_2183[%gather3A_2189] in [0] : vector<16xf32>, vector<16xi32> -> vector<16xf32>
        %gather3A_2191 = vector.shape_cast %reshape3A : vector<16x1xi32> to vector<16xi32>
        %gather3A_2192 = tpu.dynamic_gather %get3A_2188[%gather3A_2191] in [0] : vector<16xf32>, vector<16xi32> -> vector<16xf32>
        %select_n3A_2193 = arith.select %eq3A_20, %get3A_2188, %gather3A_2192 : vector<16xi1>, vector<16xf32>
        %neg3A_2194 = arith.constant 0.000000e+00 : f32
        %neg3A_2195 = vector.broadcast %neg3A_2194 : f32 to vector<16xf32>
        %neg3A_2196 = arith.subf %neg3A_2195, %get3A_2188 : vector<16xf32>
        %select_n3A_2197 = arith.select %eq3A_20, %gather3A_2192, %neg3A_2196 : vector<16xi1>, vector<16xf32>
        %mul3A_2198 = arith.mulf %get3A_2183, %select_n3A_2193 : vector<16xf32>
        %mul3A_2199 = arith.mulf %gather3A_2190, %select_n3A_2197 : vector<16xf32>
        %add3A_2200 = arith.addf %mul3A_2198, %mul3A_2199 : vector<16xf32>
        %mul3A_2201 = arith.mulf %get3A_2178, %add3A_2200 : vector<16xf32>
        %add3A_2202 = arith.addf %broadcast_in_dim3A_2173, %mul3A_2201 : vector<16xf32>
        %get3A_2203 = arith.index_cast %and3A_130 : i32 to index
        %get3A_2204 = arith.index_cast %add3A_2171 : i32 to index
        %get3A_2205 = arith.constant 16 : index
        %get3A_2206 = tpu.vector_load %arg15[%get3A_2203, %get3A_2204, %get3A_2205] {strides = array<i32>} : memref<2x128x128xf32, #tpu.memory_space<vmem>>, vector<1x1x16xf32>,
        %get3A_2207 = vector.shape_cast %get3A_2206 : vector<1x1x16xf32> to vector<16xf32>
        %get3A_2208 = arith.index_cast %and3A_130 : i32 to index
        %get3A_2209 = arith.index_cast %add3A_2171 : i32 to index
        %get3A_2210 = arith.constant 16 : index
        %get3A_2211 = tpu.vector_load %arg17[%get3A_2208, %get3A_2209, %get3A_2210] {strides = array<i32>} : memref<2x128x128xf32, #tpu.memory_space<vmem>>, vector<1x1x16xf32>,
        %get3A_2212 = vector.shape_cast %get3A_2211 : vector<1x1x16xf32> to vector<16xf32>
        %get3A_2213 = arith.index_cast %and3A_130 : i32 to index
        %get3A_2214 = arith.index_cast %add3A_2171 : i32 to index
        %get3A_2215 = arith.constant 16 : index
        %get3A_2216 = tpu.vector_load %arg16[%get3A_2213, %get3A_2214, %get3A_2215] {strides = array<i32>} : memref<2x128x128xf32, #tpu.memory_space<vmem>>, vector<1x1x16xf32>,
        %get3A_2217 = vector.shape_cast %get3A_2216 : vector<1x1x16xf32> to vector<16xf32>
        %gather3A_2218 = vector.shape_cast %reshape3A : vector<16x1xi32> to vector<16xi32>
        %gather3A_2219 = tpu.dynamic_gather %get3A_2212[%gather3A_2218] in [0] : vector<16xf32>, vector<16xi32> -> vector<16xf32>
        %gather3A_2220 = vector.shape_cast %reshape3A : vector<16x1xi32> to vector<16xi32>
        %gather3A_2221 = tpu.dynamic_gather %get3A_2217[%gather3A_2220] in [0] : vector<16xf32>, vector<16xi32> -> vector<16xf32>
        %select_n3A_2222 = arith.select %eq3A_20, %get3A_2217, %gather3A_2221 : vector<16xi1>, vector<16xf32>
        %neg3A_2223 = arith.constant 0.000000e+00 : f32
        %neg3A_2224 = vector.broadcast %neg3A_2223 : f32 to vector<16xf32>
        %neg3A_2225 = arith.subf %neg3A_2224, %get3A_2217 : vector<16xf32>
        %select_n3A_2226 = arith.select %eq3A_20, %gather3A_2221, %neg3A_2225 : vector<16xi1>, vector<16xf32>
        %mul3A_2227 = arith.mulf %get3A_2212, %select_n3A_2222 : vector<16xf32>
        %mul3A_2228 = arith.mulf %gather3A_2219, %select_n3A_2226 : vector<16xf32>
        %add3A_2229 = arith.addf %mul3A_2227, %mul3A_2228 : vector<16xf32>
        %mul3A_2230 = arith.mulf %get3A_2207, %add3A_2229 : vector<16xf32>
        %add3A_2231 = arith.addf %add3A_2202, %mul3A_2230 : vector<16xf32>
        %get3A_2232 = arith.index_cast %and3A_130 : i32 to index
        %get3A_2233 = arith.index_cast %add3A_2171 : i32 to index
        %get3A_2234 = arith.constant 32 : index
        %get3A_2235 = tpu.vector_load %arg15[%get3A_2232, %get3A_2233, %get3A_2234] {strides = array<i32>} : memref<2x128x128xf32, #tpu.memory_space<vmem>>, vector<1x1x16xf32>,
        %get3A_2236 = vector.shape_cast %get3A_2235 : vector<1x1x16xf32> to vector<16xf32>
        %get3A_2237 = arith.index_cast %and3A_130 : i32 to index
        %get3A_2238 = arith.index_cast %add3A_2171 : i32 to index
        %get3A_2239 = arith.constant 32 : index
        %get3A_2240 = tpu.vector_load %arg17[%get3A_2237, %get3A_2238, %get3A_2239] {strides = array<i32>} : memref<2x128x128xf32, #tpu.memory_space<vmem>>, vector<1x1x16xf32>,
        %get3A_2241 = vector.shape_cast %get3A_2240 : vector<1x1x16xf32> to vector<16xf32>
        %get3A_2242 = arith.index_cast %and3A_130 : i32 to index
        %get3A_2243 = arith.index_cast %add3A_2171 : i32 to index
        %get3A_2244 = arith.constant 32 : index
        %get3A_2245 = tpu.vector_load %arg16[%get3A_2242, %get3A_2243, %get3A_2244] {strides = array<i32>} : memref<2x128x128xf32, #tpu.memory_space<vmem>>, vector<1x1x16xf32>,
        %get3A_2246 = vector.shape_cast %get3A_2245 : vector<1x1x16xf32> to vector<16xf32>
        %gather3A_2247 = vector.shape_cast %reshape3A : vector<16x1xi32> to vector<16xi32>
        %gather3A_2248 = tpu.dynamic_gather %get3A_2241[%gather3A_2247] in [0] : vector<16xf32>, vector<16xi32> -> vector<16xf32>
        %gather3A_2249 = vector.shape_cast %reshape3A : vector<16x1xi32> to vector<16xi32>
        %gather3A_2250 = tpu.dynamic_gather %get3A_2246[%gather3A_2249] in [0] : vector<16xf32>, vector<16xi32> -> vector<16xf32>
        %select_n3A_2251 = arith.select %eq3A_20, %get3A_2246, %gather3A_2250 : vector<16xi1>, vector<16xf32>
        %neg3A_2252 = arith.constant 0.000000e+00 : f32
        %neg3A_2253 = vector.broadcast %neg3A_2252 : f32 to vector<16xf32>
        %neg3A_2254 = arith.subf %neg3A_2253, %get3A_2246 : vector<16xf32>
        %select_n3A_2255 = arith.select %eq3A_20, %gather3A_2250, %neg3A_2254 : vector<16xi1>, vector<16xf32>
        %mul3A_2256 = arith.mulf %get3A_2241, %select_n3A_2251 : vector<16xf32>
        %mul3A_2257 = arith.mulf %gather3A_2248, %select_n3A_2255 : vector<16xf32>
        %add3A_2258 = arith.addf %mul3A_2256, %mul3A_2257 : vector<16xf32>
        %mul3A_2259 = arith.mulf %get3A_2236, %add3A_2258 : vector<16xf32>
        %add3A_2260 = arith.addf %add3A_2231, %mul3A_2259 : vector<16xf32>
        %get3A_2261 = arith.index_cast %and3A_130 : i32 to index
        %get3A_2262 = arith.index_cast %add3A_2171 : i32 to index
        %get3A_2263 = arith.constant 48 : index
        %get3A_2264 = tpu.vector_load %arg15[%get3A_2261, %get3A_2262, %get3A_2263] {strides = array<i32>} : memref<2x128x128xf32, #tpu.memory_space<vmem>>, vector<1x1x16xf32>,
        %get3A_2265 = vector.shape_cast %get3A_2264 : vector<1x1x16xf32> to vector<16xf32>
        %get3A_2266 = arith.index_cast %and3A_130 : i32 to index
        %get3A_2267 = arith.index_cast %add3A_2171 : i32 to index
        %get3A_2268 = arith.constant 48 : index
        %get3A_2269 = tpu.vector_load %arg17[%get3A_2266, %get3A_2267, %get3A_2268] {strides = array<i32>} : memref<2x128x128xf32, #tpu.memory_space<vmem>>, vector<1x1x16xf32>,
        %get3A_2270 = vector.shape_cast %get3A_2269 : vector<1x1x16xf32> to vector<16xf32>
        %get3A_2271 = arith.index_cast %and3A_130 : i32 to index
        %get3A_2272 = arith.index_cast %add3A_2171 : i32 to index
        %get3A_2273 = arith.constant 48 : index
        %get3A_2274 = tpu.vector_load %arg16[%get3A_2271, %get3A_2272, %get3A_2273] {strides = array<i32>} : memref<2x128x128xf32, #tpu.memory_space<vmem>>, vector<1x1x16xf32>,
        %get3A_2275 = vector.shape_cast %get3A_2274 : vector<1x1x16xf32> to vector<16xf32>
        %gather3A_2276 = vector.shape_cast %reshape3A : vector<16x1xi32> to vector<16xi32>
        %gather3A_2277 = tpu.dynamic_gather %get3A_2270[%gather3A_2276] in [0] : vector<16xf32>, vector<16xi32> -> vector<16xf32>
        %gather3A_2278 = vector.shape_cast %reshape3A : vector<16x1xi32> to vector<16xi32>
        %gather3A_2279 = tpu.dynamic_gather %get3A_2275[%gather3A_2278] in [0] : vector<16xf32>, vector<16xi32> -> vector<16xf32>
        %select_n3A_2280 = arith.select %eq3A_20, %get3A_2275, %gather3A_2279 : vector<16xi1>, vector<16xf32>
        %neg3A_2281 = arith.constant 0.000000e+00 : f32
        %neg3A_2282 = vector.broadcast %neg3A_2281 : f32 to vector<16xf32>
        %neg3A_2283 = arith.subf %neg3A_2282, %get3A_2275 : vector<16xf32>
        %select_n3A_2284 = arith.select %eq3A_20, %gather3A_2279, %neg3A_2283 : vector<16xi1>, vector<16xf32>
        %mul3A_2285 = arith.mulf %get3A_2270, %select_n3A_2280 : vector<16xf32>
        %mul3A_2286 = arith.mulf %gather3A_2277, %select_n3A_2284 : vector<16xf32>
        %add3A_2287 = arith.addf %mul3A_2285, %mul3A_2286 : vector<16xf32>
        %mul3A_2288 = arith.mulf %get3A_2265, %add3A_2287 : vector<16xf32>
        %add3A_2289 = arith.addf %add3A_2260, %mul3A_2288 : vector<16xf32>
        %get3A_2290 = arith.index_cast %and3A_130 : i32 to index
        %get3A_2291 = arith.index_cast %add3A_2171 : i32 to index
        %get3A_2292 = arith.constant 64 : index
        %get3A_2293 = tpu.vector_load %arg15[%get3A_2290, %get3A_2291, %get3A_2292] {strides = array<i32>} : memref<2x128x128xf32, #tpu.memory_space<vmem>>, vector<1x1x16xf32>,
        %get3A_2294 = vector.shape_cast %get3A_2293 : vector<1x1x16xf32> to vector<16xf32>
        %get3A_2295 = arith.index_cast %and3A_130 : i32 to index
        %get3A_2296 = arith.index_cast %add3A_2171 : i32 to index
        %get3A_2297 = arith.constant 64 : index
        %get3A_2298 = tpu.vector_load %arg17[%get3A_2295, %get3A_2296, %get3A_2297] {strides = array<i32>} : memref<2x128x128xf32, #tpu.memory_space<vmem>>, vector<1x1x16xf32>,
        %get3A_2299 = vector.shape_cast %get3A_2298 : vector<1x1x16xf32> to vector<16xf32>
        %get3A_2300 = arith.index_cast %and3A_130 : i32 to index
        %get3A_2301 = arith.index_cast %add3A_2171 : i32 to index
        %get3A_2302 = arith.constant 64 : index
        %get3A_2303 = tpu.vector_load %arg16[%get3A_2300, %get3A_2301, %get3A_2302] {strides = array<i32>} : memref<2x128x128xf32, #tpu.memory_space<vmem>>, vector<1x1x16xf32>,
        %get3A_2304 = vector.shape_cast %get3A_2303 : vector<1x1x16xf32> to vector<16xf32>
        %gather3A_2305 = vector.shape_cast %reshape3A : vector<16x1xi32> to vector<16xi32>
        %gather3A_2306 = tpu.dynamic_gather %get3A_2299[%gather3A_2305] in [0] : vector<16xf32>, vector<16xi32> -> vector<16xf32>
        %gather3A_2307 = vector.shape_cast %reshape3A : vector<16x1xi32> to vector<16xi32>
        %gather3A_2308 = tpu.dynamic_gather %get3A_2304[%gather3A_2307] in [0] : vector<16xf32>, vector<16xi32> -> vector<16xf32>
        %select_n3A_2309 = arith.select %eq3A_20, %get3A_2304, %gather3A_2308 : vector<16xi1>, vector<16xf32>
        %neg3A_2310 = arith.constant 0.000000e+00 : f32
        %neg3A_2311 = vector.broadcast %neg3A_2310 : f32 to vector<16xf32>
        %neg3A_2312 = arith.subf %neg3A_2311, %get3A_2304 : vector<16xf32>
        %select_n3A_2313 = arith.select %eq3A_20, %gather3A_2308, %neg3A_2312 : vector<16xi1>, vector<16xf32>
        %mul3A_2314 = arith.mulf %get3A_2299, %select_n3A_2309 : vector<16xf32>
        %mul3A_2315 = arith.mulf %gather3A_2306, %select_n3A_2313 : vector<16xf32>
        %add3A_2316 = arith.addf %mul3A_2314, %mul3A_2315 : vector<16xf32>
        %mul3A_2317 = arith.mulf %get3A_2294, %add3A_2316 : vector<16xf32>
        %add3A_2318 = arith.addf %add3A_2289, %mul3A_2317 : vector<16xf32>
        %get3A_2319 = arith.index_cast %and3A_130 : i32 to index
        %get3A_2320 = arith.index_cast %add3A_2171 : i32 to index
        %get3A_2321 = arith.constant 80 : index
        %get3A_2322 = tpu.vector_load %arg15[%get3A_2319, %get3A_2320, %get3A_2321] {strides = array<i32>} : memref<2x128x128xf32, #tpu.memory_space<vmem>>, vector<1x1x16xf32>,
        %get3A_2323 = vector.shape_cast %get3A_2322 : vector<1x1x16xf32> to vector<16xf32>
        %get3A_2324 = arith.index_cast %and3A_130 : i32 to index
        %get3A_2325 = arith.index_cast %add3A_2171 : i32 to index
        %get3A_2326 = arith.constant 80 : index
        %get3A_2327 = tpu.vector_load %arg17[%get3A_2324, %get3A_2325, %get3A_2326] {strides = array<i32>} : memref<2x128x128xf32, #tpu.memory_space<vmem>>, vector<1x1x16xf32>,
        %get3A_2328 = vector.shape_cast %get3A_2327 : vector<1x1x16xf32> to vector<16xf32>
        %get3A_2329 = arith.index_cast %and3A_130 : i32 to index
        %get3A_2330 = arith.index_cast %add3A_2171 : i32 to index
        %get3A_2331 = arith.constant 80 : index
        %get3A_2332 = tpu.vector_load %arg16[%get3A_2329, %get3A_2330, %get3A_2331] {strides = array<i32>} : memref<2x128x128xf32, #tpu.memory_space<vmem>>, vector<1x1x16xf32>,
        %get3A_2333 = vector.shape_cast %get3A_2332 : vector<1x1x16xf32> to vector<16xf32>
        %gather3A_2334 = vector.shape_cast %reshape3A : vector<16x1xi32> to vector<16xi32>
        %gather3A_2335 = tpu.dynamic_gather %get3A_2328[%gather3A_2334] in [0] : vector<16xf32>, vector<16xi32> -> vector<16xf32>
        %gather3A_2336 = vector.shape_cast %reshape3A : vector<16x1xi32> to vector<16xi32>
        %gather3A_2337 = tpu.dynamic_gather %get3A_2333[%gather3A_2336] in [0] : vector<16xf32>, vector<16xi32> -> vector<16xf32>
        %select_n3A_2338 = arith.select %eq3A_20, %get3A_2333, %gather3A_2337 : vector<16xi1>, vector<16xf32>
        %neg3A_2339 = arith.constant 0.000000e+00 : f32
        %neg3A_2340 = vector.broadcast %neg3A_2339 : f32 to vector<16xf32>
        %neg3A_2341 = arith.subf %neg3A_2340, %get3A_2333 : vector<16xf32>
        %select_n3A_2342 = arith.select %eq3A_20, %gather3A_2337, %neg3A_2341 : vector<16xi1>, vector<16xf32>
        %mul3A_2343 = arith.mulf %get3A_2328, %select_n3A_2338 : vector<16xf32>
        %mul3A_2344 = arith.mulf %gather3A_2335, %select_n3A_2342 : vector<16xf32>
        %add3A_2345 = arith.addf %mul3A_2343, %mul3A_2344 : vector<16xf32>
        %mul3A_2346 = arith.mulf %get3A_2323, %add3A_2345 : vector<16xf32>
        %add3A_2347 = arith.addf %add3A_2318, %mul3A_2346 : vector<16xf32>
        %get3A_2348 = arith.index_cast %and3A_130 : i32 to index
        %get3A_2349 = arith.index_cast %add3A_2171 : i32 to index
        %get3A_2350 = arith.constant 96 : index
        %get3A_2351 = tpu.vector_load %arg15[%get3A_2348, %get3A_2349, %get3A_2350] {strides = array<i32>} : memref<2x128x128xf32, #tpu.memory_space<vmem>>, vector<1x1x16xf32>,
        %get3A_2352 = vector.shape_cast %get3A_2351 : vector<1x1x16xf32> to vector<16xf32>
        %get3A_2353 = arith.index_cast %and3A_130 : i32 to index
        %get3A_2354 = arith.index_cast %add3A_2171 : i32 to index
        %get3A_2355 = arith.constant 96 : index
        %get3A_2356 = tpu.vector_load %arg17[%get3A_2353, %get3A_2354, %get3A_2355] {strides = array<i32>} : memref<2x128x128xf32, #tpu.memory_space<vmem>>, vector<1x1x16xf32>,
        %get3A_2357 = vector.shape_cast %get3A_2356 : vector<1x1x16xf32> to vector<16xf32>
        %get3A_2358 = arith.index_cast %and3A_130 : i32 to index
        %get3A_2359 = arith.index_cast %add3A_2171 : i32 to index
        %get3A_2360 = arith.constant 96 : index
        %get3A_2361 = tpu.vector_load %arg16[%get3A_2358, %get3A_2359, %get3A_2360] {strides = array<i32>} : memref<2x128x128xf32, #tpu.memory_space<vmem>>, vector<1x1x16xf32>,
        %get3A_2362 = vector.shape_cast %get3A_2361 : vector<1x1x16xf32> to vector<16xf32>
        %gather3A_2363 = vector.shape_cast %reshape3A : vector<16x1xi32> to vector<16xi32>
        %gather3A_2364 = tpu.dynamic_gather %get3A_2357[%gather3A_2363] in [0] : vector<16xf32>, vector<16xi32> -> vector<16xf32>
        %gather3A_2365 = vector.shape_cast %reshape3A : vector<16x1xi32> to vector<16xi32>
        %gather3A_2366 = tpu.dynamic_gather %get3A_2362[%gather3A_2365] in [0] : vector<16xf32>, vector<16xi32> -> vector<16xf32>
        %select_n3A_2367 = arith.select %eq3A_20, %get3A_2362, %gather3A_2366 : vector<16xi1>, vector<16xf32>
        %neg3A_2368 = arith.constant 0.000000e+00 : f32
        %neg3A_2369 = vector.broadcast %neg3A_2368 : f32 to vector<16xf32>
        %neg3A_2370 = arith.subf %neg3A_2369, %get3A_2362 : vector<16xf32>
        %select_n3A_2371 = arith.select %eq3A_20, %gather3A_2366, %neg3A_2370 : vector<16xi1>, vector<16xf32>
        %mul3A_2372 = arith.mulf %get3A_2357, %select_n3A_2367 : vector<16xf32>
        %mul3A_2373 = arith.mulf %gather3A_2364, %select_n3A_2371 : vector<16xf32>
        %add3A_2374 = arith.addf %mul3A_2372, %mul3A_2373 : vector<16xf32>
        %mul3A_2375 = arith.mulf %get3A_2352, %add3A_2374 : vector<16xf32>
        %add3A_2376 = arith.addf %add3A_2347, %mul3A_2375 : vector<16xf32>
        %get3A_2377 = arith.index_cast %and3A_130 : i32 to index
        %get3A_2378 = arith.index_cast %add3A_2171 : i32 to index
        %get3A_2379 = arith.constant 112 : index
        %get3A_2380 = tpu.vector_load %arg15[%get3A_2377, %get3A_2378, %get3A_2379] {strides = array<i32>} : memref<2x128x128xf32, #tpu.memory_space<vmem>>, vector<1x1x16xf32>,
        %get3A_2381 = vector.shape_cast %get3A_2380 : vector<1x1x16xf32> to vector<16xf32>
        %get3A_2382 = arith.index_cast %and3A_130 : i32 to index
        %get3A_2383 = arith.index_cast %add3A_2171 : i32 to index
        %get3A_2384 = arith.constant 112 : index
        %get3A_2385 = tpu.vector_load %arg17[%get3A_2382, %get3A_2383, %get3A_2384] {strides = array<i32>} : memref<2x128x128xf32, #tpu.memory_space<vmem>>, vector<1x1x16xf32>,
        %get3A_2386 = vector.shape_cast %get3A_2385 : vector<1x1x16xf32> to vector<16xf32>
        %get3A_2387 = arith.index_cast %and3A_130 : i32 to index
        %get3A_2388 = arith.index_cast %add3A_2171 : i32 to index
        %get3A_2389 = arith.constant 112 : index
        %get3A_2390 = tpu.vector_load %arg16[%get3A_2387, %get3A_2388, %get3A_2389] {strides = array<i32>} : memref<2x128x128xf32, #tpu.memory_space<vmem>>, vector<1x1x16xf32>,
        %get3A_2391 = vector.shape_cast %get3A_2390 : vector<1x1x16xf32> to vector<16xf32>
        %gather3A_2392 = vector.shape_cast %reshape3A : vector<16x1xi32> to vector<16xi32>
        %gather3A_2393 = tpu.dynamic_gather %get3A_2386[%gather3A_2392] in [0] : vector<16xf32>, vector<16xi32> -> vector<16xf32>
        %gather3A_2394 = vector.shape_cast %reshape3A : vector<16x1xi32> to vector<16xi32>
        %gather3A_2395 = tpu.dynamic_gather %get3A_2391[%gather3A_2394] in [0] : vector<16xf32>, vector<16xi32> -> vector<16xf32>
        %select_n3A_2396 = arith.select %eq3A_20, %get3A_2391, %gather3A_2395 : vector<16xi1>, vector<16xf32>
        %neg3A_2397 = arith.constant 0.000000e+00 : f32
        %neg3A_2398 = vector.broadcast %neg3A_2397 : f32 to vector<16xf32>
        %neg3A_2399 = arith.subf %neg3A_2398, %get3A_2391 : vector<16xf32>
        %select_n3A_2400 = arith.select %eq3A_20, %gather3A_2395, %neg3A_2399 : vector<16xi1>, vector<16xf32>
        %mul3A_2401 = arith.mulf %get3A_2386, %select_n3A_2396 : vector<16xf32>
        %mul3A_2402 = arith.mulf %gather3A_2393, %select_n3A_2400 : vector<16xf32>
        %add3A_2403 = arith.addf %mul3A_2401, %mul3A_2402 : vector<16xf32>
        %mul3A_2404 = arith.mulf %get3A_2381, %add3A_2403 : vector<16xf32>
        %add3A_2405 = arith.addf %add3A_2376, %mul3A_2404 : vector<16xf32>
        %gather3A_2406 = vector.shape_cast %reshape3A : vector<16x1xi32> to vector<16xi32>
        %gather3A_2407 = tpu.dynamic_gather %add3A_2405[%gather3A_2406] in [0] : vector<16xf32>, vector<16xi32> -> vector<16xf32>
        %add3A_2408 = arith.addf %add3A_2405, %gather3A_2407 : vector<16xf32>
        %gather3A_2409 = vector.shape_cast %reshape3A_8 : vector<16x1xi32> to vector<16xi32>
        %gather3A_2410 = tpu.dynamic_gather %add3A_2408[%gather3A_2409] in [0] : vector<16xf32>, vector<16xi32> -> vector<16xf32>
        %add3A_2411 = arith.addf %add3A_2408, %gather3A_2410 : vector<16xf32>
        %gather3A_2412 = vector.shape_cast %reshape3A_12 : vector<16x1xi32> to vector<16xi32>
        %gather3A_2413 = tpu.dynamic_gather %add3A_2411[%gather3A_2412] in [0] : vector<16xf32>, vector<16xi32> -> vector<16xf32>
        %add3A_2414 = arith.addf %add3A_2411, %gather3A_2413 : vector<16xf32>
        %gather3A_2415 = vector.shape_cast %reshape3A_16 : vector<16x1xi32> to vector<16xi32>
        %gather3A_2416 = tpu.dynamic_gather %add3A_2414[%gather3A_2415] in [0] : vector<16xf32>, vector<16xi32> -> vector<16xf32>
        %add3A_2417 = arith.addf %add3A_2414, %gather3A_2416 : vector<16xf32>
        %eq3A_2418 = arith.constant 8 : i32
        %eq3A_2419 = vector.broadcast %eq3A_2418 : i32 to vector<16xi32>
        %eq3A_2420 = arith.cmpi eq, %iota3A, %eq3A_2419 : vector<16xi32>
        %select_n3A_2421 = arith.select %eq3A_2420, %add3A_2417, %select_n3A_2169 : vector<16xi1>, vector<16xf32>
        %add3A_2422 = arith.constant 9 : i32
        %add3A_2423 = arith.addi %mul3A_156, %add3A_2422 : i32
        %broadcast_in_dim3A_2424 = arith.constant 0.000000e+00 : f32
        %broadcast_in_dim3A_2425 = vector.broadcast %broadcast_in_dim3A_2424 : f32 to vector<16xf32>
        %get3A_2426 = arith.index_cast %and3A_130 : i32 to index
        %get3A_2427 = arith.index_cast %add3A_2423 : i32 to index
        %get3A_2428 = arith.constant 0 : index
        %get3A_2429 = tpu.vector_load %arg15[%get3A_2426, %get3A_2427, %get3A_2428] {strides = array<i32>} : memref<2x128x128xf32, #tpu.memory_space<vmem>>, vector<1x1x16xf32>,
        %get3A_2430 = vector.shape_cast %get3A_2429 : vector<1x1x16xf32> to vector<16xf32>
        %get3A_2431 = arith.index_cast %and3A_130 : i32 to index
        %get3A_2432 = arith.index_cast %add3A_2423 : i32 to index
        %get3A_2433 = arith.constant 0 : index
        %get3A_2434 = tpu.vector_load %arg17[%get3A_2431, %get3A_2432, %get3A_2433] {strides = array<i32>} : memref<2x128x128xf32, #tpu.memory_space<vmem>>, vector<1x1x16xf32>,
        %get3A_2435 = vector.shape_cast %get3A_2434 : vector<1x1x16xf32> to vector<16xf32>
        %get3A_2436 = arith.index_cast %and3A_130 : i32 to index
        %get3A_2437 = arith.index_cast %add3A_2423 : i32 to index
        %get3A_2438 = arith.constant 0 : index
        %get3A_2439 = tpu.vector_load %arg16[%get3A_2436, %get3A_2437, %get3A_2438] {strides = array<i32>} : memref<2x128x128xf32, #tpu.memory_space<vmem>>, vector<1x1x16xf32>,
        %get3A_2440 = vector.shape_cast %get3A_2439 : vector<1x1x16xf32> to vector<16xf32>
        %gather3A_2441 = vector.shape_cast %reshape3A : vector<16x1xi32> to vector<16xi32>
        %gather3A_2442 = tpu.dynamic_gather %get3A_2435[%gather3A_2441] in [0] : vector<16xf32>, vector<16xi32> -> vector<16xf32>
        %gather3A_2443 = vector.shape_cast %reshape3A : vector<16x1xi32> to vector<16xi32>
        %gather3A_2444 = tpu.dynamic_gather %get3A_2440[%gather3A_2443] in [0] : vector<16xf32>, vector<16xi32> -> vector<16xf32>
        %select_n3A_2445 = arith.select %eq3A_20, %get3A_2440, %gather3A_2444 : vector<16xi1>, vector<16xf32>
        %neg3A_2446 = arith.constant 0.000000e+00 : f32
        %neg3A_2447 = vector.broadcast %neg3A_2446 : f32 to vector<16xf32>
        %neg3A_2448 = arith.subf %neg3A_2447, %get3A_2440 : vector<16xf32>
        %select_n3A_2449 = arith.select %eq3A_20, %gather3A_2444, %neg3A_2448 : vector<16xi1>, vector<16xf32>
        %mul3A_2450 = arith.mulf %get3A_2435, %select_n3A_2445 : vector<16xf32>
        %mul3A_2451 = arith.mulf %gather3A_2442, %select_n3A_2449 : vector<16xf32>
        %add3A_2452 = arith.addf %mul3A_2450, %mul3A_2451 : vector<16xf32>
        %mul3A_2453 = arith.mulf %get3A_2430, %add3A_2452 : vector<16xf32>
        %add3A_2454 = arith.addf %broadcast_in_dim3A_2425, %mul3A_2453 : vector<16xf32>
        %get3A_2455 = arith.index_cast %and3A_130 : i32 to index
        %get3A_2456 = arith.index_cast %add3A_2423 : i32 to index
        %get3A_2457 = arith.constant 16 : index
        %get3A_2458 = tpu.vector_load %arg15[%get3A_2455, %get3A_2456, %get3A_2457] {strides = array<i32>} : memref<2x128x128xf32, #tpu.memory_space<vmem>>, vector<1x1x16xf32>,
        %get3A_2459 = vector.shape_cast %get3A_2458 : vector<1x1x16xf32> to vector<16xf32>
        %get3A_2460 = arith.index_cast %and3A_130 : i32 to index
        %get3A_2461 = arith.index_cast %add3A_2423 : i32 to index
        %get3A_2462 = arith.constant 16 : index
        %get3A_2463 = tpu.vector_load %arg17[%get3A_2460, %get3A_2461, %get3A_2462] {strides = array<i32>} : memref<2x128x128xf32, #tpu.memory_space<vmem>>, vector<1x1x16xf32>,
        %get3A_2464 = vector.shape_cast %get3A_2463 : vector<1x1x16xf32> to vector<16xf32>
        %get3A_2465 = arith.index_cast %and3A_130 : i32 to index
        %get3A_2466 = arith.index_cast %add3A_2423 : i32 to index
        %get3A_2467 = arith.constant 16 : index
        %get3A_2468 = tpu.vector_load %arg16[%get3A_2465, %get3A_2466, %get3A_2467] {strides = array<i32>} : memref<2x128x128xf32, #tpu.memory_space<vmem>>, vector<1x1x16xf32>,
        %get3A_2469 = vector.shape_cast %get3A_2468 : vector<1x1x16xf32> to vector<16xf32>
        %gather3A_2470 = vector.shape_cast %reshape3A : vector<16x1xi32> to vector<16xi32>
        %gather3A_2471 = tpu.dynamic_gather %get3A_2464[%gather3A_2470] in [0] : vector<16xf32>, vector<16xi32> -> vector<16xf32>
        %gather3A_2472 = vector.shape_cast %reshape3A : vector<16x1xi32> to vector<16xi32>
        %gather3A_2473 = tpu.dynamic_gather %get3A_2469[%gather3A_2472] in [0] : vector<16xf32>, vector<16xi32> -> vector<16xf32>
        %select_n3A_2474 = arith.select %eq3A_20, %get3A_2469, %gather3A_2473 : vector<16xi1>, vector<16xf32>
        %neg3A_2475 = arith.constant 0.000000e+00 : f32
        %neg3A_2476 = vector.broadcast %neg3A_2475 : f32 to vector<16xf32>
        %neg3A_2477 = arith.subf %neg3A_2476, %get3A_2469 : vector<16xf32>
        %select_n3A_2478 = arith.select %eq3A_20, %gather3A_2473, %neg3A_2477 : vector<16xi1>, vector<16xf32>
        %mul3A_2479 = arith.mulf %get3A_2464, %select_n3A_2474 : vector<16xf32>
        %mul3A_2480 = arith.mulf %gather3A_2471, %select_n3A_2478 : vector<16xf32>
        %add3A_2481 = arith.addf %mul3A_2479, %mul3A_2480 : vector<16xf32>
        %mul3A_2482 = arith.mulf %get3A_2459, %add3A_2481 : vector<16xf32>
        %add3A_2483 = arith.addf %add3A_2454, %mul3A_2482 : vector<16xf32>
        %get3A_2484 = arith.index_cast %and3A_130 : i32 to index
        %get3A_2485 = arith.index_cast %add3A_2423 : i32 to index
        %get3A_2486 = arith.constant 32 : index
        %get3A_2487 = tpu.vector_load %arg15[%get3A_2484, %get3A_2485, %get3A_2486] {strides = array<i32>} : memref<2x128x128xf32, #tpu.memory_space<vmem>>, vector<1x1x16xf32>,
        %get3A_2488 = vector.shape_cast %get3A_2487 : vector<1x1x16xf32> to vector<16xf32>
        %get3A_2489 = arith.index_cast %and3A_130 : i32 to index
        %get3A_2490 = arith.index_cast %add3A_2423 : i32 to index
        %get3A_2491 = arith.constant 32 : index
        %get3A_2492 = tpu.vector_load %arg17[%get3A_2489, %get3A_2490, %get3A_2491] {strides = array<i32>} : memref<2x128x128xf32, #tpu.memory_space<vmem>>, vector<1x1x16xf32>,
        %get3A_2493 = vector.shape_cast %get3A_2492 : vector<1x1x16xf32> to vector<16xf32>
        %get3A_2494 = arith.index_cast %and3A_130 : i32 to index
        %get3A_2495 = arith.index_cast %add3A_2423 : i32 to index
        %get3A_2496 = arith.constant 32 : index
        %get3A_2497 = tpu.vector_load %arg16[%get3A_2494, %get3A_2495, %get3A_2496] {strides = array<i32>} : memref<2x128x128xf32, #tpu.memory_space<vmem>>, vector<1x1x16xf32>,
        %get3A_2498 = vector.shape_cast %get3A_2497 : vector<1x1x16xf32> to vector<16xf32>
        %gather3A_2499 = vector.shape_cast %reshape3A : vector<16x1xi32> to vector<16xi32>
        %gather3A_2500 = tpu.dynamic_gather %get3A_2493[%gather3A_2499] in [0] : vector<16xf32>, vector<16xi32> -> vector<16xf32>
        %gather3A_2501 = vector.shape_cast %reshape3A : vector<16x1xi32> to vector<16xi32>
        %gather3A_2502 = tpu.dynamic_gather %get3A_2498[%gather3A_2501] in [0] : vector<16xf32>, vector<16xi32> -> vector<16xf32>
        %select_n3A_2503 = arith.select %eq3A_20, %get3A_2498, %gather3A_2502 : vector<16xi1>, vector<16xf32>
        %neg3A_2504 = arith.constant 0.000000e+00 : f32
        %neg3A_2505 = vector.broadcast %neg3A_2504 : f32 to vector<16xf32>
        %neg3A_2506 = arith.subf %neg3A_2505, %get3A_2498 : vector<16xf32>
        %select_n3A_2507 = arith.select %eq3A_20, %gather3A_2502, %neg3A_2506 : vector<16xi1>, vector<16xf32>
        %mul3A_2508 = arith.mulf %get3A_2493, %select_n3A_2503 : vector<16xf32>
        %mul3A_2509 = arith.mulf %gather3A_2500, %select_n3A_2507 : vector<16xf32>
        %add3A_2510 = arith.addf %mul3A_2508, %mul3A_2509 : vector<16xf32>
        %mul3A_2511 = arith.mulf %get3A_2488, %add3A_2510 : vector<16xf32>
        %add3A_2512 = arith.addf %add3A_2483, %mul3A_2511 : vector<16xf32>
        %get3A_2513 = arith.index_cast %and3A_130 : i32 to index
        %get3A_2514 = arith.index_cast %add3A_2423 : i32 to index
        %get3A_2515 = arith.constant 48 : index
        %get3A_2516 = tpu.vector_load %arg15[%get3A_2513, %get3A_2514, %get3A_2515] {strides = array<i32>} : memref<2x128x128xf32, #tpu.memory_space<vmem>>, vector<1x1x16xf32>,
        %get3A_2517 = vector.shape_cast %get3A_2516 : vector<1x1x16xf32> to vector<16xf32>
        %get3A_2518 = arith.index_cast %and3A_130 : i32 to index
        %get3A_2519 = arith.index_cast %add3A_2423 : i32 to index
        %get3A_2520 = arith.constant 48 : index
        %get3A_2521 = tpu.vector_load %arg17[%get3A_2518, %get3A_2519, %get3A_2520] {strides = array<i32>} : memref<2x128x128xf32, #tpu.memory_space<vmem>>, vector<1x1x16xf32>,
        %get3A_2522 = vector.shape_cast %get3A_2521 : vector<1x1x16xf32> to vector<16xf32>
        %get3A_2523 = arith.index_cast %and3A_130 : i32 to index
        %get3A_2524 = arith.index_cast %add3A_2423 : i32 to index
        %get3A_2525 = arith.constant 48 : index
        %get3A_2526 = tpu.vector_load %arg16[%get3A_2523, %get3A_2524, %get3A_2525] {strides = array<i32>} : memref<2x128x128xf32, #tpu.memory_space<vmem>>, vector<1x1x16xf32>,
        %get3A_2527 = vector.shape_cast %get3A_2526 : vector<1x1x16xf32> to vector<16xf32>
        %gather3A_2528 = vector.shape_cast %reshape3A : vector<16x1xi32> to vector<16xi32>
        %gather3A_2529 = tpu.dynamic_gather %get3A_2522[%gather3A_2528] in [0] : vector<16xf32>, vector<16xi32> -> vector<16xf32>
        %gather3A_2530 = vector.shape_cast %reshape3A : vector<16x1xi32> to vector<16xi32>
        %gather3A_2531 = tpu.dynamic_gather %get3A_2527[%gather3A_2530] in [0] : vector<16xf32>, vector<16xi32> -> vector<16xf32>
        %select_n3A_2532 = arith.select %eq3A_20, %get3A_2527, %gather3A_2531 : vector<16xi1>, vector<16xf32>
        %neg3A_2533 = arith.constant 0.000000e+00 : f32
        %neg3A_2534 = vector.broadcast %neg3A_2533 : f32 to vector<16xf32>
        %neg3A_2535 = arith.subf %neg3A_2534, %get3A_2527 : vector<16xf32>
        %select_n3A_2536 = arith.select %eq3A_20, %gather3A_2531, %neg3A_2535 : vector<16xi1>, vector<16xf32>
        %mul3A_2537 = arith.mulf %get3A_2522, %select_n3A_2532 : vector<16xf32>
        %mul3A_2538 = arith.mulf %gather3A_2529, %select_n3A_2536 : vector<16xf32>
        %add3A_2539 = arith.addf %mul3A_2537, %mul3A_2538 : vector<16xf32>
        %mul3A_2540 = arith.mulf %get3A_2517, %add3A_2539 : vector<16xf32>
        %add3A_2541 = arith.addf %add3A_2512, %mul3A_2540 : vector<16xf32>
        %get3A_2542 = arith.index_cast %and3A_130 : i32 to index
        %get3A_2543 = arith.index_cast %add3A_2423 : i32 to index
        %get3A_2544 = arith.constant 64 : index
        %get3A_2545 = tpu.vector_load %arg15[%get3A_2542, %get3A_2543, %get3A_2544] {strides = array<i32>} : memref<2x128x128xf32, #tpu.memory_space<vmem>>, vector<1x1x16xf32>,
        %get3A_2546 = vector.shape_cast %get3A_2545 : vector<1x1x16xf32> to vector<16xf32>
        %get3A_2547 = arith.index_cast %and3A_130 : i32 to index
        %get3A_2548 = arith.index_cast %add3A_2423 : i32 to index
        %get3A_2549 = arith.constant 64 : index
        %get3A_2550 = tpu.vector_load %arg17[%get3A_2547, %get3A_2548, %get3A_2549] {strides = array<i32>} : memref<2x128x128xf32, #tpu.memory_space<vmem>>, vector<1x1x16xf32>,
        %get3A_2551 = vector.shape_cast %get3A_2550 : vector<1x1x16xf32> to vector<16xf32>
        %get3A_2552 = arith.index_cast %and3A_130 : i32 to index
        %get3A_2553 = arith.index_cast %add3A_2423 : i32 to index
        %get3A_2554 = arith.constant 64 : index
        %get3A_2555 = tpu.vector_load %arg16[%get3A_2552, %get3A_2553, %get3A_2554] {strides = array<i32>} : memref<2x128x128xf32, #tpu.memory_space<vmem>>, vector<1x1x16xf32>,
        %get3A_2556 = vector.shape_cast %get3A_2555 : vector<1x1x16xf32> to vector<16xf32>
        %gather3A_2557 = vector.shape_cast %reshape3A : vector<16x1xi32> to vector<16xi32>
        %gather3A_2558 = tpu.dynamic_gather %get3A_2551[%gather3A_2557] in [0] : vector<16xf32>, vector<16xi32> -> vector<16xf32>
        %gather3A_2559 = vector.shape_cast %reshape3A : vector<16x1xi32> to vector<16xi32>
        %gather3A_2560 = tpu.dynamic_gather %get3A_2556[%gather3A_2559] in [0] : vector<16xf32>, vector<16xi32> -> vector<16xf32>
        %select_n3A_2561 = arith.select %eq3A_20, %get3A_2556, %gather3A_2560 : vector<16xi1>, vector<16xf32>
        %neg3A_2562 = arith.constant 0.000000e+00 : f32
        %neg3A_2563 = vector.broadcast %neg3A_2562 : f32 to vector<16xf32>
        %neg3A_2564 = arith.subf %neg3A_2563, %get3A_2556 : vector<16xf32>
        %select_n3A_2565 = arith.select %eq3A_20, %gather3A_2560, %neg3A_2564 : vector<16xi1>, vector<16xf32>
        %mul3A_2566 = arith.mulf %get3A_2551, %select_n3A_2561 : vector<16xf32>
        %mul3A_2567 = arith.mulf %gather3A_2558, %select_n3A_2565 : vector<16xf32>
        %add3A_2568 = arith.addf %mul3A_2566, %mul3A_2567 : vector<16xf32>
        %mul3A_2569 = arith.mulf %get3A_2546, %add3A_2568 : vector<16xf32>
        %add3A_2570 = arith.addf %add3A_2541, %mul3A_2569 : vector<16xf32>
        %get3A_2571 = arith.index_cast %and3A_130 : i32 to index
        %get3A_2572 = arith.index_cast %add3A_2423 : i32 to index
        %get3A_2573 = arith.constant 80 : index
        %get3A_2574 = tpu.vector_load %arg15[%get3A_2571, %get3A_2572, %get3A_2573] {strides = array<i32>} : memref<2x128x128xf32, #tpu.memory_space<vmem>>, vector<1x1x16xf32>,
        %get3A_2575 = vector.shape_cast %get3A_2574 : vector<1x1x16xf32> to vector<16xf32>
        %get3A_2576 = arith.index_cast %and3A_130 : i32 to index
        %get3A_2577 = arith.index_cast %add3A_2423 : i32 to index
        %get3A_2578 = arith.constant 80 : index
        %get3A_2579 = tpu.vector_load %arg17[%get3A_2576, %get3A_2577, %get3A_2578] {strides = array<i32>} : memref<2x128x128xf32, #tpu.memory_space<vmem>>, vector<1x1x16xf32>,
        %get3A_2580 = vector.shape_cast %get3A_2579 : vector<1x1x16xf32> to vector<16xf32>
        %get3A_2581 = arith.index_cast %and3A_130 : i32 to index
        %get3A_2582 = arith.index_cast %add3A_2423 : i32 to index
        %get3A_2583 = arith.constant 80 : index
        %get3A_2584 = tpu.vector_load %arg16[%get3A_2581, %get3A_2582, %get3A_2583] {strides = array<i32>} : memref<2x128x128xf32, #tpu.memory_space<vmem>>, vector<1x1x16xf32>,
        %get3A_2585 = vector.shape_cast %get3A_2584 : vector<1x1x16xf32> to vector<16xf32>
        %gather3A_2586 = vector.shape_cast %reshape3A : vector<16x1xi32> to vector<16xi32>
        %gather3A_2587 = tpu.dynamic_gather %get3A_2580[%gather3A_2586] in [0] : vector<16xf32>, vector<16xi32> -> vector<16xf32>
        %gather3A_2588 = vector.shape_cast %reshape3A : vector<16x1xi32> to vector<16xi32>
        %gather3A_2589 = tpu.dynamic_gather %get3A_2585[%gather3A_2588] in [0] : vector<16xf32>, vector<16xi32> -> vector<16xf32>
        %select_n3A_2590 = arith.select %eq3A_20, %get3A_2585, %gather3A_2589 : vector<16xi1>, vector<16xf32>
        %neg3A_2591 = arith.constant 0.000000e+00 : f32
        %neg3A_2592 = vector.broadcast %neg3A_2591 : f32 to vector<16xf32>
        %neg3A_2593 = arith.subf %neg3A_2592, %get3A_2585 : vector<16xf32>
        %select_n3A_2594 = arith.select %eq3A_20, %gather3A_2589, %neg3A_2593 : vector<16xi1>, vector<16xf32>
        %mul3A_2595 = arith.mulf %get3A_2580, %select_n3A_2590 : vector<16xf32>
        %mul3A_2596 = arith.mulf %gather3A_2587, %select_n3A_2594 : vector<16xf32>
        %add3A_2597 = arith.addf %mul3A_2595, %mul3A_2596 : vector<16xf32>
        %mul3A_2598 = arith.mulf %get3A_2575, %add3A_2597 : vector<16xf32>
        %add3A_2599 = arith.addf %add3A_2570, %mul3A_2598 : vector<16xf32>
        %get3A_2600 = arith.index_cast %and3A_130 : i32 to index
        %get3A_2601 = arith.index_cast %add3A_2423 : i32 to index
        %get3A_2602 = arith.constant 96 : index
        %get3A_2603 = tpu.vector_load %arg15[%get3A_2600, %get3A_2601, %get3A_2602] {strides = array<i32>} : memref<2x128x128xf32, #tpu.memory_space<vmem>>, vector<1x1x16xf32>,
        %get3A_2604 = vector.shape_cast %get3A_2603 : vector<1x1x16xf32> to vector<16xf32>
        %get3A_2605 = arith.index_cast %and3A_130 : i32 to index
        %get3A_2606 = arith.index_cast %add3A_2423 : i32 to index
        %get3A_2607 = arith.constant 96 : index
        %get3A_2608 = tpu.vector_load %arg17[%get3A_2605, %get3A_2606, %get3A_2607] {strides = array<i32>} : memref<2x128x128xf32, #tpu.memory_space<vmem>>, vector<1x1x16xf32>,
        %get3A_2609 = vector.shape_cast %get3A_2608 : vector<1x1x16xf32> to vector<16xf32>
        %get3A_2610 = arith.index_cast %and3A_130 : i32 to index
        %get3A_2611 = arith.index_cast %add3A_2423 : i32 to index
        %get3A_2612 = arith.constant 96 : index
        %get3A_2613 = tpu.vector_load %arg16[%get3A_2610, %get3A_2611, %get3A_2612] {strides = array<i32>} : memref<2x128x128xf32, #tpu.memory_space<vmem>>, vector<1x1x16xf32>,
        %get3A_2614 = vector.shape_cast %get3A_2613 : vector<1x1x16xf32> to vector<16xf32>
        %gather3A_2615 = vector.shape_cast %reshape3A : vector<16x1xi32> to vector<16xi32>
        %gather3A_2616 = tpu.dynamic_gather %get3A_2609[%gather3A_2615] in [0] : vector<16xf32>, vector<16xi32> -> vector<16xf32>
        %gather3A_2617 = vector.shape_cast %reshape3A : vector<16x1xi32> to vector<16xi32>
        %gather3A_2618 = tpu.dynamic_gather %get3A_2614[%gather3A_2617] in [0] : vector<16xf32>, vector<16xi32> -> vector<16xf32>
        %select_n3A_2619 = arith.select %eq3A_20, %get3A_2614, %gather3A_2618 : vector<16xi1>, vector<16xf32>
        %neg3A_2620 = arith.constant 0.000000e+00 : f32
        %neg3A_2621 = vector.broadcast %neg3A_2620 : f32 to vector<16xf32>
        %neg3A_2622 = arith.subf %neg3A_2621, %get3A_2614 : vector<16xf32>
        %select_n3A_2623 = arith.select %eq3A_20, %gather3A_2618, %neg3A_2622 : vector<16xi1>, vector<16xf32>
        %mul3A_2624 = arith.mulf %get3A_2609, %select_n3A_2619 : vector<16xf32>
        %mul3A_2625 = arith.mulf %gather3A_2616, %select_n3A_2623 : vector<16xf32>
        %add3A_2626 = arith.addf %mul3A_2624, %mul3A_2625 : vector<16xf32>
        %mul3A_2627 = arith.mulf %get3A_2604, %add3A_2626 : vector<16xf32>
        %add3A_2628 = arith.addf %add3A_2599, %mul3A_2627 : vector<16xf32>
        %get3A_2629 = arith.index_cast %and3A_130 : i32 to index
        %get3A_2630 = arith.index_cast %add3A_2423 : i32 to index
        %get3A_2631 = arith.constant 112 : index
        %get3A_2632 = tpu.vector_load %arg15[%get3A_2629, %get3A_2630, %get3A_2631] {strides = array<i32>} : memref<2x128x128xf32, #tpu.memory_space<vmem>>, vector<1x1x16xf32>,
        %get3A_2633 = vector.shape_cast %get3A_2632 : vector<1x1x16xf32> to vector<16xf32>
        %get3A_2634 = arith.index_cast %and3A_130 : i32 to index
        %get3A_2635 = arith.index_cast %add3A_2423 : i32 to index
        %get3A_2636 = arith.constant 112 : index
        %get3A_2637 = tpu.vector_load %arg17[%get3A_2634, %get3A_2635, %get3A_2636] {strides = array<i32>} : memref<2x128x128xf32, #tpu.memory_space<vmem>>, vector<1x1x16xf32>,
        %get3A_2638 = vector.shape_cast %get3A_2637 : vector<1x1x16xf32> to vector<16xf32>
        %get3A_2639 = arith.index_cast %and3A_130 : i32 to index
        %get3A_2640 = arith.index_cast %add3A_2423 : i32 to index
        %get3A_2641 = arith.constant 112 : index
        %get3A_2642 = tpu.vector_load %arg16[%get3A_2639, %get3A_2640, %get3A_2641] {strides = array<i32>} : memref<2x128x128xf32, #tpu.memory_space<vmem>>, vector<1x1x16xf32>,
        %get3A_2643 = vector.shape_cast %get3A_2642 : vector<1x1x16xf32> to vector<16xf32>
        %gather3A_2644 = vector.shape_cast %reshape3A : vector<16x1xi32> to vector<16xi32>
        %gather3A_2645 = tpu.dynamic_gather %get3A_2638[%gather3A_2644] in [0] : vector<16xf32>, vector<16xi32> -> vector<16xf32>
        %gather3A_2646 = vector.shape_cast %reshape3A : vector<16x1xi32> to vector<16xi32>
        %gather3A_2647 = tpu.dynamic_gather %get3A_2643[%gather3A_2646] in [0] : vector<16xf32>, vector<16xi32> -> vector<16xf32>
        %select_n3A_2648 = arith.select %eq3A_20, %get3A_2643, %gather3A_2647 : vector<16xi1>, vector<16xf32>
        %neg3A_2649 = arith.constant 0.000000e+00 : f32
        %neg3A_2650 = vector.broadcast %neg3A_2649 : f32 to vector<16xf32>
        %neg3A_2651 = arith.subf %neg3A_2650, %get3A_2643 : vector<16xf32>
        %select_n3A_2652 = arith.select %eq3A_20, %gather3A_2647, %neg3A_2651 : vector<16xi1>, vector<16xf32>
        %mul3A_2653 = arith.mulf %get3A_2638, %select_n3A_2648 : vector<16xf32>
        %mul3A_2654 = arith.mulf %gather3A_2645, %select_n3A_2652 : vector<16xf32>
        %add3A_2655 = arith.addf %mul3A_2653, %mul3A_2654 : vector<16xf32>
        %mul3A_2656 = arith.mulf %get3A_2633, %add3A_2655 : vector<16xf32>
        %add3A_2657 = arith.addf %add3A_2628, %mul3A_2656 : vector<16xf32>
        %gather3A_2658 = vector.shape_cast %reshape3A : vector<16x1xi32> to vector<16xi32>
        %gather3A_2659 = tpu.dynamic_gather %add3A_2657[%gather3A_2658] in [0] : vector<16xf32>, vector<16xi32> -> vector<16xf32>
        %add3A_2660 = arith.addf %add3A_2657, %gather3A_2659 : vector<16xf32>
        %gather3A_2661 = vector.shape_cast %reshape3A_8 : vector<16x1xi32> to vector<16xi32>
        %gather3A_2662 = tpu.dynamic_gather %add3A_2660[%gather3A_2661] in [0] : vector<16xf32>, vector<16xi32> -> vector<16xf32>
        %add3A_2663 = arith.addf %add3A_2660, %gather3A_2662 : vector<16xf32>
        %gather3A_2664 = vector.shape_cast %reshape3A_12 : vector<16x1xi32> to vector<16xi32>
        %gather3A_2665 = tpu.dynamic_gather %add3A_2663[%gather3A_2664] in [0] : vector<16xf32>, vector<16xi32> -> vector<16xf32>
        %add3A_2666 = arith.addf %add3A_2663, %gather3A_2665 : vector<16xf32>
        %gather3A_2667 = vector.shape_cast %reshape3A_16 : vector<16x1xi32> to vector<16xi32>
        %gather3A_2668 = tpu.dynamic_gather %add3A_2666[%gather3A_2667] in [0] : vector<16xf32>, vector<16xi32> -> vector<16xf32>
        %add3A_2669 = arith.addf %add3A_2666, %gather3A_2668 : vector<16xf32>
        %eq3A_2670 = arith.constant 9 : i32
        %eq3A_2671 = vector.broadcast %eq3A_2670 : i32 to vector<16xi32>
        %eq3A_2672 = arith.cmpi eq, %iota3A, %eq3A_2671 : vector<16xi32>
        %select_n3A_2673 = arith.select %eq3A_2672, %add3A_2669, %select_n3A_2421 : vector<16xi1>, vector<16xf32>
        %add3A_2674 = arith.constant 10 : i32
        %add3A_2675 = arith.addi %mul3A_156, %add3A_2674 : i32
        %broadcast_in_dim3A_2676 = arith.constant 0.000000e+00 : f32
        %broadcast_in_dim3A_2677 = vector.broadcast %broadcast_in_dim3A_2676 : f32 to vector<16xf32>
        %get3A_2678 = arith.index_cast %and3A_130 : i32 to index
        %get3A_2679 = arith.index_cast %add3A_2675 : i32 to index
        %get3A_2680 = arith.constant 0 : index
        %get3A_2681 = tpu.vector_load %arg15[%get3A_2678, %get3A_2679, %get3A_2680] {strides = array<i32>} : memref<2x128x128xf32, #tpu.memory_space<vmem>>, vector<1x1x16xf32>,
        %get3A_2682 = vector.shape_cast %get3A_2681 : vector<1x1x16xf32> to vector<16xf32>
        %get3A_2683 = arith.index_cast %and3A_130 : i32 to index
        %get3A_2684 = arith.index_cast %add3A_2675 : i32 to index
        %get3A_2685 = arith.constant 0 : index
        %get3A_2686 = tpu.vector_load %arg17[%get3A_2683, %get3A_2684, %get3A_2685] {strides = array<i32>} : memref<2x128x128xf32, #tpu.memory_space<vmem>>, vector<1x1x16xf32>,
        %get3A_2687 = vector.shape_cast %get3A_2686 : vector<1x1x16xf32> to vector<16xf32>
        %get3A_2688 = arith.index_cast %and3A_130 : i32 to index
        %get3A_2689 = arith.index_cast %add3A_2675 : i32 to index
        %get3A_2690 = arith.constant 0 : index
        %get3A_2691 = tpu.vector_load %arg16[%get3A_2688, %get3A_2689, %get3A_2690] {strides = array<i32>} : memref<2x128x128xf32, #tpu.memory_space<vmem>>, vector<1x1x16xf32>,
        %get3A_2692 = vector.shape_cast %get3A_2691 : vector<1x1x16xf32> to vector<16xf32>
        %gather3A_2693 = vector.shape_cast %reshape3A : vector<16x1xi32> to vector<16xi32>
        %gather3A_2694 = tpu.dynamic_gather %get3A_2687[%gather3A_2693] in [0] : vector<16xf32>, vector<16xi32> -> vector<16xf32>
        %gather3A_2695 = vector.shape_cast %reshape3A : vector<16x1xi32> to vector<16xi32>
        %gather3A_2696 = tpu.dynamic_gather %get3A_2692[%gather3A_2695] in [0] : vector<16xf32>, vector<16xi32> -> vector<16xf32>
        %select_n3A_2697 = arith.select %eq3A_20, %get3A_2692, %gather3A_2696 : vector<16xi1>, vector<16xf32>
        %neg3A_2698 = arith.constant 0.000000e+00 : f32
        %neg3A_2699 = vector.broadcast %neg3A_2698 : f32 to vector<16xf32>
        %neg3A_2700 = arith.subf %neg3A_2699, %get3A_2692 : vector<16xf32>
        %select_n3A_2701 = arith.select %eq3A_20, %gather3A_2696, %neg3A_2700 : vector<16xi1>, vector<16xf32>
        %mul3A_2702 = arith.mulf %get3A_2687, %select_n3A_2697 : vector<16xf32>
        %mul3A_2703 = arith.mulf %gather3A_2694, %select_n3A_2701 : vector<16xf32>
        %add3A_2704 = arith.addf %mul3A_2702, %mul3A_2703 : vector<16xf32>
        %mul3A_2705 = arith.mulf %get3A_2682, %add3A_2704 : vector<16xf32>
        %add3A_2706 = arith.addf %broadcast_in_dim3A_2677, %mul3A_2705 : vector<16xf32>
        %get3A_2707 = arith.index_cast %and3A_130 : i32 to index
        %get3A_2708 = arith.index_cast %add3A_2675 : i32 to index
        %get3A_2709 = arith.constant 16 : index
        %get3A_2710 = tpu.vector_load %arg15[%get3A_2707, %get3A_2708, %get3A_2709] {strides = array<i32>} : memref<2x128x128xf32, #tpu.memory_space<vmem>>, vector<1x1x16xf32>,
        %get3A_2711 = vector.shape_cast %get3A_2710 : vector<1x1x16xf32> to vector<16xf32>
        %get3A_2712 = arith.index_cast %and3A_130 : i32 to index
        %get3A_2713 = arith.index_cast %add3A_2675 : i32 to index
        %get3A_2714 = arith.constant 16 : index
        %get3A_2715 = tpu.vector_load %arg17[%get3A_2712, %get3A_2713, %get3A_2714] {strides = array<i32>} : memref<2x128x128xf32, #tpu.memory_space<vmem>>, vector<1x1x16xf32>,
        %get3A_2716 = vector.shape_cast %get3A_2715 : vector<1x1x16xf32> to vector<16xf32>
        %get3A_2717 = arith.index_cast %and3A_130 : i32 to index
        %get3A_2718 = arith.index_cast %add3A_2675 : i32 to index
        %get3A_2719 = arith.constant 16 : index
        %get3A_2720 = tpu.vector_load %arg16[%get3A_2717, %get3A_2718, %get3A_2719] {strides = array<i32>} : memref<2x128x128xf32, #tpu.memory_space<vmem>>, vector<1x1x16xf32>,
        %get3A_2721 = vector.shape_cast %get3A_2720 : vector<1x1x16xf32> to vector<16xf32>
        %gather3A_2722 = vector.shape_cast %reshape3A : vector<16x1xi32> to vector<16xi32>
        %gather3A_2723 = tpu.dynamic_gather %get3A_2716[%gather3A_2722] in [0] : vector<16xf32>, vector<16xi32> -> vector<16xf32>
        %gather3A_2724 = vector.shape_cast %reshape3A : vector<16x1xi32> to vector<16xi32>
        %gather3A_2725 = tpu.dynamic_gather %get3A_2721[%gather3A_2724] in [0] : vector<16xf32>, vector<16xi32> -> vector<16xf32>
        %select_n3A_2726 = arith.select %eq3A_20, %get3A_2721, %gather3A_2725 : vector<16xi1>, vector<16xf32>
        %neg3A_2727 = arith.constant 0.000000e+00 : f32
        %neg3A_2728 = vector.broadcast %neg3A_2727 : f32 to vector<16xf32>
        %neg3A_2729 = arith.subf %neg3A_2728, %get3A_2721 : vector<16xf32>
        %select_n3A_2730 = arith.select %eq3A_20, %gather3A_2725, %neg3A_2729 : vector<16xi1>, vector<16xf32>
        %mul3A_2731 = arith.mulf %get3A_2716, %select_n3A_2726 : vector<16xf32>
        %mul3A_2732 = arith.mulf %gather3A_2723, %select_n3A_2730 : vector<16xf32>
        %add3A_2733 = arith.addf %mul3A_2731, %mul3A_2732 : vector<16xf32>
        %mul3A_2734 = arith.mulf %get3A_2711, %add3A_2733 : vector<16xf32>
        %add3A_2735 = arith.addf %add3A_2706, %mul3A_2734 : vector<16xf32>
        %get3A_2736 = arith.index_cast %and3A_130 : i32 to index
        %get3A_2737 = arith.index_cast %add3A_2675 : i32 to index
        %get3A_2738 = arith.constant 32 : index
        %get3A_2739 = tpu.vector_load %arg15[%get3A_2736, %get3A_2737, %get3A_2738] {strides = array<i32>} : memref<2x128x128xf32, #tpu.memory_space<vmem>>, vector<1x1x16xf32>,
        %get3A_2740 = vector.shape_cast %get3A_2739 : vector<1x1x16xf32> to vector<16xf32>
        %get3A_2741 = arith.index_cast %and3A_130 : i32 to index
        %get3A_2742 = arith.index_cast %add3A_2675 : i32 to index
        %get3A_2743 = arith.constant 32 : index
        %get3A_2744 = tpu.vector_load %arg17[%get3A_2741, %get3A_2742, %get3A_2743] {strides = array<i32>} : memref<2x128x128xf32, #tpu.memory_space<vmem>>, vector<1x1x16xf32>,
        %get3A_2745 = vector.shape_cast %get3A_2744 : vector<1x1x16xf32> to vector<16xf32>
        %get3A_2746 = arith.index_cast %and3A_130 : i32 to index
        %get3A_2747 = arith.index_cast %add3A_2675 : i32 to index
        %get3A_2748 = arith.constant 32 : index
        %get3A_2749 = tpu.vector_load %arg16[%get3A_2746, %get3A_2747, %get3A_2748] {strides = array<i32>} : memref<2x128x128xf32, #tpu.memory_space<vmem>>, vector<1x1x16xf32>,
        %get3A_2750 = vector.shape_cast %get3A_2749 : vector<1x1x16xf32> to vector<16xf32>
        %gather3A_2751 = vector.shape_cast %reshape3A : vector<16x1xi32> to vector<16xi32>
        %gather3A_2752 = tpu.dynamic_gather %get3A_2745[%gather3A_2751] in [0] : vector<16xf32>, vector<16xi32> -> vector<16xf32>
        %gather3A_2753 = vector.shape_cast %reshape3A : vector<16x1xi32> to vector<16xi32>
        %gather3A_2754 = tpu.dynamic_gather %get3A_2750[%gather3A_2753] in [0] : vector<16xf32>, vector<16xi32> -> vector<16xf32>
        %select_n3A_2755 = arith.select %eq3A_20, %get3A_2750, %gather3A_2754 : vector<16xi1>, vector<16xf32>
        %neg3A_2756 = arith.constant 0.000000e+00 : f32
        %neg3A_2757 = vector.broadcast %neg3A_2756 : f32 to vector<16xf32>
        %neg3A_2758 = arith.subf %neg3A_2757, %get3A_2750 : vector<16xf32>
        %select_n3A_2759 = arith.select %eq3A_20, %gather3A_2754, %neg3A_2758 : vector<16xi1>, vector<16xf32>
        %mul3A_2760 = arith.mulf %get3A_2745, %select_n3A_2755 : vector<16xf32>
        %mul3A_2761 = arith.mulf %gather3A_2752, %select_n3A_2759 : vector<16xf32>
        %add3A_2762 = arith.addf %mul3A_2760, %mul3A_2761 : vector<16xf32>
        %mul3A_2763 = arith.mulf %get3A_2740, %add3A_2762 : vector<16xf32>
        %add3A_2764 = arith.addf %add3A_2735, %mul3A_2763 : vector<16xf32>
        %get3A_2765 = arith.index_cast %and3A_130 : i32 to index
        %get3A_2766 = arith.index_cast %add3A_2675 : i32 to index
        %get3A_2767 = arith.constant 48 : index
        %get3A_2768 = tpu.vector_load %arg15[%get3A_2765, %get3A_2766, %get3A_2767] {strides = array<i32>} : memref<2x128x128xf32, #tpu.memory_space<vmem>>, vector<1x1x16xf32>,
        %get3A_2769 = vector.shape_cast %get3A_2768 : vector<1x1x16xf32> to vector<16xf32>
        %get3A_2770 = arith.index_cast %and3A_130 : i32 to index
        %get3A_2771 = arith.index_cast %add3A_2675 : i32 to index
        %get3A_2772 = arith.constant 48 : index
        %get3A_2773 = tpu.vector_load %arg17[%get3A_2770, %get3A_2771, %get3A_2772] {strides = array<i32>} : memref<2x128x128xf32, #tpu.memory_space<vmem>>, vector<1x1x16xf32>,
        %get3A_2774 = vector.shape_cast %get3A_2773 : vector<1x1x16xf32> to vector<16xf32>
        %get3A_2775 = arith.index_cast %and3A_130 : i32 to index
        %get3A_2776 = arith.index_cast %add3A_2675 : i32 to index
        %get3A_2777 = arith.constant 48 : index
        %get3A_2778 = tpu.vector_load %arg16[%get3A_2775, %get3A_2776, %get3A_2777] {strides = array<i32>} : memref<2x128x128xf32, #tpu.memory_space<vmem>>, vector<1x1x16xf32>,
        %get3A_2779 = vector.shape_cast %get3A_2778 : vector<1x1x16xf32> to vector<16xf32>
        %gather3A_2780 = vector.shape_cast %reshape3A : vector<16x1xi32> to vector<16xi32>
        %gather3A_2781 = tpu.dynamic_gather %get3A_2774[%gather3A_2780] in [0] : vector<16xf32>, vector<16xi32> -> vector<16xf32>
        %gather3A_2782 = vector.shape_cast %reshape3A : vector<16x1xi32> to vector<16xi32>
        %gather3A_2783 = tpu.dynamic_gather %get3A_2779[%gather3A_2782] in [0] : vector<16xf32>, vector<16xi32> -> vector<16xf32>
        %select_n3A_2784 = arith.select %eq3A_20, %get3A_2779, %gather3A_2783 : vector<16xi1>, vector<16xf32>
        %neg3A_2785 = arith.constant 0.000000e+00 : f32
        %neg3A_2786 = vector.broadcast %neg3A_2785 : f32 to vector<16xf32>
        %neg3A_2787 = arith.subf %neg3A_2786, %get3A_2779 : vector<16xf32>
        %select_n3A_2788 = arith.select %eq3A_20, %gather3A_2783, %neg3A_2787 : vector<16xi1>, vector<16xf32>
        %mul3A_2789 = arith.mulf %get3A_2774, %select_n3A_2784 : vector<16xf32>
        %mul3A_2790 = arith.mulf %gather3A_2781, %select_n3A_2788 : vector<16xf32>
        %add3A_2791 = arith.addf %mul3A_2789, %mul3A_2790 : vector<16xf32>
        %mul3A_2792 = arith.mulf %get3A_2769, %add3A_2791 : vector<16xf32>
        %add3A_2793 = arith.addf %add3A_2764, %mul3A_2792 : vector<16xf32>
        %get3A_2794 = arith.index_cast %and3A_130 : i32 to index
        %get3A_2795 = arith.index_cast %add3A_2675 : i32 to index
        %get3A_2796 = arith.constant 64 : index
        %get3A_2797 = tpu.vector_load %arg15[%get3A_2794, %get3A_2795, %get3A_2796] {strides = array<i32>} : memref<2x128x128xf32, #tpu.memory_space<vmem>>, vector<1x1x16xf32>,
        %get3A_2798 = vector.shape_cast %get3A_2797 : vector<1x1x16xf32> to vector<16xf32>
        %get3A_2799 = arith.index_cast %and3A_130 : i32 to index
        %get3A_2800 = arith.index_cast %add3A_2675 : i32 to index
        %get3A_2801 = arith.constant 64 : index
        %get3A_2802 = tpu.vector_load %arg17[%get3A_2799, %get3A_2800, %get3A_2801] {strides = array<i32>} : memref<2x128x128xf32, #tpu.memory_space<vmem>>, vector<1x1x16xf32>,
        %get3A_2803 = vector.shape_cast %get3A_2802 : vector<1x1x16xf32> to vector<16xf32>
        %get3A_2804 = arith.index_cast %and3A_130 : i32 to index
        %get3A_2805 = arith.index_cast %add3A_2675 : i32 to index
        %get3A_2806 = arith.constant 64 : index
        %get3A_2807 = tpu.vector_load %arg16[%get3A_2804, %get3A_2805, %get3A_2806] {strides = array<i32>} : memref<2x128x128xf32, #tpu.memory_space<vmem>>, vector<1x1x16xf32>,
        %get3A_2808 = vector.shape_cast %get3A_2807 : vector<1x1x16xf32> to vector<16xf32>
        %gather3A_2809 = vector.shape_cast %reshape3A : vector<16x1xi32> to vector<16xi32>
        %gather3A_2810 = tpu.dynamic_gather %get3A_2803[%gather3A_2809] in [0] : vector<16xf32>, vector<16xi32> -> vector<16xf32>
        %gather3A_2811 = vector.shape_cast %reshape3A : vector<16x1xi32> to vector<16xi32>
        %gather3A_2812 = tpu.dynamic_gather %get3A_2808[%gather3A_2811] in [0] : vector<16xf32>, vector<16xi32> -> vector<16xf32>
        %select_n3A_2813 = arith.select %eq3A_20, %get3A_2808, %gather3A_2812 : vector<16xi1>, vector<16xf32>
        %neg3A_2814 = arith.constant 0.000000e+00 : f32
        %neg3A_2815 = vector.broadcast %neg3A_2814 : f32 to vector<16xf32>
        %neg3A_2816 = arith.subf %neg3A_2815, %get3A_2808 : vector<16xf32>
        %select_n3A_2817 = arith.select %eq3A_20, %gather3A_2812, %neg3A_2816 : vector<16xi1>, vector<16xf32>
        %mul3A_2818 = arith.mulf %get3A_2803, %select_n3A_2813 : vector<16xf32>
        %mul3A_2819 = arith.mulf %gather3A_2810, %select_n3A_2817 : vector<16xf32>
        %add3A_2820 = arith.addf %mul3A_2818, %mul3A_2819 : vector<16xf32>
        %mul3A_2821 = arith.mulf %get3A_2798, %add3A_2820 : vector<16xf32>
        %add3A_2822 = arith.addf %add3A_2793, %mul3A_2821 : vector<16xf32>
        %get3A_2823 = arith.index_cast %and3A_130 : i32 to index
        %get3A_2824 = arith.index_cast %add3A_2675 : i32 to index
        %get3A_2825 = arith.constant 80 : index
        %get3A_2826 = tpu.vector_load %arg15[%get3A_2823, %get3A_2824, %get3A_2825] {strides = array<i32>} : memref<2x128x128xf32, #tpu.memory_space<vmem>>, vector<1x1x16xf32>,
        %get3A_2827 = vector.shape_cast %get3A_2826 : vector<1x1x16xf32> to vector<16xf32>
        %get3A_2828 = arith.index_cast %and3A_130 : i32 to index
        %get3A_2829 = arith.index_cast %add3A_2675 : i32 to index
        %get3A_2830 = arith.constant 80 : index
        %get3A_2831 = tpu.vector_load %arg17[%get3A_2828, %get3A_2829, %get3A_2830] {strides = array<i32>} : memref<2x128x128xf32, #tpu.memory_space<vmem>>, vector<1x1x16xf32>,
        %get3A_2832 = vector.shape_cast %get3A_2831 : vector<1x1x16xf32> to vector<16xf32>
        %get3A_2833 = arith.index_cast %and3A_130 : i32 to index
        %get3A_2834 = arith.index_cast %add3A_2675 : i32 to index
        %get3A_2835 = arith.constant 80 : index
        %get3A_2836 = tpu.vector_load %arg16[%get3A_2833, %get3A_2834, %get3A_2835] {strides = array<i32>} : memref<2x128x128xf32, #tpu.memory_space<vmem>>, vector<1x1x16xf32>,
        %get3A_2837 = vector.shape_cast %get3A_2836 : vector<1x1x16xf32> to vector<16xf32>
        %gather3A_2838 = vector.shape_cast %reshape3A : vector<16x1xi32> to vector<16xi32>
        %gather3A_2839 = tpu.dynamic_gather %get3A_2832[%gather3A_2838] in [0] : vector<16xf32>, vector<16xi32> -> vector<16xf32>
        %gather3A_2840 = vector.shape_cast %reshape3A : vector<16x1xi32> to vector<16xi32>
        %gather3A_2841 = tpu.dynamic_gather %get3A_2837[%gather3A_2840] in [0] : vector<16xf32>, vector<16xi32> -> vector<16xf32>
        %select_n3A_2842 = arith.select %eq3A_20, %get3A_2837, %gather3A_2841 : vector<16xi1>, vector<16xf32>
        %neg3A_2843 = arith.constant 0.000000e+00 : f32
        %neg3A_2844 = vector.broadcast %neg3A_2843 : f32 to vector<16xf32>
        %neg3A_2845 = arith.subf %neg3A_2844, %get3A_2837 : vector<16xf32>
        %select_n3A_2846 = arith.select %eq3A_20, %gather3A_2841, %neg3A_2845 : vector<16xi1>, vector<16xf32>
        %mul3A_2847 = arith.mulf %get3A_2832, %select_n3A_2842 : vector<16xf32>
        %mul3A_2848 = arith.mulf %gather3A_2839, %select_n3A_2846 : vector<16xf32>
        %add3A_2849 = arith.addf %mul3A_2847, %mul3A_2848 : vector<16xf32>
        %mul3A_2850 = arith.mulf %get3A_2827, %add3A_2849 : vector<16xf32>
        %add3A_2851 = arith.addf %add3A_2822, %mul3A_2850 : vector<16xf32>
        %get3A_2852 = arith.index_cast %and3A_130 : i32 to index
        %get3A_2853 = arith.index_cast %add3A_2675 : i32 to index
        %get3A_2854 = arith.constant 96 : index
        %get3A_2855 = tpu.vector_load %arg15[%get3A_2852, %get3A_2853, %get3A_2854] {strides = array<i32>} : memref<2x128x128xf32, #tpu.memory_space<vmem>>, vector<1x1x16xf32>,
        %get3A_2856 = vector.shape_cast %get3A_2855 : vector<1x1x16xf32> to vector<16xf32>
        %get3A_2857 = arith.index_cast %and3A_130 : i32 to index
        %get3A_2858 = arith.index_cast %add3A_2675 : i32 to index
        %get3A_2859 = arith.constant 96 : index
        %get3A_2860 = tpu.vector_load %arg17[%get3A_2857, %get3A_2858, %get3A_2859] {strides = array<i32>} : memref<2x128x128xf32, #tpu.memory_space<vmem>>, vector<1x1x16xf32>,
        %get3A_2861 = vector.shape_cast %get3A_2860 : vector<1x1x16xf32> to vector<16xf32>
        %get3A_2862 = arith.index_cast %and3A_130 : i32 to index
        %get3A_2863 = arith.index_cast %add3A_2675 : i32 to index
        %get3A_2864 = arith.constant 96 : index
        %get3A_2865 = tpu.vector_load %arg16[%get3A_2862, %get3A_2863, %get3A_2864] {strides = array<i32>} : memref<2x128x128xf32, #tpu.memory_space<vmem>>, vector<1x1x16xf32>,
        %get3A_2866 = vector.shape_cast %get3A_2865 : vector<1x1x16xf32> to vector<16xf32>
        %gather3A_2867 = vector.shape_cast %reshape3A : vector<16x1xi32> to vector<16xi32>
        %gather3A_2868 = tpu.dynamic_gather %get3A_2861[%gather3A_2867] in [0] : vector<16xf32>, vector<16xi32> -> vector<16xf32>
        %gather3A_2869 = vector.shape_cast %reshape3A : vector<16x1xi32> to vector<16xi32>
        %gather3A_2870 = tpu.dynamic_gather %get3A_2866[%gather3A_2869] in [0] : vector<16xf32>, vector<16xi32> -> vector<16xf32>
        %select_n3A_2871 = arith.select %eq3A_20, %get3A_2866, %gather3A_2870 : vector<16xi1>, vector<16xf32>
        %neg3A_2872 = arith.constant 0.000000e+00 : f32
        %neg3A_2873 = vector.broadcast %neg3A_2872 : f32 to vector<16xf32>
        %neg3A_2874 = arith.subf %neg3A_2873, %get3A_2866 : vector<16xf32>
        %select_n3A_2875 = arith.select %eq3A_20, %gather3A_2870, %neg3A_2874 : vector<16xi1>, vector<16xf32>
        %mul3A_2876 = arith.mulf %get3A_2861, %select_n3A_2871 : vector<16xf32>
        %mul3A_2877 = arith.mulf %gather3A_2868, %select_n3A_2875 : vector<16xf32>
        %add3A_2878 = arith.addf %mul3A_2876, %mul3A_2877 : vector<16xf32>
        %mul3A_2879 = arith.mulf %get3A_2856, %add3A_2878 : vector<16xf32>
        %add3A_2880 = arith.addf %add3A_2851, %mul3A_2879 : vector<16xf32>
        %get3A_2881 = arith.index_cast %and3A_130 : i32 to index
        %get3A_2882 = arith.index_cast %add3A_2675 : i32 to index
        %get3A_2883 = arith.constant 112 : index
        %get3A_2884 = tpu.vector_load %arg15[%get3A_2881, %get3A_2882, %get3A_2883] {strides = array<i32>} : memref<2x128x128xf32, #tpu.memory_space<vmem>>, vector<1x1x16xf32>,
        %get3A_2885 = vector.shape_cast %get3A_2884 : vector<1x1x16xf32> to vector<16xf32>
        %get3A_2886 = arith.index_cast %and3A_130 : i32 to index
        %get3A_2887 = arith.index_cast %add3A_2675 : i32 to index
        %get3A_2888 = arith.constant 112 : index
        %get3A_2889 = tpu.vector_load %arg17[%get3A_2886, %get3A_2887, %get3A_2888] {strides = array<i32>} : memref<2x128x128xf32, #tpu.memory_space<vmem>>, vector<1x1x16xf32>,
        %get3A_2890 = vector.shape_cast %get3A_2889 : vector<1x1x16xf32> to vector<16xf32>
        %get3A_2891 = arith.index_cast %and3A_130 : i32 to index
        %get3A_2892 = arith.index_cast %add3A_2675 : i32 to index
        %get3A_2893 = arith.constant 112 : index
        %get3A_2894 = tpu.vector_load %arg16[%get3A_2891, %get3A_2892, %get3A_2893] {strides = array<i32>} : memref<2x128x128xf32, #tpu.memory_space<vmem>>, vector<1x1x16xf32>,
        %get3A_2895 = vector.shape_cast %get3A_2894 : vector<1x1x16xf32> to vector<16xf32>
        %gather3A_2896 = vector.shape_cast %reshape3A : vector<16x1xi32> to vector<16xi32>
        %gather3A_2897 = tpu.dynamic_gather %get3A_2890[%gather3A_2896] in [0] : vector<16xf32>, vector<16xi32> -> vector<16xf32>
        %gather3A_2898 = vector.shape_cast %reshape3A : vector<16x1xi32> to vector<16xi32>
        %gather3A_2899 = tpu.dynamic_gather %get3A_2895[%gather3A_2898] in [0] : vector<16xf32>, vector<16xi32> -> vector<16xf32>
        %select_n3A_2900 = arith.select %eq3A_20, %get3A_2895, %gather3A_2899 : vector<16xi1>, vector<16xf32>
        %neg3A_2901 = arith.constant 0.000000e+00 : f32
        %neg3A_2902 = vector.broadcast %neg3A_2901 : f32 to vector<16xf32>
        %neg3A_2903 = arith.subf %neg3A_2902, %get3A_2895 : vector<16xf32>
        %select_n3A_2904 = arith.select %eq3A_20, %gather3A_2899, %neg3A_2903 : vector<16xi1>, vector<16xf32>
        %mul3A_2905 = arith.mulf %get3A_2890, %select_n3A_2900 : vector<16xf32>
        %mul3A_2906 = arith.mulf %gather3A_2897, %select_n3A_2904 : vector<16xf32>
        %add3A_2907 = arith.addf %mul3A_2905, %mul3A_2906 : vector<16xf32>
        %mul3A_2908 = arith.mulf %get3A_2885, %add3A_2907 : vector<16xf32>
        %add3A_2909 = arith.addf %add3A_2880, %mul3A_2908 : vector<16xf32>
        %gather3A_2910 = vector.shape_cast %reshape3A : vector<16x1xi32> to vector<16xi32>
        %gather3A_2911 = tpu.dynamic_gather %add3A_2909[%gather3A_2910] in [0] : vector<16xf32>, vector<16xi32> -> vector<16xf32>
        %add3A_2912 = arith.addf %add3A_2909, %gather3A_2911 : vector<16xf32>
        %gather3A_2913 = vector.shape_cast %reshape3A_8 : vector<16x1xi32> to vector<16xi32>
        %gather3A_2914 = tpu.dynamic_gather %add3A_2912[%gather3A_2913] in [0] : vector<16xf32>, vector<16xi32> -> vector<16xf32>
        %add3A_2915 = arith.addf %add3A_2912, %gather3A_2914 : vector<16xf32>
        %gather3A_2916 = vector.shape_cast %reshape3A_12 : vector<16x1xi32> to vector<16xi32>
        %gather3A_2917 = tpu.dynamic_gather %add3A_2915[%gather3A_2916] in [0] : vector<16xf32>, vector<16xi32> -> vector<16xf32>
        %add3A_2918 = arith.addf %add3A_2915, %gather3A_2917 : vector<16xf32>
        %gather3A_2919 = vector.shape_cast %reshape3A_16 : vector<16x1xi32> to vector<16xi32>
        %gather3A_2920 = tpu.dynamic_gather %add3A_2918[%gather3A_2919] in [0] : vector<16xf32>, vector<16xi32> -> vector<16xf32>
        %add3A_2921 = arith.addf %add3A_2918, %gather3A_2920 : vector<16xf32>
        %eq3A_2922 = arith.constant 10 : i32
        %eq3A_2923 = vector.broadcast %eq3A_2922 : i32 to vector<16xi32>
        %eq3A_2924 = arith.cmpi eq, %iota3A, %eq3A_2923 : vector<16xi32>
        %select_n3A_2925 = arith.select %eq3A_2924, %add3A_2921, %select_n3A_2673 : vector<16xi1>, vector<16xf32>
        %add3A_2926 = arith.constant 11 : i32
        %add3A_2927 = arith.addi %mul3A_156, %add3A_2926 : i32
        %broadcast_in_dim3A_2928 = arith.constant 0.000000e+00 : f32
        %broadcast_in_dim3A_2929 = vector.broadcast %broadcast_in_dim3A_2928 : f32 to vector<16xf32>
        %get3A_2930 = arith.index_cast %and3A_130 : i32 to index
        %get3A_2931 = arith.index_cast %add3A_2927 : i32 to index
        %get3A_2932 = arith.constant 0 : index
        %get3A_2933 = tpu.vector_load %arg15[%get3A_2930, %get3A_2931, %get3A_2932] {strides = array<i32>} : memref<2x128x128xf32, #tpu.memory_space<vmem>>, vector<1x1x16xf32>,
        %get3A_2934 = vector.shape_cast %get3A_2933 : vector<1x1x16xf32> to vector<16xf32>
        %get3A_2935 = arith.index_cast %and3A_130 : i32 to index
        %get3A_2936 = arith.index_cast %add3A_2927 : i32 to index
        %get3A_2937 = arith.constant 0 : index
        %get3A_2938 = tpu.vector_load %arg17[%get3A_2935, %get3A_2936, %get3A_2937] {strides = array<i32>} : memref<2x128x128xf32, #tpu.memory_space<vmem>>, vector<1x1x16xf32>,
        %get3A_2939 = vector.shape_cast %get3A_2938 : vector<1x1x16xf32> to vector<16xf32>
        %get3A_2940 = arith.index_cast %and3A_130 : i32 to index
        %get3A_2941 = arith.index_cast %add3A_2927 : i32 to index
        %get3A_2942 = arith.constant 0 : index
        %get3A_2943 = tpu.vector_load %arg16[%get3A_2940, %get3A_2941, %get3A_2942] {strides = array<i32>} : memref<2x128x128xf32, #tpu.memory_space<vmem>>, vector<1x1x16xf32>,
        %get3A_2944 = vector.shape_cast %get3A_2943 : vector<1x1x16xf32> to vector<16xf32>
        %gather3A_2945 = vector.shape_cast %reshape3A : vector<16x1xi32> to vector<16xi32>
        %gather3A_2946 = tpu.dynamic_gather %get3A_2939[%gather3A_2945] in [0] : vector<16xf32>, vector<16xi32> -> vector<16xf32>
        %gather3A_2947 = vector.shape_cast %reshape3A : vector<16x1xi32> to vector<16xi32>
        %gather3A_2948 = tpu.dynamic_gather %get3A_2944[%gather3A_2947] in [0] : vector<16xf32>, vector<16xi32> -> vector<16xf32>
        %select_n3A_2949 = arith.select %eq3A_20, %get3A_2944, %gather3A_2948 : vector<16xi1>, vector<16xf32>
        %neg3A_2950 = arith.constant 0.000000e+00 : f32
        %neg3A_2951 = vector.broadcast %neg3A_2950 : f32 to vector<16xf32>
        %neg3A_2952 = arith.subf %neg3A_2951, %get3A_2944 : vector<16xf32>
        %select_n3A_2953 = arith.select %eq3A_20, %gather3A_2948, %neg3A_2952 : vector<16xi1>, vector<16xf32>
        %mul3A_2954 = arith.mulf %get3A_2939, %select_n3A_2949 : vector<16xf32>
        %mul3A_2955 = arith.mulf %gather3A_2946, %select_n3A_2953 : vector<16xf32>
        %add3A_2956 = arith.addf %mul3A_2954, %mul3A_2955 : vector<16xf32>
        %mul3A_2957 = arith.mulf %get3A_2934, %add3A_2956 : vector<16xf32>
        %add3A_2958 = arith.addf %broadcast_in_dim3A_2929, %mul3A_2957 : vector<16xf32>
        %get3A_2959 = arith.index_cast %and3A_130 : i32 to index
        %get3A_2960 = arith.index_cast %add3A_2927 : i32 to index
        %get3A_2961 = arith.constant 16 : index
        %get3A_2962 = tpu.vector_load %arg15[%get3A_2959, %get3A_2960, %get3A_2961] {strides = array<i32>} : memref<2x128x128xf32, #tpu.memory_space<vmem>>, vector<1x1x16xf32>,
        %get3A_2963 = vector.shape_cast %get3A_2962 : vector<1x1x16xf32> to vector<16xf32>
        %get3A_2964 = arith.index_cast %and3A_130 : i32 to index
        %get3A_2965 = arith.index_cast %add3A_2927 : i32 to index
        %get3A_2966 = arith.constant 16 : index
        %get3A_2967 = tpu.vector_load %arg17[%get3A_2964, %get3A_2965, %get3A_2966] {strides = array<i32>} : memref<2x128x128xf32, #tpu.memory_space<vmem>>, vector<1x1x16xf32>,
        %get3A_2968 = vector.shape_cast %get3A_2967 : vector<1x1x16xf32> to vector<16xf32>
        %get3A_2969 = arith.index_cast %and3A_130 : i32 to index
        %get3A_2970 = arith.index_cast %add3A_2927 : i32 to index
        %get3A_2971 = arith.constant 16 : index
        %get3A_2972 = tpu.vector_load %arg16[%get3A_2969, %get3A_2970, %get3A_2971] {strides = array<i32>} : memref<2x128x128xf32, #tpu.memory_space<vmem>>, vector<1x1x16xf32>,
        %get3A_2973 = vector.shape_cast %get3A_2972 : vector<1x1x16xf32> to vector<16xf32>
        %gather3A_2974 = vector.shape_cast %reshape3A : vector<16x1xi32> to vector<16xi32>
        %gather3A_2975 = tpu.dynamic_gather %get3A_2968[%gather3A_2974] in [0] : vector<16xf32>, vector<16xi32> -> vector<16xf32>
        %gather3A_2976 = vector.shape_cast %reshape3A : vector<16x1xi32> to vector<16xi32>
        %gather3A_2977 = tpu.dynamic_gather %get3A_2973[%gather3A_2976] in [0] : vector<16xf32>, vector<16xi32> -> vector<16xf32>
        %select_n3A_2978 = arith.select %eq3A_20, %get3A_2973, %gather3A_2977 : vector<16xi1>, vector<16xf32>
        %neg3A_2979 = arith.constant 0.000000e+00 : f32
        %neg3A_2980 = vector.broadcast %neg3A_2979 : f32 to vector<16xf32>
        %neg3A_2981 = arith.subf %neg3A_2980, %get3A_2973 : vector<16xf32>
        %select_n3A_2982 = arith.select %eq3A_20, %gather3A_2977, %neg3A_2981 : vector<16xi1>, vector<16xf32>
        %mul3A_2983 = arith.mulf %get3A_2968, %select_n3A_2978 : vector<16xf32>
        %mul3A_2984 = arith.mulf %gather3A_2975, %select_n3A_2982 : vector<16xf32>
        %add3A_2985 = arith.addf %mul3A_2983, %mul3A_2984 : vector<16xf32>
        %mul3A_2986 = arith.mulf %get3A_2963, %add3A_2985 : vector<16xf32>
        %add3A_2987 = arith.addf %add3A_2958, %mul3A_2986 : vector<16xf32>
        %get3A_2988 = arith.index_cast %and3A_130 : i32 to index
        %get3A_2989 = arith.index_cast %add3A_2927 : i32 to index
        %get3A_2990 = arith.constant 32 : index
        %get3A_2991 = tpu.vector_load %arg15[%get3A_2988, %get3A_2989, %get3A_2990] {strides = array<i32>} : memref<2x128x128xf32, #tpu.memory_space<vmem>>, vector<1x1x16xf32>,
        %get3A_2992 = vector.shape_cast %get3A_2991 : vector<1x1x16xf32> to vector<16xf32>
        %get3A_2993 = arith.index_cast %and3A_130 : i32 to index
        %get3A_2994 = arith.index_cast %add3A_2927 : i32 to index
        %get3A_2995 = arith.constant 32 : index
        %get3A_2996 = tpu.vector_load %arg17[%get3A_2993, %get3A_2994, %get3A_2995] {strides = array<i32>} : memref<2x128x128xf32, #tpu.memory_space<vmem>>, vector<1x1x16xf32>,
        %get3A_2997 = vector.shape_cast %get3A_2996 : vector<1x1x16xf32> to vector<16xf32>
        %get3A_2998 = arith.index_cast %and3A_130 : i32 to index
        %get3A_2999 = arith.index_cast %add3A_2927 : i32 to index
        %get3A_3000 = arith.constant 32 : index
        %get3A_3001 = tpu.vector_load %arg16[%get3A_2998, %get3A_2999, %get3A_3000] {strides = array<i32>} : memref<2x128x128xf32, #tpu.memory_space<vmem>>, vector<1x1x16xf32>,
        %get3A_3002 = vector.shape_cast %get3A_3001 : vector<1x1x16xf32> to vector<16xf32>
        %gather3A_3003 = vector.shape_cast %reshape3A : vector<16x1xi32> to vector<16xi32>
        %gather3A_3004 = tpu.dynamic_gather %get3A_2997[%gather3A_3003] in [0] : vector<16xf32>, vector<16xi32> -> vector<16xf32>
        %gather3A_3005 = vector.shape_cast %reshape3A : vector<16x1xi32> to vector<16xi32>
        %gather3A_3006 = tpu.dynamic_gather %get3A_3002[%gather3A_3005] in [0] : vector<16xf32>, vector<16xi32> -> vector<16xf32>
        %select_n3A_3007 = arith.select %eq3A_20, %get3A_3002, %gather3A_3006 : vector<16xi1>, vector<16xf32>
        %neg3A_3008 = arith.constant 0.000000e+00 : f32
        %neg3A_3009 = vector.broadcast %neg3A_3008 : f32 to vector<16xf32>
        %neg3A_3010 = arith.subf %neg3A_3009, %get3A_3002 : vector<16xf32>
        %select_n3A_3011 = arith.select %eq3A_20, %gather3A_3006, %neg3A_3010 : vector<16xi1>, vector<16xf32>
        %mul3A_3012 = arith.mulf %get3A_2997, %select_n3A_3007 : vector<16xf32>
        %mul3A_3013 = arith.mulf %gather3A_3004, %select_n3A_3011 : vector<16xf32>
        %add3A_3014 = arith.addf %mul3A_3012, %mul3A_3013 : vector<16xf32>
        %mul3A_3015 = arith.mulf %get3A_2992, %add3A_3014 : vector<16xf32>
        %add3A_3016 = arith.addf %add3A_2987, %mul3A_3015 : vector<16xf32>
        %get3A_3017 = arith.index_cast %and3A_130 : i32 to index
        %get3A_3018 = arith.index_cast %add3A_2927 : i32 to index
        %get3A_3019 = arith.constant 48 : index
        %get3A_3020 = tpu.vector_load %arg15[%get3A_3017, %get3A_3018, %get3A_3019] {strides = array<i32>} : memref<2x128x128xf32, #tpu.memory_space<vmem>>, vector<1x1x16xf32>,
        %get3A_3021 = vector.shape_cast %get3A_3020 : vector<1x1x16xf32> to vector<16xf32>
        %get3A_3022 = arith.index_cast %and3A_130 : i32 to index
        %get3A_3023 = arith.index_cast %add3A_2927 : i32 to index
        %get3A_3024 = arith.constant 48 : index
        %get3A_3025 = tpu.vector_load %arg17[%get3A_3022, %get3A_3023, %get3A_3024] {strides = array<i32>} : memref<2x128x128xf32, #tpu.memory_space<vmem>>, vector<1x1x16xf32>,
        %get3A_3026 = vector.shape_cast %get3A_3025 : vector<1x1x16xf32> to vector<16xf32>
        %get3A_3027 = arith.index_cast %and3A_130 : i32 to index
        %get3A_3028 = arith.index_cast %add3A_2927 : i32 to index
        %get3A_3029 = arith.constant 48 : index
        %get3A_3030 = tpu.vector_load %arg16[%get3A_3027, %get3A_3028, %get3A_3029] {strides = array<i32>} : memref<2x128x128xf32, #tpu.memory_space<vmem>>, vector<1x1x16xf32>,
        %get3A_3031 = vector.shape_cast %get3A_3030 : vector<1x1x16xf32> to vector<16xf32>
        %gather3A_3032 = vector.shape_cast %reshape3A : vector<16x1xi32> to vector<16xi32>
        %gather3A_3033 = tpu.dynamic_gather %get3A_3026[%gather3A_3032] in [0] : vector<16xf32>, vector<16xi32> -> vector<16xf32>
        %gather3A_3034 = vector.shape_cast %reshape3A : vector<16x1xi32> to vector<16xi32>
        %gather3A_3035 = tpu.dynamic_gather %get3A_3031[%gather3A_3034] in [0] : vector<16xf32>, vector<16xi32> -> vector<16xf32>
        %select_n3A_3036 = arith.select %eq3A_20, %get3A_3031, %gather3A_3035 : vector<16xi1>, vector<16xf32>
        %neg3A_3037 = arith.constant 0.000000e+00 : f32
        %neg3A_3038 = vector.broadcast %neg3A_3037 : f32 to vector<16xf32>
        %neg3A_3039 = arith.subf %neg3A_3038, %get3A_3031 : vector<16xf32>
        %select_n3A_3040 = arith.select %eq3A_20, %gather3A_3035, %neg3A_3039 : vector<16xi1>, vector<16xf32>
        %mul3A_3041 = arith.mulf %get3A_3026, %select_n3A_3036 : vector<16xf32>
        %mul3A_3042 = arith.mulf %gather3A_3033, %select_n3A_3040 : vector<16xf32>
        %add3A_3043 = arith.addf %mul3A_3041, %mul3A_3042 : vector<16xf32>
        %mul3A_3044 = arith.mulf %get3A_3021, %add3A_3043 : vector<16xf32>
        %add3A_3045 = arith.addf %add3A_3016, %mul3A_3044 : vector<16xf32>
        %get3A_3046 = arith.index_cast %and3A_130 : i32 to index
        %get3A_3047 = arith.index_cast %add3A_2927 : i32 to index
        %get3A_3048 = arith.constant 64 : index
        %get3A_3049 = tpu.vector_load %arg15[%get3A_3046, %get3A_3047, %get3A_3048] {strides = array<i32>} : memref<2x128x128xf32, #tpu.memory_space<vmem>>, vector<1x1x16xf32>,
        %get3A_3050 = vector.shape_cast %get3A_3049 : vector<1x1x16xf32> to vector<16xf32>
        %get3A_3051 = arith.index_cast %and3A_130 : i32 to index
        %get3A_3052 = arith.index_cast %add3A_2927 : i32 to index
        %get3A_3053 = arith.constant 64 : index
        %get3A_3054 = tpu.vector_load %arg17[%get3A_3051, %get3A_3052, %get3A_3053] {strides = array<i32>} : memref<2x128x128xf32, #tpu.memory_space<vmem>>, vector<1x1x16xf32>,
        %get3A_3055 = vector.shape_cast %get3A_3054 : vector<1x1x16xf32> to vector<16xf32>
        %get3A_3056 = arith.index_cast %and3A_130 : i32 to index
        %get3A_3057 = arith.index_cast %add3A_2927 : i32 to index
        %get3A_3058 = arith.constant 64 : index
        %get3A_3059 = tpu.vector_load %arg16[%get3A_3056, %get3A_3057, %get3A_3058] {strides = array<i32>} : memref<2x128x128xf32, #tpu.memory_space<vmem>>, vector<1x1x16xf32>,
        %get3A_3060 = vector.shape_cast %get3A_3059 : vector<1x1x16xf32> to vector<16xf32>
        %gather3A_3061 = vector.shape_cast %reshape3A : vector<16x1xi32> to vector<16xi32>
        %gather3A_3062 = tpu.dynamic_gather %get3A_3055[%gather3A_3061] in [0] : vector<16xf32>, vector<16xi32> -> vector<16xf32>
        %gather3A_3063 = vector.shape_cast %reshape3A : vector<16x1xi32> to vector<16xi32>
        %gather3A_3064 = tpu.dynamic_gather %get3A_3060[%gather3A_3063] in [0] : vector<16xf32>, vector<16xi32> -> vector<16xf32>
        %select_n3A_3065 = arith.select %eq3A_20, %get3A_3060, %gather3A_3064 : vector<16xi1>, vector<16xf32>
        %neg3A_3066 = arith.constant 0.000000e+00 : f32
        %neg3A_3067 = vector.broadcast %neg3A_3066 : f32 to vector<16xf32>
        %neg3A_3068 = arith.subf %neg3A_3067, %get3A_3060 : vector<16xf32>
        %select_n3A_3069 = arith.select %eq3A_20, %gather3A_3064, %neg3A_3068 : vector<16xi1>, vector<16xf32>
        %mul3A_3070 = arith.mulf %get3A_3055, %select_n3A_3065 : vector<16xf32>
        %mul3A_3071 = arith.mulf %gather3A_3062, %select_n3A_3069 : vector<16xf32>
        %add3A_3072 = arith.addf %mul3A_3070, %mul3A_3071 : vector<16xf32>
        %mul3A_3073 = arith.mulf %get3A_3050, %add3A_3072 : vector<16xf32>
        %add3A_3074 = arith.addf %add3A_3045, %mul3A_3073 : vector<16xf32>
        %get3A_3075 = arith.index_cast %and3A_130 : i32 to index
        %get3A_3076 = arith.index_cast %add3A_2927 : i32 to index
        %get3A_3077 = arith.constant 80 : index
        %get3A_3078 = tpu.vector_load %arg15[%get3A_3075, %get3A_3076, %get3A_3077] {strides = array<i32>} : memref<2x128x128xf32, #tpu.memory_space<vmem>>, vector<1x1x16xf32>,
        %get3A_3079 = vector.shape_cast %get3A_3078 : vector<1x1x16xf32> to vector<16xf32>
        %get3A_3080 = arith.index_cast %and3A_130 : i32 to index
        %get3A_3081 = arith.index_cast %add3A_2927 : i32 to index
        %get3A_3082 = arith.constant 80 : index
        %get3A_3083 = tpu.vector_load %arg17[%get3A_3080, %get3A_3081, %get3A_3082] {strides = array<i32>} : memref<2x128x128xf32, #tpu.memory_space<vmem>>, vector<1x1x16xf32>,
        %get3A_3084 = vector.shape_cast %get3A_3083 : vector<1x1x16xf32> to vector<16xf32>
        %get3A_3085 = arith.index_cast %and3A_130 : i32 to index
        %get3A_3086 = arith.index_cast %add3A_2927 : i32 to index
        %get3A_3087 = arith.constant 80 : index
        %get3A_3088 = tpu.vector_load %arg16[%get3A_3085, %get3A_3086, %get3A_3087] {strides = array<i32>} : memref<2x128x128xf32, #tpu.memory_space<vmem>>, vector<1x1x16xf32>,
        %get3A_3089 = vector.shape_cast %get3A_3088 : vector<1x1x16xf32> to vector<16xf32>
        %gather3A_3090 = vector.shape_cast %reshape3A : vector<16x1xi32> to vector<16xi32>
        %gather3A_3091 = tpu.dynamic_gather %get3A_3084[%gather3A_3090] in [0] : vector<16xf32>, vector<16xi32> -> vector<16xf32>
        %gather3A_3092 = vector.shape_cast %reshape3A : vector<16x1xi32> to vector<16xi32>
        %gather3A_3093 = tpu.dynamic_gather %get3A_3089[%gather3A_3092] in [0] : vector<16xf32>, vector<16xi32> -> vector<16xf32>
        %select_n3A_3094 = arith.select %eq3A_20, %get3A_3089, %gather3A_3093 : vector<16xi1>, vector<16xf32>
        %neg3A_3095 = arith.constant 0.000000e+00 : f32
        %neg3A_3096 = vector.broadcast %neg3A_3095 : f32 to vector<16xf32>
        %neg3A_3097 = arith.subf %neg3A_3096, %get3A_3089 : vector<16xf32>
        %select_n3A_3098 = arith.select %eq3A_20, %gather3A_3093, %neg3A_3097 : vector<16xi1>, vector<16xf32>
        %mul3A_3099 = arith.mulf %get3A_3084, %select_n3A_3094 : vector<16xf32>
        %mul3A_3100 = arith.mulf %gather3A_3091, %select_n3A_3098 : vector<16xf32>
        %add3A_3101 = arith.addf %mul3A_3099, %mul3A_3100 : vector<16xf32>
        %mul3A_3102 = arith.mulf %get3A_3079, %add3A_3101 : vector<16xf32>
        %add3A_3103 = arith.addf %add3A_3074, %mul3A_3102 : vector<16xf32>
        %get3A_3104 = arith.index_cast %and3A_130 : i32 to index
        %get3A_3105 = arith.index_cast %add3A_2927 : i32 to index
        %get3A_3106 = arith.constant 96 : index
        %get3A_3107 = tpu.vector_load %arg15[%get3A_3104, %get3A_3105, %get3A_3106] {strides = array<i32>} : memref<2x128x128xf32, #tpu.memory_space<vmem>>, vector<1x1x16xf32>,
        %get3A_3108 = vector.shape_cast %get3A_3107 : vector<1x1x16xf32> to vector<16xf32>
        %get3A_3109 = arith.index_cast %and3A_130 : i32 to index
        %get3A_3110 = arith.index_cast %add3A_2927 : i32 to index
        %get3A_3111 = arith.constant 96 : index
        %get3A_3112 = tpu.vector_load %arg17[%get3A_3109, %get3A_3110, %get3A_3111] {strides = array<i32>} : memref<2x128x128xf32, #tpu.memory_space<vmem>>, vector<1x1x16xf32>,
        %get3A_3113 = vector.shape_cast %get3A_3112 : vector<1x1x16xf32> to vector<16xf32>
        %get3A_3114 = arith.index_cast %and3A_130 : i32 to index
        %get3A_3115 = arith.index_cast %add3A_2927 : i32 to index
        %get3A_3116 = arith.constant 96 : index
        %get3A_3117 = tpu.vector_load %arg16[%get3A_3114, %get3A_3115, %get3A_3116] {strides = array<i32>} : memref<2x128x128xf32, #tpu.memory_space<vmem>>, vector<1x1x16xf32>,
        %get3A_3118 = vector.shape_cast %get3A_3117 : vector<1x1x16xf32> to vector<16xf32>
        %gather3A_3119 = vector.shape_cast %reshape3A : vector<16x1xi32> to vector<16xi32>
        %gather3A_3120 = tpu.dynamic_gather %get3A_3113[%gather3A_3119] in [0] : vector<16xf32>, vector<16xi32> -> vector<16xf32>
        %gather3A_3121 = vector.shape_cast %reshape3A : vector<16x1xi32> to vector<16xi32>
        %gather3A_3122 = tpu.dynamic_gather %get3A_3118[%gather3A_3121] in [0] : vector<16xf32>, vector<16xi32> -> vector<16xf32>
        %select_n3A_3123 = arith.select %eq3A_20, %get3A_3118, %gather3A_3122 : vector<16xi1>, vector<16xf32>
        %neg3A_3124 = arith.constant 0.000000e+00 : f32
        %neg3A_3125 = vector.broadcast %neg3A_3124 : f32 to vector<16xf32>
        %neg3A_3126 = arith.subf %neg3A_3125, %get3A_3118 : vector<16xf32>
        %select_n3A_3127 = arith.select %eq3A_20, %gather3A_3122, %neg3A_3126 : vector<16xi1>, vector<16xf32>
        %mul3A_3128 = arith.mulf %get3A_3113, %select_n3A_3123 : vector<16xf32>
        %mul3A_3129 = arith.mulf %gather3A_3120, %select_n3A_3127 : vector<16xf32>
        %add3A_3130 = arith.addf %mul3A_3128, %mul3A_3129 : vector<16xf32>
        %mul3A_3131 = arith.mulf %get3A_3108, %add3A_3130 : vector<16xf32>
        %add3A_3132 = arith.addf %add3A_3103, %mul3A_3131 : vector<16xf32>
        %get3A_3133 = arith.index_cast %and3A_130 : i32 to index
        %get3A_3134 = arith.index_cast %add3A_2927 : i32 to index
        %get3A_3135 = arith.constant 112 : index
        %get3A_3136 = tpu.vector_load %arg15[%get3A_3133, %get3A_3134, %get3A_3135] {strides = array<i32>} : memref<2x128x128xf32, #tpu.memory_space<vmem>>, vector<1x1x16xf32>,
        %get3A_3137 = vector.shape_cast %get3A_3136 : vector<1x1x16xf32> to vector<16xf32>
        %get3A_3138 = arith.index_cast %and3A_130 : i32 to index
        %get3A_3139 = arith.index_cast %add3A_2927 : i32 to index
        %get3A_3140 = arith.constant 112 : index
        %get3A_3141 = tpu.vector_load %arg17[%get3A_3138, %get3A_3139, %get3A_3140] {strides = array<i32>} : memref<2x128x128xf32, #tpu.memory_space<vmem>>, vector<1x1x16xf32>,
        %get3A_3142 = vector.shape_cast %get3A_3141 : vector<1x1x16xf32> to vector<16xf32>
        %get3A_3143 = arith.index_cast %and3A_130 : i32 to index
        %get3A_3144 = arith.index_cast %add3A_2927 : i32 to index
        %get3A_3145 = arith.constant 112 : index
        %get3A_3146 = tpu.vector_load %arg16[%get3A_3143, %get3A_3144, %get3A_3145] {strides = array<i32>} : memref<2x128x128xf32, #tpu.memory_space<vmem>>, vector<1x1x16xf32>,
        %get3A_3147 = vector.shape_cast %get3A_3146 : vector<1x1x16xf32> to vector<16xf32>
        %gather3A_3148 = vector.shape_cast %reshape3A : vector<16x1xi32> to vector<16xi32>
        %gather3A_3149 = tpu.dynamic_gather %get3A_3142[%gather3A_3148] in [0] : vector<16xf32>, vector<16xi32> -> vector<16xf32>
        %gather3A_3150 = vector.shape_cast %reshape3A : vector<16x1xi32> to vector<16xi32>
        %gather3A_3151 = tpu.dynamic_gather %get3A_3147[%gather3A_3150] in [0] : vector<16xf32>, vector<16xi32> -> vector<16xf32>
        %select_n3A_3152 = arith.select %eq3A_20, %get3A_3147, %gather3A_3151 : vector<16xi1>, vector<16xf32>
        %neg3A_3153 = arith.constant 0.000000e+00 : f32
        %neg3A_3154 = vector.broadcast %neg3A_3153 : f32 to vector<16xf32>
        %neg3A_3155 = arith.subf %neg3A_3154, %get3A_3147 : vector<16xf32>
        %select_n3A_3156 = arith.select %eq3A_20, %gather3A_3151, %neg3A_3155 : vector<16xi1>, vector<16xf32>
        %mul3A_3157 = arith.mulf %get3A_3142, %select_n3A_3152 : vector<16xf32>
        %mul3A_3158 = arith.mulf %gather3A_3149, %select_n3A_3156 : vector<16xf32>
        %add3A_3159 = arith.addf %mul3A_3157, %mul3A_3158 : vector<16xf32>
        %mul3A_3160 = arith.mulf %get3A_3137, %add3A_3159 : vector<16xf32>
        %add3A_3161 = arith.addf %add3A_3132, %mul3A_3160 : vector<16xf32>
        %gather3A_3162 = vector.shape_cast %reshape3A : vector<16x1xi32> to vector<16xi32>
        %gather3A_3163 = tpu.dynamic_gather %add3A_3161[%gather3A_3162] in [0] : vector<16xf32>, vector<16xi32> -> vector<16xf32>
        %add3A_3164 = arith.addf %add3A_3161, %gather3A_3163 : vector<16xf32>
        %gather3A_3165 = vector.shape_cast %reshape3A_8 : vector<16x1xi32> to vector<16xi32>
        %gather3A_3166 = tpu.dynamic_gather %add3A_3164[%gather3A_3165] in [0] : vector<16xf32>, vector<16xi32> -> vector<16xf32>
        %add3A_3167 = arith.addf %add3A_3164, %gather3A_3166 : vector<16xf32>
        %gather3A_3168 = vector.shape_cast %reshape3A_12 : vector<16x1xi32> to vector<16xi32>
        %gather3A_3169 = tpu.dynamic_gather %add3A_3167[%gather3A_3168] in [0] : vector<16xf32>, vector<16xi32> -> vector<16xf32>
        %add3A_3170 = arith.addf %add3A_3167, %gather3A_3169 : vector<16xf32>
        %gather3A_3171 = vector.shape_cast %reshape3A_16 : vector<16x1xi32> to vector<16xi32>
        %gather3A_3172 = tpu.dynamic_gather %add3A_3170[%gather3A_3171] in [0] : vector<16xf32>, vector<16xi32> -> vector<16xf32>
        %add3A_3173 = arith.addf %add3A_3170, %gather3A_3172 : vector<16xf32>
        %eq3A_3174 = arith.constant 11 : i32
        %eq3A_3175 = vector.broadcast %eq3A_3174 : i32 to vector<16xi32>
        %eq3A_3176 = arith.cmpi eq, %iota3A, %eq3A_3175 : vector<16xi32>
        %select_n3A_3177 = arith.select %eq3A_3176, %add3A_3173, %select_n3A_2925 : vector<16xi1>, vector<16xf32>
        %add3A_3178 = arith.constant 12 : i32
        %add3A_3179 = arith.addi %mul3A_156, %add3A_3178 : i32
        %broadcast_in_dim3A_3180 = arith.constant 0.000000e+00 : f32
        %broadcast_in_dim3A_3181 = vector.broadcast %broadcast_in_dim3A_3180 : f32 to vector<16xf32>
        %get3A_3182 = arith.index_cast %and3A_130 : i32 to index
        %get3A_3183 = arith.index_cast %add3A_3179 : i32 to index
        %get3A_3184 = arith.constant 0 : index
        %get3A_3185 = tpu.vector_load %arg15[%get3A_3182, %get3A_3183, %get3A_3184] {strides = array<i32>} : memref<2x128x128xf32, #tpu.memory_space<vmem>>, vector<1x1x16xf32>,
        %get3A_3186 = vector.shape_cast %get3A_3185 : vector<1x1x16xf32> to vector<16xf32>
        %get3A_3187 = arith.index_cast %and3A_130 : i32 to index
        %get3A_3188 = arith.index_cast %add3A_3179 : i32 to index
        %get3A_3189 = arith.constant 0 : index
        %get3A_3190 = tpu.vector_load %arg17[%get3A_3187, %get3A_3188, %get3A_3189] {strides = array<i32>} : memref<2x128x128xf32, #tpu.memory_space<vmem>>, vector<1x1x16xf32>,
        %get3A_3191 = vector.shape_cast %get3A_3190 : vector<1x1x16xf32> to vector<16xf32>
        %get3A_3192 = arith.index_cast %and3A_130 : i32 to index
        %get3A_3193 = arith.index_cast %add3A_3179 : i32 to index
        %get3A_3194 = arith.constant 0 : index
        %get3A_3195 = tpu.vector_load %arg16[%get3A_3192, %get3A_3193, %get3A_3194] {strides = array<i32>} : memref<2x128x128xf32, #tpu.memory_space<vmem>>, vector<1x1x16xf32>,
        %get3A_3196 = vector.shape_cast %get3A_3195 : vector<1x1x16xf32> to vector<16xf32>
        %gather3A_3197 = vector.shape_cast %reshape3A : vector<16x1xi32> to vector<16xi32>
        %gather3A_3198 = tpu.dynamic_gather %get3A_3191[%gather3A_3197] in [0] : vector<16xf32>, vector<16xi32> -> vector<16xf32>
        %gather3A_3199 = vector.shape_cast %reshape3A : vector<16x1xi32> to vector<16xi32>
        %gather3A_3200 = tpu.dynamic_gather %get3A_3196[%gather3A_3199] in [0] : vector<16xf32>, vector<16xi32> -> vector<16xf32>
        %select_n3A_3201 = arith.select %eq3A_20, %get3A_3196, %gather3A_3200 : vector<16xi1>, vector<16xf32>
        %neg3A_3202 = arith.constant 0.000000e+00 : f32
        %neg3A_3203 = vector.broadcast %neg3A_3202 : f32 to vector<16xf32>
        %neg3A_3204 = arith.subf %neg3A_3203, %get3A_3196 : vector<16xf32>
        %select_n3A_3205 = arith.select %eq3A_20, %gather3A_3200, %neg3A_3204 : vector<16xi1>, vector<16xf32>
        %mul3A_3206 = arith.mulf %get3A_3191, %select_n3A_3201 : vector<16xf32>
        %mul3A_3207 = arith.mulf %gather3A_3198, %select_n3A_3205 : vector<16xf32>
        %add3A_3208 = arith.addf %mul3A_3206, %mul3A_3207 : vector<16xf32>
        %mul3A_3209 = arith.mulf %get3A_3186, %add3A_3208 : vector<16xf32>
        %add3A_3210 = arith.addf %broadcast_in_dim3A_3181, %mul3A_3209 : vector<16xf32>
        %get3A_3211 = arith.index_cast %and3A_130 : i32 to index
        %get3A_3212 = arith.index_cast %add3A_3179 : i32 to index
        %get3A_3213 = arith.constant 16 : index
        %get3A_3214 = tpu.vector_load %arg15[%get3A_3211, %get3A_3212, %get3A_3213] {strides = array<i32>} : memref<2x128x128xf32, #tpu.memory_space<vmem>>, vector<1x1x16xf32>,
        %get3A_3215 = vector.shape_cast %get3A_3214 : vector<1x1x16xf32> to vector<16xf32>
        %get3A_3216 = arith.index_cast %and3A_130 : i32 to index
        %get3A_3217 = arith.index_cast %add3A_3179 : i32 to index
        %get3A_3218 = arith.constant 16 : index
        %get3A_3219 = tpu.vector_load %arg17[%get3A_3216, %get3A_3217, %get3A_3218] {strides = array<i32>} : memref<2x128x128xf32, #tpu.memory_space<vmem>>, vector<1x1x16xf32>,
        %get3A_3220 = vector.shape_cast %get3A_3219 : vector<1x1x16xf32> to vector<16xf32>
        %get3A_3221 = arith.index_cast %and3A_130 : i32 to index
        %get3A_3222 = arith.index_cast %add3A_3179 : i32 to index
        %get3A_3223 = arith.constant 16 : index
        %get3A_3224 = tpu.vector_load %arg16[%get3A_3221, %get3A_3222, %get3A_3223] {strides = array<i32>} : memref<2x128x128xf32, #tpu.memory_space<vmem>>, vector<1x1x16xf32>,
        %get3A_3225 = vector.shape_cast %get3A_3224 : vector<1x1x16xf32> to vector<16xf32>
        %gather3A_3226 = vector.shape_cast %reshape3A : vector<16x1xi32> to vector<16xi32>
        %gather3A_3227 = tpu.dynamic_gather %get3A_3220[%gather3A_3226] in [0] : vector<16xf32>, vector<16xi32> -> vector<16xf32>
        %gather3A_3228 = vector.shape_cast %reshape3A : vector<16x1xi32> to vector<16xi32>
        %gather3A_3229 = tpu.dynamic_gather %get3A_3225[%gather3A_3228] in [0] : vector<16xf32>, vector<16xi32> -> vector<16xf32>
        %select_n3A_3230 = arith.select %eq3A_20, %get3A_3225, %gather3A_3229 : vector<16xi1>, vector<16xf32>
        %neg3A_3231 = arith.constant 0.000000e+00 : f32
        %neg3A_3232 = vector.broadcast %neg3A_3231 : f32 to vector<16xf32>
        %neg3A_3233 = arith.subf %neg3A_3232, %get3A_3225 : vector<16xf32>
        %select_n3A_3234 = arith.select %eq3A_20, %gather3A_3229, %neg3A_3233 : vector<16xi1>, vector<16xf32>
        %mul3A_3235 = arith.mulf %get3A_3220, %select_n3A_3230 : vector<16xf32>
        %mul3A_3236 = arith.mulf %gather3A_3227, %select_n3A_3234 : vector<16xf32>
        %add3A_3237 = arith.addf %mul3A_3235, %mul3A_3236 : vector<16xf32>
        %mul3A_3238 = arith.mulf %get3A_3215, %add3A_3237 : vector<16xf32>
        %add3A_3239 = arith.addf %add3A_3210, %mul3A_3238 : vector<16xf32>
        %get3A_3240 = arith.index_cast %and3A_130 : i32 to index
        %get3A_3241 = arith.index_cast %add3A_3179 : i32 to index
        %get3A_3242 = arith.constant 32 : index
        %get3A_3243 = tpu.vector_load %arg15[%get3A_3240, %get3A_3241, %get3A_3242] {strides = array<i32>} : memref<2x128x128xf32, #tpu.memory_space<vmem>>, vector<1x1x16xf32>,
        %get3A_3244 = vector.shape_cast %get3A_3243 : vector<1x1x16xf32> to vector<16xf32>
        %get3A_3245 = arith.index_cast %and3A_130 : i32 to index
        %get3A_3246 = arith.index_cast %add3A_3179 : i32 to index
        %get3A_3247 = arith.constant 32 : index
        %get3A_3248 = tpu.vector_load %arg17[%get3A_3245, %get3A_3246, %get3A_3247] {strides = array<i32>} : memref<2x128x128xf32, #tpu.memory_space<vmem>>, vector<1x1x16xf32>,
        %get3A_3249 = vector.shape_cast %get3A_3248 : vector<1x1x16xf32> to vector<16xf32>
        %get3A_3250 = arith.index_cast %and3A_130 : i32 to index
        %get3A_3251 = arith.index_cast %add3A_3179 : i32 to index
        %get3A_3252 = arith.constant 32 : index
        %get3A_3253 = tpu.vector_load %arg16[%get3A_3250, %get3A_3251, %get3A_3252] {strides = array<i32>} : memref<2x128x128xf32, #tpu.memory_space<vmem>>, vector<1x1x16xf32>,
        %get3A_3254 = vector.shape_cast %get3A_3253 : vector<1x1x16xf32> to vector<16xf32>
        %gather3A_3255 = vector.shape_cast %reshape3A : vector<16x1xi32> to vector<16xi32>
        %gather3A_3256 = tpu.dynamic_gather %get3A_3249[%gather3A_3255] in [0] : vector<16xf32>, vector<16xi32> -> vector<16xf32>
        %gather3A_3257 = vector.shape_cast %reshape3A : vector<16x1xi32> to vector<16xi32>
        %gather3A_3258 = tpu.dynamic_gather %get3A_3254[%gather3A_3257] in [0] : vector<16xf32>, vector<16xi32> -> vector<16xf32>
        %select_n3A_3259 = arith.select %eq3A_20, %get3A_3254, %gather3A_3258 : vector<16xi1>, vector<16xf32>
        %neg3A_3260 = arith.constant 0.000000e+00 : f32
        %neg3A_3261 = vector.broadcast %neg3A_3260 : f32 to vector<16xf32>
        %neg3A_3262 = arith.subf %neg3A_3261, %get3A_3254 : vector<16xf32>
        %select_n3A_3263 = arith.select %eq3A_20, %gather3A_3258, %neg3A_3262 : vector<16xi1>, vector<16xf32>
        %mul3A_3264 = arith.mulf %get3A_3249, %select_n3A_3259 : vector<16xf32>
        %mul3A_3265 = arith.mulf %gather3A_3256, %select_n3A_3263 : vector<16xf32>
        %add3A_3266 = arith.addf %mul3A_3264, %mul3A_3265 : vector<16xf32>
        %mul3A_3267 = arith.mulf %get3A_3244, %add3A_3266 : vector<16xf32>
        %add3A_3268 = arith.addf %add3A_3239, %mul3A_3267 : vector<16xf32>
        %get3A_3269 = arith.index_cast %and3A_130 : i32 to index
        %get3A_3270 = arith.index_cast %add3A_3179 : i32 to index
        %get3A_3271 = arith.constant 48 : index
        %get3A_3272 = tpu.vector_load %arg15[%get3A_3269, %get3A_3270, %get3A_3271] {strides = array<i32>} : memref<2x128x128xf32, #tpu.memory_space<vmem>>, vector<1x1x16xf32>,
        %get3A_3273 = vector.shape_cast %get3A_3272 : vector<1x1x16xf32> to vector<16xf32>
        %get3A_3274 = arith.index_cast %and3A_130 : i32 to index
        %get3A_3275 = arith.index_cast %add3A_3179 : i32 to index
        %get3A_3276 = arith.constant 48 : index
        %get3A_3277 = tpu.vector_load %arg17[%get3A_3274, %get3A_3275, %get3A_3276] {strides = array<i32>} : memref<2x128x128xf32, #tpu.memory_space<vmem>>, vector<1x1x16xf32>,
        %get3A_3278 = vector.shape_cast %get3A_3277 : vector<1x1x16xf32> to vector<16xf32>
        %get3A_3279 = arith.index_cast %and3A_130 : i32 to index
        %get3A_3280 = arith.index_cast %add3A_3179 : i32 to index
        %get3A_3281 = arith.constant 48 : index
        %get3A_3282 = tpu.vector_load %arg16[%get3A_3279, %get3A_3280, %get3A_3281] {strides = array<i32>} : memref<2x128x128xf32, #tpu.memory_space<vmem>>, vector<1x1x16xf32>,
        %get3A_3283 = vector.shape_cast %get3A_3282 : vector<1x1x16xf32> to vector<16xf32>
        %gather3A_3284 = vector.shape_cast %reshape3A : vector<16x1xi32> to vector<16xi32>
        %gather3A_3285 = tpu.dynamic_gather %get3A_3278[%gather3A_3284] in [0] : vector<16xf32>, vector<16xi32> -> vector<16xf32>
        %gather3A_3286 = vector.shape_cast %reshape3A : vector<16x1xi32> to vector<16xi32>
        %gather3A_3287 = tpu.dynamic_gather %get3A_3283[%gather3A_3286] in [0] : vector<16xf32>, vector<16xi32> -> vector<16xf32>
        %select_n3A_3288 = arith.select %eq3A_20, %get3A_3283, %gather3A_3287 : vector<16xi1>, vector<16xf32>
        %neg3A_3289 = arith.constant 0.000000e+00 : f32
        %neg3A_3290 = vector.broadcast %neg3A_3289 : f32 to vector<16xf32>
        %neg3A_3291 = arith.subf %neg3A_3290, %get3A_3283 : vector<16xf32>
        %select_n3A_3292 = arith.select %eq3A_20, %gather3A_3287, %neg3A_3291 : vector<16xi1>, vector<16xf32>
        %mul3A_3293 = arith.mulf %get3A_3278, %select_n3A_3288 : vector<16xf32>
        %mul3A_3294 = arith.mulf %gather3A_3285, %select_n3A_3292 : vector<16xf32>
        %add3A_3295 = arith.addf %mul3A_3293, %mul3A_3294 : vector<16xf32>
        %mul3A_3296 = arith.mulf %get3A_3273, %add3A_3295 : vector<16xf32>
        %add3A_3297 = arith.addf %add3A_3268, %mul3A_3296 : vector<16xf32>
        %get3A_3298 = arith.index_cast %and3A_130 : i32 to index
        %get3A_3299 = arith.index_cast %add3A_3179 : i32 to index
        %get3A_3300 = arith.constant 64 : index
        %get3A_3301 = tpu.vector_load %arg15[%get3A_3298, %get3A_3299, %get3A_3300] {strides = array<i32>} : memref<2x128x128xf32, #tpu.memory_space<vmem>>, vector<1x1x16xf32>,
        %get3A_3302 = vector.shape_cast %get3A_3301 : vector<1x1x16xf32> to vector<16xf32>
        %get3A_3303 = arith.index_cast %and3A_130 : i32 to index
        %get3A_3304 = arith.index_cast %add3A_3179 : i32 to index
        %get3A_3305 = arith.constant 64 : index
        %get3A_3306 = tpu.vector_load %arg17[%get3A_3303, %get3A_3304, %get3A_3305] {strides = array<i32>} : memref<2x128x128xf32, #tpu.memory_space<vmem>>, vector<1x1x16xf32>,
        %get3A_3307 = vector.shape_cast %get3A_3306 : vector<1x1x16xf32> to vector<16xf32>
        %get3A_3308 = arith.index_cast %and3A_130 : i32 to index
        %get3A_3309 = arith.index_cast %add3A_3179 : i32 to index
        %get3A_3310 = arith.constant 64 : index
        %get3A_3311 = tpu.vector_load %arg16[%get3A_3308, %get3A_3309, %get3A_3310] {strides = array<i32>} : memref<2x128x128xf32, #tpu.memory_space<vmem>>, vector<1x1x16xf32>,
        %get3A_3312 = vector.shape_cast %get3A_3311 : vector<1x1x16xf32> to vector<16xf32>
        %gather3A_3313 = vector.shape_cast %reshape3A : vector<16x1xi32> to vector<16xi32>
        %gather3A_3314 = tpu.dynamic_gather %get3A_3307[%gather3A_3313] in [0] : vector<16xf32>, vector<16xi32> -> vector<16xf32>
        %gather3A_3315 = vector.shape_cast %reshape3A : vector<16x1xi32> to vector<16xi32>
        %gather3A_3316 = tpu.dynamic_gather %get3A_3312[%gather3A_3315] in [0] : vector<16xf32>, vector<16xi32> -> vector<16xf32>
        %select_n3A_3317 = arith.select %eq3A_20, %get3A_3312, %gather3A_3316 : vector<16xi1>, vector<16xf32>
        %neg3A_3318 = arith.constant 0.000000e+00 : f32
        %neg3A_3319 = vector.broadcast %neg3A_3318 : f32 to vector<16xf32>
        %neg3A_3320 = arith.subf %neg3A_3319, %get3A_3312 : vector<16xf32>
        %select_n3A_3321 = arith.select %eq3A_20, %gather3A_3316, %neg3A_3320 : vector<16xi1>, vector<16xf32>
        %mul3A_3322 = arith.mulf %get3A_3307, %select_n3A_3317 : vector<16xf32>
        %mul3A_3323 = arith.mulf %gather3A_3314, %select_n3A_3321 : vector<16xf32>
        %add3A_3324 = arith.addf %mul3A_3322, %mul3A_3323 : vector<16xf32>
        %mul3A_3325 = arith.mulf %get3A_3302, %add3A_3324 : vector<16xf32>
        %add3A_3326 = arith.addf %add3A_3297, %mul3A_3325 : vector<16xf32>
        %get3A_3327 = arith.index_cast %and3A_130 : i32 to index
        %get3A_3328 = arith.index_cast %add3A_3179 : i32 to index
        %get3A_3329 = arith.constant 80 : index
        %get3A_3330 = tpu.vector_load %arg15[%get3A_3327, %get3A_3328, %get3A_3329] {strides = array<i32>} : memref<2x128x128xf32, #tpu.memory_space<vmem>>, vector<1x1x16xf32>,
        %get3A_3331 = vector.shape_cast %get3A_3330 : vector<1x1x16xf32> to vector<16xf32>
        %get3A_3332 = arith.index_cast %and3A_130 : i32 to index
        %get3A_3333 = arith.index_cast %add3A_3179 : i32 to index
        %get3A_3334 = arith.constant 80 : index
        %get3A_3335 = tpu.vector_load %arg17[%get3A_3332, %get3A_3333, %get3A_3334] {strides = array<i32>} : memref<2x128x128xf32, #tpu.memory_space<vmem>>, vector<1x1x16xf32>,
        %get3A_3336 = vector.shape_cast %get3A_3335 : vector<1x1x16xf32> to vector<16xf32>
        %get3A_3337 = arith.index_cast %and3A_130 : i32 to index
        %get3A_3338 = arith.index_cast %add3A_3179 : i32 to index
        %get3A_3339 = arith.constant 80 : index
        %get3A_3340 = tpu.vector_load %arg16[%get3A_3337, %get3A_3338, %get3A_3339] {strides = array<i32>} : memref<2x128x128xf32, #tpu.memory_space<vmem>>, vector<1x1x16xf32>,
        %get3A_3341 = vector.shape_cast %get3A_3340 : vector<1x1x16xf32> to vector<16xf32>
        %gather3A_3342 = vector.shape_cast %reshape3A : vector<16x1xi32> to vector<16xi32>
        %gather3A_3343 = tpu.dynamic_gather %get3A_3336[%gather3A_3342] in [0] : vector<16xf32>, vector<16xi32> -> vector<16xf32>
        %gather3A_3344 = vector.shape_cast %reshape3A : vector<16x1xi32> to vector<16xi32>
        %gather3A_3345 = tpu.dynamic_gather %get3A_3341[%gather3A_3344] in [0] : vector<16xf32>, vector<16xi32> -> vector<16xf32>
        %select_n3A_3346 = arith.select %eq3A_20, %get3A_3341, %gather3A_3345 : vector<16xi1>, vector<16xf32>
        %neg3A_3347 = arith.constant 0.000000e+00 : f32
        %neg3A_3348 = vector.broadcast %neg3A_3347 : f32 to vector<16xf32>
        %neg3A_3349 = arith.subf %neg3A_3348, %get3A_3341 : vector<16xf32>
        %select_n3A_3350 = arith.select %eq3A_20, %gather3A_3345, %neg3A_3349 : vector<16xi1>, vector<16xf32>
        %mul3A_3351 = arith.mulf %get3A_3336, %select_n3A_3346 : vector<16xf32>
        %mul3A_3352 = arith.mulf %gather3A_3343, %select_n3A_3350 : vector<16xf32>
        %add3A_3353 = arith.addf %mul3A_3351, %mul3A_3352 : vector<16xf32>
        %mul3A_3354 = arith.mulf %get3A_3331, %add3A_3353 : vector<16xf32>
        %add3A_3355 = arith.addf %add3A_3326, %mul3A_3354 : vector<16xf32>
        %get3A_3356 = arith.index_cast %and3A_130 : i32 to index
        %get3A_3357 = arith.index_cast %add3A_3179 : i32 to index
        %get3A_3358 = arith.constant 96 : index
        %get3A_3359 = tpu.vector_load %arg15[%get3A_3356, %get3A_3357, %get3A_3358] {strides = array<i32>} : memref<2x128x128xf32, #tpu.memory_space<vmem>>, vector<1x1x16xf32>,
        %get3A_3360 = vector.shape_cast %get3A_3359 : vector<1x1x16xf32> to vector<16xf32>
        %get3A_3361 = arith.index_cast %and3A_130 : i32 to index
        %get3A_3362 = arith.index_cast %add3A_3179 : i32 to index
        %get3A_3363 = arith.constant 96 : index
        %get3A_3364 = tpu.vector_load %arg17[%get3A_3361, %get3A_3362, %get3A_3363] {strides = array<i32>} : memref<2x128x128xf32, #tpu.memory_space<vmem>>, vector<1x1x16xf32>,
        %get3A_3365 = vector.shape_cast %get3A_3364 : vector<1x1x16xf32> to vector<16xf32>
        %get3A_3366 = arith.index_cast %and3A_130 : i32 to index
        %get3A_3367 = arith.index_cast %add3A_3179 : i32 to index
        %get3A_3368 = arith.constant 96 : index
        %get3A_3369 = tpu.vector_load %arg16[%get3A_3366, %get3A_3367, %get3A_3368] {strides = array<i32>} : memref<2x128x128xf32, #tpu.memory_space<vmem>>, vector<1x1x16xf32>,
        %get3A_3370 = vector.shape_cast %get3A_3369 : vector<1x1x16xf32> to vector<16xf32>
        %gather3A_3371 = vector.shape_cast %reshape3A : vector<16x1xi32> to vector<16xi32>
        %gather3A_3372 = tpu.dynamic_gather %get3A_3365[%gather3A_3371] in [0] : vector<16xf32>, vector<16xi32> -> vector<16xf32>
        %gather3A_3373 = vector.shape_cast %reshape3A : vector<16x1xi32> to vector<16xi32>
        %gather3A_3374 = tpu.dynamic_gather %get3A_3370[%gather3A_3373] in [0] : vector<16xf32>, vector<16xi32> -> vector<16xf32>
        %select_n3A_3375 = arith.select %eq3A_20, %get3A_3370, %gather3A_3374 : vector<16xi1>, vector<16xf32>
        %neg3A_3376 = arith.constant 0.000000e+00 : f32
        %neg3A_3377 = vector.broadcast %neg3A_3376 : f32 to vector<16xf32>
        %neg3A_3378 = arith.subf %neg3A_3377, %get3A_3370 : vector<16xf32>
        %select_n3A_3379 = arith.select %eq3A_20, %gather3A_3374, %neg3A_3378 : vector<16xi1>, vector<16xf32>
        %mul3A_3380 = arith.mulf %get3A_3365, %select_n3A_3375 : vector<16xf32>
        %mul3A_3381 = arith.mulf %gather3A_3372, %select_n3A_3379 : vector<16xf32>
        %add3A_3382 = arith.addf %mul3A_3380, %mul3A_3381 : vector<16xf32>
        %mul3A_3383 = arith.mulf %get3A_3360, %add3A_3382 : vector<16xf32>
        %add3A_3384 = arith.addf %add3A_3355, %mul3A_3383 : vector<16xf32>
        %get3A_3385 = arith.index_cast %and3A_130 : i32 to index
        %get3A_3386 = arith.index_cast %add3A_3179 : i32 to index
        %get3A_3387 = arith.constant 112 : index
        %get3A_3388 = tpu.vector_load %arg15[%get3A_3385, %get3A_3386, %get3A_3387] {strides = array<i32>} : memref<2x128x128xf32, #tpu.memory_space<vmem>>, vector<1x1x16xf32>,
        %get3A_3389 = vector.shape_cast %get3A_3388 : vector<1x1x16xf32> to vector<16xf32>
        %get3A_3390 = arith.index_cast %and3A_130 : i32 to index
        %get3A_3391 = arith.index_cast %add3A_3179 : i32 to index
        %get3A_3392 = arith.constant 112 : index
        %get3A_3393 = tpu.vector_load %arg17[%get3A_3390, %get3A_3391, %get3A_3392] {strides = array<i32>} : memref<2x128x128xf32, #tpu.memory_space<vmem>>, vector<1x1x16xf32>,
        %get3A_3394 = vector.shape_cast %get3A_3393 : vector<1x1x16xf32> to vector<16xf32>
        %get3A_3395 = arith.index_cast %and3A_130 : i32 to index
        %get3A_3396 = arith.index_cast %add3A_3179 : i32 to index
        %get3A_3397 = arith.constant 112 : index
        %get3A_3398 = tpu.vector_load %arg16[%get3A_3395, %get3A_3396, %get3A_3397] {strides = array<i32>} : memref<2x128x128xf32, #tpu.memory_space<vmem>>, vector<1x1x16xf32>,
        %get3A_3399 = vector.shape_cast %get3A_3398 : vector<1x1x16xf32> to vector<16xf32>
        %gather3A_3400 = vector.shape_cast %reshape3A : vector<16x1xi32> to vector<16xi32>
        %gather3A_3401 = tpu.dynamic_gather %get3A_3394[%gather3A_3400] in [0] : vector<16xf32>, vector<16xi32> -> vector<16xf32>
        %gather3A_3402 = vector.shape_cast %reshape3A : vector<16x1xi32> to vector<16xi32>
        %gather3A_3403 = tpu.dynamic_gather %get3A_3399[%gather3A_3402] in [0] : vector<16xf32>, vector<16xi32> -> vector<16xf32>
        %select_n3A_3404 = arith.select %eq3A_20, %get3A_3399, %gather3A_3403 : vector<16xi1>, vector<16xf32>
        %neg3A_3405 = arith.constant 0.000000e+00 : f32
        %neg3A_3406 = vector.broadcast %neg3A_3405 : f32 to vector<16xf32>
        %neg3A_3407 = arith.subf %neg3A_3406, %get3A_3399 : vector<16xf32>
        %select_n3A_3408 = arith.select %eq3A_20, %gather3A_3403, %neg3A_3407 : vector<16xi1>, vector<16xf32>
        %mul3A_3409 = arith.mulf %get3A_3394, %select_n3A_3404 : vector<16xf32>
        %mul3A_3410 = arith.mulf %gather3A_3401, %select_n3A_3408 : vector<16xf32>
        %add3A_3411 = arith.addf %mul3A_3409, %mul3A_3410 : vector<16xf32>
        %mul3A_3412 = arith.mulf %get3A_3389, %add3A_3411 : vector<16xf32>
        %add3A_3413 = arith.addf %add3A_3384, %mul3A_3412 : vector<16xf32>
        %gather3A_3414 = vector.shape_cast %reshape3A : vector<16x1xi32> to vector<16xi32>
        %gather3A_3415 = tpu.dynamic_gather %add3A_3413[%gather3A_3414] in [0] : vector<16xf32>, vector<16xi32> -> vector<16xf32>
        %add3A_3416 = arith.addf %add3A_3413, %gather3A_3415 : vector<16xf32>
        %gather3A_3417 = vector.shape_cast %reshape3A_8 : vector<16x1xi32> to vector<16xi32>
        %gather3A_3418 = tpu.dynamic_gather %add3A_3416[%gather3A_3417] in [0] : vector<16xf32>, vector<16xi32> -> vector<16xf32>
        %add3A_3419 = arith.addf %add3A_3416, %gather3A_3418 : vector<16xf32>
        %gather3A_3420 = vector.shape_cast %reshape3A_12 : vector<16x1xi32> to vector<16xi32>
        %gather3A_3421 = tpu.dynamic_gather %add3A_3419[%gather3A_3420] in [0] : vector<16xf32>, vector<16xi32> -> vector<16xf32>
        %add3A_3422 = arith.addf %add3A_3419, %gather3A_3421 : vector<16xf32>
        %gather3A_3423 = vector.shape_cast %reshape3A_16 : vector<16x1xi32> to vector<16xi32>
        %gather3A_3424 = tpu.dynamic_gather %add3A_3422[%gather3A_3423] in [0] : vector<16xf32>, vector<16xi32> -> vector<16xf32>
        %add3A_3425 = arith.addf %add3A_3422, %gather3A_3424 : vector<16xf32>
        %eq3A_3426 = arith.constant 12 : i32
        %eq3A_3427 = vector.broadcast %eq3A_3426 : i32 to vector<16xi32>
        %eq3A_3428 = arith.cmpi eq, %iota3A, %eq3A_3427 : vector<16xi32>
        %select_n3A_3429 = arith.select %eq3A_3428, %add3A_3425, %select_n3A_3177 : vector<16xi1>, vector<16xf32>
        %add3A_3430 = arith.constant 13 : i32
        %add3A_3431 = arith.addi %mul3A_156, %add3A_3430 : i32
        %broadcast_in_dim3A_3432 = arith.constant 0.000000e+00 : f32
        %broadcast_in_dim3A_3433 = vector.broadcast %broadcast_in_dim3A_3432 : f32 to vector<16xf32>
        %get3A_3434 = arith.index_cast %and3A_130 : i32 to index
        %get3A_3435 = arith.index_cast %add3A_3431 : i32 to index
        %get3A_3436 = arith.constant 0 : index
        %get3A_3437 = tpu.vector_load %arg15[%get3A_3434, %get3A_3435, %get3A_3436] {strides = array<i32>} : memref<2x128x128xf32, #tpu.memory_space<vmem>>, vector<1x1x16xf32>,
        %get3A_3438 = vector.shape_cast %get3A_3437 : vector<1x1x16xf32> to vector<16xf32>
        %get3A_3439 = arith.index_cast %and3A_130 : i32 to index
        %get3A_3440 = arith.index_cast %add3A_3431 : i32 to index
        %get3A_3441 = arith.constant 0 : index
        %get3A_3442 = tpu.vector_load %arg17[%get3A_3439, %get3A_3440, %get3A_3441] {strides = array<i32>} : memref<2x128x128xf32, #tpu.memory_space<vmem>>, vector<1x1x16xf32>,
        %get3A_3443 = vector.shape_cast %get3A_3442 : vector<1x1x16xf32> to vector<16xf32>
        %get3A_3444 = arith.index_cast %and3A_130 : i32 to index
        %get3A_3445 = arith.index_cast %add3A_3431 : i32 to index
        %get3A_3446 = arith.constant 0 : index
        %get3A_3447 = tpu.vector_load %arg16[%get3A_3444, %get3A_3445, %get3A_3446] {strides = array<i32>} : memref<2x128x128xf32, #tpu.memory_space<vmem>>, vector<1x1x16xf32>,
        %get3A_3448 = vector.shape_cast %get3A_3447 : vector<1x1x16xf32> to vector<16xf32>
        %gather3A_3449 = vector.shape_cast %reshape3A : vector<16x1xi32> to vector<16xi32>
        %gather3A_3450 = tpu.dynamic_gather %get3A_3443[%gather3A_3449] in [0] : vector<16xf32>, vector<16xi32> -> vector<16xf32>
        %gather3A_3451 = vector.shape_cast %reshape3A : vector<16x1xi32> to vector<16xi32>
        %gather3A_3452 = tpu.dynamic_gather %get3A_3448[%gather3A_3451] in [0] : vector<16xf32>, vector<16xi32> -> vector<16xf32>
        %select_n3A_3453 = arith.select %eq3A_20, %get3A_3448, %gather3A_3452 : vector<16xi1>, vector<16xf32>
        %neg3A_3454 = arith.constant 0.000000e+00 : f32
        %neg3A_3455 = vector.broadcast %neg3A_3454 : f32 to vector<16xf32>
        %neg3A_3456 = arith.subf %neg3A_3455, %get3A_3448 : vector<16xf32>
        %select_n3A_3457 = arith.select %eq3A_20, %gather3A_3452, %neg3A_3456 : vector<16xi1>, vector<16xf32>
        %mul3A_3458 = arith.mulf %get3A_3443, %select_n3A_3453 : vector<16xf32>
        %mul3A_3459 = arith.mulf %gather3A_3450, %select_n3A_3457 : vector<16xf32>
        %add3A_3460 = arith.addf %mul3A_3458, %mul3A_3459 : vector<16xf32>
        %mul3A_3461 = arith.mulf %get3A_3438, %add3A_3460 : vector<16xf32>
        %add3A_3462 = arith.addf %broadcast_in_dim3A_3433, %mul3A_3461 : vector<16xf32>
        %get3A_3463 = arith.index_cast %and3A_130 : i32 to index
        %get3A_3464 = arith.index_cast %add3A_3431 : i32 to index
        %get3A_3465 = arith.constant 16 : index
        %get3A_3466 = tpu.vector_load %arg15[%get3A_3463, %get3A_3464, %get3A_3465] {strides = array<i32>} : memref<2x128x128xf32, #tpu.memory_space<vmem>>, vector<1x1x16xf32>,
        %get3A_3467 = vector.shape_cast %get3A_3466 : vector<1x1x16xf32> to vector<16xf32>
        %get3A_3468 = arith.index_cast %and3A_130 : i32 to index
        %get3A_3469 = arith.index_cast %add3A_3431 : i32 to index
        %get3A_3470 = arith.constant 16 : index
        %get3A_3471 = tpu.vector_load %arg17[%get3A_3468, %get3A_3469, %get3A_3470] {strides = array<i32>} : memref<2x128x128xf32, #tpu.memory_space<vmem>>, vector<1x1x16xf32>,
        %get3A_3472 = vector.shape_cast %get3A_3471 : vector<1x1x16xf32> to vector<16xf32>
        %get3A_3473 = arith.index_cast %and3A_130 : i32 to index
        %get3A_3474 = arith.index_cast %add3A_3431 : i32 to index
        %get3A_3475 = arith.constant 16 : index
        %get3A_3476 = tpu.vector_load %arg16[%get3A_3473, %get3A_3474, %get3A_3475] {strides = array<i32>} : memref<2x128x128xf32, #tpu.memory_space<vmem>>, vector<1x1x16xf32>,
        %get3A_3477 = vector.shape_cast %get3A_3476 : vector<1x1x16xf32> to vector<16xf32>
        %gather3A_3478 = vector.shape_cast %reshape3A : vector<16x1xi32> to vector<16xi32>
        %gather3A_3479 = tpu.dynamic_gather %get3A_3472[%gather3A_3478] in [0] : vector<16xf32>, vector<16xi32> -> vector<16xf32>
        %gather3A_3480 = vector.shape_cast %reshape3A : vector<16x1xi32> to vector<16xi32>
        %gather3A_3481 = tpu.dynamic_gather %get3A_3477[%gather3A_3480] in [0] : vector<16xf32>, vector<16xi32> -> vector<16xf32>
        %select_n3A_3482 = arith.select %eq3A_20, %get3A_3477, %gather3A_3481 : vector<16xi1>, vector<16xf32>
        %neg3A_3483 = arith.constant 0.000000e+00 : f32
        %neg3A_3484 = vector.broadcast %neg3A_3483 : f32 to vector<16xf32>
        %neg3A_3485 = arith.subf %neg3A_3484, %get3A_3477 : vector<16xf32>
        %select_n3A_3486 = arith.select %eq3A_20, %gather3A_3481, %neg3A_3485 : vector<16xi1>, vector<16xf32>
        %mul3A_3487 = arith.mulf %get3A_3472, %select_n3A_3482 : vector<16xf32>
        %mul3A_3488 = arith.mulf %gather3A_3479, %select_n3A_3486 : vector<16xf32>
        %add3A_3489 = arith.addf %mul3A_3487, %mul3A_3488 : vector<16xf32>
        %mul3A_3490 = arith.mulf %get3A_3467, %add3A_3489 : vector<16xf32>
        %add3A_3491 = arith.addf %add3A_3462, %mul3A_3490 : vector<16xf32>
        %get3A_3492 = arith.index_cast %and3A_130 : i32 to index
        %get3A_3493 = arith.index_cast %add3A_3431 : i32 to index
        %get3A_3494 = arith.constant 32 : index
        %get3A_3495 = tpu.vector_load %arg15[%get3A_3492, %get3A_3493, %get3A_3494] {strides = array<i32>} : memref<2x128x128xf32, #tpu.memory_space<vmem>>, vector<1x1x16xf32>,
        %get3A_3496 = vector.shape_cast %get3A_3495 : vector<1x1x16xf32> to vector<16xf32>
        %get3A_3497 = arith.index_cast %and3A_130 : i32 to index
        %get3A_3498 = arith.index_cast %add3A_3431 : i32 to index
        %get3A_3499 = arith.constant 32 : index
        %get3A_3500 = tpu.vector_load %arg17[%get3A_3497, %get3A_3498, %get3A_3499] {strides = array<i32>} : memref<2x128x128xf32, #tpu.memory_space<vmem>>, vector<1x1x16xf32>,
        %get3A_3501 = vector.shape_cast %get3A_3500 : vector<1x1x16xf32> to vector<16xf32>
        %get3A_3502 = arith.index_cast %and3A_130 : i32 to index
        %get3A_3503 = arith.index_cast %add3A_3431 : i32 to index
        %get3A_3504 = arith.constant 32 : index
        %get3A_3505 = tpu.vector_load %arg16[%get3A_3502, %get3A_3503, %get3A_3504] {strides = array<i32>} : memref<2x128x128xf32, #tpu.memory_space<vmem>>, vector<1x1x16xf32>,
        %get3A_3506 = vector.shape_cast %get3A_3505 : vector<1x1x16xf32> to vector<16xf32>
        %gather3A_3507 = vector.shape_cast %reshape3A : vector<16x1xi32> to vector<16xi32>
        %gather3A_3508 = tpu.dynamic_gather %get3A_3501[%gather3A_3507] in [0] : vector<16xf32>, vector<16xi32> -> vector<16xf32>
        %gather3A_3509 = vector.shape_cast %reshape3A : vector<16x1xi32> to vector<16xi32>
        %gather3A_3510 = tpu.dynamic_gather %get3A_3506[%gather3A_3509] in [0] : vector<16xf32>, vector<16xi32> -> vector<16xf32>
        %select_n3A_3511 = arith.select %eq3A_20, %get3A_3506, %gather3A_3510 : vector<16xi1>, vector<16xf32>
        %neg3A_3512 = arith.constant 0.000000e+00 : f32
        %neg3A_3513 = vector.broadcast %neg3A_3512 : f32 to vector<16xf32>
        %neg3A_3514 = arith.subf %neg3A_3513, %get3A_3506 : vector<16xf32>
        %select_n3A_3515 = arith.select %eq3A_20, %gather3A_3510, %neg3A_3514 : vector<16xi1>, vector<16xf32>
        %mul3A_3516 = arith.mulf %get3A_3501, %select_n3A_3511 : vector<16xf32>
        %mul3A_3517 = arith.mulf %gather3A_3508, %select_n3A_3515 : vector<16xf32>
        %add3A_3518 = arith.addf %mul3A_3516, %mul3A_3517 : vector<16xf32>
        %mul3A_3519 = arith.mulf %get3A_3496, %add3A_3518 : vector<16xf32>
        %add3A_3520 = arith.addf %add3A_3491, %mul3A_3519 : vector<16xf32>
        %get3A_3521 = arith.index_cast %and3A_130 : i32 to index
        %get3A_3522 = arith.index_cast %add3A_3431 : i32 to index
        %get3A_3523 = arith.constant 48 : index
        %get3A_3524 = tpu.vector_load %arg15[%get3A_3521, %get3A_3522, %get3A_3523] {strides = array<i32>} : memref<2x128x128xf32, #tpu.memory_space<vmem>>, vector<1x1x16xf32>,
        %get3A_3525 = vector.shape_cast %get3A_3524 : vector<1x1x16xf32> to vector<16xf32>
        %get3A_3526 = arith.index_cast %and3A_130 : i32 to index
        %get3A_3527 = arith.index_cast %add3A_3431 : i32 to index
        %get3A_3528 = arith.constant 48 : index
        %get3A_3529 = tpu.vector_load %arg17[%get3A_3526, %get3A_3527, %get3A_3528] {strides = array<i32>} : memref<2x128x128xf32, #tpu.memory_space<vmem>>, vector<1x1x16xf32>,
        %get3A_3530 = vector.shape_cast %get3A_3529 : vector<1x1x16xf32> to vector<16xf32>
        %get3A_3531 = arith.index_cast %and3A_130 : i32 to index
        %get3A_3532 = arith.index_cast %add3A_3431 : i32 to index
        %get3A_3533 = arith.constant 48 : index
        %get3A_3534 = tpu.vector_load %arg16[%get3A_3531, %get3A_3532, %get3A_3533] {strides = array<i32>} : memref<2x128x128xf32, #tpu.memory_space<vmem>>, vector<1x1x16xf32>,
        %get3A_3535 = vector.shape_cast %get3A_3534 : vector<1x1x16xf32> to vector<16xf32>
        %gather3A_3536 = vector.shape_cast %reshape3A : vector<16x1xi32> to vector<16xi32>
        %gather3A_3537 = tpu.dynamic_gather %get3A_3530[%gather3A_3536] in [0] : vector<16xf32>, vector<16xi32> -> vector<16xf32>
        %gather3A_3538 = vector.shape_cast %reshape3A : vector<16x1xi32> to vector<16xi32>
        %gather3A_3539 = tpu.dynamic_gather %get3A_3535[%gather3A_3538] in [0] : vector<16xf32>, vector<16xi32> -> vector<16xf32>
        %select_n3A_3540 = arith.select %eq3A_20, %get3A_3535, %gather3A_3539 : vector<16xi1>, vector<16xf32>
        %neg3A_3541 = arith.constant 0.000000e+00 : f32
        %neg3A_3542 = vector.broadcast %neg3A_3541 : f32 to vector<16xf32>
        %neg3A_3543 = arith.subf %neg3A_3542, %get3A_3535 : vector<16xf32>
        %select_n3A_3544 = arith.select %eq3A_20, %gather3A_3539, %neg3A_3543 : vector<16xi1>, vector<16xf32>
        %mul3A_3545 = arith.mulf %get3A_3530, %select_n3A_3540 : vector<16xf32>
        %mul3A_3546 = arith.mulf %gather3A_3537, %select_n3A_3544 : vector<16xf32>
        %add3A_3547 = arith.addf %mul3A_3545, %mul3A_3546 : vector<16xf32>
        %mul3A_3548 = arith.mulf %get3A_3525, %add3A_3547 : vector<16xf32>
        %add3A_3549 = arith.addf %add3A_3520, %mul3A_3548 : vector<16xf32>
        %get3A_3550 = arith.index_cast %and3A_130 : i32 to index
        %get3A_3551 = arith.index_cast %add3A_3431 : i32 to index
        %get3A_3552 = arith.constant 64 : index
        %get3A_3553 = tpu.vector_load %arg15[%get3A_3550, %get3A_3551, %get3A_3552] {strides = array<i32>} : memref<2x128x128xf32, #tpu.memory_space<vmem>>, vector<1x1x16xf32>,
        %get3A_3554 = vector.shape_cast %get3A_3553 : vector<1x1x16xf32> to vector<16xf32>
        %get3A_3555 = arith.index_cast %and3A_130 : i32 to index
        %get3A_3556 = arith.index_cast %add3A_3431 : i32 to index
        %get3A_3557 = arith.constant 64 : index
        %get3A_3558 = tpu.vector_load %arg17[%get3A_3555, %get3A_3556, %get3A_3557] {strides = array<i32>} : memref<2x128x128xf32, #tpu.memory_space<vmem>>, vector<1x1x16xf32>,
        %get3A_3559 = vector.shape_cast %get3A_3558 : vector<1x1x16xf32> to vector<16xf32>
        %get3A_3560 = arith.index_cast %and3A_130 : i32 to index
        %get3A_3561 = arith.index_cast %add3A_3431 : i32 to index
        %get3A_3562 = arith.constant 64 : index
        %get3A_3563 = tpu.vector_load %arg16[%get3A_3560, %get3A_3561, %get3A_3562] {strides = array<i32>} : memref<2x128x128xf32, #tpu.memory_space<vmem>>, vector<1x1x16xf32>,
        %get3A_3564 = vector.shape_cast %get3A_3563 : vector<1x1x16xf32> to vector<16xf32>
        %gather3A_3565 = vector.shape_cast %reshape3A : vector<16x1xi32> to vector<16xi32>
        %gather3A_3566 = tpu.dynamic_gather %get3A_3559[%gather3A_3565] in [0] : vector<16xf32>, vector<16xi32> -> vector<16xf32>
        %gather3A_3567 = vector.shape_cast %reshape3A : vector<16x1xi32> to vector<16xi32>
        %gather3A_3568 = tpu.dynamic_gather %get3A_3564[%gather3A_3567] in [0] : vector<16xf32>, vector<16xi32> -> vector<16xf32>
        %select_n3A_3569 = arith.select %eq3A_20, %get3A_3564, %gather3A_3568 : vector<16xi1>, vector<16xf32>
        %neg3A_3570 = arith.constant 0.000000e+00 : f32
        %neg3A_3571 = vector.broadcast %neg3A_3570 : f32 to vector<16xf32>
        %neg3A_3572 = arith.subf %neg3A_3571, %get3A_3564 : vector<16xf32>
        %select_n3A_3573 = arith.select %eq3A_20, %gather3A_3568, %neg3A_3572 : vector<16xi1>, vector<16xf32>
        %mul3A_3574 = arith.mulf %get3A_3559, %select_n3A_3569 : vector<16xf32>
        %mul3A_3575 = arith.mulf %gather3A_3566, %select_n3A_3573 : vector<16xf32>
        %add3A_3576 = arith.addf %mul3A_3574, %mul3A_3575 : vector<16xf32>
        %mul3A_3577 = arith.mulf %get3A_3554, %add3A_3576 : vector<16xf32>
        %add3A_3578 = arith.addf %add3A_3549, %mul3A_3577 : vector<16xf32>
        %get3A_3579 = arith.index_cast %and3A_130 : i32 to index
        %get3A_3580 = arith.index_cast %add3A_3431 : i32 to index
        %get3A_3581 = arith.constant 80 : index
        %get3A_3582 = tpu.vector_load %arg15[%get3A_3579, %get3A_3580, %get3A_3581] {strides = array<i32>} : memref<2x128x128xf32, #tpu.memory_space<vmem>>, vector<1x1x16xf32>,
        %get3A_3583 = vector.shape_cast %get3A_3582 : vector<1x1x16xf32> to vector<16xf32>
        %get3A_3584 = arith.index_cast %and3A_130 : i32 to index
        %get3A_3585 = arith.index_cast %add3A_3431 : i32 to index
        %get3A_3586 = arith.constant 80 : index
        %get3A_3587 = tpu.vector_load %arg17[%get3A_3584, %get3A_3585, %get3A_3586] {strides = array<i32>} : memref<2x128x128xf32, #tpu.memory_space<vmem>>, vector<1x1x16xf32>,
        %get3A_3588 = vector.shape_cast %get3A_3587 : vector<1x1x16xf32> to vector<16xf32>
        %get3A_3589 = arith.index_cast %and3A_130 : i32 to index
        %get3A_3590 = arith.index_cast %add3A_3431 : i32 to index
        %get3A_3591 = arith.constant 80 : index
        %get3A_3592 = tpu.vector_load %arg16[%get3A_3589, %get3A_3590, %get3A_3591] {strides = array<i32>} : memref<2x128x128xf32, #tpu.memory_space<vmem>>, vector<1x1x16xf32>,
        %get3A_3593 = vector.shape_cast %get3A_3592 : vector<1x1x16xf32> to vector<16xf32>
        %gather3A_3594 = vector.shape_cast %reshape3A : vector<16x1xi32> to vector<16xi32>
        %gather3A_3595 = tpu.dynamic_gather %get3A_3588[%gather3A_3594] in [0] : vector<16xf32>, vector<16xi32> -> vector<16xf32>
        %gather3A_3596 = vector.shape_cast %reshape3A : vector<16x1xi32> to vector<16xi32>
        %gather3A_3597 = tpu.dynamic_gather %get3A_3593[%gather3A_3596] in [0] : vector<16xf32>, vector<16xi32> -> vector<16xf32>
        %select_n3A_3598 = arith.select %eq3A_20, %get3A_3593, %gather3A_3597 : vector<16xi1>, vector<16xf32>
        %neg3A_3599 = arith.constant 0.000000e+00 : f32
        %neg3A_3600 = vector.broadcast %neg3A_3599 : f32 to vector<16xf32>
        %neg3A_3601 = arith.subf %neg3A_3600, %get3A_3593 : vector<16xf32>
        %select_n3A_3602 = arith.select %eq3A_20, %gather3A_3597, %neg3A_3601 : vector<16xi1>, vector<16xf32>
        %mul3A_3603 = arith.mulf %get3A_3588, %select_n3A_3598 : vector<16xf32>
        %mul3A_3604 = arith.mulf %gather3A_3595, %select_n3A_3602 : vector<16xf32>
        %add3A_3605 = arith.addf %mul3A_3603, %mul3A_3604 : vector<16xf32>
        %mul3A_3606 = arith.mulf %get3A_3583, %add3A_3605 : vector<16xf32>
        %add3A_3607 = arith.addf %add3A_3578, %mul3A_3606 : vector<16xf32>
        %get3A_3608 = arith.index_cast %and3A_130 : i32 to index
        %get3A_3609 = arith.index_cast %add3A_3431 : i32 to index
        %get3A_3610 = arith.constant 96 : index
        %get3A_3611 = tpu.vector_load %arg15[%get3A_3608, %get3A_3609, %get3A_3610] {strides = array<i32>} : memref<2x128x128xf32, #tpu.memory_space<vmem>>, vector<1x1x16xf32>,
        %get3A_3612 = vector.shape_cast %get3A_3611 : vector<1x1x16xf32> to vector<16xf32>
        %get3A_3613 = arith.index_cast %and3A_130 : i32 to index
        %get3A_3614 = arith.index_cast %add3A_3431 : i32 to index
        %get3A_3615 = arith.constant 96 : index
        %get3A_3616 = tpu.vector_load %arg17[%get3A_3613, %get3A_3614, %get3A_3615] {strides = array<i32>} : memref<2x128x128xf32, #tpu.memory_space<vmem>>, vector<1x1x16xf32>,
        %get3A_3617 = vector.shape_cast %get3A_3616 : vector<1x1x16xf32> to vector<16xf32>
        %get3A_3618 = arith.index_cast %and3A_130 : i32 to index
        %get3A_3619 = arith.index_cast %add3A_3431 : i32 to index
        %get3A_3620 = arith.constant 96 : index
        %get3A_3621 = tpu.vector_load %arg16[%get3A_3618, %get3A_3619, %get3A_3620] {strides = array<i32>} : memref<2x128x128xf32, #tpu.memory_space<vmem>>, vector<1x1x16xf32>,
        %get3A_3622 = vector.shape_cast %get3A_3621 : vector<1x1x16xf32> to vector<16xf32>
        %gather3A_3623 = vector.shape_cast %reshape3A : vector<16x1xi32> to vector<16xi32>
        %gather3A_3624 = tpu.dynamic_gather %get3A_3617[%gather3A_3623] in [0] : vector<16xf32>, vector<16xi32> -> vector<16xf32>
        %gather3A_3625 = vector.shape_cast %reshape3A : vector<16x1xi32> to vector<16xi32>
        %gather3A_3626 = tpu.dynamic_gather %get3A_3622[%gather3A_3625] in [0] : vector<16xf32>, vector<16xi32> -> vector<16xf32>
        %select_n3A_3627 = arith.select %eq3A_20, %get3A_3622, %gather3A_3626 : vector<16xi1>, vector<16xf32>
        %neg3A_3628 = arith.constant 0.000000e+00 : f32
        %neg3A_3629 = vector.broadcast %neg3A_3628 : f32 to vector<16xf32>
        %neg3A_3630 = arith.subf %neg3A_3629, %get3A_3622 : vector<16xf32>
        %select_n3A_3631 = arith.select %eq3A_20, %gather3A_3626, %neg3A_3630 : vector<16xi1>, vector<16xf32>
        %mul3A_3632 = arith.mulf %get3A_3617, %select_n3A_3627 : vector<16xf32>
        %mul3A_3633 = arith.mulf %gather3A_3624, %select_n3A_3631 : vector<16xf32>
        %add3A_3634 = arith.addf %mul3A_3632, %mul3A_3633 : vector<16xf32>
        %mul3A_3635 = arith.mulf %get3A_3612, %add3A_3634 : vector<16xf32>
        %add3A_3636 = arith.addf %add3A_3607, %mul3A_3635 : vector<16xf32>
        %get3A_3637 = arith.index_cast %and3A_130 : i32 to index
        %get3A_3638 = arith.index_cast %add3A_3431 : i32 to index
        %get3A_3639 = arith.constant 112 : index
        %get3A_3640 = tpu.vector_load %arg15[%get3A_3637, %get3A_3638, %get3A_3639] {strides = array<i32>} : memref<2x128x128xf32, #tpu.memory_space<vmem>>, vector<1x1x16xf32>,
        %get3A_3641 = vector.shape_cast %get3A_3640 : vector<1x1x16xf32> to vector<16xf32>
        %get3A_3642 = arith.index_cast %and3A_130 : i32 to index
        %get3A_3643 = arith.index_cast %add3A_3431 : i32 to index
        %get3A_3644 = arith.constant 112 : index
        %get3A_3645 = tpu.vector_load %arg17[%get3A_3642, %get3A_3643, %get3A_3644] {strides = array<i32>} : memref<2x128x128xf32, #tpu.memory_space<vmem>>, vector<1x1x16xf32>,
        %get3A_3646 = vector.shape_cast %get3A_3645 : vector<1x1x16xf32> to vector<16xf32>
        %get3A_3647 = arith.index_cast %and3A_130 : i32 to index
        %get3A_3648 = arith.index_cast %add3A_3431 : i32 to index
        %get3A_3649 = arith.constant 112 : index
        %get3A_3650 = tpu.vector_load %arg16[%get3A_3647, %get3A_3648, %get3A_3649] {strides = array<i32>} : memref<2x128x128xf32, #tpu.memory_space<vmem>>, vector<1x1x16xf32>,
        %get3A_3651 = vector.shape_cast %get3A_3650 : vector<1x1x16xf32> to vector<16xf32>
        %gather3A_3652 = vector.shape_cast %reshape3A : vector<16x1xi32> to vector<16xi32>
        %gather3A_3653 = tpu.dynamic_gather %get3A_3646[%gather3A_3652] in [0] : vector<16xf32>, vector<16xi32> -> vector<16xf32>
        %gather3A_3654 = vector.shape_cast %reshape3A : vector<16x1xi32> to vector<16xi32>
        %gather3A_3655 = tpu.dynamic_gather %get3A_3651[%gather3A_3654] in [0] : vector<16xf32>, vector<16xi32> -> vector<16xf32>
        %select_n3A_3656 = arith.select %eq3A_20, %get3A_3651, %gather3A_3655 : vector<16xi1>, vector<16xf32>
        %neg3A_3657 = arith.constant 0.000000e+00 : f32
        %neg3A_3658 = vector.broadcast %neg3A_3657 : f32 to vector<16xf32>
        %neg3A_3659 = arith.subf %neg3A_3658, %get3A_3651 : vector<16xf32>
        %select_n3A_3660 = arith.select %eq3A_20, %gather3A_3655, %neg3A_3659 : vector<16xi1>, vector<16xf32>
        %mul3A_3661 = arith.mulf %get3A_3646, %select_n3A_3656 : vector<16xf32>
        %mul3A_3662 = arith.mulf %gather3A_3653, %select_n3A_3660 : vector<16xf32>
        %add3A_3663 = arith.addf %mul3A_3661, %mul3A_3662 : vector<16xf32>
        %mul3A_3664 = arith.mulf %get3A_3641, %add3A_3663 : vector<16xf32>
        %add3A_3665 = arith.addf %add3A_3636, %mul3A_3664 : vector<16xf32>
        %gather3A_3666 = vector.shape_cast %reshape3A : vector<16x1xi32> to vector<16xi32>
        %gather3A_3667 = tpu.dynamic_gather %add3A_3665[%gather3A_3666] in [0] : vector<16xf32>, vector<16xi32> -> vector<16xf32>
        %add3A_3668 = arith.addf %add3A_3665, %gather3A_3667 : vector<16xf32>
        %gather3A_3669 = vector.shape_cast %reshape3A_8 : vector<16x1xi32> to vector<16xi32>
        %gather3A_3670 = tpu.dynamic_gather %add3A_3668[%gather3A_3669] in [0] : vector<16xf32>, vector<16xi32> -> vector<16xf32>
        %add3A_3671 = arith.addf %add3A_3668, %gather3A_3670 : vector<16xf32>
        %gather3A_3672 = vector.shape_cast %reshape3A_12 : vector<16x1xi32> to vector<16xi32>
        %gather3A_3673 = tpu.dynamic_gather %add3A_3671[%gather3A_3672] in [0] : vector<16xf32>, vector<16xi32> -> vector<16xf32>
        %add3A_3674 = arith.addf %add3A_3671, %gather3A_3673 : vector<16xf32>
        %gather3A_3675 = vector.shape_cast %reshape3A_16 : vector<16x1xi32> to vector<16xi32>
        %gather3A_3676 = tpu.dynamic_gather %add3A_3674[%gather3A_3675] in [0] : vector<16xf32>, vector<16xi32> -> vector<16xf32>
        %add3A_3677 = arith.addf %add3A_3674, %gather3A_3676 : vector<16xf32>
        %eq3A_3678 = arith.constant 13 : i32
        %eq3A_3679 = vector.broadcast %eq3A_3678 : i32 to vector<16xi32>
        %eq3A_3680 = arith.cmpi eq, %iota3A, %eq3A_3679 : vector<16xi32>
        %select_n3A_3681 = arith.select %eq3A_3680, %add3A_3677, %select_n3A_3429 : vector<16xi1>, vector<16xf32>
        %add3A_3682 = arith.constant 14 : i32
        %add3A_3683 = arith.addi %mul3A_156, %add3A_3682 : i32
        %broadcast_in_dim3A_3684 = arith.constant 0.000000e+00 : f32
        %broadcast_in_dim3A_3685 = vector.broadcast %broadcast_in_dim3A_3684 : f32 to vector<16xf32>
        %get3A_3686 = arith.index_cast %and3A_130 : i32 to index
        %get3A_3687 = arith.index_cast %add3A_3683 : i32 to index
        %get3A_3688 = arith.constant 0 : index
        %get3A_3689 = tpu.vector_load %arg15[%get3A_3686, %get3A_3687, %get3A_3688] {strides = array<i32>} : memref<2x128x128xf32, #tpu.memory_space<vmem>>, vector<1x1x16xf32>,
        %get3A_3690 = vector.shape_cast %get3A_3689 : vector<1x1x16xf32> to vector<16xf32>
        %get3A_3691 = arith.index_cast %and3A_130 : i32 to index
        %get3A_3692 = arith.index_cast %add3A_3683 : i32 to index
        %get3A_3693 = arith.constant 0 : index
        %get3A_3694 = tpu.vector_load %arg17[%get3A_3691, %get3A_3692, %get3A_3693] {strides = array<i32>} : memref<2x128x128xf32, #tpu.memory_space<vmem>>, vector<1x1x16xf32>,
        %get3A_3695 = vector.shape_cast %get3A_3694 : vector<1x1x16xf32> to vector<16xf32>
        %get3A_3696 = arith.index_cast %and3A_130 : i32 to index
        %get3A_3697 = arith.index_cast %add3A_3683 : i32 to index
        %get3A_3698 = arith.constant 0 : index
        %get3A_3699 = tpu.vector_load %arg16[%get3A_3696, %get3A_3697, %get3A_3698] {strides = array<i32>} : memref<2x128x128xf32, #tpu.memory_space<vmem>>, vector<1x1x16xf32>,
        %get3A_3700 = vector.shape_cast %get3A_3699 : vector<1x1x16xf32> to vector<16xf32>
        %gather3A_3701 = vector.shape_cast %reshape3A : vector<16x1xi32> to vector<16xi32>
        %gather3A_3702 = tpu.dynamic_gather %get3A_3695[%gather3A_3701] in [0] : vector<16xf32>, vector<16xi32> -> vector<16xf32>
        %gather3A_3703 = vector.shape_cast %reshape3A : vector<16x1xi32> to vector<16xi32>
        %gather3A_3704 = tpu.dynamic_gather %get3A_3700[%gather3A_3703] in [0] : vector<16xf32>, vector<16xi32> -> vector<16xf32>
        %select_n3A_3705 = arith.select %eq3A_20, %get3A_3700, %gather3A_3704 : vector<16xi1>, vector<16xf32>
        %neg3A_3706 = arith.constant 0.000000e+00 : f32
        %neg3A_3707 = vector.broadcast %neg3A_3706 : f32 to vector<16xf32>
        %neg3A_3708 = arith.subf %neg3A_3707, %get3A_3700 : vector<16xf32>
        %select_n3A_3709 = arith.select %eq3A_20, %gather3A_3704, %neg3A_3708 : vector<16xi1>, vector<16xf32>
        %mul3A_3710 = arith.mulf %get3A_3695, %select_n3A_3705 : vector<16xf32>
        %mul3A_3711 = arith.mulf %gather3A_3702, %select_n3A_3709 : vector<16xf32>
        %add3A_3712 = arith.addf %mul3A_3710, %mul3A_3711 : vector<16xf32>
        %mul3A_3713 = arith.mulf %get3A_3690, %add3A_3712 : vector<16xf32>
        %add3A_3714 = arith.addf %broadcast_in_dim3A_3685, %mul3A_3713 : vector<16xf32>
        %get3A_3715 = arith.index_cast %and3A_130 : i32 to index
        %get3A_3716 = arith.index_cast %add3A_3683 : i32 to index
        %get3A_3717 = arith.constant 16 : index
        %get3A_3718 = tpu.vector_load %arg15[%get3A_3715, %get3A_3716, %get3A_3717] {strides = array<i32>} : memref<2x128x128xf32, #tpu.memory_space<vmem>>, vector<1x1x16xf32>,
        %get3A_3719 = vector.shape_cast %get3A_3718 : vector<1x1x16xf32> to vector<16xf32>
        %get3A_3720 = arith.index_cast %and3A_130 : i32 to index
        %get3A_3721 = arith.index_cast %add3A_3683 : i32 to index
        %get3A_3722 = arith.constant 16 : index
        %get3A_3723 = tpu.vector_load %arg17[%get3A_3720, %get3A_3721, %get3A_3722] {strides = array<i32>} : memref<2x128x128xf32, #tpu.memory_space<vmem>>, vector<1x1x16xf32>,
        %get3A_3724 = vector.shape_cast %get3A_3723 : vector<1x1x16xf32> to vector<16xf32>
        %get3A_3725 = arith.index_cast %and3A_130 : i32 to index
        %get3A_3726 = arith.index_cast %add3A_3683 : i32 to index
        %get3A_3727 = arith.constant 16 : index
        %get3A_3728 = tpu.vector_load %arg16[%get3A_3725, %get3A_3726, %get3A_3727] {strides = array<i32>} : memref<2x128x128xf32, #tpu.memory_space<vmem>>, vector<1x1x16xf32>,
        %get3A_3729 = vector.shape_cast %get3A_3728 : vector<1x1x16xf32> to vector<16xf32>
        %gather3A_3730 = vector.shape_cast %reshape3A : vector<16x1xi32> to vector<16xi32>
        %gather3A_3731 = tpu.dynamic_gather %get3A_3724[%gather3A_3730] in [0] : vector<16xf32>, vector<16xi32> -> vector<16xf32>
        %gather3A_3732 = vector.shape_cast %reshape3A : vector<16x1xi32> to vector<16xi32>
        %gather3A_3733 = tpu.dynamic_gather %get3A_3729[%gather3A_3732] in [0] : vector<16xf32>, vector<16xi32> -> vector<16xf32>
        %select_n3A_3734 = arith.select %eq3A_20, %get3A_3729, %gather3A_3733 : vector<16xi1>, vector<16xf32>
        %neg3A_3735 = arith.constant 0.000000e+00 : f32
        %neg3A_3736 = vector.broadcast %neg3A_3735 : f32 to vector<16xf32>
        %neg3A_3737 = arith.subf %neg3A_3736, %get3A_3729 : vector<16xf32>
        %select_n3A_3738 = arith.select %eq3A_20, %gather3A_3733, %neg3A_3737 : vector<16xi1>, vector<16xf32>
        %mul3A_3739 = arith.mulf %get3A_3724, %select_n3A_3734 : vector<16xf32>
        %mul3A_3740 = arith.mulf %gather3A_3731, %select_n3A_3738 : vector<16xf32>
        %add3A_3741 = arith.addf %mul3A_3739, %mul3A_3740 : vector<16xf32>
        %mul3A_3742 = arith.mulf %get3A_3719, %add3A_3741 : vector<16xf32>
        %add3A_3743 = arith.addf %add3A_3714, %mul3A_3742 : vector<16xf32>
        %get3A_3744 = arith.index_cast %and3A_130 : i32 to index
        %get3A_3745 = arith.index_cast %add3A_3683 : i32 to index
        %get3A_3746 = arith.constant 32 : index
        %get3A_3747 = tpu.vector_load %arg15[%get3A_3744, %get3A_3745, %get3A_3746] {strides = array<i32>} : memref<2x128x128xf32, #tpu.memory_space<vmem>>, vector<1x1x16xf32>,
        %get3A_3748 = vector.shape_cast %get3A_3747 : vector<1x1x16xf32> to vector<16xf32>
        %get3A_3749 = arith.index_cast %and3A_130 : i32 to index
        %get3A_3750 = arith.index_cast %add3A_3683 : i32 to index
        %get3A_3751 = arith.constant 32 : index
        %get3A_3752 = tpu.vector_load %arg17[%get3A_3749, %get3A_3750, %get3A_3751] {strides = array<i32>} : memref<2x128x128xf32, #tpu.memory_space<vmem>>, vector<1x1x16xf32>,
        %get3A_3753 = vector.shape_cast %get3A_3752 : vector<1x1x16xf32> to vector<16xf32>
        %get3A_3754 = arith.index_cast %and3A_130 : i32 to index
        %get3A_3755 = arith.index_cast %add3A_3683 : i32 to index
        %get3A_3756 = arith.constant 32 : index
        %get3A_3757 = tpu.vector_load %arg16[%get3A_3754, %get3A_3755, %get3A_3756] {strides = array<i32>} : memref<2x128x128xf32, #tpu.memory_space<vmem>>, vector<1x1x16xf32>,
        %get3A_3758 = vector.shape_cast %get3A_3757 : vector<1x1x16xf32> to vector<16xf32>
        %gather3A_3759 = vector.shape_cast %reshape3A : vector<16x1xi32> to vector<16xi32>
        %gather3A_3760 = tpu.dynamic_gather %get3A_3753[%gather3A_3759] in [0] : vector<16xf32>, vector<16xi32> -> vector<16xf32>
        %gather3A_3761 = vector.shape_cast %reshape3A : vector<16x1xi32> to vector<16xi32>
        %gather3A_3762 = tpu.dynamic_gather %get3A_3758[%gather3A_3761] in [0] : vector<16xf32>, vector<16xi32> -> vector<16xf32>
        %select_n3A_3763 = arith.select %eq3A_20, %get3A_3758, %gather3A_3762 : vector<16xi1>, vector<16xf32>
        %neg3A_3764 = arith.constant 0.000000e+00 : f32
        %neg3A_3765 = vector.broadcast %neg3A_3764 : f32 to vector<16xf32>
        %neg3A_3766 = arith.subf %neg3A_3765, %get3A_3758 : vector<16xf32>
        %select_n3A_3767 = arith.select %eq3A_20, %gather3A_3762, %neg3A_3766 : vector<16xi1>, vector<16xf32>
        %mul3A_3768 = arith.mulf %get3A_3753, %select_n3A_3763 : vector<16xf32>
        %mul3A_3769 = arith.mulf %gather3A_3760, %select_n3A_3767 : vector<16xf32>
        %add3A_3770 = arith.addf %mul3A_3768, %mul3A_3769 : vector<16xf32>
        %mul3A_3771 = arith.mulf %get3A_3748, %add3A_3770 : vector<16xf32>
        %add3A_3772 = arith.addf %add3A_3743, %mul3A_3771 : vector<16xf32>
        %get3A_3773 = arith.index_cast %and3A_130 : i32 to index
        %get3A_3774 = arith.index_cast %add3A_3683 : i32 to index
        %get3A_3775 = arith.constant 48 : index
        %get3A_3776 = tpu.vector_load %arg15[%get3A_3773, %get3A_3774, %get3A_3775] {strides = array<i32>} : memref<2x128x128xf32, #tpu.memory_space<vmem>>, vector<1x1x16xf32>,
        %get3A_3777 = vector.shape_cast %get3A_3776 : vector<1x1x16xf32> to vector<16xf32>
        %get3A_3778 = arith.index_cast %and3A_130 : i32 to index
        %get3A_3779 = arith.index_cast %add3A_3683 : i32 to index
        %get3A_3780 = arith.constant 48 : index
        %get3A_3781 = tpu.vector_load %arg17[%get3A_3778, %get3A_3779, %get3A_3780] {strides = array<i32>} : memref<2x128x128xf32, #tpu.memory_space<vmem>>, vector<1x1x16xf32>,
        %get3A_3782 = vector.shape_cast %get3A_3781 : vector<1x1x16xf32> to vector<16xf32>
        %get3A_3783 = arith.index_cast %and3A_130 : i32 to index
        %get3A_3784 = arith.index_cast %add3A_3683 : i32 to index
        %get3A_3785 = arith.constant 48 : index
        %get3A_3786 = tpu.vector_load %arg16[%get3A_3783, %get3A_3784, %get3A_3785] {strides = array<i32>} : memref<2x128x128xf32, #tpu.memory_space<vmem>>, vector<1x1x16xf32>,
        %get3A_3787 = vector.shape_cast %get3A_3786 : vector<1x1x16xf32> to vector<16xf32>
        %gather3A_3788 = vector.shape_cast %reshape3A : vector<16x1xi32> to vector<16xi32>
        %gather3A_3789 = tpu.dynamic_gather %get3A_3782[%gather3A_3788] in [0] : vector<16xf32>, vector<16xi32> -> vector<16xf32>
        %gather3A_3790 = vector.shape_cast %reshape3A : vector<16x1xi32> to vector<16xi32>
        %gather3A_3791 = tpu.dynamic_gather %get3A_3787[%gather3A_3790] in [0] : vector<16xf32>, vector<16xi32> -> vector<16xf32>
        %select_n3A_3792 = arith.select %eq3A_20, %get3A_3787, %gather3A_3791 : vector<16xi1>, vector<16xf32>
        %neg3A_3793 = arith.constant 0.000000e+00 : f32
        %neg3A_3794 = vector.broadcast %neg3A_3793 : f32 to vector<16xf32>
        %neg3A_3795 = arith.subf %neg3A_3794, %get3A_3787 : vector<16xf32>
        %select_n3A_3796 = arith.select %eq3A_20, %gather3A_3791, %neg3A_3795 : vector<16xi1>, vector<16xf32>
        %mul3A_3797 = arith.mulf %get3A_3782, %select_n3A_3792 : vector<16xf32>
        %mul3A_3798 = arith.mulf %gather3A_3789, %select_n3A_3796 : vector<16xf32>
        %add3A_3799 = arith.addf %mul3A_3797, %mul3A_3798 : vector<16xf32>
        %mul3A_3800 = arith.mulf %get3A_3777, %add3A_3799 : vector<16xf32>
        %add3A_3801 = arith.addf %add3A_3772, %mul3A_3800 : vector<16xf32>
        %get3A_3802 = arith.index_cast %and3A_130 : i32 to index
        %get3A_3803 = arith.index_cast %add3A_3683 : i32 to index
        %get3A_3804 = arith.constant 64 : index
        %get3A_3805 = tpu.vector_load %arg15[%get3A_3802, %get3A_3803, %get3A_3804] {strides = array<i32>} : memref<2x128x128xf32, #tpu.memory_space<vmem>>, vector<1x1x16xf32>,
        %get3A_3806 = vector.shape_cast %get3A_3805 : vector<1x1x16xf32> to vector<16xf32>
        %get3A_3807 = arith.index_cast %and3A_130 : i32 to index
        %get3A_3808 = arith.index_cast %add3A_3683 : i32 to index
        %get3A_3809 = arith.constant 64 : index
        %get3A_3810 = tpu.vector_load %arg17[%get3A_3807, %get3A_3808, %get3A_3809] {strides = array<i32>} : memref<2x128x128xf32, #tpu.memory_space<vmem>>, vector<1x1x16xf32>,
        %get3A_3811 = vector.shape_cast %get3A_3810 : vector<1x1x16xf32> to vector<16xf32>
        %get3A_3812 = arith.index_cast %and3A_130 : i32 to index
        %get3A_3813 = arith.index_cast %add3A_3683 : i32 to index
        %get3A_3814 = arith.constant 64 : index
        %get3A_3815 = tpu.vector_load %arg16[%get3A_3812, %get3A_3813, %get3A_3814] {strides = array<i32>} : memref<2x128x128xf32, #tpu.memory_space<vmem>>, vector<1x1x16xf32>,
        %get3A_3816 = vector.shape_cast %get3A_3815 : vector<1x1x16xf32> to vector<16xf32>
        %gather3A_3817 = vector.shape_cast %reshape3A : vector<16x1xi32> to vector<16xi32>
        %gather3A_3818 = tpu.dynamic_gather %get3A_3811[%gather3A_3817] in [0] : vector<16xf32>, vector<16xi32> -> vector<16xf32>
        %gather3A_3819 = vector.shape_cast %reshape3A : vector<16x1xi32> to vector<16xi32>
        %gather3A_3820 = tpu.dynamic_gather %get3A_3816[%gather3A_3819] in [0] : vector<16xf32>, vector<16xi32> -> vector<16xf32>
        %select_n3A_3821 = arith.select %eq3A_20, %get3A_3816, %gather3A_3820 : vector<16xi1>, vector<16xf32>
        %neg3A_3822 = arith.constant 0.000000e+00 : f32
        %neg3A_3823 = vector.broadcast %neg3A_3822 : f32 to vector<16xf32>
        %neg3A_3824 = arith.subf %neg3A_3823, %get3A_3816 : vector<16xf32>
        %select_n3A_3825 = arith.select %eq3A_20, %gather3A_3820, %neg3A_3824 : vector<16xi1>, vector<16xf32>
        %mul3A_3826 = arith.mulf %get3A_3811, %select_n3A_3821 : vector<16xf32>
        %mul3A_3827 = arith.mulf %gather3A_3818, %select_n3A_3825 : vector<16xf32>
        %add3A_3828 = arith.addf %mul3A_3826, %mul3A_3827 : vector<16xf32>
        %mul3A_3829 = arith.mulf %get3A_3806, %add3A_3828 : vector<16xf32>
        %add3A_3830 = arith.addf %add3A_3801, %mul3A_3829 : vector<16xf32>
        %get3A_3831 = arith.index_cast %and3A_130 : i32 to index
        %get3A_3832 = arith.index_cast %add3A_3683 : i32 to index
        %get3A_3833 = arith.constant 80 : index
        %get3A_3834 = tpu.vector_load %arg15[%get3A_3831, %get3A_3832, %get3A_3833] {strides = array<i32>} : memref<2x128x128xf32, #tpu.memory_space<vmem>>, vector<1x1x16xf32>,
        %get3A_3835 = vector.shape_cast %get3A_3834 : vector<1x1x16xf32> to vector<16xf32>
        %get3A_3836 = arith.index_cast %and3A_130 : i32 to index
        %get3A_3837 = arith.index_cast %add3A_3683 : i32 to index
        %get3A_3838 = arith.constant 80 : index
        %get3A_3839 = tpu.vector_load %arg17[%get3A_3836, %get3A_3837, %get3A_3838] {strides = array<i32>} : memref<2x128x128xf32, #tpu.memory_space<vmem>>, vector<1x1x16xf32>,
        %get3A_3840 = vector.shape_cast %get3A_3839 : vector<1x1x16xf32> to vector<16xf32>
        %get3A_3841 = arith.index_cast %and3A_130 : i32 to index
        %get3A_3842 = arith.index_cast %add3A_3683 : i32 to index
        %get3A_3843 = arith.constant 80 : index
        %get3A_3844 = tpu.vector_load %arg16[%get3A_3841, %get3A_3842, %get3A_3843] {strides = array<i32>} : memref<2x128x128xf32, #tpu.memory_space<vmem>>, vector<1x1x16xf32>,
        %get3A_3845 = vector.shape_cast %get3A_3844 : vector<1x1x16xf32> to vector<16xf32>
        %gather3A_3846 = vector.shape_cast %reshape3A : vector<16x1xi32> to vector<16xi32>
        %gather3A_3847 = tpu.dynamic_gather %get3A_3840[%gather3A_3846] in [0] : vector<16xf32>, vector<16xi32> -> vector<16xf32>
        %gather3A_3848 = vector.shape_cast %reshape3A : vector<16x1xi32> to vector<16xi32>
        %gather3A_3849 = tpu.dynamic_gather %get3A_3845[%gather3A_3848] in [0] : vector<16xf32>, vector<16xi32> -> vector<16xf32>
        %select_n3A_3850 = arith.select %eq3A_20, %get3A_3845, %gather3A_3849 : vector<16xi1>, vector<16xf32>
        %neg3A_3851 = arith.constant 0.000000e+00 : f32
        %neg3A_3852 = vector.broadcast %neg3A_3851 : f32 to vector<16xf32>
        %neg3A_3853 = arith.subf %neg3A_3852, %get3A_3845 : vector<16xf32>
        %select_n3A_3854 = arith.select %eq3A_20, %gather3A_3849, %neg3A_3853 : vector<16xi1>, vector<16xf32>
        %mul3A_3855 = arith.mulf %get3A_3840, %select_n3A_3850 : vector<16xf32>
        %mul3A_3856 = arith.mulf %gather3A_3847, %select_n3A_3854 : vector<16xf32>
        %add3A_3857 = arith.addf %mul3A_3855, %mul3A_3856 : vector<16xf32>
        %mul3A_3858 = arith.mulf %get3A_3835, %add3A_3857 : vector<16xf32>
        %add3A_3859 = arith.addf %add3A_3830, %mul3A_3858 : vector<16xf32>
        %get3A_3860 = arith.index_cast %and3A_130 : i32 to index
        %get3A_3861 = arith.index_cast %add3A_3683 : i32 to index
        %get3A_3862 = arith.constant 96 : index
        %get3A_3863 = tpu.vector_load %arg15[%get3A_3860, %get3A_3861, %get3A_3862] {strides = array<i32>} : memref<2x128x128xf32, #tpu.memory_space<vmem>>, vector<1x1x16xf32>,
        %get3A_3864 = vector.shape_cast %get3A_3863 : vector<1x1x16xf32> to vector<16xf32>
        %get3A_3865 = arith.index_cast %and3A_130 : i32 to index
        %get3A_3866 = arith.index_cast %add3A_3683 : i32 to index
        %get3A_3867 = arith.constant 96 : index
        %get3A_3868 = tpu.vector_load %arg17[%get3A_3865, %get3A_3866, %get3A_3867] {strides = array<i32>} : memref<2x128x128xf32, #tpu.memory_space<vmem>>, vector<1x1x16xf32>,
        %get3A_3869 = vector.shape_cast %get3A_3868 : vector<1x1x16xf32> to vector<16xf32>
        %get3A_3870 = arith.index_cast %and3A_130 : i32 to index
        %get3A_3871 = arith.index_cast %add3A_3683 : i32 to index
        %get3A_3872 = arith.constant 96 : index
        %get3A_3873 = tpu.vector_load %arg16[%get3A_3870, %get3A_3871, %get3A_3872] {strides = array<i32>} : memref<2x128x128xf32, #tpu.memory_space<vmem>>, vector<1x1x16xf32>,
        %get3A_3874 = vector.shape_cast %get3A_3873 : vector<1x1x16xf32> to vector<16xf32>
        %gather3A_3875 = vector.shape_cast %reshape3A : vector<16x1xi32> to vector<16xi32>
        %gather3A_3876 = tpu.dynamic_gather %get3A_3869[%gather3A_3875] in [0] : vector<16xf32>, vector<16xi32> -> vector<16xf32>
        %gather3A_3877 = vector.shape_cast %reshape3A : vector<16x1xi32> to vector<16xi32>
        %gather3A_3878 = tpu.dynamic_gather %get3A_3874[%gather3A_3877] in [0] : vector<16xf32>, vector<16xi32> -> vector<16xf32>
        %select_n3A_3879 = arith.select %eq3A_20, %get3A_3874, %gather3A_3878 : vector<16xi1>, vector<16xf32>
        %neg3A_3880 = arith.constant 0.000000e+00 : f32
        %neg3A_3881 = vector.broadcast %neg3A_3880 : f32 to vector<16xf32>
        %neg3A_3882 = arith.subf %neg3A_3881, %get3A_3874 : vector<16xf32>
        %select_n3A_3883 = arith.select %eq3A_20, %gather3A_3878, %neg3A_3882 : vector<16xi1>, vector<16xf32>
        %mul3A_3884 = arith.mulf %get3A_3869, %select_n3A_3879 : vector<16xf32>
        %mul3A_3885 = arith.mulf %gather3A_3876, %select_n3A_3883 : vector<16xf32>
        %add3A_3886 = arith.addf %mul3A_3884, %mul3A_3885 : vector<16xf32>
        %mul3A_3887 = arith.mulf %get3A_3864, %add3A_3886 : vector<16xf32>
        %add3A_3888 = arith.addf %add3A_3859, %mul3A_3887 : vector<16xf32>
        %get3A_3889 = arith.index_cast %and3A_130 : i32 to index
        %get3A_3890 = arith.index_cast %add3A_3683 : i32 to index
        %get3A_3891 = arith.constant 112 : index
        %get3A_3892 = tpu.vector_load %arg15[%get3A_3889, %get3A_3890, %get3A_3891] {strides = array<i32>} : memref<2x128x128xf32, #tpu.memory_space<vmem>>, vector<1x1x16xf32>,
        %get3A_3893 = vector.shape_cast %get3A_3892 : vector<1x1x16xf32> to vector<16xf32>
        %get3A_3894 = arith.index_cast %and3A_130 : i32 to index
        %get3A_3895 = arith.index_cast %add3A_3683 : i32 to index
        %get3A_3896 = arith.constant 112 : index
        %get3A_3897 = tpu.vector_load %arg17[%get3A_3894, %get3A_3895, %get3A_3896] {strides = array<i32>} : memref<2x128x128xf32, #tpu.memory_space<vmem>>, vector<1x1x16xf32>,
        %get3A_3898 = vector.shape_cast %get3A_3897 : vector<1x1x16xf32> to vector<16xf32>
        %get3A_3899 = arith.index_cast %and3A_130 : i32 to index
        %get3A_3900 = arith.index_cast %add3A_3683 : i32 to index
        %get3A_3901 = arith.constant 112 : index
        %get3A_3902 = tpu.vector_load %arg16[%get3A_3899, %get3A_3900, %get3A_3901] {strides = array<i32>} : memref<2x128x128xf32, #tpu.memory_space<vmem>>, vector<1x1x16xf32>,
        %get3A_3903 = vector.shape_cast %get3A_3902 : vector<1x1x16xf32> to vector<16xf32>
        %gather3A_3904 = vector.shape_cast %reshape3A : vector<16x1xi32> to vector<16xi32>
        %gather3A_3905 = tpu.dynamic_gather %get3A_3898[%gather3A_3904] in [0] : vector<16xf32>, vector<16xi32> -> vector<16xf32>
        %gather3A_3906 = vector.shape_cast %reshape3A : vector<16x1xi32> to vector<16xi32>
        %gather3A_3907 = tpu.dynamic_gather %get3A_3903[%gather3A_3906] in [0] : vector<16xf32>, vector<16xi32> -> vector<16xf32>
        %select_n3A_3908 = arith.select %eq3A_20, %get3A_3903, %gather3A_3907 : vector<16xi1>, vector<16xf32>
        %neg3A_3909 = arith.constant 0.000000e+00 : f32
        %neg3A_3910 = vector.broadcast %neg3A_3909 : f32 to vector<16xf32>
        %neg3A_3911 = arith.subf %neg3A_3910, %get3A_3903 : vector<16xf32>
        %select_n3A_3912 = arith.select %eq3A_20, %gather3A_3907, %neg3A_3911 : vector<16xi1>, vector<16xf32>
        %mul3A_3913 = arith.mulf %get3A_3898, %select_n3A_3908 : vector<16xf32>
        %mul3A_3914 = arith.mulf %gather3A_3905, %select_n3A_3912 : vector<16xf32>
        %add3A_3915 = arith.addf %mul3A_3913, %mul3A_3914 : vector<16xf32>
        %mul3A_3916 = arith.mulf %get3A_3893, %add3A_3915 : vector<16xf32>
        %add3A_3917 = arith.addf %add3A_3888, %mul3A_3916 : vector<16xf32>
        %gather3A_3918 = vector.shape_cast %reshape3A : vector<16x1xi32> to vector<16xi32>
        %gather3A_3919 = tpu.dynamic_gather %add3A_3917[%gather3A_3918] in [0] : vector<16xf32>, vector<16xi32> -> vector<16xf32>
        %add3A_3920 = arith.addf %add3A_3917, %gather3A_3919 : vector<16xf32>
        %gather3A_3921 = vector.shape_cast %reshape3A_8 : vector<16x1xi32> to vector<16xi32>
        %gather3A_3922 = tpu.dynamic_gather %add3A_3920[%gather3A_3921] in [0] : vector<16xf32>, vector<16xi32> -> vector<16xf32>
        %add3A_3923 = arith.addf %add3A_3920, %gather3A_3922 : vector<16xf32>
        %gather3A_3924 = vector.shape_cast %reshape3A_12 : vector<16x1xi32> to vector<16xi32>
        %gather3A_3925 = tpu.dynamic_gather %add3A_3923[%gather3A_3924] in [0] : vector<16xf32>, vector<16xi32> -> vector<16xf32>
        %add3A_3926 = arith.addf %add3A_3923, %gather3A_3925 : vector<16xf32>
        %gather3A_3927 = vector.shape_cast %reshape3A_16 : vector<16x1xi32> to vector<16xi32>
        %gather3A_3928 = tpu.dynamic_gather %add3A_3926[%gather3A_3927] in [0] : vector<16xf32>, vector<16xi32> -> vector<16xf32>
        %add3A_3929 = arith.addf %add3A_3926, %gather3A_3928 : vector<16xf32>
        %eq3A_3930 = arith.constant 14 : i32
        %eq3A_3931 = vector.broadcast %eq3A_3930 : i32 to vector<16xi32>
        %eq3A_3932 = arith.cmpi eq, %iota3A, %eq3A_3931 : vector<16xi32>
        %select_n3A_3933 = arith.select %eq3A_3932, %add3A_3929, %select_n3A_3681 : vector<16xi1>, vector<16xf32>
        %add3A_3934 = arith.constant 15 : i32
        %add3A_3935 = arith.addi %mul3A_156, %add3A_3934 : i32
        %broadcast_in_dim3A_3936 = arith.constant 0.000000e+00 : f32
        %broadcast_in_dim3A_3937 = vector.broadcast %broadcast_in_dim3A_3936 : f32 to vector<16xf32>
        %get3A_3938 = arith.index_cast %and3A_130 : i32 to index
        %get3A_3939 = arith.index_cast %add3A_3935 : i32 to index
        %get3A_3940 = arith.constant 0 : index
        %get3A_3941 = tpu.vector_load %arg15[%get3A_3938, %get3A_3939, %get3A_3940] {strides = array<i32>} : memref<2x128x128xf32, #tpu.memory_space<vmem>>, vector<1x1x16xf32>,
        %get3A_3942 = vector.shape_cast %get3A_3941 : vector<1x1x16xf32> to vector<16xf32>
        %get3A_3943 = arith.index_cast %and3A_130 : i32 to index
        %get3A_3944 = arith.index_cast %add3A_3935 : i32 to index
        %get3A_3945 = arith.constant 0 : index
        %get3A_3946 = tpu.vector_load %arg17[%get3A_3943, %get3A_3944, %get3A_3945] {strides = array<i32>} : memref<2x128x128xf32, #tpu.memory_space<vmem>>, vector<1x1x16xf32>,
        %get3A_3947 = vector.shape_cast %get3A_3946 : vector<1x1x16xf32> to vector<16xf32>
        %get3A_3948 = arith.index_cast %and3A_130 : i32 to index
        %get3A_3949 = arith.index_cast %add3A_3935 : i32 to index
        %get3A_3950 = arith.constant 0 : index
        %get3A_3951 = tpu.vector_load %arg16[%get3A_3948, %get3A_3949, %get3A_3950] {strides = array<i32>} : memref<2x128x128xf32, #tpu.memory_space<vmem>>, vector<1x1x16xf32>,
        %get3A_3952 = vector.shape_cast %get3A_3951 : vector<1x1x16xf32> to vector<16xf32>
        %gather3A_3953 = vector.shape_cast %reshape3A : vector<16x1xi32> to vector<16xi32>
        %gather3A_3954 = tpu.dynamic_gather %get3A_3947[%gather3A_3953] in [0] : vector<16xf32>, vector<16xi32> -> vector<16xf32>
        %gather3A_3955 = vector.shape_cast %reshape3A : vector<16x1xi32> to vector<16xi32>
        %gather3A_3956 = tpu.dynamic_gather %get3A_3952[%gather3A_3955] in [0] : vector<16xf32>, vector<16xi32> -> vector<16xf32>
        %select_n3A_3957 = arith.select %eq3A_20, %get3A_3952, %gather3A_3956 : vector<16xi1>, vector<16xf32>
        %neg3A_3958 = arith.constant 0.000000e+00 : f32
        %neg3A_3959 = vector.broadcast %neg3A_3958 : f32 to vector<16xf32>
        %neg3A_3960 = arith.subf %neg3A_3959, %get3A_3952 : vector<16xf32>
        %select_n3A_3961 = arith.select %eq3A_20, %gather3A_3956, %neg3A_3960 : vector<16xi1>, vector<16xf32>
        %mul3A_3962 = arith.mulf %get3A_3947, %select_n3A_3957 : vector<16xf32>
        %mul3A_3963 = arith.mulf %gather3A_3954, %select_n3A_3961 : vector<16xf32>
        %add3A_3964 = arith.addf %mul3A_3962, %mul3A_3963 : vector<16xf32>
        %mul3A_3965 = arith.mulf %get3A_3942, %add3A_3964 : vector<16xf32>
        %add3A_3966 = arith.addf %broadcast_in_dim3A_3937, %mul3A_3965 : vector<16xf32>
        %get3A_3967 = arith.index_cast %and3A_130 : i32 to index
        %get3A_3968 = arith.index_cast %add3A_3935 : i32 to index
        %get3A_3969 = arith.constant 16 : index
        %get3A_3970 = tpu.vector_load %arg15[%get3A_3967, %get3A_3968, %get3A_3969] {strides = array<i32>} : memref<2x128x128xf32, #tpu.memory_space<vmem>>, vector<1x1x16xf32>,
        %get3A_3971 = vector.shape_cast %get3A_3970 : vector<1x1x16xf32> to vector<16xf32>
        %get3A_3972 = arith.index_cast %and3A_130 : i32 to index
        %get3A_3973 = arith.index_cast %add3A_3935 : i32 to index
        %get3A_3974 = arith.constant 16 : index
        %get3A_3975 = tpu.vector_load %arg17[%get3A_3972, %get3A_3973, %get3A_3974] {strides = array<i32>} : memref<2x128x128xf32, #tpu.memory_space<vmem>>, vector<1x1x16xf32>,
        %get3A_3976 = vector.shape_cast %get3A_3975 : vector<1x1x16xf32> to vector<16xf32>
        %get3A_3977 = arith.index_cast %and3A_130 : i32 to index
        %get3A_3978 = arith.index_cast %add3A_3935 : i32 to index
        %get3A_3979 = arith.constant 16 : index
        %get3A_3980 = tpu.vector_load %arg16[%get3A_3977, %get3A_3978, %get3A_3979] {strides = array<i32>} : memref<2x128x128xf32, #tpu.memory_space<vmem>>, vector<1x1x16xf32>,
        %get3A_3981 = vector.shape_cast %get3A_3980 : vector<1x1x16xf32> to vector<16xf32>
        %gather3A_3982 = vector.shape_cast %reshape3A : vector<16x1xi32> to vector<16xi32>
        %gather3A_3983 = tpu.dynamic_gather %get3A_3976[%gather3A_3982] in [0] : vector<16xf32>, vector<16xi32> -> vector<16xf32>
        %gather3A_3984 = vector.shape_cast %reshape3A : vector<16x1xi32> to vector<16xi32>
        %gather3A_3985 = tpu.dynamic_gather %get3A_3981[%gather3A_3984] in [0] : vector<16xf32>, vector<16xi32> -> vector<16xf32>
        %select_n3A_3986 = arith.select %eq3A_20, %get3A_3981, %gather3A_3985 : vector<16xi1>, vector<16xf32>
        %neg3A_3987 = arith.constant 0.000000e+00 : f32
        %neg3A_3988 = vector.broadcast %neg3A_3987 : f32 to vector<16xf32>
        %neg3A_3989 = arith.subf %neg3A_3988, %get3A_3981 : vector<16xf32>
        %select_n3A_3990 = arith.select %eq3A_20, %gather3A_3985, %neg3A_3989 : vector<16xi1>, vector<16xf32>
        %mul3A_3991 = arith.mulf %get3A_3976, %select_n3A_3986 : vector<16xf32>
        %mul3A_3992 = arith.mulf %gather3A_3983, %select_n3A_3990 : vector<16xf32>
        %add3A_3993 = arith.addf %mul3A_3991, %mul3A_3992 : vector<16xf32>
        %mul3A_3994 = arith.mulf %get3A_3971, %add3A_3993 : vector<16xf32>
        %add3A_3995 = arith.addf %add3A_3966, %mul3A_3994 : vector<16xf32>
        %get3A_3996 = arith.index_cast %and3A_130 : i32 to index
        %get3A_3997 = arith.index_cast %add3A_3935 : i32 to index
        %get3A_3998 = arith.constant 32 : index
        %get3A_3999 = tpu.vector_load %arg15[%get3A_3996, %get3A_3997, %get3A_3998] {strides = array<i32>} : memref<2x128x128xf32, #tpu.memory_space<vmem>>, vector<1x1x16xf32>,
        %get3A_4000 = vector.shape_cast %get3A_3999 : vector<1x1x16xf32> to vector<16xf32>
        %get3A_4001 = arith.index_cast %and3A_130 : i32 to index
        %get3A_4002 = arith.index_cast %add3A_3935 : i32 to index
        %get3A_4003 = arith.constant 32 : index
        %get3A_4004 = tpu.vector_load %arg17[%get3A_4001, %get3A_4002, %get3A_4003] {strides = array<i32>} : memref<2x128x128xf32, #tpu.memory_space<vmem>>, vector<1x1x16xf32>,
        %get3A_4005 = vector.shape_cast %get3A_4004 : vector<1x1x16xf32> to vector<16xf32>
        %get3A_4006 = arith.index_cast %and3A_130 : i32 to index
        %get3A_4007 = arith.index_cast %add3A_3935 : i32 to index
        %get3A_4008 = arith.constant 32 : index
        %get3A_4009 = tpu.vector_load %arg16[%get3A_4006, %get3A_4007, %get3A_4008] {strides = array<i32>} : memref<2x128x128xf32, #tpu.memory_space<vmem>>, vector<1x1x16xf32>,
        %get3A_4010 = vector.shape_cast %get3A_4009 : vector<1x1x16xf32> to vector<16xf32>
        %gather3A_4011 = vector.shape_cast %reshape3A : vector<16x1xi32> to vector<16xi32>
        %gather3A_4012 = tpu.dynamic_gather %get3A_4005[%gather3A_4011] in [0] : vector<16xf32>, vector<16xi32> -> vector<16xf32>
        %gather3A_4013 = vector.shape_cast %reshape3A : vector<16x1xi32> to vector<16xi32>
        %gather3A_4014 = tpu.dynamic_gather %get3A_4010[%gather3A_4013] in [0] : vector<16xf32>, vector<16xi32> -> vector<16xf32>
        %select_n3A_4015 = arith.select %eq3A_20, %get3A_4010, %gather3A_4014 : vector<16xi1>, vector<16xf32>
        %neg3A_4016 = arith.constant 0.000000e+00 : f32
        %neg3A_4017 = vector.broadcast %neg3A_4016 : f32 to vector<16xf32>
        %neg3A_4018 = arith.subf %neg3A_4017, %get3A_4010 : vector<16xf32>
        %select_n3A_4019 = arith.select %eq3A_20, %gather3A_4014, %neg3A_4018 : vector<16xi1>, vector<16xf32>
        %mul3A_4020 = arith.mulf %get3A_4005, %select_n3A_4015 : vector<16xf32>
        %mul3A_4021 = arith.mulf %gather3A_4012, %select_n3A_4019 : vector<16xf32>
        %add3A_4022 = arith.addf %mul3A_4020, %mul3A_4021 : vector<16xf32>
        %mul3A_4023 = arith.mulf %get3A_4000, %add3A_4022 : vector<16xf32>
        %add3A_4024 = arith.addf %add3A_3995, %mul3A_4023 : vector<16xf32>
        %get3A_4025 = arith.index_cast %and3A_130 : i32 to index
        %get3A_4026 = arith.index_cast %add3A_3935 : i32 to index
        %get3A_4027 = arith.constant 48 : index
        %get3A_4028 = tpu.vector_load %arg15[%get3A_4025, %get3A_4026, %get3A_4027] {strides = array<i32>} : memref<2x128x128xf32, #tpu.memory_space<vmem>>, vector<1x1x16xf32>,
        %get3A_4029 = vector.shape_cast %get3A_4028 : vector<1x1x16xf32> to vector<16xf32>
        %get3A_4030 = arith.index_cast %and3A_130 : i32 to index
        %get3A_4031 = arith.index_cast %add3A_3935 : i32 to index
        %get3A_4032 = arith.constant 48 : index
        %get3A_4033 = tpu.vector_load %arg17[%get3A_4030, %get3A_4031, %get3A_4032] {strides = array<i32>} : memref<2x128x128xf32, #tpu.memory_space<vmem>>, vector<1x1x16xf32>,
        %get3A_4034 = vector.shape_cast %get3A_4033 : vector<1x1x16xf32> to vector<16xf32>
        %get3A_4035 = arith.index_cast %and3A_130 : i32 to index
        %get3A_4036 = arith.index_cast %add3A_3935 : i32 to index
        %get3A_4037 = arith.constant 48 : index
        %get3A_4038 = tpu.vector_load %arg16[%get3A_4035, %get3A_4036, %get3A_4037] {strides = array<i32>} : memref<2x128x128xf32, #tpu.memory_space<vmem>>, vector<1x1x16xf32>,
        %get3A_4039 = vector.shape_cast %get3A_4038 : vector<1x1x16xf32> to vector<16xf32>
        %gather3A_4040 = vector.shape_cast %reshape3A : vector<16x1xi32> to vector<16xi32>
        %gather3A_4041 = tpu.dynamic_gather %get3A_4034[%gather3A_4040] in [0] : vector<16xf32>, vector<16xi32> -> vector<16xf32>
        %gather3A_4042 = vector.shape_cast %reshape3A : vector<16x1xi32> to vector<16xi32>
        %gather3A_4043 = tpu.dynamic_gather %get3A_4039[%gather3A_4042] in [0] : vector<16xf32>, vector<16xi32> -> vector<16xf32>
        %select_n3A_4044 = arith.select %eq3A_20, %get3A_4039, %gather3A_4043 : vector<16xi1>, vector<16xf32>
        %neg3A_4045 = arith.constant 0.000000e+00 : f32
        %neg3A_4046 = vector.broadcast %neg3A_4045 : f32 to vector<16xf32>
        %neg3A_4047 = arith.subf %neg3A_4046, %get3A_4039 : vector<16xf32>
        %select_n3A_4048 = arith.select %eq3A_20, %gather3A_4043, %neg3A_4047 : vector<16xi1>, vector<16xf32>
        %mul3A_4049 = arith.mulf %get3A_4034, %select_n3A_4044 : vector<16xf32>
        %mul3A_4050 = arith.mulf %gather3A_4041, %select_n3A_4048 : vector<16xf32>
        %add3A_4051 = arith.addf %mul3A_4049, %mul3A_4050 : vector<16xf32>
        %mul3A_4052 = arith.mulf %get3A_4029, %add3A_4051 : vector<16xf32>
        %add3A_4053 = arith.addf %add3A_4024, %mul3A_4052 : vector<16xf32>
        %get3A_4054 = arith.index_cast %and3A_130 : i32 to index
        %get3A_4055 = arith.index_cast %add3A_3935 : i32 to index
        %get3A_4056 = arith.constant 64 : index
        %get3A_4057 = tpu.vector_load %arg15[%get3A_4054, %get3A_4055, %get3A_4056] {strides = array<i32>} : memref<2x128x128xf32, #tpu.memory_space<vmem>>, vector<1x1x16xf32>,
        %get3A_4058 = vector.shape_cast %get3A_4057 : vector<1x1x16xf32> to vector<16xf32>
        %get3A_4059 = arith.index_cast %and3A_130 : i32 to index
        %get3A_4060 = arith.index_cast %add3A_3935 : i32 to index
        %get3A_4061 = arith.constant 64 : index
        %get3A_4062 = tpu.vector_load %arg17[%get3A_4059, %get3A_4060, %get3A_4061] {strides = array<i32>} : memref<2x128x128xf32, #tpu.memory_space<vmem>>, vector<1x1x16xf32>,
        %get3A_4063 = vector.shape_cast %get3A_4062 : vector<1x1x16xf32> to vector<16xf32>
        %get3A_4064 = arith.index_cast %and3A_130 : i32 to index
        %get3A_4065 = arith.index_cast %add3A_3935 : i32 to index
        %get3A_4066 = arith.constant 64 : index
        %get3A_4067 = tpu.vector_load %arg16[%get3A_4064, %get3A_4065, %get3A_4066] {strides = array<i32>} : memref<2x128x128xf32, #tpu.memory_space<vmem>>, vector<1x1x16xf32>,
        %get3A_4068 = vector.shape_cast %get3A_4067 : vector<1x1x16xf32> to vector<16xf32>
        %gather3A_4069 = vector.shape_cast %reshape3A : vector<16x1xi32> to vector<16xi32>
        %gather3A_4070 = tpu.dynamic_gather %get3A_4063[%gather3A_4069] in [0] : vector<16xf32>, vector<16xi32> -> vector<16xf32>
        %gather3A_4071 = vector.shape_cast %reshape3A : vector<16x1xi32> to vector<16xi32>
        %gather3A_4072 = tpu.dynamic_gather %get3A_4068[%gather3A_4071] in [0] : vector<16xf32>, vector<16xi32> -> vector<16xf32>
        %select_n3A_4073 = arith.select %eq3A_20, %get3A_4068, %gather3A_4072 : vector<16xi1>, vector<16xf32>
        %neg3A_4074 = arith.constant 0.000000e+00 : f32
        %neg3A_4075 = vector.broadcast %neg3A_4074 : f32 to vector<16xf32>
        %neg3A_4076 = arith.subf %neg3A_4075, %get3A_4068 : vector<16xf32>
        %select_n3A_4077 = arith.select %eq3A_20, %gather3A_4072, %neg3A_4076 : vector<16xi1>, vector<16xf32>
        %mul3A_4078 = arith.mulf %get3A_4063, %select_n3A_4073 : vector<16xf32>
        %mul3A_4079 = arith.mulf %gather3A_4070, %select_n3A_4077 : vector<16xf32>
        %add3A_4080 = arith.addf %mul3A_4078, %mul3A_4079 : vector<16xf32>
        %mul3A_4081 = arith.mulf %get3A_4058, %add3A_4080 : vector<16xf32>
        %add3A_4082 = arith.addf %add3A_4053, %mul3A_4081 : vector<16xf32>
        %get3A_4083 = arith.index_cast %and3A_130 : i32 to index
        %get3A_4084 = arith.index_cast %add3A_3935 : i32 to index
        %get3A_4085 = arith.constant 80 : index
        %get3A_4086 = tpu.vector_load %arg15[%get3A_4083, %get3A_4084, %get3A_4085] {strides = array<i32>} : memref<2x128x128xf32, #tpu.memory_space<vmem>>, vector<1x1x16xf32>,
        %get3A_4087 = vector.shape_cast %get3A_4086 : vector<1x1x16xf32> to vector<16xf32>
        %get3A_4088 = arith.index_cast %and3A_130 : i32 to index
        %get3A_4089 = arith.index_cast %add3A_3935 : i32 to index
        %get3A_4090 = arith.constant 80 : index
        %get3A_4091 = tpu.vector_load %arg17[%get3A_4088, %get3A_4089, %get3A_4090] {strides = array<i32>} : memref<2x128x128xf32, #tpu.memory_space<vmem>>, vector<1x1x16xf32>,
        %get3A_4092 = vector.shape_cast %get3A_4091 : vector<1x1x16xf32> to vector<16xf32>
        %get3A_4093 = arith.index_cast %and3A_130 : i32 to index
        %get3A_4094 = arith.index_cast %add3A_3935 : i32 to index
        %get3A_4095 = arith.constant 80 : index
        %get3A_4096 = tpu.vector_load %arg16[%get3A_4093, %get3A_4094, %get3A_4095] {strides = array<i32>} : memref<2x128x128xf32, #tpu.memory_space<vmem>>, vector<1x1x16xf32>,
        %get3A_4097 = vector.shape_cast %get3A_4096 : vector<1x1x16xf32> to vector<16xf32>
        %gather3A_4098 = vector.shape_cast %reshape3A : vector<16x1xi32> to vector<16xi32>
        %gather3A_4099 = tpu.dynamic_gather %get3A_4092[%gather3A_4098] in [0] : vector<16xf32>, vector<16xi32> -> vector<16xf32>
        %gather3A_4100 = vector.shape_cast %reshape3A : vector<16x1xi32> to vector<16xi32>
        %gather3A_4101 = tpu.dynamic_gather %get3A_4097[%gather3A_4100] in [0] : vector<16xf32>, vector<16xi32> -> vector<16xf32>
        %select_n3A_4102 = arith.select %eq3A_20, %get3A_4097, %gather3A_4101 : vector<16xi1>, vector<16xf32>
        %neg3A_4103 = arith.constant 0.000000e+00 : f32
        %neg3A_4104 = vector.broadcast %neg3A_4103 : f32 to vector<16xf32>
        %neg3A_4105 = arith.subf %neg3A_4104, %get3A_4097 : vector<16xf32>
        %select_n3A_4106 = arith.select %eq3A_20, %gather3A_4101, %neg3A_4105 : vector<16xi1>, vector<16xf32>
        %mul3A_4107 = arith.mulf %get3A_4092, %select_n3A_4102 : vector<16xf32>
        %mul3A_4108 = arith.mulf %gather3A_4099, %select_n3A_4106 : vector<16xf32>
        %add3A_4109 = arith.addf %mul3A_4107, %mul3A_4108 : vector<16xf32>
        %mul3A_4110 = arith.mulf %get3A_4087, %add3A_4109 : vector<16xf32>
        %add3A_4111 = arith.addf %add3A_4082, %mul3A_4110 : vector<16xf32>
        %get3A_4112 = arith.index_cast %and3A_130 : i32 to index
        %get3A_4113 = arith.index_cast %add3A_3935 : i32 to index
        %get3A_4114 = arith.constant 96 : index
        %get3A_4115 = tpu.vector_load %arg15[%get3A_4112, %get3A_4113, %get3A_4114] {strides = array<i32>} : memref<2x128x128xf32, #tpu.memory_space<vmem>>, vector<1x1x16xf32>,
        %get3A_4116 = vector.shape_cast %get3A_4115 : vector<1x1x16xf32> to vector<16xf32>
        %get3A_4117 = arith.index_cast %and3A_130 : i32 to index
        %get3A_4118 = arith.index_cast %add3A_3935 : i32 to index
        %get3A_4119 = arith.constant 96 : index
        %get3A_4120 = tpu.vector_load %arg17[%get3A_4117, %get3A_4118, %get3A_4119] {strides = array<i32>} : memref<2x128x128xf32, #tpu.memory_space<vmem>>, vector<1x1x16xf32>,
        %get3A_4121 = vector.shape_cast %get3A_4120 : vector<1x1x16xf32> to vector<16xf32>
        %get3A_4122 = arith.index_cast %and3A_130 : i32 to index
        %get3A_4123 = arith.index_cast %add3A_3935 : i32 to index
        %get3A_4124 = arith.constant 96 : index
        %get3A_4125 = tpu.vector_load %arg16[%get3A_4122, %get3A_4123, %get3A_4124] {strides = array<i32>} : memref<2x128x128xf32, #tpu.memory_space<vmem>>, vector<1x1x16xf32>,
        %get3A_4126 = vector.shape_cast %get3A_4125 : vector<1x1x16xf32> to vector<16xf32>
        %gather3A_4127 = vector.shape_cast %reshape3A : vector<16x1xi32> to vector<16xi32>
        %gather3A_4128 = tpu.dynamic_gather %get3A_4121[%gather3A_4127] in [0] : vector<16xf32>, vector<16xi32> -> vector<16xf32>
        %gather3A_4129 = vector.shape_cast %reshape3A : vector<16x1xi32> to vector<16xi32>
        %gather3A_4130 = tpu.dynamic_gather %get3A_4126[%gather3A_4129] in [0] : vector<16xf32>, vector<16xi32> -> vector<16xf32>
        %select_n3A_4131 = arith.select %eq3A_20, %get3A_4126, %gather3A_4130 : vector<16xi1>, vector<16xf32>
        %neg3A_4132 = arith.constant 0.000000e+00 : f32
        %neg3A_4133 = vector.broadcast %neg3A_4132 : f32 to vector<16xf32>
        %neg3A_4134 = arith.subf %neg3A_4133, %get3A_4126 : vector<16xf32>
        %select_n3A_4135 = arith.select %eq3A_20, %gather3A_4130, %neg3A_4134 : vector<16xi1>, vector<16xf32>
        %mul3A_4136 = arith.mulf %get3A_4121, %select_n3A_4131 : vector<16xf32>
        %mul3A_4137 = arith.mulf %gather3A_4128, %select_n3A_4135 : vector<16xf32>
        %add3A_4138 = arith.addf %mul3A_4136, %mul3A_4137 : vector<16xf32>
        %mul3A_4139 = arith.mulf %get3A_4116, %add3A_4138 : vector<16xf32>
        %add3A_4140 = arith.addf %add3A_4111, %mul3A_4139 : vector<16xf32>
        %get3A_4141 = arith.index_cast %and3A_130 : i32 to index
        %get3A_4142 = arith.index_cast %add3A_3935 : i32 to index
        %get3A_4143 = arith.constant 112 : index
        %get3A_4144 = tpu.vector_load %arg15[%get3A_4141, %get3A_4142, %get3A_4143] {strides = array<i32>} : memref<2x128x128xf32, #tpu.memory_space<vmem>>, vector<1x1x16xf32>,
        %get3A_4145 = vector.shape_cast %get3A_4144 : vector<1x1x16xf32> to vector<16xf32>
        %get3A_4146 = arith.index_cast %and3A_130 : i32 to index
        %get3A_4147 = arith.index_cast %add3A_3935 : i32 to index
        %get3A_4148 = arith.constant 112 : index
        %get3A_4149 = tpu.vector_load %arg17[%get3A_4146, %get3A_4147, %get3A_4148] {strides = array<i32>} : memref<2x128x128xf32, #tpu.memory_space<vmem>>, vector<1x1x16xf32>,
        %get3A_4150 = vector.shape_cast %get3A_4149 : vector<1x1x16xf32> to vector<16xf32>
        %get3A_4151 = arith.index_cast %and3A_130 : i32 to index
        %get3A_4152 = arith.index_cast %add3A_3935 : i32 to index
        %get3A_4153 = arith.constant 112 : index
        %get3A_4154 = tpu.vector_load %arg16[%get3A_4151, %get3A_4152, %get3A_4153] {strides = array<i32>} : memref<2x128x128xf32, #tpu.memory_space<vmem>>, vector<1x1x16xf32>,
        %get3A_4155 = vector.shape_cast %get3A_4154 : vector<1x1x16xf32> to vector<16xf32>
        %gather3A_4156 = vector.shape_cast %reshape3A : vector<16x1xi32> to vector<16xi32>
        %gather3A_4157 = tpu.dynamic_gather %get3A_4150[%gather3A_4156] in [0] : vector<16xf32>, vector<16xi32> -> vector<16xf32>
        %gather3A_4158 = vector.shape_cast %reshape3A : vector<16x1xi32> to vector<16xi32>
        %gather3A_4159 = tpu.dynamic_gather %get3A_4155[%gather3A_4158] in [0] : vector<16xf32>, vector<16xi32> -> vector<16xf32>
        %select_n3A_4160 = arith.select %eq3A_20, %get3A_4155, %gather3A_4159 : vector<16xi1>, vector<16xf32>
        %neg3A_4161 = arith.constant 0.000000e+00 : f32
        %neg3A_4162 = vector.broadcast %neg3A_4161 : f32 to vector<16xf32>
        %neg3A_4163 = arith.subf %neg3A_4162, %get3A_4155 : vector<16xf32>
        %select_n3A_4164 = arith.select %eq3A_20, %gather3A_4159, %neg3A_4163 : vector<16xi1>, vector<16xf32>
        %mul3A_4165 = arith.mulf %get3A_4150, %select_n3A_4160 : vector<16xf32>
        %mul3A_4166 = arith.mulf %gather3A_4157, %select_n3A_4164 : vector<16xf32>
        %add3A_4167 = arith.addf %mul3A_4165, %mul3A_4166 : vector<16xf32>
        %mul3A_4168 = arith.mulf %get3A_4145, %add3A_4167 : vector<16xf32>
        %add3A_4169 = arith.addf %add3A_4140, %mul3A_4168 : vector<16xf32>
        %gather3A_4170 = vector.shape_cast %reshape3A : vector<16x1xi32> to vector<16xi32>
        %gather3A_4171 = tpu.dynamic_gather %add3A_4169[%gather3A_4170] in [0] : vector<16xf32>, vector<16xi32> -> vector<16xf32>
        %add3A_4172 = arith.addf %add3A_4169, %gather3A_4171 : vector<16xf32>
        %gather3A_4173 = vector.shape_cast %reshape3A_8 : vector<16x1xi32> to vector<16xi32>
        %gather3A_4174 = tpu.dynamic_gather %add3A_4172[%gather3A_4173] in [0] : vector<16xf32>, vector<16xi32> -> vector<16xf32>
        %add3A_4175 = arith.addf %add3A_4172, %gather3A_4174 : vector<16xf32>
        %gather3A_4176 = vector.shape_cast %reshape3A_12 : vector<16x1xi32> to vector<16xi32>
        %gather3A_4177 = tpu.dynamic_gather %add3A_4175[%gather3A_4176] in [0] : vector<16xf32>, vector<16xi32> -> vector<16xf32>
        %add3A_4178 = arith.addf %add3A_4175, %gather3A_4177 : vector<16xf32>
        %gather3A_4179 = vector.shape_cast %reshape3A_16 : vector<16x1xi32> to vector<16xi32>
        %gather3A_4180 = tpu.dynamic_gather %add3A_4178[%gather3A_4179] in [0] : vector<16xf32>, vector<16xi32> -> vector<16xf32>
        %add3A_4181 = arith.addf %add3A_4178, %gather3A_4180 : vector<16xf32>
        %eq3A_4182 = arith.constant 15 : i32
        %eq3A_4183 = vector.broadcast %eq3A_4182 : i32 to vector<16xi32>
        %eq3A_4184 = arith.cmpi eq, %iota3A, %eq3A_4183 : vector<16xi32>
        %select_n3A_4185 = arith.select %eq3A_4184, %add3A_4181, %select_n3A_3933 : vector<16xi1>, vector<16xf32>
        %mul3A_4186 = arith.constant 128 : i32
        %mul3A_4187 = arith.muli %scan3A_127, %mul3A_4186 : i32
        %add3A_4188 = arith.addi %mul3A_4187, %mul3A_156 : i32
        %swap3A = arith.index_cast %add3A_4188 : i32 to index
        %swap3A_4189 = tpu.vector_load %arg18[%swap3A] {strides = array<i32>} : memref<1024xf32, #tpu.memory_space<vmem>>, vector<16xf32>,
        %swap3A_4190 = vector.shape_cast %swap3A_4189 : vector<16xf32> to vector<16xf32>
        %swap3A_4191 = vector.shape_cast %select_n3A_4185 : vector<16xf32> to vector<16xf32>
        tpu.vector_store %arg18[%swap3A], %swap3A_4191 {strides = array<i32>} : memref<1024xf32, #tpu.memory_space<vmem>>, vector<16xf32>,
        %scan3A_4192 = arith.constant 0 : i32
        scf.yield %scan3A_4192 : i32
      }
      %scan3A_151 = arith.constant 8 : i32
      %scan3A_152 = arith.constant 0 : i32
      scf.yield %scan3A_152 : i32
    }
    %scan3A_126 = arith.constant 8 : i32
    "tpu.region"() ({
      %run_scoped3A = tpu.sem_alloc : memref<!tpu.dma_semaphore, #tpu.memory_space<semaphore_mem>>
      %dma_start3A_127 = arith.constant 0 : i32
      %dma_start3A_128 = tpu.memref_slice %arg18[%dma_start3A_127] : memref<1024xf32, #tpu.memory_space<vmem>> -> memref<512xf32, #tpu.memory_space<vmem>>
      %dma_start3A_129 = tpu.memref_slice %arg10[%mul3A_2] : memref<16384xf32, #tpu.memory_space<hbm>> -> memref<512xf32, #tpu.memory_space<hbm>>
      %dma_start3A_130 = tpu.memref_slice %arg10[%mul3A_2] : memref<16384xf32, #tpu.memory_space<hbm>> -> memref<512xf32, #tpu.memory_space<hbm>>
      %dma_start3A_131 = arith.constant 0 : i32
      %dma_start3A_132 = tpu.memref_slice %arg18[%dma_start3A_131] : memref<1024xf32, #tpu.memory_space<vmem>> -> memref<512xf32, #tpu.memory_space<vmem>>
      tpu.enqueue_dma source(%dma_start3A_132 : memref<512xf32, #tpu.memory_space<vmem>>) target(%dma_start3A_130 : memref<512xf32, #tpu.memory_space<hbm>>) target_semaphore(%run_scoped3A : memref<!tpu.dma_semaphore, #tpu.memory_space<semaphore_mem>>)
      %dma_wait3A_133 = arith.constant 0 : i32
      %dma_wait3A_134 = tpu.memref_slice %arg18[%dma_wait3A_133] : memref<1024xf32, #tpu.memory_space<vmem>> -> memref<512xf32, #tpu.memory_space<vmem>>
      %dma_wait3A_135 = tpu.memref_slice %arg10[%mul3A_2] : memref<16384xf32, #tpu.memory_space<hbm>> -> memref<512xf32, #tpu.memory_space<hbm>>
      %dma_wait3A_136 = tpu.memref_slice %arg10[%mul3A_2] : memref<16384xf32, #tpu.memory_space<hbm>> -> memref<512xf32, #tpu.memory_space<hbm>>
      %dma_wait3A_137 = arith.constant 0 : i32
      %dma_wait3A_138 = tpu.memref_slice %arg18[%dma_wait3A_137] : memref<1024xf32, #tpu.memory_space<vmem>> -> memref<512xf32, #tpu.memory_space<vmem>>
      tpu.wait_dma2 semaphore(%run_scoped3A : memref<!tpu.dma_semaphore, #tpu.memory_space<semaphore_mem>>) src(%dma_wait3A_138 : memref<512xf32, #tpu.memory_space<vmem>>) dst(%dma_wait3A_136 : memref<512xf32, #tpu.memory_space<hbm>>)
      tpu.yield
    }) : () -> ()
    "tpu.region"() ({
      %run_scoped3A = tpu.sem_alloc : memref<!tpu.dma_semaphore, #tpu.memory_space<semaphore_mem>>
      %dma_start3A_127 = arith.constant 512 : i32
      %dma_start3A_128 = tpu.memref_slice %arg18[%dma_start3A_127] : memref<1024xf32, #tpu.memory_space<vmem>> -> memref<512xf32, #tpu.memory_space<vmem>>
      %dma_start3A_129 = tpu.memref_slice %arg11[%mul3A_2] : memref<16384xf32, #tpu.memory_space<hbm>> -> memref<512xf32, #tpu.memory_space<hbm>>
      %dma_start3A_130 = tpu.memref_slice %arg11[%mul3A_2] : memref<16384xf32, #tpu.memory_space<hbm>> -> memref<512xf32, #tpu.memory_space<hbm>>
      %dma_start3A_131 = arith.constant 512 : i32
      %dma_start3A_132 = tpu.memref_slice %arg18[%dma_start3A_131] : memref<1024xf32, #tpu.memory_space<vmem>> -> memref<512xf32, #tpu.memory_space<vmem>>
      tpu.enqueue_dma source(%dma_start3A_132 : memref<512xf32, #tpu.memory_space<vmem>>) target(%dma_start3A_130 : memref<512xf32, #tpu.memory_space<hbm>>) target_semaphore(%run_scoped3A : memref<!tpu.dma_semaphore, #tpu.memory_space<semaphore_mem>>)
      %dma_wait3A_133 = arith.constant 512 : i32
      %dma_wait3A_134 = tpu.memref_slice %arg18[%dma_wait3A_133] : memref<1024xf32, #tpu.memory_space<vmem>> -> memref<512xf32, #tpu.memory_space<vmem>>
      %dma_wait3A_135 = tpu.memref_slice %arg11[%mul3A_2] : memref<16384xf32, #tpu.memory_space<hbm>> -> memref<512xf32, #tpu.memory_space<hbm>>
      %dma_wait3A_136 = tpu.memref_slice %arg11[%mul3A_2] : memref<16384xf32, #tpu.memory_space<hbm>> -> memref<512xf32, #tpu.memory_space<hbm>>
      %dma_wait3A_137 = arith.constant 512 : i32
      %dma_wait3A_138 = tpu.memref_slice %arg18[%dma_wait3A_137] : memref<1024xf32, #tpu.memory_space<vmem>> -> memref<512xf32, #tpu.memory_space<vmem>>
      tpu.wait_dma2 semaphore(%run_scoped3A : memref<!tpu.dma_semaphore, #tpu.memory_space<semaphore_mem>>) src(%dma_wait3A_138 : memref<512xf32, #tpu.memory_space<vmem>>) dst(%dma_wait3A_136 : memref<512xf32, #tpu.memory_space<hbm>>)
      tpu.yield
    }) : () -> ()
    return
  }
}

</mosaic_0001>

<sc_bundles>
// kernel: kernel.3.cloned.1.call-start
scs
__scs_entry_jumppad:
0x0: {  	(pc) =	sbr.rel $0x88, $3  }
0x1: {  	(tag) =	ssettag $0x0;
	lr =	simm.s32 $0x1  }
0x2: {  	[smem:$0x3F99] =	sst lr;
	_ =	strace $0xD0000000  }
0x3: {  	_ = 	snop  }
0x4: {  	_ = 	snop  }
0x5: {  	_ = 	snop  }
0x6: {  	_ = 	snop  }
0x7: {  	_ = 	snop  }
__scs_overlays_trampoline_lowered:
0x8: {  	[smem:$0x3FA8] =	sst s0  }
0x9: {  	[smem:$0x3FA9] =	sst s1  }
0xa: {  	[smem:$0x3FAA] =	sst s2  }
0xb: {  	[smem:$0x3FAB] =	sst s3  }
0xc: {  	[smem:$0x3FAC] =	sst s4  }
0xd: {  	[smem:$0x3FAD] =	sst s5  }
0xe: {  	[smem:$0x3FAE] =	sst s6  }
0xf: {  	[smem:$0x3FAF] =	sst s7  }
0x10: {  	[smem:$0x3FB0] =	sst s8  }
0x11: {  	[smem:$0x3FB1] =	sst s9;
	s0 =	simm.s32 @!p0 $0x0  }
0x12: {  	s1 =	sld [smem:$0x3F97];
	s0 =	simm.s32 @p0 $0x1  }
0x13: {  	[smem:$0x3FB2] =	sst s0;
	s0 =	simm.s32 @!p1 $0x0  }
0x14: {  	s2 =	sld [smem:$0x3F96];
	s0 =	simm.s32 @p1 $0x1  }
0x15: {  	[smem:$0x3FB3] =	sst s0;
	s0 =	simm.s32 @!p2 $0x0  }
0x16: {  	s3 =	sld [smem:$0x3FDB];
	s0 =	simm.s32 @p2 $0x1  }
0x17: {  	s4 =	simm.s32 $0x1BF5;
	[smem:$0x3FB5] =	sst s0  }
0x18: {  	s0 =	sld [smem:$0x3F98];
	_ =	swait.ge [sflag:s4], $0x0  }
0x19: {  	s7 =	sld [smem:$0x3F99]  }
0x1a: {  	s8 =	sadd.s32 $0xFFFFE003, lr  }
0x1b: {  	s9 =	sadd.s32 $0xFFFFFEF7, lr;
	s5 =	simm.s32 $0xFFFFFFFF;
	p2 =	slt.u32 s8, $0xFFFFF086  }
0x1c: {  	p1 =	slt.u32 s9, $0xF7A;
	s5 =	simm.s32 @!p2 $0x0  }
0x1d: {  	s5 =	simm.s32 @p1 $0x1;
	p0 =	seq.s32 s7, s2  }
0x1e: {  	s7 =	smul.u32 @!p0 $0xF7A, s2;
	p2 =	seq.s32 @!p0 s5, $0x0  }
0x1f: {  	s9 =	smul.u32 $0xF7A, s1;
	s8 =	simm.s32 @!p0 $0x1BF5;
	p2 =	por !p2, p0  }
0x20: {  	[sflag:s8] =	ssyncset.s32 @!p0 $0xFFFFF086;
	s6 =	sadd.s32 @!p0 s3, s7;
	s7 =	simm.s32 @!p0 $0x108  }
0x21: {  	s3 =	sadd.s32 s3, s9;
	s6 =	sadd.s32 @!p0 $0x88, s6;
	s7 =	simm.s32 @p2 $0x1082  }
0x22: {  	[simem:s7], [sflag:s8] =	dma.local @!p0 [hbm:s6], $0xF7A  }
0x23: {  	s9 =	sor.u32 $0xD0000000, s2;
	s6 =	simm.s32 $0x108;
	_ =	swait.ge @!p0 [sflag:s8], $0x0  }
0x24: {  	s3 =	sadd.s32 $0x88, s3;
	s6 =	simm.s32 @!p1 $0x1082;
	[sflag:s4] =	ssyncset.s32 $0xFFFFF086  }
0x25: {  	[simem:s6], [sflag:s4] =	dma.local [hbm:s3], $0xF7A  }
0x26: {  	[smem:$0x3F99] =	sst s1;
	(tag) =	ssettag s2;
	_ =	strace s9  }
0x27: {  	s1 =	sld [smem:$0x3FA9]  }
0x28: {  	s2 =	sld [smem:$0x3FAA]  }
0x29: {  	s4 =	sld [smem:$0x3FAC]  }
0x2a: {  	p0 =	seq.s32 s5, $0x0;
	s5 =	sld [smem:$0x3FAD]  }
0x2b: {  	s6 =	sld [smem:$0x3FAE]  }
0x2c: {  	s7 =	sld [smem:$0x3FAF]  }
0x2d: {  	s3 =	simm.s32 $0x108;
	s8 =	sld [smem:$0x3FB0]  }
0x2e: {  	s3 =	simm.s32 @!p0 $0x1082;
	s9 =	sld [smem:$0x3FB1]  }
0x2f: {  	lr =	sadd.s32 s0, s3;
	s0 =	sld [smem:$0x3FA8]  }
0x30: {  	s3 =	sld [smem:$0x3FAB]  }
0x31: {  	[smem:$0x3FB4] =	sst s10  }
0x32: {  	s10 =	sld [smem:$0x3FB2];
	_ =	sdelay $0x3  }
0x33: {  	p0 =	seq.s32 s10, $0x1;
	s10 =	sld [smem:$0x3FB4];
	_ =	sdelay $0x3  }
0x34: {  	[smem:$0x3FB4] =	sst s10  }
0x35: {  	s10 =	sld [smem:$0x3FB3];
	_ =	sdelay $0x3  }
0x36: {  	p1 =	seq.s32 s10, $0x1;
	s10 =	sld [smem:$0x3FB4];
	_ =	sdelay $0x3  }
0x37: {  	[smem:$0x3FB4] =	sst s10  }
0x38: {  	s10 =	sld [smem:$0x3FB5]  }
0x39: {  	_ = 	snop;
	(pc) =	sbr.ind lr, $3  }
0x3a: {  	_ = 	snop  }
0x3b: {  	_ = 	snop  }
0x3c: {  	p2 =	seq.s32 s10, $0x1;
	s10 =	sld [smem:$0x3FB4]  }
0x3d: {  	_ =	shalt  }
0x3e: {  	_ =	shalt  }
0x3f: {  	_ =	shalt  }
0x40: {  	_ =	shalt  }
0x41: {  	_ =	shalt  }
0x42: {  	_ =	shalt  }
0x43: {  	_ =	shalt  }
0x44: {  	_ =	shalt  }
0x45: {  	_ =	shalt  }
0x46: {  	_ =	shalt  }
0x47: {  	_ =	shalt  }
0x48: {  	_ =	shalt  }
0x49: {  	_ =	shalt  }
0x4a: {  	_ =	shalt  }
0x4b: {  	_ =	shalt  }
0x4c: {  	_ =	shalt  }
0x4d: {  	_ =	shalt  }
0x4e: {  	_ =	shalt  }
0x4f: {  	_ =	shalt  }
0x50: {  	_ =	shalt  }
0x51: {  	_ =	shalt  }
0x52: {  	_ =	shalt  }
0x53: {  	_ =	shalt  }
0x54: {  	_ =	shalt  }
0x55: {  	_ =	shalt  }
0x56: {  	_ =	shalt  }
0x57: {  	_ =	shalt  }
0x58: {  	_ =	shalt  }
0x59: {  	_ =	shalt  }
0x5a: {  	_ =	shalt  }
0x5b: {  	_ =	shalt  }
0x5c: {  	_ =	shalt  }
0x5d: {  	_ =	shalt  }
0x5e: {  	_ =	shalt  }
0x5f: {  	_ =	shalt  }
0x60: {  	_ =	shalt  }
0x61: {  	_ =	shalt  }
0x62: {  	_ =	shalt  }
0x63: {  	_ =	shalt  }
0x64: {  	_ =	shalt  }
0x65: {  	_ =	shalt  }
0x66: {  	_ =	shalt  }
0x67: {  	_ =	shalt  }
0x68: {  	_ =	shalt  }
0x69: {  	_ =	shalt  }
0x6a: {  	_ =	shalt  }
0x6b: {  	_ =	shalt  }
0x6c: {  	_ =	shalt  }
0x6d: {  	_ =	shalt  }
0x6e: {  	_ =	shalt  }
0x6f: {  	_ =	shalt  }
0x70: {  	_ =	shalt  }
0x71: {  	_ =	shalt  }
0x72: {  	_ =	shalt  }
0x73: {  	_ =	shalt  }
0x74: {  	_ =	shalt  }
0x75: {  	_ =	shalt  }
0x76: {  	_ =	shalt  }
0x77: {  	_ =	shalt  }
0x78: {  	_ =	shalt  }
0x79: {  	_ =	shalt  }
0x7a: {  	_ =	shalt  }
0x7b: {  	_ =	shalt  }
0x7c: {  	_ =	shalt  }
0x7d: {  	_ =	shalt  }
0x7e: {  	_ =	shalt  }
0x7f: {  	_ =	shalt  }
0x80: {  	_ =	shalt  }
0x81: {  	_ =	shalt  }
0x82: {  	_ =	shalt  }
0x83: {  	_ =	shalt  }
0x84: {  	_ =	shalt  }
0x85: {  	_ =	shalt  }
0x86: {  	_ =	shalt  }
0x87: {  	_ =	shalt  }
.Lfunc_end0:
.L_simem_size_0:
called_computation_lowered:
.L_overlay_start_0:
0x88: {  	s2 =	sld [smem:$0x3FD9]  }
0x89: {  	s3 =	sld [smem:$0x3FFE];
	_ =	sdelay $0x1  }
0x8a: {  	s1 =	srdreg.scid  }
0x8b: {  	s0 =	sand.u32 $0x1, s1  }
0x8c: {  	s30 =	sshll.u32 s0, $0xA;
	s2 =	sadd.s32 s3, s2  }
0x8d: {  	s2 =	sadd.s32 s2, s30  }
0x8e: {  	[smem:$0x3FC0] =	sst s2  }
0x8f: {  	_ = 	snop  }
0x90: {  	s2 =	sld [smem:$0x3FC9]  }
0x91: {  	s31 =	sld [smem:$0x3FC8]  }
0x92: {  	s4 =	sld [smem:$0x3FC7]  }
0x93: {  	s5 =	sld [smem:$0x3FC6]  }
0x94: {  	s6 =	sld [smem:$0x3FC5]  }
0x95: {  	s7 =	sld [smem:$0x3FD0]  }
0x96: {  	s8 =	sld [smem:$0x3FC4]  }
0x97: {  	s9 =	sld [smem:$0x3FC3]  }
0x98: {  	s11 =	simm.s32 $0xA;
	s12 =	simm.s32 $0x10;
	s10 =	sld [smem:$0x3FC2]  }
0x99: {  	[smem:s12], [sflag:s11] =	dma.local [hbm:s7], $0x1  }
0x9a: {  	_ =	swait.eq [sflag:s11], $0x1  }
0x9b: {  	[sflag:s11] =	ssyncset.done $0x0  }
0x9c: {  	s17 =	sld [smem:$0x10];
	[sflag:s11] =	ssyncadd.s32 $0xFFFFFFFF  }
0x9d: {  	s18 =	sld [smem:$0x11];
	(tm) =	ssettm $0x1  }
0x9e: {  	s19 =	sld [smem:$0x3FFB];
	_ =	sdelay $0x3  }
0x9f: {  	_ =	strace s19  }
0xa0: {  	s12 =	sld [smem:$0x3FFC];
	_ =	sdelay $0x3  }
0xa1: {  	_ =	strace s12  }
0xa2: {  	s12 =	sld [smem:$0x3FFD];
	_ =	sdelay $0x3  }
0xa3: {  	_ =	strace s12  }
0xa4: {  	_ =	strace $0x8FFFFFFF  }
0xa5: {  	s20 =	sld [smem:$0x3FDB];
	_ =	sdelay $0x1  }
0xa6: {  	s13 =	simm.s32 $_scs_section_size  }
0xa7: {  	s14 =	simm.s32 $_size__tile_overlayer_lowered;
	s15 =	simm.s32 $_tile_overlayer_lowered  }
0xa8: {  	s23 =	simm.s32 $0x1BFF;
	s22 =	sshll.u32 s15, $0x1;
	s12 =	sadd.s32 s13, s20  }
0xa9: {  	s16 =	simm.s32 $0x0;
	s21 =	sshll.u32 s14, $0x1;
	s14 =	sadd.s32 s22, s12  }
0xaa: {  	[timem:s16], [sflag:s23] =	dma.local [hbm:s14], s21  }
0xab: {  	_ =	swait.ge [sflag:s23], s21  }
0xac: {  	s13 =	ssub.s32 $0x0, s21;
	[sflag:s23] =	ssyncset.done $0x0  }
0xad: {  	[sflag:s23] =	ssyncadd.s32 s13;
	_ =	sdelay $0x1  }
0xae: {  	s24 =	simm.s32 $0x1B8B  }
0xaf: {  	_ =	swait.ge [sflag:s24], $0x1  }
0xb0: {  	[sflag:s24] =	ssyncset.done $0x0  }
0xb1: {  	s25 =	simm.s32 $0x1B8E;
	[sflag:s24] =	ssyncadd.s32 $0xFFFFFFFF  }
0xb2: {  	s26 =	simm.s32 $execute0_lowered;
	[smem:$0x3FD2] =	sst s25  }
0xb3: {  	s13 =	sshll.u32 s26, $0x1;
	_ =	strace $0x80000046;
	[dreg:$0x1] =	wrdreg $0xFFFFFFFF  }
0xb4: {  	s28 =	simm.s32 $_size_execute0_lowered;
	s12 =	sadd.s32 s12, s13;
	[dreg:$0x0] =	wrdreg $0x0  }
0xb5: {  	s13 =	sshll.u32 s28, $0x1;
	[dreg:$0x2] =	wrdreg s12  }
0xb6: {  	[dreg:$0x3] =	wrdreg s13  }
0xb7: {  	[dreg:$0x4] =	wrdreg $0xC0  }
0xb8: {  	_ =	task [dreg:s16], $0x5FFFF  }
0xb9: {  	[dreg:$0x1] =	wrdreg $0xFFFFFFFF  }
0xba: {  	[dreg:$0x0] =	wrdreg $0x60  }
0xbb: {  	[dreg:$0x2] =	wrdreg s2  }
0xbc: {  	[dreg:$0x3] =	wrdreg s31  }
0xbd: {  	[dreg:$0x4] =	wrdreg s4  }
0xbe: {  	[dreg:$0x5] =	wrdreg s5  }
0xbf: {  	[dreg:$0x6] =	wrdreg s6  }
0xc0: {  	[dreg:$0x7] =	wrdreg s8  }
0xc1: {  	[dreg:$0x8] =	wrdreg s9  }
0xc2: {  	[dreg:$0x9] =	wrdreg s10  }
0xc3: {  	[dreg:$0xa] =	wrdreg s17  }
0xc4: {  	[dreg:$0xb] =	wrdreg s18  }
0xc5: {  	[dreg:$0xc] =	wrdreg $0x9  }
0xc6: {  	_ =	task.clear_ibuf [dreg:s16], $0xDFFFF;
	_ =	strace $0x90000046  }
0xc7: {  	s29 =	simm.s32 $0x9;
	_ =	strace $0x80000048  }
0xc8: {  	_ =	swait.ge [sflag:s29], $0x1  }
0xc9: {  	[sflag:s29] =	ssyncadd.s32 $0xFFFFFFFF  }
0xca: {  	_ =	strace $0x90000048  }
0xcb: {  	_ =	sfence  }
0xcc: {  	s30 =	sld [smem:$0x0];
	_ =	sdelay $0x2  }
0xcd: {  	s31 =	sshll.u32 s1, $0xD;
	s1 =	sshrl.u32 s1, $0x2  }
0xce: {  	s3 =	sand.u32 $0x4000, s31;
	s1 =	sadd.s32 s1, s30  }
0xcf: {  	s0 =	sor.u32 s3, s0;
	s1 =	sshll.u32 s1, $0x11  }
0xd0: {  	s0 =	sor.u32 s1, s0  }
0xd1: {  	s0 =	sadd.s32 $0x8F2B, s0  }
0xd2: {  	[sflag:s0] =	ssyncadd.remote.s32 $0x1  }
0xd3: {  	_ =	sfence.sel $0xFFFF  }
0xd4: {  	[dreg:$0x0] =	wrdreg $0xFFFFFFFF;
	(pc) =	sbr.abs _section_cstart, $3  }
0xd5: {  	[dreg:$0x1] =	wrdreg $0xFFFFFFFF  }
0xd6: {  	_ =	task.clear_ibuf [dreg:s16], $0x2FFFF;
	_ =	strace $0x9FFFFFFF  }
0xd7: {  	(tm) =	ssettm $0x7FFFFFFF  }
tec
execute0_lowered:
.L_overlay_start_1:
0x0: {  	(tag) =	ssettag $0x1  }
0x1: {  	s2 =	rddreg [dreg:$0x0]  }
0x2: {  	v0 =	vimm.s32 $0xEFCDAB89;
	v1 =	vimm.s32 $0x67452301;
	s4 =	rddreg [dreg:$0x1]  }
0x3: {  	s5 =	rddreg [dreg:$0x2];
	vm0 =	vcmask $0xB08;
	vm1 =	vcmask $0x300;
	v2 =	vimm.s32 $0x54761032  }
0x4: {  	s6 =	rddreg [dreg:$0x3];
	v3 =	vimm.s32 $0xBA98FEDC;
	v4 =	vimm.s32 $0x32107654;
	vm2 =	vmmov $0x3  }
0x5: {  	s7 =	rddreg [dreg:$0x4];
	vm3 =	vmmov $0x7;
	vm4 =	vmmov $0xf;
	vm5 =	vmmov $0x1f  }
0x6: {  	s8 =	rddreg [dreg:$0x5];
	vm6 =	vmmov $0x3f;
	vm7 =	vmmov $0x7f;
	vm8 =	vmmov $0xff  }
0x7: {  	s0 =	rddreg [dreg:$0x6];
	vm9 =	vmmov $0x1ff;
	v0 =	vunpack.c.l.s4.s8 v0;
	v1 =	vunpack.c.l.s4.s8 v1  }
0x8: {  	s1 =	rddreg [dreg:$0x7];
	s11 =	srdreg.scid;
	vm10 =	vmmov $0x3ff;
	vm11 =	vmmov $0x7ff;
	vm12 =	vmmov $0xfff  }
0x9: {  	s9 =	rddreg [dreg:$0x8];
	s14 =	stileid.u32;
	vm13 =	vmmov $0x1fff;
	s11 =	sand.u32 $0x1, s11;
	v0 =	vunpack.c.0.s8.s32 v0;
	v1 =	vunpack.c.0.s8.s32 v1  }
0xa: {  	vm14 =	vmmov $0x3fff;
	vm0 =	vmor vm1, vm0;
	vm1 =	vcmask $0x1310;
	s14 =	sshll.u32 s14, $0x7;
	s12 =	ssub.s32 $0x2, s11;
	s11 =	sshll.u32 s11, $0x6  }
0xb: {  	s10 =	rddreg [dreg:$0x9];
	s3 =	simm.s32 $0x0;
	v2 =	vunpack.c.l.s4.s8 v2;
	s11 =	sor.u32 s11, s14;
	v0 =	vcombine.low v1, v0;
	v1 =	vimm.s32 $0xDCFE98BA  }
0xc: {  	v3 =	vunpack.c.l.s4.s8 v3;
	v4 =	vunpack.c.l.s4.s8 v4;
	[smem:$0x7FF] =	sst s3;
	s2 =	sadd.s32 s2, s11;
	v1 =	vunpack.c.l.s4.s8 v1  }
0xd: {  	vm0 =	vmor vm0, vm1;
	vm1 =	vcmask $0x1B18;
	_ =	strace $0x80000047;
	v2 =	vunpack.c.0.s8.s32 v2;
	s21 =	sadd.s32 s6, s11;
	[dreg:$0xe] =	wrdreg s2  }
0xe: {  	vm0 =	vmor vm0, vm1;
	vm1 =	vcmask $0x2320;
	s22 =	sadd.s32 s4, s11;
	[dreg:$0xf] =	wrdreg s21;
	v1 =	vunpack.c.0.s8.s32 v1  }
0xf: {  	s19 =	simm.s32 $0x1;
	v3 =	vunpack.c.0.s8.s32 v3;
	v4 =	vunpack.c.0.s8.s32 v4;
	vm0 =	vmor vm0, vm1;
	s23 =	sadd.s32 s7, s11;
	[dreg:$0x10] =	wrdreg s22  }
0x10: {  	s20 =	simm.s32 $0x80;
	vm1 =	vcmask $0x2B28;
	s24 =	sadd.s32 s5, s11;
	[dreg:$0x11] =	wrdreg s23;
	v1 =	vcombine.low v2, v1;
	v2 =	vimm.s32 $0xFEDCBA98  }
0x11: {  	s30 =	simm.s32 $0xCC00;
	s25 =	sadd.s32 s8, s11;
	v3 =	vcombine.low v4, v3;
	v4 =	vimm.s32 $0x76543210;
	[dreg:$0x12] =	wrdreg s24;
	v2 =	vunpack.c.l.s4.s8 v2  }
0x12: {  	s13 =	sshrl.u32 s12, $0x1;
	s26 =	sadd.s32 s9, s11;
	vm0 =	vmor vm0, vm1;
	vm1 =	vcmask $0x3330;
	[dreg:$0x13] =	wrdreg s25;
	v4 =	vunpack.c.l.s4.s8 v4  }
0x13: {  	vm15 =	vmmov $0x7fff;
	s12 =	ssub.s32 s12, s13;
	s28 =	sadd.s32 s10, s11;
	[dreg:$0x14] =	wrdreg s26;
	vm0 =	vmor vm0, vm1;
	v2 =	vunpack.c.0.s8.s32 v2  }
0x14: {  	s31 =	simm.s32 $0x14C00;
	[dreg:$0x15] =	wrdreg s28;
	s29 =	smax.u32 s12, $0x1;
	vm1 =	vcmask $0x3B38;
	v0 =	vand.u32 $0xF, v0;
	v4 =	vunpack.c.0.s8.s32 v4  }
0x15: {  	s21 =	simm.s32 $0xC00;
	s22 =	simm.s32 $0x8C00;
	s23 =	simm.s32 $0x10C00;
	vm0 =	vmor vm0, vm1;
	vm1 =	vmmov $0x1;
	v5 =	vand.u32 $0xF, v2  }
0x16: {  	s24 =	simm.s32 $0x2;
	s2 =	simm.s32 $0x0;
	[dreg:$0x16] =	wrdreg s29;
	v1 =	vand.u32 $0xF, v1;
	v2 =	vand.u32 $0xF, v3;
	v3 =	vcombine.low v5, v4  }
.LBB2_1:
0x17: {  	s4 =	rddreg [dreg:$0xe]  }
0x18: {  	[tilespmem:s3], [sflag:$0x1] =	stream.linear.gather [hbm4b:s4+s3], $0x200, $0x38;
	[tilespmem:$0x19000] =	vst v63  }
0x19: {  	s16 =	rddreg [dreg:$0xf];
	s5 =	simm.s32 $0x200  }
0x1a: {  	[tilespmem:s5], [sflag:$0x1] =	stream.linear.gather [hbm4b:s16+s3], $0x200, $0x38;
	[tilespmem:$0x19000] =	vst v63  }
0x1b: {  	s17 =	rddreg [dreg:$0x10];
	s18 =	simm.s32 $0x400  }
0x1c: {  	[tilespmem:s18], [sflag:$0x1] =	stream.linear.gather [hbm4b:s17+s3], $0x200, $0x38;
	[tilespmem:$0x19000] =	vst v63  }
0x1d: {  	s25 =	rddreg [dreg:$0x11];
	s6 =	simm.s32 $0x600  }
0x1e: {  	[tilespmem:s6], [sflag:$0x1] =	stream.linear.gather [hbm4b:s25+s3], $0x200, $0x38;
	[tilespmem:$0x19000] =	vst v63  }
0x1f: {  	s26 =	rddreg [dreg:$0x12];
	s28 =	simm.s32 $0x800  }
0x20: {  	[tilespmem:s28], [sflag:$0x1] =	stream.linear.gather [hbm4b:s26+s3], $0x200, $0x38;
	[tilespmem:$0x19000] =	vst v63  }
0x21: {  	s29 =	rddreg [dreg:$0x13];
	s7 =	simm.s32 $0xA00  }
0x22: {  	[tilespmem:s7], [sflag:$0x1] =	stream.linear.gather [hbm4b:s29+s3], $0x200, $0x38;
	[tilespmem:$0x19000] =	vst v63  }
0x23: {  	_ =	swait.ge [sflag:s19], $0x200  }
0x24: {  	[sflag:s19] =	ssyncset.done $0x0  }
0x25: {  	[sflag:s19] =	ssyncadd.s32 $0xFFFFFE00  }
0x26: {  	_ =	swait.ge [sflag:s19], $0x200  }
0x27: {  	[sflag:s19] =	ssyncset.done $0x0  }
0x28: {  	[sflag:s19] =	ssyncadd.s32 $0xFFFFFE00  }
0x29: {  	_ =	swait.ge [sflag:s19], $0x200  }
0x2a: {  	[sflag:s19] =	ssyncset.done $0x0  }
0x2b: {  	[sflag:s19] =	ssyncadd.s32 $0xFFFFFE00  }
0x2c: {  	_ =	swait.ge [sflag:s19], $0x200  }
0x2d: {  	[sflag:s19] =	ssyncset.done $0x0  }
0x2e: {  	[sflag:s19] =	ssyncadd.s32 $0xFFFFFE00  }
0x2f: {  	_ =	swait.ge [sflag:s19], $0x200  }
0x30: {  	[sflag:s19] =	ssyncset.done $0x0  }
0x31: {  	[sflag:s19] =	ssyncadd.s32 $0xFFFFFE00  }
0x32: {  	_ =	swait.ge [sflag:s19], $0x200  }
0x33: {  	[sflag:s19] =	ssyncset.done $0x0  }
0x34: {  	[sflag:s19] =	ssyncadd.s32 $0xFFFFFE00  }
0x35: {  	[tilespmem:s21], [sflag:$0x1] =	stream.indirect.gather [hbm4b:s0+s20], $0x80, s3, s20, $0xb8;
	[tilespmem:$0x19000] =	vst v63  }
0x36: {  	_ = 	snop  }
0x37: {  	[tilespmem:s22], [sflag:$0x1] =	stream.indirect.gather [hbm4b:s1+s20], $0x80, s18, s20, $0xb8;
	[tilespmem:$0x19000] =	vst v63  }
0x38: {  	s5 =	simm.s32 $0x0  }
0x39: {  	[tilespmem:s23], [sflag:$0x1] =	stream.indirect.gather [hbm4b:s0+s20], $0x80, s28, s20, $0xb8;
	[tilespmem:$0x19000] =	vst v63  }
.LBB2_3:
0x3a: {  	p0 =	seq.s32 s5, $0x7  }
.Ltmp0:
0x3b: {  	_ = 	snop;
	(pc) =	sbr.rel @p0 .LBB2_7-.Ltmp0, $2  }
0x3c: {  	_ =	sdelay $0x2  }
0x3d: {  	s6 =	sand.u32 $0x1, s5;
	s4 =	sadd.s32 $0x1, s5  }
0x3e: {  	p0 =	seq.s32 s6, $0x1  }
.Ltmp1:
0x3f: {  	_ = 	snop;
	(pc) =	sbr.rel @!p0 .LBB2_5-.Ltmp1, $3  }
0x40: {  	_ =	sdelay $0x1  }
0x41: {  	s9 =	sshll.u32 s4, $0x7  }
0x42: {  	s8 =	sadd.s32 $0x400, s9;
	s7 =	sadd.s32 $0x800, s9  }
0x43: {  	[tilespmem:s21], [sflag:$0x1] =	stream.indirect.gather [hbm4b:s0+s20], $0x80, s9, s20, $0xb8;
	[tilespmem:$0x19000] =	vst v63  }
.Ltmp2:
0x44: {  	_ = 	snop;
	(pc) =	sbr.rel .LBB2_7-.Ltmp2, $4  }
0x45: {  	_ = 	snop  }
0x46: {  	[tilespmem:s22], [sflag:$0x1] =	stream.indirect.gather [hbm4b:s1+s20], $0x80, s8, s20, $0xb8;
	[tilespmem:$0x19000] =	vst v63  }
0x47: {  	_ = 	snop  }
0x48: {  	[tilespmem:s23], [sflag:$0x1] =	stream.indirect.gather [hbm4b:s0+s20], $0x80, s7, s20, $0xb8;
	[tilespmem:$0x19000] =	vst v63  }
.LBB2_5:
0x49: {  	s10 =	simm.s32 $0x4C00  }
0x4a: {  	[tilespmem:s10], [sflag:$0x2] =	stream.indirect.gather [hbm4b:s0+s20], $0x80, s9, s20, $0xb8;
	[tilespmem:$0x19000] =	vst v63  }
0x4b: {  	_ = 	snop  }
0x4c: {  	[tilespmem:s30], [sflag:$0x2] =	stream.indirect.gather [hbm4b:s1+s20], $0x80, s8, s20, $0xb8;
	[tilespmem:$0x19000] =	vst v63  }
0x4d: {  	_ = 	snop  }
0x4e: {  	[tilespmem:s31], [sflag:$0x2] =	stream.indirect.gather [hbm4b:s0+s20], $0x80, s7, s20, $0xb8;
	[tilespmem:$0x19000] =	vst v63  }
0x4f: {  	_ =	swait.ge [sflag:s19], $0x4000  }
0x50: {  	[sflag:s19] =	ssyncset.done $0x0  }
0x51: {  	[sflag:s19] =	ssyncadd.s32 $0xFFFFC000  }
0x52: {  	p0 =	seq.s32 s6, $0x0;
	_ =	swait.ge [sflag:s19], $0x4000  }
.Ltmp3:
0x53: {  	[sflag:s19] =	ssyncset.done $0x0;
	(pc) =	sbr.rel @p0 .LBB2_8-.Ltmp3, $4  }
0x54: {  	[sflag:s19] =	ssyncadd.s32 $0xFFFFC000  }
0x55: {  	_ =	swait.ge [sflag:s19], $0x4000  }
0x56: {  	[sflag:s19] =	ssyncset.done $0x0  }
0x57: {  	[sflag:s19] =	ssyncadd.s32 $0xFFFFC000  }
.LBB2_7:
0x58: {  	_ =	swait.ge [sflag:s24], $0x4000  }
0x59: {  	[sflag:s24] =	ssyncset.done $0x0  }
0x5a: {  	[sflag:s24] =	ssyncadd.s32 $0xFFFFC000  }
0x5b: {  	_ =	swait.ge [sflag:s24], $0x4000  }
0x5c: {  	[sflag:s24] =	ssyncset.done $0x0  }
0x5d: {  	[sflag:s24] =	ssyncadd.s32 $0xFFFFC000  }
0x5e: {  	_ =	swait.ge [sflag:s24], $0x4000  }
0x5f: {  	[sflag:s24] =	ssyncset.done $0x0  }
0x60: {  	[sflag:s24] =	ssyncadd.s32 $0xFFFFC000  }
.LBB2_8:
0x61: {  	s14 =	sshll.u32 s6, $0xE;
	s7 =	sshll.u32 s5, $0x7  }
0x62: {  	s11 =	simm.s32 $0x0;
	s6 =	sor.u32 $0x80, s14;
	s26 =	sor.u32 $0x100, s14  }
0x63: {  	s29 =	sor.u32 $0x180, s14;
	s16 =	sor.u32 $0x200, s14;
	s18 =	sor.u32 $0x280, s14  }
0x64: {  	s25 =	sor.u32 $0x300, s14;
	s28 =	sor.u32 $0x380, s14;
	s15 =	sor.u32 $0x400, s14  }
0x65: {  	s17 =	sor.u32 $0x480, s14;
	s5 =	sor.u32 $0x500, s14;
	s9 =	sand.u32 $0x3FFFFF80, s7  }
0x66: {  	s7 =	sor.u32 $0x600, s14;
	s8 =	sor.u32 $0x680, s14;
	[dreg:$0xb] =	wrdreg s6  }
0x67: {  	s10 =	sor.u32 $0x780, s14;
	[dreg:$0xc] =	wrdreg s26;
	s12 =	sadd.s32 $0x18C00, s9  }
0x68: {  	[dreg:$0xd] =	wrdreg s29;
	s6 =	sor.u32 $0x580, s14;
	s9 =	sor.u32 $0x700, s14;
	v4 =	vmov s12  }
.LBB2_9:
0x69: {  	s12 =	sshll.u32 s11, $0xB  }
0x6a: {  	s13 =	sor.u32 s14, s12  }
0x6b: {  	v5 =	vld [tilespmem:s13+$0x8C00]  }
0x6c: {  	v6 =	vld [tilespmem:s13+$0x10C00]  }
0x6d: {  	v7 =	vld [tilespmem:s13+$0x8C10]  }
0x6e: {  	v12 =	vld [tilespmem:s13+$0x8C20]  }
0x6f: {  	v31 =	vld [tilespmem:s13+$0x10C20]  }
0x70: {  	v15 =	vld [tilespmem:s13+$0x8C30]  }
0x71: {  	v16 =	vld [tilespmem:s13+$0x10C30]  }
0x72: {  	v38 =	vld [tilespmem:s13+$0x8C40]  }
0x73: {  	v41 =	vld [tilespmem:s13+$0x10C40]  }
0x74: {  	v17 =	vld [tilespmem:s13+$0x8C50]  }
0x75: {  	v44 =	vld [tilespmem:s13+$0x10C50]  }
0x76: {  	v19 =	vld [tilespmem:s13+$0x8C60]  }
0x77: {  	v53 =	vld [tilespmem:s13+$0x10C60]  }
0x78: {  	s26 =	rddreg [dreg:$0xb];
	v55 =	vld [tilespmem:s13+$0x8C70];
	v8 =	vperm.xlane v5, v0;
	v11 =	vperm.xlane v6, v0  }
0x79: {  	s26 =	sor.u32 s26, s12;
	v58 =	vld [tilespmem:s13+$0x10C70];
	v9 =	vsub.f32 $0.0e+00, v5;
	v33 =	vperm.xlane v7, v0;
	v34 =	vperm.xlane v12, v0  }
0x7a: {  	v59 =	vld [tilespmem:s26+$0x8C00];
	v14 =	vsub.f32 $0.0e+00, v7;
	v37 =	vperm.xlane v31, v0;
	v39 =	vperm.xlane v15, v0  }
0x7b: {  	v62 =	vld [tilespmem:s26+$0x10C00];
	v35 =	vsub.f32 $0.0e+00, v12;
	v42 =	vperm.xlane v16, v0;
	v45 =	vperm.xlane v38, v0  }
0x7c: {  	v40 =	vsub.f32 $0.0e+00, v15;
	v47 =	vperm.xlane v41, v0;
	v49 =	vperm.xlane v17, v0  }
0x7d: {  	v48 =	vsub.f32 $0.0e+00, v38;
	v51 =	vperm.xlane v44, v0;
	v57 =	vperm.xlane v19, v0  }
0x7e: {  	v18 =	vsub.f32 $0.0e+00, v17;
	v60 =	vperm.xlane v53, v0;
	v21 =	vperm.xlane v55, v0  }
0x7f: {  	v10 =	vld [tilespmem:s13+$0x10C10];
	v22 =	vsub.f32 $0.0e+00, v55;
	v24 =	vperm.xlane v58, v0;
	v26 =	vperm.xlane v59, v0  }
0x80: {  	v27 =	vsub.f32 $0.0e+00, v59;
	v30 =	vperm.xlane v62, v0;
	v5 =	vsel vm0, v5, v8  }
0x81: {  	v13 =	vld [tilespmem:s13+$0xC00];
	v8 =	vsel vm0, v8, v9;
	v7 =	vsel vm0, v7, v33;
	v12 =	vsel vm0, v12, v34  }
0x82: {  	v43 =	vsel vm0, v15, v39;
	v15 =	vsel vm0, v55, v21;
	v55 =	vld [tilespmem:s26+$0x8C60];
	v5 =	vmul.f32 v5, v6  }
0x83: {  	v6 =	vmul.f32 v8, v11;
	v8 =	vmul.f32 v12, v31;
	v12 =	vsel vm0, v39, v40;
	v31 =	vld [tilespmem:s26+$0x8C20]  }
0x84: {  	v52 =	vsel vm0, v17, v49;
	v7 =	vmul.f32 v7, v10;
	v39 =	vld [tilespmem:s26+$0x10C30];
	v9 =	vmul.f32 v12, v42  }
0x85: {  	v25 =	vld [tilespmem:s26+$0x8C10];
	v5 =	vadd.f32 v6, v5;
	v6 =	vperm.xlane v10, v0;
	v10 =	vsel vm0, v38, v45  }
0x86: {  	v11 =	vsel vm0, v33, v14;
	v12 =	vmul.f32 v52, v44;
	v10 =	vmul.f32 v10, v41  }
0x87: {  	v32 =	vld [tilespmem:s13+$0xC10];
	v6 =	vmul.f32 v11, v6;
	v5 =	vmul.f32 v5, v13;
	v11 =	vsel vm0, v45, v48  }
0x88: {  	v61 =	vsel vm0, v19, v57;
	v20 =	vperm.xlane v55, v0;
	v11 =	vmul.f32 v11, v47  }
0x89: {  	v28 =	vld [tilespmem:s26+$0x10C10];
	v38 =	vperm.xlane v31, v0;
	v40 =	vsub.f32 $0.0e+00, v31;
	v47 =	vperm.xlane v39, v0  }
0x8a: {  	v36 =	vld [tilespmem:s13+$0xC20];
	v6 =	vadd.f32 v6, v7;
	v7 =	vsel vm0, v34, v35;
	v34 =	vperm.xlane v25, v0  }
0x8b: {  	v5 =	vadd.f32 $0.0e+00, v5;
	v35 =	vsub.f32 $0.0e+00, v25;
	v7 =	vmul.f32 v7, v37;
	v37 =	vld [tilespmem:s26+$0x8C30]  }
0x8c: {  	v45 =	vld [tilespmem:s26+$0x8C40];
	v13 =	vsel vm0, v31, v38;
	v6 =	vmul.f32 v6, v32;
	v17 =	vsel vm0, v25, v34  }
0x8d: {  	v32 =	vld [tilespmem:s26+$0x10C20];
	v7 =	vadd.f32 v7, v8;
	v8 =	vmul.f32 v43, v16;
	v16 =	vsel vm0, v49, v18  }
0x8e: {  	v50 =	vld [tilespmem:s13+$0xC50];
	v17 =	vmul.f32 v17, v28;
	v5 =	vadd.f32 v6, v5;
	v54 =	vmul.f32 v16, v51  }
0x8f: {  	v6 =	vmul.f32 v7, v36;
	v7 =	vld [tilespmem:s13+$0xC30];
	v8 =	vadd.f32 v9, v8;
	v9 =	vsel vm0, v59, v26  }
0x90: {  	v36 =	vperm.xlane v28, v0;
	v43 =	vperm.xlane v37, v0;
	v44 =	vsub.f32 $0.0e+00, v37  }
0x91: {  	v56 =	vadd.f32 v54, v12;
	v9 =	vmul.f32 v9, v62;
	v54 =	vperm.xlane v45, v0  }
0x92: {  	v46 =	vld [tilespmem:s13+$0xC40];
	v5 =	vadd.f32 v6, v5;
	v41 =	vperm.xlane v32, v0;
	v49 =	vsel vm0, v43, v44  }
0x93: {  	v63 =	vld [tilespmem:s13+$0xC60];
	v48 =	vsel vm0, v37, v43;
	v16 =	vsel vm0, v45, v54;
	v51 =	vmul.f32 v49, v47  }
0x94: {  	v23 =	vld [tilespmem:s13+$0xC70];
	v6 =	vmul.f32 v8, v7;
	v7 =	vadd.f32 v11, v10;
	v8 =	vmul.f32 v56, v50  }
0x95: {  	v52 =	vld [tilespmem:s26+$0x8C50];
	v10 =	vsel vm0, v21, v22;
	v11 =	vmul.f32 v15, v58;
	v15 =	vsel vm0, v26, v27  }
0x96: {  	v50 =	vld [tilespmem:s26+$0x10C40];
	v29 =	vmul.f32 v10, v24;
	v10 =	vmul.f32 v15, v30;
	v15 =	vsel vm0, v34, v35  }
0x97: {  	v33 =	vld [tilespmem:s26+$0xC10];
	v5 =	vadd.f32 v6, v5;
	v6 =	vmul.f32 v7, v46;
	v7 =	vsub.f32 $0.0e+00, v19  }
0x98: {  	v21 =	vsub.f32 $0.0e+00, v55;
	v27 =	vld [tilespmem:s26+$0x10C70];
	v9 =	vadd.f32 v10, v9;
	v10 =	vmul.f32 v15, v36  }
0x99: {  	s29 =	rddreg [dreg:$0xc];
	v7 =	vsel vm0, v57, v7;
	v5 =	vadd.f32 v6, v5;
	v6 =	vmul.f32 v61, v53;
	v53 =	vld [tilespmem:s26+$0x10C50]  }
0x9a: {  	s13 =	sor.u32 s29, s12;
	v24 =	vsub.f32 $0.0e+00, v52;
	v57 =	vld [tilespmem:s26+$0x10C60];
	v61 =	vperm.xlane v52, v0;
	v7 =	vmul.f32 v7, v60  }
0x9b: {  	v35 =	vld [tilespmem:s13+$0x8C10];
	v10 =	vadd.f32 v10, v17;
	v58 =	vperm.xlane v50, v0;
	v5 =	vadd.f32 v8, v5  }
0x9c: {  	v60 =	vmul.f32 v16, v50;
	v8 =	vadd.f32 v29, v11;
	v29 =	vld [tilespmem:s26+$0x8C70];
	v6 =	vadd.f32 v7, v6  }
0x9d: {  	v28 =	vsel vm0, v20, v21;
	v36 =	vperm.xlane v27, v0;
	v11 =	vmul.f32 v13, v32;
	v32 =	vld [tilespmem:s13+$0x8C00]  }
0x9e: {  	v12 =	vsel vm0, v52, v61;
	v52 =	vld [tilespmem:s13+$0x8C30];
	v10 =	vmul.f32 v10, v33;
	v6 =	vmul.f32 v6, v63  }
0x9f: {  	v13 =	vsel vm0, v61, v24;
	v7 =	vld [tilespmem:s26+$0xC00];
	v63 =	vperm.xlane v53, v0;
	v26 =	vperm.xlane v57, v0  }
0xa0: {  	v8 =	vmul.f32 v8, v23;
	v5 =	vadd.f32 v6, v5;
	v6 =	vmul.f32 v48, v39  }
0xa1: {  	v43 =	vld [tilespmem:s13+$0x8C20];
	v56 =	vsub.f32 $0.0e+00, v45;
	v13 =	vmul.f32 v13, v63;
	v31 =	vmul.f32 v28, v26  }
0xa2: {  	v15 =	vsel vm0, v38, v40;
	v37 =	vperm.xlane v32, v0;
	v39 =	vperm.xlane v29, v0  }
0xa3: {  	v49 =	vsub.f32 $0.0e+00, v35;
	v48 =	vperm.xlane v35, v0;
	v24 =	vperm.xlane v52, v0  }
0xa4: {  	v46 =	vld [tilespmem:s26+$0xC30];
	v38 =	vsub.f32 $0.0e+00, v32;
	v7 =	vmul.f32 v9, v7;
	v9 =	vmul.f32 v15, v41  }
0xa5: {  	v5 =	vadd.f32 v8, v5;
	v6 =	vadd.f32 v51, v6;
	v8 =	vsel vm0, v54, v56  }
0xa6: {  	v42 =	vld [tilespmem:s26+$0xC20];
	v44 =	vsel vm0, v29, v39;
	v51 =	vsel vm0, v48, v49;
	v54 =	vperm.xlane v43, v0  }
0xa7: {  	v59 =	vld [tilespmem:s26+$0xC40];
	v17 =	vsel vm0, v52, v24;
	v7 =	vadd.f32 $0.0e+00, v7;
	v9 =	vadd.f32 v9, v11  }
0xa8: {  	v41 =	vld [tilespmem:s13+$0x10C10];
	v8 =	vmul.f32 v8, v58;
	v11 =	vsel vm0, v55, v20;
	v18 =	vmul.f32 v44, v27  }
0xa9: {  	v25 =	vld [tilespmem:s26+$0xC60];
	v55 =	vsub.f32 $0.0e+00, v43;
	v6 =	vmul.f32 v6, v46;
	v30 =	vmul.f32 v11, v57  }
0xaa: {  	v58 =	vld [tilespmem:s13+$0x10C30];
	v33 =	vperm.xlane v5, v0;
	v14 =	vsel vm0, v43, v54;
	v7 =	vadd.f32 v10, v7  }
0xab: {  	v62 =	vld [tilespmem:s26+$0xC50];
	v9 =	vmul.f32 v9, v42;
	v10 =	vmul.f32 v12, v53;
	v8 =	vadd.f32 v8, v60  }
0xac: {  	v46 =	vld [tilespmem:s13+$0x10C20];
	v42 =	vsub.f32 $0.0e+00, v29;
	v12 =	vsel vm0, v32, v37;
	v5 =	vadd.f32 v5, v33  }
0xad: {  	v28 =	vld [tilespmem:s13+$0x8C50];
	v50 =	vperm.xlane v41, v0;
	v7 =	vadd.f32 v9, v7;
	v8 =	vmul.f32 v8, v59  }
0xae: {  	v60 =	vld [tilespmem:s13+$0x8C40];
	v10 =	vadd.f32 v13, v10;
	v9 =	vadd.f32 v31, v30;
	v13 =	vsel vm0, v37, v38  }
0xaf: {  	v59 =	vsel vm0, v54, v55;
	v56 =	vmul.f32 v51, v50;
	v27 =	vperm.xlane v58, v0  }
0xb0: {  	s29 =	rddreg [dreg:$0xd];
	v63 =	vld [tilespmem:s13+$0xC20];
	v55 =	vperm.xlane v5, v1;
	v6 =	vadd.f32 v6, v7;
	v34 =	vmul.f32 v10, v62  }
0xb1: {  	v26 =	vld [tilespmem:s26+$0xC70];
	s26 =	sor.u32 s29, s12;
	v9 =	vmul.f32 v9, v25;
	v10 =	vsel vm0, v35, v48;
	v57 =	vperm.xlane v46, v0  }
0xb2: {  	v23 =	vld [tilespmem:s26+$0x10C20];
	v61 =	vmul.f32 v14, v46;
	v25 =	vsub.f32 $0.0e+00, v52;
	v10 =	vmul.f32 v10, v41  }
0xb3: {  	v7 =	vld [tilespmem:s13+$0x10C00];
	v30 =	vperm.xlane v60, v0;
	v31 =	vsub.f32 $0.0e+00, v60;
	v41 =	vperm.xlane v28, v0  }
0xb4: {  	v62 =	vld [tilespmem:s13+$0x10C40];
	v5 =	vadd.f32 v5, v55;
	v6 =	vadd.f32 v8, v6;
	v8 =	vsel vm0, v39, v42  }
0xb5: {  	v53 =	vld [tilespmem:s13+$0xC10];
	v11 =	vmul.f32 v59, v57;
	v15 =	vsel vm0, v24, v25;
	v42 =	vsub.f32 $0.0e+00, v28  }
0xb6: {  	v37 =	vld [tilespmem:s13+$0x8C60];
	v8 =	vmul.f32 v8, v36;
	v32 =	vmul.f32 v15, v27;
	v35 =	vsel vm0, v60, v30  }
0xb7: {  	v39 =	vld [tilespmem:s13+$0x10C60];
	v36 =	vsel vm0, v30, v31;
	v14 =	vperm.xlane v5, v2;
	v6 =	vadd.f32 v34, v6  }
0xb8: {  	v54 =	vld [tilespmem:s13+$0x10C70];
	v16 =	vsel vm0, v41, v42;
	v40 =	vperm.xlane v7, v0;
	v7 =	vmul.f32 v12, v7  }
0xb9: {  	v34 =	vld [tilespmem:s13+$0x10C50];
	v8 =	vadd.f32 v8, v18;
	v12 =	vmul.f32 v17, v58;
	v33 =	vperm.xlane v62, v0  }
0xba: {  	v42 =	vld [tilespmem:s26+$0x8C40];
	v38 =	vmul.f32 v35, v62;
	v6 =	vadd.f32 v9, v6;
	v9 =	vadd.f32 v56, v10  }
0xbb: {  	v58 =	vld [tilespmem:s13+$0x8C70];
	v10 =	vadd.f32 v11, v61;
	v45 =	vmul.f32 v13, v40;
	v11 =	vmul.f32 v36, v33  }
0xbc: {  	v47 =	vld [tilespmem:s13+$0xC00];
	v48 =	vsub.f32 $0.0e+00, v37;
	v8 =	vmul.f32 v8, v26;
	v50 =	vperm.xlane v39, v0  }
0xbd: {  	v62 =	vld [tilespmem:s26+$0x8C10];
	v5 =	vadd.f32 v5, v14;
	v26 =	vperm.xlane v54, v0;
	v9 =	vmul.f32 v9, v53  }
0xbe: {  	v56 =	vld [tilespmem:s26+$0x8C00];
	v10 =	vmul.f32 v10, v63;
	v7 =	vadd.f32 v45, v7;
	v43 =	vadd.f32 v11, v38  }
0xbf: {  	v63 =	vld [tilespmem:s26+$0x10C10];
	v44 =	vperm.xlane v34, v0;
	v45 =	vsel vm0, v28, v41;
	v6 =	vadd.f32 v8, v6  }
0xc0: {  	v41 =	vperm.xlane v23, v0;
	v55 =	vsub.f32 $0.0e+00, v42;
	v27 =	vperm.xlane v58, v0  }
0xc1: {  	v60 =	vld [tilespmem:s26+$0x10C00];
	v28 =	vsub.f32 $0.0e+00, v58;
	v7 =	vmul.f32 v7, v47;
	v47 =	vperm.xlane v37, v0  }
0xc2: {  	v30 =	vld [tilespmem:s26+$0x8C20];
	v22 =	vsub.f32 $0.0e+00, v62;
	v49 =	vmul.f32 v16, v44;
	v59 =	vperm.xlane v6, v0  }
0xc3: {  	v24 =	vperm.xlane v56, v0;
	v18 =	vsel vm0, v27, v28;
	v7 =	vadd.f32 $0.0e+00, v7  }
0xc4: {  	v29 =	vld [tilespmem:s13+$0xC30];
	v52 =	vsel vm0, v37, v47;
	v15 =	vsel vm0, v47, v48;
	v33 =	vperm.xlane v63, v0  }
0xc5: {  	v40 =	vld [tilespmem:s13+$0xC40];
	v8 =	vsel vm0, v56, v24;
	v17 =	vmul.f32 v18, v26;
	v53 =	vmul.f32 v52, v39  }
0xc6: {  	v25 =	vsub.f32 $0.0e+00, v56;
	v11 =	vmul.f32 v15, v50;
	v8 =	vmul.f32 v8, v60  }
0xc7: {  	v51 =	vld [tilespmem:s13+$0xC60];
	v39 =	vperm.xlane v30, v0;
	v7 =	vadd.f32 v9, v7;
	v9 =	vadd.f32 v32, v12  }
0xc8: {  	v47 =	vld [tilespmem:s26+$0x10C40];
	v12 =	vmul.f32 v45, v34;
	v32 =	vperm.xlane v62, v0;
	v57 =	vadd.f32 v11, v53  }
0xc9: {  	v46 =	vld [tilespmem:s13+$0xC50];
	v11 =	vsel vm0, v58, v27;
	v16 =	vsel vm0, v30, v39;
	v9 =	vmul.f32 v9, v29  }
0xca: {  	v52 =	vld [tilespmem:s26+$0x10C50];
	v7 =	vadd.f32 v10, v7;
	v10 =	vmul.f32 v43, v40;
	v29 =	vperm.xlane v60, v0  }
0xcb: {  	v34 =	vld [tilespmem:s26+$0x8C30];
	v15 =	vsel vm0, v32, v22;
	v11 =	vmul.f32 v11, v54;
	v16 =	vmul.f32 v16, v23  }
0xcc: {  	v37 =	vld [tilespmem:s26+$0x10C30];
	v40 =	vsub.f32 $0.0e+00, v30;
	v54 =	vperm.xlane v42, v0;
	v61 =	vmul.f32 v57, v51  }
0xcd: {  	v6 =	vadd.f32 v6, v59;
	v56 =	vld [tilespmem:s13+$0xC70];
	v36 =	vmul.f32 v15, v33;
	v59 =	vperm.xlane v47, v0  }
0xce: {  	v7 =	vadd.f32 v9, v7;
	v9 =	vadd.f32 v49, v12;
	v15 =	vsel vm0, v39, v40  }
0xcf: {  	v50 =	vld [tilespmem:s26+$0x8C50];
	v11 =	vadd.f32 v17, v11;
	v60 =	vsel vm0, v42, v54;
	v26 =	vperm.xlane v52, v0  }
0xd0: {  	v44 =	vperm.xlane v34, v0;
	v45 =	vsub.f32 $0.0e+00, v34;
	v13 =	vmul.f32 v60, v47  }
0xd1: {  	v47 =	vperm.xlane v6, v1;
	v7 =	vadd.f32 v10, v7;
	v9 =	vmul.f32 v9, v46  }
0xd2: {  	v10 =	vsel vm0, v62, v32;
	v46 =	vperm.xlane v37, v0;
	v11 =	vmul.f32 v11, v56  }
0xd3: {  	v31 =	vld [tilespmem:s26+$0xC00];
	v17 =	vsel vm0, v54, v55;
	v35 =	vmul.f32 v10, v63;
	v10 =	vmul.f32 v15, v41  }
0xd4: {  	v38 =	vld [tilespmem:s26+$0xC10];
	v48 =	vsel vm0, v34, v44;
	v49 =	vsel vm0, v44, v45;
	v63 =	vperm.xlane v50, v0  }
0xd5: {  	v43 =	vld [tilespmem:s26+$0xC20];
	v6 =	vadd.f32 v6, v47;
	v7 =	vadd.f32 v9, v7;
	v9 =	vsel vm0, v24, v25  }
0xd6: {  	v27 =	vld [tilespmem:s26+$0x10C60];
	v12 =	vmul.f32 v48, v37;
	v51 =	vmul.f32 v49, v46;
	v24 =	vsub.f32 $0.0e+00, v50  }
0xd7: {  	v53 =	vld [tilespmem:s26+$0xC30];
	v25 =	vmul.f32 v17, v59;
	v9 =	vmul.f32 v9, v29;
	v10 =	vadd.f32 v10, v16  }
0xd8: {  	v39 =	vld [tilespmem:s26+$0xC60];
	v28 =	vsel vm0, v50, v63;
	v50 =	vperm.xlane v5, v3;
	v54 =	vperm.xlane v6, v2  }
0xd9: {  	v29 =	vld [tilespmem:s26+$0x8C70];
	v7 =	vadd.f32 v61, v7;
	v58 =	vadd.f32 v51, v12;
	v20 =	vsel vm0, v63, v24  }
0xda: {  	v62 =	vld [tilespmem:s26+$0xC40];
	v30 =	vmul.f32 v28, v52;
	v8 =	vadd.f32 v9, v8;
	v57 =	vmul.f32 v10, v43  }
0xdb: {  	v61 =	vld [tilespmem:s26+$0x8C60];
	v9 =	vadd.f32 v36, v35;
	v12 =	vmul.f32 v20, v26;
	v36 =	vperm.xlane v27, v0  }
0xdc: {  	v32 =	vld [tilespmem:s26+$0xC50];
	v5 =	vadd.f32 v5, v50;
	v6 =	vadd.f32 v6, v54;
	v10 =	vmul.f32 v58, v53  }
0xdd: {  	v44 =	vld [tilespmem:s26+$0xC70];
	v7 =	vadd.f32 v11, v7;
	v8 =	vmul.f32 v8, v31;
	v9 =	vmul.f32 v9, v38  }
0xde: {  	v31 =	vld [tilespmem:s26+$0x10C70];
	v35 =	vadd.f32 v12, v30;
	s26 =	sor.u32 s16, s12;
	v14 =	vperm.xlane v6, v3;
	v40 =	vperm.xlane v29, v0  }
0xdf: {  	v41 =	vsub.f32 $0.0e+00, v29;
	v49 =	vld [tilespmem:s26+$0x8C00];
	v51 =	vperm.xlane v7, v0;
	v8 =	vadd.f32 $0.0e+00, v8  }
0xe0: {  	v52 =	vld [tilespmem:s26+$0x10C00];
	v33 =	vperm.xlane v61, v0;
	v34 =	vsub.f32 $0.0e+00, v61;
	v6 =	vadd.f32 v6, v14  }
0xe1: {  	v55 =	vld [tilespmem:s26+$0x8C10];
	v45 =	vsel vm0, v29, v40;
	v17 =	vsel vm0, v40, v41;
	v7 =	vadd.f32 v7, v51  }
0xe2: {  	v63 =	vld [tilespmem:s26+$0x8C20];
	v8 =	vadd.f32 v9, v8;
	v37 =	vsel vm0, v61, v33;
	v38 =	vsel vm0, v33, v34  }
0xe3: {  	v26 =	vld [tilespmem:s26+$0x10C20];
	v9 =	vadd.f32 v25, v13;
	v13 =	vmul.f32 v37, v27;
	v42 =	vmul.f32 v38, v36  }
0xe4: {  	v5 =	vsel vm1, v5, v6;
	v43 =	vperm.xlane v31, v0;
	v46 =	vmul.f32 v45, v31  }
0xe5: {  	v56 =	vperm.xlane v7, v1;
	v8 =	vadd.f32 v57, v8;
	v9 =	vmul.f32 v9, v62  }
0xe6: {  	v40 =	vld [tilespmem:s26+$0x8C40];
	v57 =	vperm.xlane v49, v0;
	v58 =	vsub.f32 $0.0e+00, v49;
	v60 =	vperm.xlane v52, v0  }
0xe7: {  	v61 =	vld [tilespmem:s26+$0x10C10];
	v28 =	vperm.xlane v55, v0;
	v29 =	vsub.f32 $0.0e+00, v55;
	v36 =	vsub.f32 $0.0e+00, v63  }
0xe8: {  	v33 =	vld [tilespmem:s26+$0x8C30];
	v37 =	vperm.xlane v26, v0;
	v12 =	vmul.f32 v17, v43;
	v7 =	vadd.f32 v7, v56  }
0xe9: {  	v8 =	vadd.f32 v10, v8;
	v10 =	vmul.f32 v35, v32;
	v11 =	vsel vm0, v49, v57  }
0xea: {  	v38 =	vld [tilespmem:s26+$0x10C30];
	v62 =	vsel vm0, v57, v58;
	v16 =	vsel vm0, v28, v29;
	v35 =	vperm.xlane v63, v0  }
0xeb: {  	v50 =	vperm.xlane v40, v0;
	v51 =	vsub.f32 $0.0e+00, v40;
	v24 =	vmul.f32 v11, v52  }
0xec: {  	v48 =	vadd.f32 v12, v46;
	v25 =	vmul.f32 v62, v60;
	v30 =	vperm.xlane v7, v2  }
0xed: {  	v32 =	vperm.xlane v61, v0;
	v45 =	vperm.xlane v33, v0;
	v46 =	vsub.f32 $0.0e+00, v33  }
0xee: {  	v54 =	vld [tilespmem:s26+$0x10C50];
	v8 =	vadd.f32 v9, v8;
	v9 =	vadd.f32 v42, v13;
	v13 =	vsel vm0, v63, v35  }
0xef: {  	v57 =	vld [tilespmem:s26+$0x8C60];
	v47 =	vperm.xlane v38, v0;
	v56 =	vsel vm0, v50, v51;
	v53 =	vmul.f32 v48, v44  }
0xf0: {  	v27 =	vld [tilespmem:s26+$0xC00];
	v7 =	vadd.f32 v7, v30;
	v11 =	vmul.f32 v16, v32;
	v41 =	vmul.f32 v13, v26  }
0xf1: {  	v34 =	vld [tilespmem:s26+$0xC10];
	v18 =	vsel vm0, v33, v45;
	v16 =	vsel vm0, v45, v46;
	v8 =	vadd.f32 v10, v8  }
0xf2: {  	v43 =	vld [tilespmem:s26+$0x10C40];
	v9 =	vmul.f32 v9, v39;
	v10 =	vadd.f32 v25, v24;
	v18 =	vmul.f32 v18, v38  }
0xf3: {  	v48 =	vld [tilespmem:s26+$0x8C50];
	v39 =	vsel vm0, v35, v36;
	v52 =	vmul.f32 v16, v47;
	v24 =	vperm.xlane v54, v0  }
0xf4: {  	s29 =	sor.u32 s18, s12;
	v58 =	vld [tilespmem:s26+$0x10C60];
	v42 =	vmul.f32 v39, v37;
	v29 =	vsub.f32 $0.0e+00, v57;
	v35 =	vperm.xlane v7, v3  }
0xf5: {  	v36 =	vld [tilespmem:s29+$0x8C00];
	v8 =	vadd.f32 v9, v8;
	v9 =	vsel vm0, v55, v28;
	v10 =	vmul.f32 v10, v27  }
0xf6: {  	v38 =	vld [tilespmem:s26+$0x8C70];
	v55 =	vsel vm0, v40, v50;
	v28 =	vperm.xlane v57, v0;
	v9 =	vmul.f32 v9, v61  }
0xf7: {  	v49 =	vld [tilespmem:s26+$0xC30];
	v13 =	vmul.f32 v55, v43;
	v7 =	vadd.f32 v7, v35;
	v8 =	vadd.f32 v53, v8  }
0xf8: {  	v44 =	vld [tilespmem:s26+$0xC20];
	v10 =	vadd.f32 $0.0e+00, v10;
	v53 =	vperm.xlane v43, v0;
	v61 =	vperm.xlane v48, v0  }
0xf9: {  	v60 =	vld [tilespmem:s26+$0xC40];
	v62 =	vsub.f32 $0.0e+00, v48;
	v19 =	vsel vm0, v57, v28;
	v16 =	vsel vm0, v28, v29  }
0xfa: {  	v50 =	vld [tilespmem:s29+$0x8C20];
	v9 =	vadd.f32 v11, v9;
	v11 =	vadd.f32 v42, v41;
	v33 =	vmul.f32 v19, v58  }
0xfb: {  	v55 =	vld [tilespmem:s29+$0x10C20];
	v5 =	vsel vm2, v5, v7;
	v45 =	vsub.f32 $0.0e+00, v36;
	v47 =	vperm.xlane v38, v0  }
0xfc: {  	v43 =	vld [tilespmem:s29+$0x10C10];
	v59 =	vperm.xlane v8, v0;
	v12 =	vmul.f32 v56, v53;
	v25 =	vsel vm0, v48, v61  }
0xfd: {  	v42 =	vld [tilespmem:s29+$0x8C10];
	v26 =	vsel vm0, v61, v62;
	v9 =	vmul.f32 v9, v34;
	v11 =	vmul.f32 v11, v44  }
0xfe: {  	v40 =	vld [tilespmem:s29+$0x10C00];
	v48 =	vsub.f32 $0.0e+00, v38;
	v30 =	vmul.f32 v26, v24;
	v44 =	vperm.xlane v36, v0  }
0xff: {  	v56 =	vld [tilespmem:s29+$0x8C30];
	v8 =	vadd.f32 v8, v59;
	v63 =	vadd.f32 v12, v13;
	v13 =	vmul.f32 v25, v54  }
0x100: {  	v62 =	vperm.xlane v55, v0;
	v9 =	vadd.f32 v9, v10;
	v10 =	vadd.f32 v52, v18  }
0x101: {  	v34 =	vld [tilespmem:s26+$0x10C70];
	v61 =	vsub.f32 $0.0e+00, v50;
	v54 =	vperm.xlane v43, v0;
	v31 =	vperm.xlane v8, v1  }
0x102: {  	v17 =	vsel vm0, v47, v48;
	v52 =	vperm.xlane v42, v0;
	v10 =	vmul.f32 v10, v49  }
0x103: {  	v9 =	vadd.f32 v11, v9;
	v11 =	vmul.f32 v63, v60;
	v49 =	vperm.xlane v40, v0  }
0x104: {  	v27 =	vld [tilespmem:s26+$0xC50];
	v53 =	vsub.f32 $0.0e+00, v42;
	v60 =	vperm.xlane v50, v0;
	v25 =	vperm.xlane v56, v0  }
0x105: {  	v26 =	vsub.f32 $0.0e+00, v56;
	v8 =	vadd.f32 v8, v31;
	v31 =	vperm.xlane v58, v0  }
0x106: {  	v46 =	vperm.xlane v34, v0;
	v9 =	vadd.f32 v10, v9;
	v10 =	vadd.f32 v30, v13  }
0x107: {  	v63 =	vld [tilespmem:s29+$0x8C40];
	v29 =	vsel vm0, v56, v25;
	v30 =	vsel vm0, v25, v26;
	v59 =	vperm.xlane v8, v2  }
0x108: {  	v58 =	vld [tilespmem:s29+$0x10C30];
	v12 =	vmul.f32 v16, v31;
	v16 =	vsel vm0, v36, v44;
	v13 =	vmul.f32 v17, v46  }
0x109: {  	v32 =	vld [tilespmem:s26+$0xC60];
	v9 =	vadd.f32 v11, v9;
	v10 =	vmul.f32 v10, v27;
	v14 =	vmul.f32 v16, v40  }
0x10a: {  	v51 =	vld [tilespmem:s29+$0xC00];
	v16 =	vsel vm0, v52, v53;
	v11 =	vsel vm0, v50, v60;
	v8 =	vadd.f32 v8, v59  }
0x10b: {  	v35 =	vld [tilespmem:s29+$0xC30];
	v37 =	vadd.f32 v12, v33;
	v12 =	vsel vm0, v38, v47;
	v57 =	vmul.f32 v16, v54  }
0x10c: {  	v31 =	vld [tilespmem:s29+$0x8C50];
	v16 =	vsel vm0, v60, v61;
	v11 =	vmul.f32 v11, v55;
	v36 =	vperm.xlane v63, v0  }
0x10d: {  	v28 =	vld [tilespmem:s29+$0x10C40];
	v6 =	vadd.f32 v10, v9;
	v12 =	vmul.f32 v12, v34;
	v27 =	vperm.xlane v58, v0  }
0x10e: {  	v24 =	vld [tilespmem:s29+$0xC20];
	v9 =	vsel vm0, v44, v45;
	v39 =	vperm.xlane v8, v3;
	v41 =	vmul.f32 v37, v32  }
0x10f: {  	v59 =	vld [tilespmem:s29+$0xC10];
	v10 =	vsel vm0, v42, v52;
	v9 =	vmul.f32 v9, v49;
	v32 =	vmul.f32 v29, v58  }
0x110: {  	v38 =	vld [tilespmem:s26+$0xC70];
	v37 =	vsub.f32 $0.0e+00, v63;
	v42 =	vsel vm0, v63, v36;
	v33 =	vmul.f32 v30, v27  }
0x111: {  	s26 =	sor.u32 s25, s12;
	v34 =	vld [tilespmem:s29+$0x10C50];
	v12 =	vadd.f32 v13, v12;
	v45 =	vperm.xlane v31, v0;
	v46 =	vsub.f32 $0.0e+00, v31  }
0x112: {  	v25 =	vld [tilespmem:s26+$0x8C00];
	v7 =	vadd.f32 v8, v39;
	v6 =	vadd.f32 v41, v6;
	v8 =	vmul.f32 v10, v43  }
0x113: {  	v49 =	vld [tilespmem:s29+$0x10C60];
	v9 =	vadd.f32 v9, v14;
	v10 =	vmul.f32 v16, v62;
	v41 =	vperm.xlane v28, v0  }
0x114: {  	v52 =	vld [tilespmem:s29+$0x10C70];
	v16 =	vsel vm0, v36, v37;
	v14 =	vmul.f32 v42, v28;
	v40 =	vadd.f32 v33, v32  }
0x115: {  	v27 =	vld [tilespmem:s26+$0x10C00];
	v50 =	vsel vm0, v31, v45;
	v19 =	vsel vm0, v45, v46;
	v12 =	vmul.f32 v12, v38  }
0x116: {  	v30 =	vld [tilespmem:s26+$0x8C10];
	v9 =	vmul.f32 v9, v51;
	v8 =	vadd.f32 v57, v8;
	v47 =	vmul.f32 v16, v41  }
0x117: {  	v43 =	vld [tilespmem:s29+$0x8C60];
	v10 =	vadd.f32 v10, v11;
	v48 =	vperm.xlane v34, v0;
	v13 =	vmul.f32 v50, v34  }
0x118: {  	v5 =	vsel vm3, v5, v7;
	v32 =	vperm.xlane v25, v0;
	v58 =	vperm.xlane v49, v0  }
0x119: {  	v44 =	vld [tilespmem:s29+$0xC40];
	v33 =	vsub.f32 $0.0e+00, v25;
	v8 =	vmul.f32 v8, v59;
	v39 =	vmul.f32 v10, v24  }
0x11a: {  	v51 =	vld [tilespmem:s29+$0x8C70];
	v6 =	vadd.f32 v12, v6;
	v10 =	vmul.f32 v40, v35;
	v11 =	vmul.f32 v19, v48  }
0x11b: {  	v34 =	vld [tilespmem:s26+$0x10C10];
	v9 =	vadd.f32 $0.0e+00, v9;
	v24 =	vperm.xlane v52, v0;
	v36 =	vperm.xlane v27, v0  }
0x11c: {  	v12 =	vsel vm0, v32, v33;
	v45 =	vsub.f32 $0.0e+00, v30;
	v54 =	vperm.xlane v43, v0  }
0x11d: {  	v37 =	vld [tilespmem:s26+$0x8C20];
	v55 =	vsub.f32 $0.0e+00, v43;
	v31 =	vperm.xlane v6, v0;
	v8 =	vadd.f32 v8, v9  }
0x11e: {  	v50 =	vld [tilespmem:s26+$0x10C30];
	v9 =	vadd.f32 v47, v14;
	v56 =	vadd.f32 v11, v13;
	v17 =	vsel vm0, v43, v54  }
0x11f: {  	v53 =	vld [tilespmem:s29+$0xC50];
	v59 =	vsel vm0, v54, v55;
	v61 =	vperm.xlane v51, v0;
	v62 =	vsub.f32 $0.0e+00, v51  }
0x120: {  	v60 =	vld [tilespmem:s29+$0xC70];
	v6 =	vadd.f32 v6, v31;
	v47 =	vperm.xlane v34, v0;
	v9 =	vmul.f32 v9, v44  }
0x121: {  	v41 =	vld [tilespmem:s26+$0x10C20];
	v8 =	vadd.f32 v39, v8;
	v16 =	vmul.f32 v17, v49;
	v63 =	vmul.f32 v59, v58  }
0x122: {  	v48 =	vld [tilespmem:s26+$0x8C30];
	v39 =	vsel vm0, v25, v32;
	v44 =	vperm.xlane v30, v0;
	v49 =	vperm.xlane v37, v0  }
0x123: {  	v57 =	vld [tilespmem:s29+$0xC60];
	v59 =	vperm.xlane v50, v0;
	v26 =	vsel vm0, v51, v61;
	v19 =	vsel vm0, v61, v62  }
0x124: {  	v58 =	vld [tilespmem:s26+$0x10C40];
	v40 =	vmul.f32 v39, v27;
	v42 =	vperm.xlane v6, v1;
	v51 =	vsub.f32 $0.0e+00, v37  }
0x125: {  	v55 =	vld [tilespmem:s26+$0x8C40];
	v8 =	vadd.f32 v10, v8;
	v10 =	vmul.f32 v56, v53;
	v14 =	vmul.f32 v26, v52  }
0x126: {  	v13 =	vmul.f32 v19, v24;
	v17 =	vsel vm0, v44, v45;
	v53 =	vperm.xlane v41, v0  }
0x127: {  	v62 =	vld [tilespmem:s26+$0x10C50];
	v15 =	vsel vm0, v37, v49;
	v56 =	vperm.xlane v48, v0;
	v8 =	vadd.f32 v9, v8  }
0x128: {  	v24 =	vld [tilespmem:s26+$0x8C60];
	v54 =	vsel vm0, v49, v51;
	v9 =	vadd.f32 v63, v16;
	v29 =	vadd.f32 v13, v14  }
0x129: {  	v37 =	vld [tilespmem:s26+$0x10C60];
	v6 =	vadd.f32 v6, v42;
	v61 =	vsel vm0, v48, v56;
	v31 =	vperm.xlane v58, v0  }
0x12a: {  	v32 =	vsub.f32 $0.0e+00, v55;
	v28 =	vmul.f32 v9, v57;
	v35 =	vmul.f32 v29, v60  }
0x12b: {  	v39 =	vld [tilespmem:s26+$0x10C70];
	v7 =	vadd.f32 v10, v8;
	v9 =	vmul.f32 v12, v36;
	v12 =	vmul.f32 v15, v41  }
0x12c: {  	v10 =	vsel vm0, v30, v44;
	v30 =	vperm.xlane v55, v0;
	v36 =	vperm.xlane v62, v0  }
0x12d: {  	v38 =	vld [tilespmem:s26+$0xC00];
	s29 =	sor.u32 s28, s12;
	v57 =	vsub.f32 $0.0e+00, v48;
	v10 =	vmul.f32 v10, v34;
	v44 =	vperm.xlane v24, v0  }
0x12e: {  	v42 =	vld [tilespmem:s29+$0x8C00];
	v48 =	vperm.xlane v37, v0;
	v7 =	vadd.f32 v28, v7;
	v8 =	vadd.f32 v9, v40  }
0x12f: {  	v60 =	vld [tilespmem:s26+$0x8C50];
	v9 =	vmul.f32 v17, v47;
	v15 =	vsel vm0, v56, v57;
	v14 =	vsel vm0, v55, v30  }
0x130: {  	v43 =	vld [tilespmem:s26+$0xC10];
	v11 =	vsel vm0, v30, v32;
	v56 =	vperm.xlane v39, v0;
	v15 =	vmul.f32 v15, v59  }
0x131: {  	v52 =	vld [tilespmem:s26+$0xC20];
	v45 =	vsub.f32 $0.0e+00, v24;
	v14 =	vmul.f32 v14, v58;
	v11 =	vmul.f32 v11, v31  }
0x132: {  	v29 =	vld [tilespmem:s26+$0xC40];
	v7 =	vadd.f32 v35, v7;
	v8 =	vmul.f32 v8, v38;
	v9 =	vadd.f32 v9, v10  }
0x133: {  	v40 =	vld [tilespmem:s26+$0x8C70];
	v10 =	vmul.f32 v54, v53;
	v53 =	vperm.xlane v42, v0;
	v54 =	vsub.f32 $0.0e+00, v42  }
0x134: {  	v55 =	vld [tilespmem:s29+$0x8C10];
	v34 =	vperm.xlane v60, v0;
	v35 =	vsub.f32 $0.0e+00, v60;
	v11 =	vadd.f32 v11, v14  }
0x135: {  	v14 =	vsel vm0, v44, v45;
	v46 =	vperm.xlane v7, v0;
	v8 =	vadd.f32 $0.0e+00, v8  }
0x136: {  	v27 =	vld [tilespmem:s29+$0x10C20];
	v9 =	vmul.f32 v9, v43;
	v10 =	vadd.f32 v10, v12;
	v12 =	vmul.f32 v61, v50  }
0x137: {  	v59 =	vld [tilespmem:s29+$0x10C10];
	v50 =	vsel vm0, v24, v44;
	v38 =	vsel vm0, v60, v34;
	v21 =	vsel vm0, v34, v35  }
0x138: {  	v63 =	vld [tilespmem:s26+$0xC30];
	v47 =	vmul.f32 v11, v29;
	v13 =	vmul.f32 v50, v37;
	v57 =	vsub.f32 $0.0e+00, v40  }
0x139: {  	v33 =	vld [tilespmem:s26+$0xC50];
	v26 =	vsub.f32 $0.0e+00, v55;
	v8 =	vadd.f32 v9, v8;
	v28 =	vmul.f32 v10, v52  }
0x13a: {  	v51 =	vld [tilespmem:s26+$0xC60];
	v12 =	vadd.f32 v15, v12;
	v15 =	vmul.f32 v38, v62;
	v16 =	vmul.f32 v21, v36  }
0x13b: {  	v30 =	vld [tilespmem:s29+$0x8C30];
	v7 =	vadd.f32 v7, v46;
	v10 =	vmul.f32 v14, v48;
	v52 =	vperm.xlane v40, v0  }
0x13c: {  	v37 =	vld [tilespmem:s29+$0x8C40];
	v29 =	vperm.xlane v59, v0;
	v36 =	vperm.xlane v27, v0;
	v8 =	vadd.f32 v28, v8  }
0x13d: {  	v46 =	vld [tilespmem:s29+$0x10C00];
	v41 =	vmul.f32 v12, v63;
	v43 =	vadd.f32 v16, v15;
	v17 =	vsel vm0, v40, v52  }
0x13e: {  	v12 =	vsel vm0, v42, v53;
	v15 =	vsel vm0, v53, v54;
	v14 =	vsel vm0, v52, v57  }
0x13f: {  	v62 =	vld [tilespmem:s29+$0x8C20];
	v10 =	vadd.f32 v10, v13;
	v63 =	vperm.xlane v55, v0;
	v61 =	vmul.f32 v17, v39  }
0x140: {  	v40 =	vsub.f32 $0.0e+00, v30;
	v14 =	vmul.f32 v14, v56;
	v39 =	vperm.xlane v30, v0  }
0x141: {  	v60 =	vld [tilespmem:s26+$0xC70];
	v8 =	vadd.f32 v41, v8;
	v49 =	vmul.f32 v43, v33;
	v9 =	vmul.f32 v10, v51  }
0x142: {  	v45 =	vld [tilespmem:s29+$0x10C50];
	v19 =	vsel vm0, v55, v63;
	v50 =	vsub.f32 $0.0e+00, v37;
	v58 =	vperm.xlane v46, v0  }
0x143: {  	v48 =	vld [tilespmem:s29+$0x8C60];
	v12 =	vmul.f32 v12, v46;
	v28 =	vadd.f32 v14, v61;
	v32 =	vmul.f32 v19, v59  }
0x144: {  	v33 =	vld [tilespmem:s29+$0x10C30];
	v34 =	vperm.xlane v62, v0;
	v35 =	vsub.f32 $0.0e+00, v62;
	v14 =	vsel vm0, v30, v39  }
0x145: {  	v41 =	vld [tilespmem:s29+$0x10C40];
	v44 =	vsel vm0, v39, v40;
	v8 =	vadd.f32 v47, v8;
	v47 =	vperm.xlane v37, v0  }
0x146: {  	v43 =	vld [tilespmem:s29+$0x8C50];
	v15 =	vmul.f32 v15, v58;
	v10 =	vmul.f32 v28, v60;
	v16 =	vsel vm0, v62, v34  }
0x147: {  	v51 =	vld [tilespmem:s29+$0x10C60];
	v17 =	vsel vm0, v34, v35;
	v58 =	vperm.xlane v45, v0;
	v8 =	vadd.f32 v49, v8  }
0x148: {  	v25 =	vld [tilespmem:s29+$0xC00];
	v16 =	vmul.f32 v16, v27;
	v19 =	vsel vm0, v37, v47;
	v27 =	vsub.f32 $0.0e+00, v48  }
0x149: {  	v12 =	vadd.f32 v15, v12;
	v42 =	vperm.xlane v33, v0;
	v14 =	vmul.f32 v14, v33  }
0x14a: {  	v31 =	vld [tilespmem:s29+$0xC10];
	v15 =	vsel vm0, v63, v26;
	v53 =	vperm.xlane v41, v0;
	v55 =	vmul.f32 v19, v41  }
0x14b: {  	s13 =	sor.u32 s15, s12;
	v62 =	vld [tilespmem:s29+$0x10C70];
	v56 =	vperm.xlane v43, v0;
	v59 =	vsub.f32 $0.0e+00, v43;
	v26 =	vperm.xlane v48, v0  }
0x14c: {  	v28 =	vld [tilespmem:s13+$0x8C00];
	v61 =	vperm.xlane v51, v0;
	v13 =	vmul.f32 v15, v29;
	v9 =	vadd.f32 v9, v8  }
0x14d: {  	v38 =	vld [tilespmem:s29+$0xC20];
	v12 =	vmul.f32 v12, v25;
	v46 =	vmul.f32 v44, v42;
	v23 =	vsel vm0, v43, v56  }
0x14e: {  	v33 =	vld [tilespmem:s29+$0x8C70];
	v19 =	vsel vm0, v56, v59;
	v11 =	vadd.f32 v13, v32;
	v13 =	vmul.f32 v17, v36  }
0x14f: {  	v52 =	vld [tilespmem:s29+$0xC30];
	v63 =	vsel vm0, v26, v27;
	v15 =	vmul.f32 v23, v45;
	v19 =	vmul.f32 v19, v58  }
0x150: {  	v40 =	vld [tilespmem:s13+$0x10C10];
	v17 =	vsel vm0, v48, v26;
	v30 =	vmul.f32 v63, v61;
	v9 =	vadd.f32 v10, v9  }
0x151: {  	v57 =	vld [tilespmem:s29+$0xC50];
	v39 =	vsub.f32 $0.0e+00, v28;
	v41 =	vperm.xlane v62, v0;
	v12 =	vadd.f32 $0.0e+00, v12  }
0x152: {  	v37 =	vld [tilespmem:s13+$0x8C10];
	v8 =	vadd.f32 v46, v14;
	v29 =	vmul.f32 v17, v51;
	v11 =	vmul.f32 v11, v31  }
0x153: {  	v60 =	vld [tilespmem:s29+$0xC60];
	v13 =	vadd.f32 v13, v16;
	v15 =	vadd.f32 v19, v15;
	v44 =	vperm.xlane v33, v0  }
0x154: {  	v16 =	vsub.f32 $0.0e+00, v33;
	v32 =	vmul.f32 v8, v52;
	v8 =	vperm.xlane v6, v2  }
0x155: {  	v58 =	vld [tilespmem:s13+$0x10C30];
	v34 =	vadd.f32 v30, v29;
	v52 =	vperm.xlane v40, v0;
	v11 =	vadd.f32 v11, v12  }
0x156: {  	v43 =	vld [tilespmem:s13+$0x8C20];
	v49 =	vmul.f32 v13, v38;
	v13 =	vsel vm0, v47, v50;
	v36 =	vmul.f32 v15, v57  }
0x157: {  	v46 =	vld [tilespmem:s13+$0x10C20];
	v38 =	vperm.xlane v28, v0;
	v48 =	vsel vm0, v33, v44;
	v50 =	vperm.xlane v37, v0  }
0x158: {  	v31 =	vld [tilespmem:s13+$0x10C00];
	v16 =	vsel vm0, v44, v16;
	v13 =	vmul.f32 v13, v53;
	v15 =	vmul.f32 v34, v60  }
0x159: {  	v54 =	vld [tilespmem:s29+$0xC40];
	v53 =	vsub.f32 $0.0e+00, v37;
	v18 =	vmul.f32 v48, v62;
	v12 =	vmul.f32 v16, v41  }
0x15a: {  	v29 =	vld [tilespmem:s13+$0x8C30];
	v34 =	vperm.xlane v58, v0;
	v6 =	vadd.f32 v6, v8;
	v11 =	vadd.f32 v49, v11  }
0x15b: {  	v45 =	vsel vm0, v28, v38;
	v10 =	vsel vm0, v38, v39;
	v14 =	vsel vm0, v37, v50  }
0x15c: {  	v33 =	vld [tilespmem:s13+$0x8C50];
	v28 =	vsub.f32 $0.0e+00, v43;
	v56 =	vperm.xlane v46, v0;
	v13 =	vadd.f32 v13, v55  }
0x15d: {  	v60 =	vld [tilespmem:s13+$0x8C40];
	v42 =	vperm.xlane v31, v0;
	v47 =	vmul.f32 v45, v31;
	v23 =	vsel vm0, v50, v53  }
0x15e: {  	v63 =	vld [tilespmem:s13+$0x10C40];
	v14 =	vmul.f32 v14, v40;
	v12 =	vadd.f32 v12, v18;
	v23 =	vmul.f32 v23, v52  }
0x15f: {  	v37 =	vld [tilespmem:s29+$0xC70];
	v11 =	vadd.f32 v32, v11;
	v62 =	vperm.xlane v29, v0;
	v35 =	vmul.f32 v13, v54  }
0x160: {  	v51 =	vld [tilespmem:s13+$0xC10];
	v32 =	vsub.f32 $0.0e+00, v29;
	v10 =	vmul.f32 v10, v42;
	v54 =	vperm.xlane v43, v0  }
0x161: {  	v44 =	vperm.xlane v33, v0;
	v45 =	vsub.f32 $0.0e+00, v33;
	v14 =	vadd.f32 v23, v14  }
0x162: {  	v49 =	vld [tilespmem:s13+$0xC00];
	v38 =	vperm.xlane v60, v0;
	v39 =	vsub.f32 $0.0e+00, v60;
	v11 =	vadd.f32 v35, v11  }
0x163: {  	s29 =	sor.u32 s17, s12;
	v55 =	vld [tilespmem:s13+$0xC20];
	v10 =	vadd.f32 v10, v47;
	v21 =	vsel vm0, v43, v54;
	v43 =	vperm.xlane v63, v0  }
0x164: {  	v52 =	vld [tilespmem:s29+$0x8C00];
	v57 =	vsel vm0, v54, v28;
	v12 =	vmul.f32 v12, v37;
	v17 =	vmul.f32 v21, v46  }
0x165: {  	v40 =	vld [tilespmem:s13+$0xC30];
	v35 =	vsel vm0, v29, v62;
	v59 =	vmul.f32 v57, v56;
	v13 =	vmul.f32 v14, v51  }
0x166: {  	v14 =	vsel vm0, v62, v32;
	v41 =	vmul.f32 v35, v58;
	v22 =	vsel vm0, v60, v38;
	v46 =	vld [tilespmem:s13+$0x8C60]  }
0x167: {  	v21 =	vsel vm0, v33, v44;
	v56 =	vld [tilespmem:s29+$0x10C00];
	v11 =	vadd.f32 v36, v11;
	v10 =	vmul.f32 v10, v49  }
0x168: {  	v62 =	vld [tilespmem:s29+$0x10C10];
	v14 =	vmul.f32 v14, v34;
	v20 =	vmul.f32 v22, v63;
	v22 =	vsel vm0, v44, v45  }
0x169: {  	v36 =	vld [tilespmem:s13+$0x10C50];
	v32 =	vperm.xlane v52, v0;
	v33 =	vsub.f32 $0.0e+00, v52;
	v61 =	vadd.f32 v59, v17  }
0x16a: {  	v49 =	vld [tilespmem:s13+$0x10C60];
	v17 =	vsel vm0, v38, v39;
	v10 =	vadd.f32 $0.0e+00, v10;
	v14 =	vadd.f32 v14, v41  }
0x16b: {  	v63 =	vld [tilespmem:s13+$0x8C70];
	v17 =	vmul.f32 v17, v43;
	v25 =	vsel vm0, v32, v33;
	v11 =	vadd.f32 v15, v11  }
0x16c: {  	v42 =	vld [tilespmem:s13+$0xC40];
	v16 =	vmul.f32 v61, v55;
	v13 =	vadd.f32 v13, v10;
	v10 =	vperm.xlane v7, v1  }
0x16d: {  	v59 =	vld [tilespmem:s29+$0x8C10];
	v14 =	vmul.f32 v14, v40;
	v53 =	vadd.f32 v17, v20;
	v55 =	vperm.xlane v46, v0  }
0x16e: {  	v58 =	vsub.f32 $0.0e+00, v46;
	v41 =	vperm.xlane v62, v0;
	v48 =	vperm.xlane v36, v0  }
0x16f: {  	v11 =	vadd.f32 v12, v11;
	v50 =	vmul.f32 v21, v36;
	v60 =	vperm.xlane v49, v0  }
0x170: {  	v35 =	vld [tilespmem:s13+$0x10C70];
	v36 =	vperm.xlane v56, v0;
	v43 =	vperm.xlane v63, v0;
	v18 =	vsub.f32 $0.0e+00, v63  }
0x171: {  	v13 =	vadd.f32 v16, v13;
	v57 =	vmul.f32 v53, v42;
	v61 =	vsel vm0, v46, v55  }
0x172: {  	v47 =	vld [tilespmem:s13+$0xC50];
	v16 =	vsel vm0, v55, v58;
	v38 =	vperm.xlane v59, v0;
	v39 =	vsub.f32 $0.0e+00, v59  }
0x173: {  	v37 =	vld [tilespmem:s29+$0xC00];
	v7 =	vadd.f32 v7, v10;
	v51 =	vmul.f32 v22, v48;
	v23 =	vmul.f32 v61, v49  }
0x174: {  	v34 =	vld [tilespmem:s13+$0xC60];
	v16 =	vmul.f32 v16, v60;
	v22 =	vsel vm0, v52, v32;
	v40 =	vmul.f32 v25, v36  }
0x175: {  	v42 =	vld [tilespmem:s29+$0x8C20];
	v48 =	vperm.xlane v35, v0;
	v18 =	vsel vm0, v43, v18;
	v13 =	vadd.f32 v14, v13  }
0x176: {  	v55 =	vld [tilespmem:s29+$0x8C40];
	v20 =	vmul.f32 v22, v56;
	v19 =	vsel vm0, v59, v38;
	v22 =	vsel vm0, v38, v39  }
0x177: {  	v49 =	vld [tilespmem:s29+$0x8C30];
	v30 =	vperm.xlane v7, v2;
	v54 =	vadd.f32 v51, v50;
	v16 =	vadd.f32 v16, v23  }
0x178: {  	v60 =	vld [tilespmem:s29+$0x10C40];
	v45 =	vmul.f32 v19, v62;
	v46 =	vmul.f32 v22, v41;
	v50 =	vsel vm0, v63, v43  }
0x179: {  	v61 =	vld [tilespmem:s29+$0x8C50];
	v13 =	vadd.f32 v57, v13;
	v20 =	vadd.f32 v40, v20;
	v21 =	vmul.f32 v50, v35  }
0x17a: {  	v44 =	vld [tilespmem:s29+$0xC10];
	v7 =	vadd.f32 v7, v30;
	v17 =	vmul.f32 v54, v47;
	v14 =	vmul.f32 v16, v34  }
0x17b: {  	v15 =	vadd.f32 v46, v45;
	v52 =	vperm.xlane v42, v0;
	v53 =	vsub.f32 $0.0e+00, v42  }
0x17c: {  	v39 =	vld [tilespmem:s29+$0x8C60];
	v16 =	vmul.f32 v18, v48;
	v33 =	vperm.xlane v55, v0;
	v34 =	vsub.f32 $0.0e+00, v55  }
0x17d: {  	v51 =	vld [tilespmem:s29+$0x10C30];
	v20 =	vmul.f32 v20, v37;
	v57 =	vperm.xlane v49, v0;
	v58 =	vsub.f32 $0.0e+00, v49  }
0x17e: {  	v63 =	vld [tilespmem:s29+$0x10C50];
	v36 =	vperm.xlane v60, v0;
	v41 =	vperm.xlane v61, v0;
	v13 =	vadd.f32 v17, v13  }
0x17f: {  	v15 =	vmul.f32 v15, v44;
	v26 =	vsel vm0, v42, v52;
	v23 =	vsel vm0, v52, v53  }
0x180: {  	v37 =	vsel vm0, v55, v33;
	v38 =	vsel vm0, v33, v34;
	v42 =	vsub.f32 $0.0e+00, v61  }
0x181: {  	v47 =	vld [tilespmem:s29+$0x10C20];
	v16 =	vadd.f32 v16, v21;
	v50 =	vsub.f32 $0.0e+00, v39;
	v33 =	vperm.xlane v6, v3  }
0x182: {  	v59 =	vperm.xlane v51, v0;
	v20 =	vadd.f32 $0.0e+00, v20;
	v19 =	vmul.f32 v38, v36  }
0x183: {  	v46 =	vld [tilespmem:s29+$0x8C70];
	v17 =	vsel vm0, v49, v57;
	v43 =	vperm.xlane v63, v0;
	v49 =	vperm.xlane v39, v0  }
0x184: {  	v32 =	vld [tilespmem:s29+$0xC30];
	v45 =	vsel vm0, v61, v41;
	v36 =	vperm.xlane v7, v3;
	v17 =	vmul.f32 v17, v51  }
0x185: {  	v44 =	vld [tilespmem:s29+$0x10C60];
	v27 =	vsel vm0, v41, v42;
	v18 =	vmul.f32 v45, v63;
	v61 =	vadd.f32 v14, v13  }
0x186: {  	v52 =	vld [tilespmem:s13+$0xC70];
	s13 =	sor.u32 s5, s12;
	v6 =	vadd.f32 v6, v33;
	v54 =	vperm.xlane v47, v0;
	v22 =	vmul.f32 v26, v47  }
0x187: {  	v38 =	vld [tilespmem:s13+$0x8C00];
	v26 =	vsel vm0, v57, v58;
	v15 =	vadd.f32 v15, v20;
	v20 =	vmul.f32 v27, v43  }
0x188: {  	v48 =	vld [tilespmem:s29+$0xC50];
	v25 =	vsel vm0, v39, v49;
	v55 =	vperm.xlane v46, v0;
	v62 =	vmul.f32 v26, v59  }
0x189: {  	v47 =	vld [tilespmem:s29+$0x10C70];
	v26 =	vperm.xlane v11, v0;
	v5 =	vsel vm4, v5, v6;
	v6 =	vadd.f32 v7, v36  }
0x18a: {  	v39 =	vld [tilespmem:s13+$0x10C00];
	v23 =	vmul.f32 v23, v54;
	v18 =	vadd.f32 v20, v18;
	v53 =	vperm.xlane v44, v0  }
0x18b: {  	v56 =	vld [tilespmem:s29+$0xC20];
	v24 =	vmul.f32 v25, v44;
	v17 =	vadd.f32 v62, v17;
	v62 =	vmul.f32 v16, v52  }
0x18c: {  	v11 =	vadd.f32 v11, v26;
	v45 =	vperm.xlane v38, v0;
	v22 =	vadd.f32 v23, v22  }
0x18d: {  	v23 =	vsel vm0, v49, v50;
	v18 =	vmul.f32 v18, v48;
	v17 =	vmul.f32 v17, v32  }
0x18e: {  	v43 =	vld [tilespmem:s13+$0x8C10];
	v5 =	vsel vm5, v5, v6;
	v57 =	vmul.f32 v23, v53;
	v58 =	vperm.xlane v47, v0  }
0x18f: {  	v12 =	vadd.f32 v62, v61;
	v32 =	vperm.xlane v11, v1;
	v49 =	vperm.xlane v39, v0  }
0x190: {  	v40 =	vld [tilespmem:s29+$0xC40];
	v13 =	vsel vm0, v38, v45;
	v35 =	vmul.f32 v22, v56;
	v22 =	vmul.f32 v37, v60  }
0x191: {  	v50 =	vld [tilespmem:s13+$0x8C20];
	v56 =	vsub.f32 $0.0e+00, v46;
	v60 =	vsel vm0, v46, v55;
	v46 =	vsub.f32 $0.0e+00, v38  }
0x192: {  	v62 =	vld [tilespmem:s13+$0x8C30];
	v29 =	vperm.xlane v12, v0;
	v15 =	vadd.f32 v35, v15;
	v19 =	vadd.f32 v19, v22  }
0x193: {  	v25 =	vsel vm0, v55, v56;
	v22 =	vmul.f32 v60, v47;
	v56 =	vperm.xlane v43, v0  }
0x194: {  	v54 =	vld [tilespmem:s29+$0xC60];
	v11 =	vadd.f32 v11, v32;
	v20 =	vmul.f32 v25, v58;
	v25 =	vperm.xlane v9, v0  }
0x195: {  	v52 =	vld [tilespmem:s13+$0x10C20];
	v12 =	vadd.f32 v12, v29;
	v15 =	vadd.f32 v17, v15;
	v51 =	vmul.f32 v19, v40  }
0x196: {  	v59 =	vld [tilespmem:s29+$0xC70];
	v60 =	vperm.xlane v50, v0;
	v61 =	vsub.f32 $0.0e+00, v50;
	v17 =	vadd.f32 v57, v24  }
0x197: {  	v47 =	vld [tilespmem:s13+$0x10C10];
	v32 =	vperm.xlane v62, v0;
	v24 =	vadd.f32 v20, v22;
	v15 =	vadd.f32 v51, v15  }
0x198: {  	v9 =	vadd.f32 v9, v25;
	v35 =	vperm.xlane v12, v1;
	v25 =	vsel vm0, v50, v60  }
0x199: {  	v26 =	vsel vm0, v60, v61;
	v23 =	vmul.f32 v17, v54;
	v63 =	vadd.f32 v18, v15  }
0x19a: {  	v51 =	vsel vm0, v45, v46;
	v16 =	vmul.f32 v25, v52;
	v36 =	vsel vm0, v62, v32  }
0x19b: {  	v28 =	vmul.f32 v24, v59;
	v31 =	vperm.xlane v9, v1;
	v27 =	vadd.f32 v23, v63  }
0x19c: {  	v33 =	vld [tilespmem:s13+$0x8C50];
	v12 =	vadd.f32 v12, v35;
	v53 =	vmul.f32 v51, v49;
	v58 =	vperm.xlane v47, v0  }
0x19d: {  	v29 =	vld [tilespmem:s13+$0x8C40];
	v59 =	vsub.f32 $0.0e+00, v43;
	v15 =	vperm.xlane v11, v2;
	v10 =	vadd.f32 v28, v27  }
0x19e: {  	v24 =	vperm.xlane v52, v0;
	v35 =	vld [tilespmem:s13+$0x10C50];
	v9 =	vadd.f32 v9, v31;
	v41 =	vperm.xlane v12, v2  }
0x19f: {  	v40 =	vadd.f32 v11, v15;
	v15 =	vsel vm0, v56, v59;
	v34 =	vperm.xlane v10, v0  }
0x1a0: {  	v50 =	vld [tilespmem:s13+$0x8C70];
	v37 =	vperm.xlane v9, v2;
	v11 =	vadd.f32 v12, v41;
	v12 =	vsel vm0, v43, v56  }
0x1a1: {  	v15 =	vmul.f32 v15, v58;
	v42 =	vperm.xlane v40, v3;
	v27 =	vld [tilespmem:s13+$0x10C30];
	v8 =	vadd.f32 v10, v34  }
0x1a2: {  	v41 =	vsub.f32 $0.0e+00, v29;
	v12 =	vmul.f32 v12, v47;
	v28 =	vmul.f32 v26, v24  }
0x1a3: {  	v55 =	vld [tilespmem:s13+$0xC00];
	v43 =	vsub.f32 $0.0e+00, v33;
	v46 =	vperm.xlane v35, v0;
	v7 =	vperm.xlane v8, v1  }
0x1a4: {  	v57 =	vld [tilespmem:s13+$0xC10];
	v9 =	vadd.f32 v9, v37;
	v48 =	vperm.xlane v11, v3;
	v34 =	vsub.f32 $0.0e+00, v62  }
0x1a5: {  	v31 =	vld [tilespmem:s13+$0x10C40];
	v30 =	vadd.f32 v15, v12;
	v62 =	vperm.xlane v50, v0;
	v6 =	vadd.f32 v8, v7  }
0x1a6: {  	s29 =	sor.u32 s6, s12;
	v63 =	vld [tilespmem:s13+$0xC20];
	v38 =	vmul.f32 v36, v27;
	v10 =	vsel vm0, v32, v34;
	v7 =	vperm.xlane v9, v3  }
0x1a7: {  	v32 =	vld [tilespmem:s29+$0x8C20];
	v8 =	vadd.f32 v40, v42;
	v42 =	vperm.xlane v33, v0;
	v44 =	vperm.xlane v6, v2  }
0x1a8: {  	v15 =	vsel vm0, v50, v62;
	v7 =	vadd.f32 v9, v7;
	v9 =	vadd.f32 v11, v48;
	v48 =	vld [tilespmem:s13+$0x10C60]  }
0x1a9: {  	v11 =	vmul.f32 v30, v57;
	v47 =	vsel vm0, v42, v43;
	v30 =	vld [tilespmem:s29+$0x10C10];
	v6 =	vadd.f32 v6, v44  }
0x1aa: {  	v5 =	vsel vm6, v5, v7;
	v7 =	vmul.f32 v13, v39;
	v39 =	vperm.xlane v29, v0;
	v44 =	vld [tilespmem:s13+$0x8C60]  }
0x1ab: {  	v57 =	vld [tilespmem:s29+$0x8C00];
	v14 =	vmul.f32 v47, v46;
	v8 =	vsel vm7, v5, v8;
	v54 =	vperm.xlane v6, v3  }
0x1ac: {  	v19 =	vsel vm0, v29, v39;
	v17 =	vsel vm0, v39, v41;
	v41 =	vperm.xlane v32, v0  }
0x1ad: {  	v7 =	vadd.f32 v53, v7;
	v12 =	vmul.f32 v19, v31;
	v58 =	vperm.xlane v48, v0  }
0x1ae: {  	v60 =	vld [tilespmem:s29+$0x10C00];
	v39 =	vperm.xlane v30, v0;
	v5 =	vadd.f32 v6, v54;
	v6 =	vadd.f32 v28, v16  }
0x1af: {  	v43 =	vsub.f32 $0.0e+00, v32;
	v46 =	vld [tilespmem:s29+$0x8C40];
	v7 =	vmul.f32 v7, v55;
	v54 =	vperm.xlane v44, v0  }
0x1b0: {  	v29 =	vsub.f32 $0.0e+00, v57;
	v55 =	vld [tilespmem:s13+$0x10C70];
	v16 =	vmul.f32 v6, v63;
	v6 =	vperm.xlane v27, v0  }
0x1b1: {  	v28 =	vperm.xlane v57, v0;
	v56 =	vsub.f32 $0.0e+00, v44;
	v7 =	vadd.f32 $0.0e+00, v7  }
0x1b2: {  	v63 =	vsub.f32 $0.0e+00, v50;
	v59 =	vsel vm0, v44, v54;
	v10 =	vmul.f32 v10, v6  }
0x1b3: {  	v27 =	vld [tilespmem:s29+$0x8C10];
	v6 =	vperm.xlane v31, v0;
	v7 =	vadd.f32 v11, v7;
	v24 =	vmul.f32 v59, v48  }
0x1b4: {  	v37 =	vld [tilespmem:s13+$0xC30];
	v11 =	vsel vm0, v54, v56;
	v31 =	vperm.xlane v60, v0;
	v56 =	vperm.xlane v46, v0  }
0x1b5: {  	v13 =	vsel vm0, v62, v63;
	v11 =	vmul.f32 v11, v58;
	v26 =	vperm.xlane v55, v0  }
0x1b6: {  	v40 =	vld [tilespmem:s13+$0xC40];
	v58 =	vsub.f32 $0.0e+00, v46;
	v17 =	vmul.f32 v17, v6;
	v6 =	vsel vm0, v33, v42  }
0x1b7: {  	v61 =	vld [tilespmem:s13+$0xC60];
	v51 =	vadd.f32 v10, v38;
	v7 =	vadd.f32 v16, v7;
	v49 =	vmul.f32 v6, v35  }
0x1b8: {  	v45 =	vld [tilespmem:s13+$0xC50];
	v6 =	vsel vm8, v8, v9;
	v38 =	vsub.f32 $0.0e+00, v27;
	v52 =	vadd.f32 v17, v12  }
0x1b9: {  	v42 =	vld [tilespmem:s29+$0x10C30];
	v8 =	vmul.f32 v51, v37;
	v12 =	vmul.f32 v15, v55;
	v15 =	vsel vm0, v28, v29  }
0x1ba: {  	v62 =	vld [tilespmem:s29+$0x8C60];
	v37 =	vperm.xlane v27, v0;
	v17 =	vsel vm0, v32, v41;
	v5 =	vsel vm9, v6, v5  }
0x1bb: {  	v35 =	vld [tilespmem:s29+$0x10C20];
	v53 =	vadd.f32 v14, v49;
	v14 =	vsel vm0, v57, v28;
	v9 =	vmul.f32 v52, v40  }
0x1bc: {  	v51 =	vld [tilespmem:s29+$0x8C50];
	v7 =	vadd.f32 v8, v7;
	v34 =	vmul.f32 v14, v60;
	v20 =	vsel vm0, v27, v37  }
0x1bd: {  	v25 =	vld [tilespmem:s13+$0xC70];
	v8 =	vadd.f32 v11, v24;
	v10 =	vmul.f32 v53, v45;
	v20 =	vmul.f32 v20, v30  }
0x1be: {  	v49 =	vld [tilespmem:s29+$0x10C40];
	v50 =	vperm.xlane v42, v0;
	v9 =	vadd.f32 v9, v7;
	v7 =	vmul.f32 v13, v26  }
0x1bf: {  	v28 =	vld [tilespmem:s29+$0x10C70];
	v18 =	vsel vm0, v37, v38;
	v13 =	vmul.f32 v15, v31;
	v8 =	vmul.f32 v8, v61  }
0x1c0: {  	v40 =	vld [tilespmem:s29+$0x8C30];
	v45 =	vperm.xlane v35, v0;
	v14 =	vmul.f32 v17, v35;
	v17 =	vsel vm0, v46, v56  }
0x1c1: {  	v33 =	vld [tilespmem:s29+$0xC00];
	v35 =	vsub.f32 $0.0e+00, v62;
	v60 =	vperm.xlane v51, v0;
	v61 =	vsub.f32 $0.0e+00, v51  }
0x1c2: {  	v53 =	vld [tilespmem:s29+$0x10C50];
	v7 =	vadd.f32 v7, v12;
	v12 =	vadd.f32 v13, v34;
	v13 =	vmul.f32 v18, v39  }
0x1c3: {  	v18 =	vsel vm0, v41, v43;
	v57 =	vperm.xlane v49, v0;
	v17 =	vmul.f32 v17, v49  }
0x1c4: {  	v26 =	vld [tilespmem:s29+$0x10C60];
	v9 =	vadd.f32 v10, v9;
	v34 =	vperm.xlane v62, v0;
	v46 =	vperm.xlane v28, v0  }
0x1c5: {  	v36 =	vld [tilespmem:s29+$0xC10];
	v18 =	vmul.f32 v18, v45;
	v47 =	vperm.xlane v40, v0;
	v48 =	vsub.f32 $0.0e+00, v40  }
0x1c6: {  	v31 =	vld [tilespmem:s29+$0x8C70];
	v27 =	vsel vm0, v51, v60;
	v21 =	vsel vm0, v60, v61;
	v7 =	vmul.f32 v7, v25  }
0x1c7: {  	s26 =	sor.u32 s7, s12;
	v44 =	vld [tilespmem:s29+$0xC20];
	v11 =	vmul.f32 v12, v33;
	v13 =	vadd.f32 v13, v20;
	v63 =	vperm.xlane v53, v0  }
0x1c8: {  	v41 =	vld [tilespmem:s26+$0x8C10];
	v8 =	vadd.f32 v8, v9;
	v29 =	vmul.f32 v27, v53;
	v39 =	vsel vm0, v62, v34  }
0x1c9: {  	v49 =	vld [tilespmem:s26+$0x8C20];
	v14 =	vadd.f32 v18, v14;
	v16 =	vsel vm0, v40, v47;
	v38 =	vperm.xlane v26, v0  }
0x1ca: {  	v51 =	vld [tilespmem:s26+$0x10C20];
	v52 =	vsel vm0, v47, v48;
	v40 =	vmul.f32 v39, v26;
	v13 =	vmul.f32 v13, v36  }
0x1cb: {  	v33 =	vld [tilespmem:s26+$0x8C00];
	v47 =	vsub.f32 $0.0e+00, v31;
	v16 =	vmul.f32 v16, v42;
	v15 =	vmul.f32 v52, v50  }
0x1cc: {  	v11 =	vadd.f32 $0.0e+00, v11;
	v30 =	vmul.f32 v21, v63;
	v42 =	vperm.xlane v31, v0  }
0x1cd: {  	v54 =	vld [tilespmem:s29+$0xC30];
	v8 =	vadd.f32 v7, v8;
	v12 =	vmul.f32 v14, v44;
	v14 =	vsel vm0, v56, v58  }
0x1ce: {  	v59 =	vld [tilespmem:s29+$0xC50];
	v53 =	vperm.xlane v41, v0;
	v11 =	vadd.f32 v13, v11;
	v15 =	vadd.f32 v15, v16  }
0x1cf: {  	v45 =	vld [tilespmem:s26+$0x10C10];
	v14 =	vmul.f32 v14, v57;
	v9 =	vadd.f32 v30, v29;
	v57 =	vperm.xlane v49, v0  }
0x1d0: {  	v36 =	vld [tilespmem:s26+$0x10C00];
	v18 =	vsel vm0, v31, v42;
	v61 =	vperm.xlane v51, v0;
	v43 =	vperm.xlane v33, v0  }
0x1d1: {  	v44 =	vsub.f32 $0.0e+00, v33;
	v18 =	vmul.f32 v18, v28;
	v13 =	vsel vm0, v41, v53  }
0x1d2: {  	v55 =	vld [tilespmem:s29+$0xC40];
	v11 =	vadd.f32 v12, v11;
	v10 =	vmul.f32 v15, v54;
	v32 =	vadd.f32 v14, v17  }
0x1d3: {  	v56 =	vld [tilespmem:s26+$0x8C30];
	v9 =	vmul.f32 v9, v59;
	v15 =	vsel vm0, v34, v35;
	v54 =	vsub.f32 $0.0e+00, v41  }
0x1d4: {  	v58 =	vld [tilespmem:s26+$0x10C30];
	v13 =	vmul.f32 v13, v45;
	v59 =	vsub.f32 $0.0e+00, v49;
	v25 =	vsel vm0, v49, v57  }
0x1d5: {  	v60 =	vld [tilespmem:s29+$0xC60];
	v12 =	vmul.f32 v15, v38;
	v48 =	vperm.xlane v36, v0;
	v14 =	vsel vm0, v33, v43  }
0x1d6: {  	v31 =	vld [tilespmem:s26+$0x8C40];
	v16 =	vsel vm0, v43, v44;
	v15 =	vsel vm0, v42, v47;
	v17 =	vmul.f32 v25, v51  }
0x1d7: {  	v62 =	vld [tilespmem:s26+$0xC20];
	v10 =	vadd.f32 v10, v11;
	v37 =	vmul.f32 v32, v55;
	v14 =	vmul.f32 v14, v36  }
0x1d8: {  	v39 =	vld [tilespmem:s26+$0x8C50];
	v15 =	vmul.f32 v15, v46;
	v55 =	vperm.xlane v45, v0;
	v22 =	vsel vm0, v53, v54  }
0x1d9: {  	v50 =	vld [tilespmem:s26+$0xC00];
	v20 =	vsel vm0, v57, v59;
	v63 =	vperm.xlane v56, v0;
	v33 =	vperm.xlane v58, v0  }
0x1da: {  	v42 =	vld [tilespmem:s26+$0x10C50];
	v30 =	vsub.f32 $0.0e+00, v56;
	v16 =	vmul.f32 v16, v48;
	v20 =	vmul.f32 v20, v61  }
0x1db: {  	v44 =	vld [tilespmem:s26+$0x8C60];
	v11 =	vadd.f32 v12, v40;
	v43 =	vperm.xlane v31, v0;
	v45 =	vsub.f32 $0.0e+00, v31  }
0x1dc: {  	v47 =	vld [tilespmem:s29+$0xC70];
	v10 =	vadd.f32 v37, v10;
	v34 =	vsel vm0, v56, v63;
	v35 =	vsel vm0, v63, v30  }
0x1dd: {  	v36 =	vld [tilespmem:s26+$0x10C40];
	v15 =	vadd.f32 v15, v18;
	v14 =	vadd.f32 v16, v14;
	v16 =	vmul.f32 v22, v55  }
0x1de: {  	v46 =	vld [tilespmem:s26+$0x10C60];
	v17 =	vadd.f32 v20, v17;
	v37 =	vmul.f32 v34, v58;
	v38 =	vmul.f32 v35, v33  }
0x1df: {  	v52 =	vld [tilespmem:s26+$0xC10];
	v11 =	vmul.f32 v11, v60;
	v49 =	vsel vm0, v31, v43;
	v55 =	vsub.f32 $0.0e+00, v39  }
0x1e0: {  	v32 =	vld [tilespmem:s26+$0xC30];
	v9 =	vadd.f32 v9, v10;
	v54 =	vperm.xlane v42, v0;
	v57 =	vperm.xlane v44, v0  }
0x1e1: {  	s29 =	sor.u32 s8, s12;
	v60 =	vld [tilespmem:s26+$0x10C70];
	v58 =	vsub.f32 $0.0e+00, v44;
	v30 =	vmul.f32 v15, v47;
	v14 =	vmul.f32 v14, v50  }
0x1e2: {  	v31 =	vld [tilespmem:s29+$0x10C00];
	v13 =	vadd.f32 v16, v13;
	v41 =	vmul.f32 v17, v62;
	v48 =	vperm.xlane v36, v0  }
0x1e3: {  	v10 =	vadd.f32 v38, v37;
	v51 =	vmul.f32 v49, v36;
	v59 =	vperm.xlane v46, v0  }
0x1e4: {  	v29 =	vld [tilespmem:s29+$0x8C00];
	v17 =	vsel vm0, v44, v57;
	v61 =	vsel vm0, v57, v58;
	v13 =	vmul.f32 v13, v52  }
0x1e5: {  	v62 =	vld [tilespmem:s26+$0x8C70];
	v9 =	vadd.f32 v11, v9;
	v10 =	vmul.f32 v10, v32;
	v52 =	vperm.xlane v39, v0  }
0x1e6: {  	v37 =	vld [tilespmem:s29+$0x8C10];
	v14 =	vadd.f32 $0.0e+00, v14;
	v63 =	vmul.f32 v17, v46;
	v28 =	vmul.f32 v61, v59  }
0x1e7: {  	v56 =	vld [tilespmem:s26+$0xC60];
	v7 =	vadd.f32 v30, v9;
	v38 =	vperm.xlane v60, v0;
	v44 =	vperm.xlane v31, v0  }
0x1e8: {  	v57 =	vld [tilespmem:s29+$0x10C30];
	v40 =	vadd.f32 v13, v14;
	v13 =	vsel vm0, v43, v45;
	v21 =	vsel vm0, v39, v52  }
0x1e9: {  	v22 =	vsel vm0, v52, v55;
	v39 =	vperm.xlane v29, v0;
	v13 =	vmul.f32 v13, v48  }
0x1ea: {  	v46 =	vld [tilespmem:s29+$0x10C20];
	v33 =	vadd.f32 v28, v63;
	v14 =	vmul.f32 v21, v42;
	v22 =	vmul.f32 v22, v54  }
0x1eb: {  	v50 =	vld [tilespmem:s26+$0xC40];
	v36 =	vperm.xlane v62, v0;
	v43 =	vsub.f32 $0.0e+00, v62;
	v49 =	vperm.xlane v37, v0  }
0x1ec: {  	v53 =	vld [tilespmem:s26+$0xC50];
	v52 =	vsub.f32 $0.0e+00, v37;
	v12 =	vadd.f32 v41, v40;
	v35 =	vmul.f32 v33, v56  }
0x1ed: {  	v45 =	vld [tilespmem:s29+$0x8C20];
	v40 =	vsub.f32 $0.0e+00, v29;
	v18 =	vsel vm0, v29, v39;
	v26 =	vperm.xlane v57, v0  }
0x1ee: {  	v55 =	vld [tilespmem:s29+$0x8C30];
	v13 =	vadd.f32 v13, v51;
	v14 =	vadd.f32 v22, v14;
	v42 =	vsel vm0, v62, v36  }
0x1ef: {  	v27 =	vld [tilespmem:s29+$0x8C50];
	v15 =	vmul.f32 v18, v31;
	v56 =	vperm.xlane v46, v0;
	v10 =	vadd.f32 v10, v12  }
0x1f0: {  	v41 =	vld [tilespmem:s29+$0x10C10];
	v20 =	vmul.f32 v42, v60;
	v16 =	vsel vm0, v39, v40;
	v32 =	vmul.f32 v13, v50  }
0x1f1: {  	v12 =	vsel vm0, v36, v43;
	v34 =	vmul.f32 v14, v53;
	v16 =	vmul.f32 v16, v44  }
0x1f2: {  	v47 =	vmul.f32 v12, v38;
	v13 =	vsel vm0, v37, v49;
	v53 =	vperm.xlane v45, v0  }
0x1f3: {  	v31 =	vld [tilespmem:s29+$0x10C50];
	v54 =	vsub.f32 $0.0e+00, v45;
	v14 =	vsel vm0, v49, v52;
	v62 =	vperm.xlane v55, v0  }
0x1f4: {  	v48 =	vld [tilespmem:s29+$0xC00];
	v63 =	vsub.f32 $0.0e+00, v55;
	v37 =	vperm.xlane v27, v0;
	v38 =	vsub.f32 $0.0e+00, v27  }
0x1f5: {  	v60 =	vld [tilespmem:s29+$0x8C40];
	v10 =	vadd.f32 v32, v10;
	v15 =	vadd.f32 v16, v15;
	v51 =	vperm.xlane v41, v0  }
0x1f6: {  	v24 =	vld [tilespmem:s29+$0x10C40];
	v13 =	vmul.f32 v13, v41;
	v23 =	vsel vm0, v45, v53;
	v22 =	vsel vm0, v53, v54  }
0x1f7: {  	v39 =	vld [tilespmem:s29+$0x10C60];
	v29 =	vsel vm0, v55, v62;
	v17 =	vmul.f32 v23, v46;
	v19 =	vmul.f32 v22, v56  }
0x1f8: {  	v44 =	vld [tilespmem:s29+$0x10C70];
	v42 =	vsel vm0, v37, v38;
	v30 =	vmul.f32 v29, v57;
	v40 =	vperm.xlane v31, v0  }
0x1f9: {  	v59 =	vld [tilespmem:s26+$0xC70];
	v22 =	vsel vm0, v27, v37;
	v9 =	vadd.f32 v34, v10;
	v14 =	vmul.f32 v14, v51  }
0x1fa: {  	v58 =	vld [tilespmem:s29+$0xC20];
	s26 =	sor.u32 s9, s12;
	v10 =	vadd.f32 v47, v20;
	v12 =	vmul.f32 v15, v48;
	v32 =	vperm.xlane v60, v0  }
0x1fb: {  	v49 =	vld [tilespmem:s26+$0x10C00];
	v33 =	vsub.f32 $0.0e+00, v60;
	v34 =	vperm.xlane v24, v0;
	v43 =	vmul.f32 v22, v31  }
0x1fc: {  	v41 =	vld [tilespmem:s29+$0x8C70];
	v51 =	vperm.xlane v39, v0;
	v61 =	vadd.f32 v19, v17;
	v17 =	vsel vm0, v62, v63  }
0x1fd: {  	v50 =	vld [tilespmem:s29+$0xC10];
	v45 =	vmul.f32 v42, v40;
	v56 =	vperm.xlane v44, v0;
	v9 =	vadd.f32 v35, v9  }
0x1fe: {  	v47 =	vld [tilespmem:s26+$0x8C00];
	v13 =	vadd.f32 v14, v13;
	v16 =	vmul.f32 v17, v26;
	v10 =	vmul.f32 v10, v59  }
0x1ff: {  	v62 =	vld [tilespmem:s26+$0x8C10];
	v14 =	vsel vm0, v60, v32;
	v11 =	vsel vm0, v32, v33;
	v15 =	vmul.f32 v61, v58  }
0x200: {  	v12 =	vadd.f32 $0.0e+00, v12;
	v35 =	vld [tilespmem:s29+$0x8C60];
	v14 =	vmul.f32 v14, v24;
	v11 =	vmul.f32 v11, v34  }
0x201: {  	v36 =	vld [tilespmem:s29+$0xC40];
	v54 =	vperm.xlane v41, v0;
	v57 =	vsub.f32 $0.0e+00, v41;
	v61 =	vperm.xlane v49, v0  }
0x202: {  	v32 =	vld [tilespmem:s26+$0x8C20];
	v13 =	vmul.f32 v13, v50;
	v9 =	vadd.f32 v10, v9;
	v10 =	vadd.f32 v45, v43  }
0x203: {  	v28 =	vld [tilespmem:s29+$0xC30];
	v11 =	vadd.f32 v11, v14;
	v23 =	vsel vm0, v41, v54;
	v60 =	vsub.f32 $0.0e+00, v47  }
0x204: {  	v59 =	vperm.xlane v47, v0;
	v12 =	vadd.f32 v13, v12;
	v13 =	vadd.f32 v16, v30  }
0x205: {  	v50 =	vld [tilespmem:s29+$0xC50];
	v17 =	vmul.f32 v23, v44;
	v37 =	vsub.f32 $0.0e+00, v62;
	v46 =	vperm.xlane v35, v0  }
0x206: {  	v29 =	vld [tilespmem:s26+$0x10C10];
	v11 =	vmul.f32 v11, v36;
	v48 =	vsub.f32 $0.0e+00, v35;
	v63 =	vsel vm0, v47, v59  }
0x207: {  	v34 =	vld [tilespmem:s26+$0x10C20];
	v36 =	vperm.xlane v62, v0;
	v42 =	vperm.xlane v32, v0;
	v45 =	vsub.f32 $0.0e+00, v32  }
0x208: {  	v43 =	vld [tilespmem:s26+$0x8C40];
	v12 =	vadd.f32 v15, v12;
	v13 =	vmul.f32 v13, v28;
	v28 =	vsel vm0, v59, v60  }
0x209: {  	v52 =	vld [tilespmem:s29+$0xC60];
	v30 =	vmul.f32 v63, v49;
	v16 =	vsel vm0, v35, v46;
	v31 =	vmul.f32 v28, v61  }
0x20a: {  	v40 =	vld [tilespmem:s26+$0x10C30];
	v10 =	vmul.f32 v10, v50;
	v41 =	vsel vm0, v62, v36;
	v18 =	vsel vm0, v32, v42  }
0x20b: {  	v58 =	vld [tilespmem:s26+$0xC00];
	v12 =	vadd.f32 v13, v12;
	v53 =	vmul.f32 v16, v39;
	v39 =	vperm.xlane v29, v0  }
0x20c: {  	v35 =	vld [tilespmem:s26+$0x8C30];
	v13 =	vsel vm0, v46, v48;
	v20 =	vmul.f32 v41, v29;
	v46 =	vperm.xlane v34, v0  }
0x20d: {  	v50 =	vld [tilespmem:s26+$0x8C50];
	v16 =	vsel vm0, v54, v57;
	v54 =	vperm.xlane v43, v0;
	v13 =	vmul.f32 v13, v51  }
0x20e: {  	v32 =	vld [tilespmem:s26+$0x8C60];
	v15 =	vmul.f32 v16, v56;
	v14 =	vadd.f32 v31, v30;
	v16 =	vsel vm0, v36, v37  }
0x20f: {  	v55 =	vld [tilespmem:s29+$0xC70];
	v51 =	vperm.xlane v40, v0;
	v6 =	vadd.f32 v11, v12;
	v12 =	vmul.f32 v18, v34  }
0x210: {  	v48 =	vld [tilespmem:s26+$0x10C40];
	v21 =	vsel vm0, v43, v54;
	v13 =	vadd.f32 v13, v53;
	v33 =	vadd.f32 v15, v17  }
0x211: {  	v38 =	vmul.f32 v14, v58;
	v14 =	vmul.f32 v16, v39;
	v16 =	vsel vm0, v42, v45  }
0x212: {  	s12 =	sor.u32 s10, s12;
	v6 =	vadd.f32 v10, v6;
	v47 =	vperm.xlane v35, v0;
	v16 =	vmul.f32 v16, v46  }
0x213: {  	v36 =	vld [tilespmem:s12+$0x10C00];
	v49 =	vsub.f32 $0.0e+00, v35;
	v60 =	vperm.xlane v50, v0;
	v45 =	vperm.xlane v32, v0  }
0x214: {  	v44 =	vld [tilespmem:s26+$0xC10];
	v61 =	vsub.f32 $0.0e+00, v50;
	v13 =	vmul.f32 v13, v52;
	v11 =	vmul.f32 v33, v55  }
0x215: {  	v57 =	vld [tilespmem:s26+$0xC40];
	v55 =	vsub.f32 $0.0e+00, v43;
	v58 =	vperm.xlane v48, v0;
	v14 =	vadd.f32 v14, v20  }
0x216: {  	v53 =	vld [tilespmem:s26+$0xC20];
	v21 =	vmul.f32 v21, v48;
	v10 =	vadd.f32 $0.0e+00, v38;
	v48 =	vsub.f32 $0.0e+00, v32  }
0x217: {  	v56 =	vld [tilespmem:s26+$0xC30];
	v15 =	vsel vm0, v35, v47;
	v17 =	vsel vm0, v47, v49;
	v18 =	vsel vm0, v50, v60  }
0x218: {  	v52 =	vld [tilespmem:s26+$0x10C50];
	v28 =	vsel vm0, v60, v61;
	v12 =	vadd.f32 v16, v12;
	v47 =	vperm.xlane v36, v0  }
0x219: {  	v33 =	vld [tilespmem:s12+$0x8C00];
	v15 =	vmul.f32 v15, v40;
	v17 =	vmul.f32 v17, v51;
	v24 =	vsel vm0, v54, v55  }
0x21a: {  	v60 =	vld [tilespmem:s12+$0x10C30];
	v6 =	vadd.f32 v13, v6;
	v14 =	vmul.f32 v14, v44;
	v62 =	vmul.f32 v24, v58  }
0x21b: {  	v40 =	vld [tilespmem:s26+$0x10C60];
	v38 =	vmul.f32 v12, v53;
	v24 =	vsel vm0, v32, v45;
	v15 =	vadd.f32 v17, v15  }
0x21c: {  	v44 =	vld [tilespmem:s12+$0x8C10];
	v6 =	vadd.f32 v11, v6;
	v10 =	vadd.f32 v14, v10;
	v11 =	vsel vm0, v45, v48  }
0x21d: {  	v55 =	vld [tilespmem:s12+$0x10C20];
	v63 =	vperm.xlane v52, v0;
	v34 =	vmul.f32 v18, v52;
	v37 =	vadd.f32 v62, v21  }
0x21e: {  	v58 =	vld [tilespmem:s12+$0x8C30];
	v42 =	vperm.xlane v33, v0;
	v43 =	vsub.f32 $0.0e+00, v33;
	v13 =	vmul.f32 v15, v56  }
0x21f: {  	v59 =	vld [tilespmem:s26+$0xC50];
	v10 =	vadd.f32 v38, v10;
	v38 =	vperm.xlane v60, v0;
	v35 =	vmul.f32 v28, v63  }
0x220: {  	v50 =	vld [tilespmem:s12+$0x10C10];
	v41 =	vmul.f32 v37, v57;
	v49 =	vsel vm0, v33, v42;
	v53 =	vperm.xlane v40, v0  }
0x221: {  	v52 =	vld [tilespmem:s12+$0x8C20];
	v17 =	vsel vm0, v42, v43;
	v16 =	vmul.f32 v24, v40;
	v54 =	vperm.xlane v44, v0  }
0x222: {  	v15 =	vld [tilespmem:s26+$0x8C70];
	v57 =	vsub.f32 $0.0e+00, v44;
	v33 =	vperm.xlane v55, v0;
	v10 =	vadd.f32 v13, v10  }
0x223: {  	v51 =	vmul.f32 v49, v36;
	v17 =	vmul.f32 v17, v47;
	v36 =	vsub.f32 $0.0e+00, v58  }
0x224: {  	v46 =	vld [tilespmem:s12+$0xC00];
	v39 =	vadd.f32 v35, v34;
	v11 =	vmul.f32 v11, v53;
	v19 =	vsel vm0, v44, v54  }
0x225: {  	v43 =	vld [tilespmem:s12+$0x10C40];
	v35 =	vperm.xlane v58, v0;
	v13 =	vadd.f32 v17, v51;
	v17 =	vsel vm0, v54, v57  }
0x226: {  	v63 =	vld [tilespmem:s26+$0x10C70];
	v61 =	vperm.xlane v52, v0;
	v62 =	vsub.f32 $0.0e+00, v52;
	v18 =	vmul.f32 v19, v50  }
0x227: {  	v32 =	vld [tilespmem:s12+$0xC10];
	v10 =	vadd.f32 v41, v10;
	v12 =	vmul.f32 v39, v59;
	v56 =	vperm.xlane v15, v0  }
0x228: {  	v45 =	vld [tilespmem:s12+$0x10C50];
	v59 =	vperm.xlane v50, v0;
	v40 =	vsub.f32 $0.0e+00, v15;
	v25 =	vsel vm0, v58, v35  }
0x229: {  	v44 =	vld [tilespmem:s12+$0x8C50];
	v22 =	vsel vm0, v35, v36;
	v13 =	vmul.f32 v13, v46;
	v42 =	vmul.f32 v25, v60  }
0x22a: {  	v57 =	vld [tilespmem:s12+$0x8C70];
	v21 =	vsel vm0, v52, v61;
	v20 =	vmul.f32 v22, v38;
	v49 =	vperm.xlane v43, v0  }
0x22b: {  	v39 =	vld [tilespmem:s12+$0x8C40];
	v24 =	vsel vm0, v61, v62;
	v14 =	vperm.xlane v63, v0;
	v17 =	vmul.f32 v17, v59  }
0x22c: {  	v11 =	vadd.f32 v11, v16;
	v50 =	vld [tilespmem:s12+$0x8C60];
	v21 =	vmul.f32 v21, v55;
	v37 =	vmul.f32 v24, v33  }
0x22d: {  	v58 =	vld [tilespmem:s12+$0x10C70];
	v15 =	vsel vm0, v15, v56;
	v23 =	vsel vm0, v56, v40;
	v55 =	vperm.xlane v45, v0  }
0x22e: {  	v34 =	vld [tilespmem:s12+$0xC20];
	v13 =	vadd.f32 $0.0e+00, v13;
	v15 =	vmul.f32 v15, v63;
	v52 =	vperm.xlane v44, v0  }
0x22f: {  	v41 =	vld [tilespmem:s12+$0xC30];
	v53 =	vsub.f32 $0.0e+00, v44;
	v14 =	vmul.f32 v23, v14;
	v17 =	vadd.f32 v17, v18  }
0x230: {  	v16 =	vadd.f32 v37, v21;
	v18 =	vadd.f32 v20, v42;
	v30 =	vperm.xlane v57, v0  }
0x231: {  	v31 =	vsub.f32 $0.0e+00, v57;
	v46 =	vperm.xlane v39, v0;
	v47 =	vsub.f32 $0.0e+00, v39  }
0x232: {  	v56 =	vld [tilespmem:s12+$0x10C60];
	v25 =	vsel vm0, v44, v52;
	v60 =	vperm.xlane v50, v0;
	v33 =	vperm.xlane v58, v0  }
0x233: {  	v61 =	vsub.f32 $0.0e+00, v50;
	v17 =	vmul.f32 v17, v32;
	v16 =	vmul.f32 v16, v34  }
0x234: {  	v48 =	vmul.f32 v18, v41;
	v19 =	vmul.f32 v25, v45;
	v34 =	vsel vm0, v57, v30  }
0x235: {  	v51 =	vld [tilespmem:s12+$0xC40];
	v24 =	vsel vm0, v39, v46;
	v20 =	vsel vm0, v46, v47;
	v13 =	vadd.f32 v17, v13  }
0x236: {  	v22 =	vmul.f32 v24, v43;
	v54 =	vmul.f32 v20, v49;
	v24 =	vsel vm0, v52, v53  }
0x237: {  	v59 =	vld [tilespmem:s12+$0xC50];
	v28 =	vperm.xlane v56, v0;
	v21 =	vsel vm0, v50, v60;
	v18 =	vmul.f32 v24, v55  }
0x238: {  	v63 =	vld [tilespmem:s26+$0xC60];
	v20 =	vmul.f32 v21, v56;
	v13 =	vadd.f32 v16, v13;
	v16 =	vadd.f32 v54, v22  }
0x239: {  	v29 =	vld [tilespmem:s12+$0xC60];
	v21 =	vsel vm0, v30, v31;
	v24 =	vsel vm0, v60, v61;
	v62 =	vadd.f32 v18, v19  }
0x23a: {  	v32 =	vld [tilespmem:s26+$0xC70];
	v19 =	vmul.f32 v24, v28;
	v13 =	vadd.f32 v48, v13;
	v16 =	vmul.f32 v16, v51  }
0x23b: {  	v35 =	vld [tilespmem:s12+$0xC70];
	v36 =	vmul.f32 v34, v58;
	v21 =	vmul.f32 v21, v33  }
0x23c: {  	v17 =	vmul.f32 v62, v59;
	v19 =	vadd.f32 v19, v20;
	v13 =	vadd.f32 v16, v13  }
0x23d: {  	v10 =	vadd.f32 v12, v10;
	v37 =	vadd.f32 v14, v15;
	v11 =	vmul.f32 v11, v63  }
0x23e: {  	v39 =	vadd.f32 v21, v36;
	v38 =	vmul.f32 v19, v29;
	v13 =	vadd.f32 v17, v13  }
0x23f: {  	v41 =	vperm.xlane v8, v0;
	v10 =	vadd.f32 v11, v10;
	v40 =	vmul.f32 v37, v32  }
0x240: {  	v43 =	vperm.xlane v7, v0;
	v42 =	vmul.f32 v39, v35;
	v13 =	vadd.f32 v38, v13  }
0x241: {  	v44 =	vperm.xlane v9, v0;
	v8 =	vadd.f32 v8, v41;
	v10 =	vadd.f32 v40, v10  }
0x242: {  	v45 =	vperm.xlane v6, v0;
	v7 =	vadd.f32 v7, v43;
	v13 =	vadd.f32 v42, v13  }
0x243: {  	v9 =	vadd.f32 v9, v44;
	v46 =	vperm.xlane v8, v1;
	v47 =	vperm.xlane v10, v0  }
0x244: {  	v6 =	vadd.f32 v6, v45;
	v15 =	vperm.xlane v7, v1;
	v48 =	vperm.xlane v13, v0  }
0x245: {  	v49 =	vperm.xlane v9, v1;
	v8 =	vadd.f32 v8, v46;
	v10 =	vadd.f32 v10, v47  }
0x246: {  	v50 =	vperm.xlane v6, v1;
	v7 =	vadd.f32 v7, v15;
	v11 =	vadd.f32 v13, v48  }
0x247: {  	v9 =	vadd.f32 v9, v49;
	v51 =	vperm.xlane v8, v2;
	v52 =	vperm.xlane v10, v1  }
0x248: {  	v6 =	vadd.f32 v6, v50;
	v15 =	vperm.xlane v7, v2;
	v53 =	vperm.xlane v11, v1  }
0x249: {  	v54 =	vperm.xlane v9, v2;
	v8 =	vadd.f32 v8, v51;
	v10 =	vadd.f32 v10, v52  }
0x24a: {  	v55 =	vperm.xlane v6, v2;
	v7 =	vadd.f32 v7, v15;
	v11 =	vadd.f32 v11, v53  }
0x24b: {  	v9 =	vadd.f32 v9, v54;
	v56 =	vperm.xlane v8, v3;
	v57 =	vperm.xlane v10, v2  }
0x24c: {  	v6 =	vadd.f32 v6, v55;
	v15 =	vperm.xlane v7, v3;
	v58 =	vperm.xlane v11, v2  }
0x24d: {  	v59 =	vperm.xlane v9, v3;
	v8 =	vadd.f32 v8, v56;
	v10 =	vadd.f32 v10, v57  }
0x24e: {  	v60 =	vperm.xlane v6, v3;
	v7 =	vadd.f32 v7, v15;
	v11 =	vadd.f32 v11, v58  }
0x24f: {  	v61 =	vadd.f32 v9, v59;
	v5 =	vsel vm10, v5, v8;
	v62 =	vperm.xlane v10, v3  }
0x250: {  	p0 =	seq.s32 s11, $0x7;
	v6 =	vadd.f32 v6, v60;
	v5 =	vsel vm11, v5, v7;
	v7 =	vperm.xlane v11, v3  }
.Ltmp4:
0x251: {  	v5 =	vsel vm12, v5, v61;
	v63 =	vadd.f32 v10, v62;
	(pc) =	sbr.rel @!p0 .LBB2_9-.Ltmp4, $4  }
0x252: {  	v5 =	vsel vm13, v5, v6;
	v6 =	vadd.f32 v11, v7  }
0x253: {  	s29 =	sshll.u32 s11, $0x4;
	v5 =	vsel vm14, v5, v63  }
0x254: {  	s12 =	sand.u32 $0x3FFFFFF0, s29;
	v5 =	vsel vm15, v5, v6  }
0x255: {  	s11 =	sadd.s32 $0x1, s11;
	[tilespmem:v4+s12+$0x0 ss:$0x1] =	vst.idx.msk $0xffff, v5  }
0x256: {  	p0 =	seq.s32 s4, $0x8  }
.Ltmp5:
0x257: {  	_ = 	snop;
	(pc) =	sbr.rel @!p0 .LBB2_3-.Ltmp5, $2  }
0x258: {  	_ =	sdelay $0x2  }
0x259: {  	s5 =	smov.u32 s4  }
0x25a: {  	s4 =	rddreg [dreg:$0x14];
	s5 =	simm.s32 $0x18C00;
	s26 =	simm.s32 $0x3  }
0x25b: {  	[hbm4b:s4+s3] =	stream.linear.scatter [tilespmem:s5], [sflag:$0x3], $0x200, $0x38;
	[tilespmem:$0x19000] =	vst v63  }
0x25c: {  	_ =	swait.ge [sflag:s26], $0x200  }
0x25d: {  	[sflag:s26] =	ssyncset.done $0x0  }
0x25e: {  	s6 =	simm.s32 $0x18E00;
	s28 =	rddreg [dreg:$0x15];
	[sflag:s26] =	ssyncadd.s32 $0xFFFFFE00  }
0x25f: {  	[hbm4b:s28+s3] =	stream.linear.scatter [tilespmem:s6], [sflag:$0x3], $0x200, $0x38;
	[tilespmem:$0x19000] =	vst v63  }
0x260: {  	_ =	swait.ge [sflag:s26], $0x200  }
0x261: {  	s2 =	sadd.s32 $0x1, s2;
	s29 =	rddreg [dreg:$0x16]  }
0x262: {  	p0 =	sne.s32 s2, s29  }
.Ltmp6:
0x263: {  	_ = 	snop;
	(pc) =	sbr.rel @p0 .LBB2_1-.Ltmp6, $3  }
0x264: {  	_ =	sdelay $0x1  }
0x265: {  	[sflag:s26] =	ssyncset.done $0x0  }
0x266: {  	[sflag:s26] =	ssyncadd.s32 $0xFFFFFE00  }
0x267: {  	_ =	sfence.sel $0x180000  }
0x268: {  	[bflag:$0x0] =	sbarrier.arrive $0xFFFF  }
0x269: {  	_ =	strace $0x90000047  }
0x26a: {  	s0 =	stileid.u32;
	[bflag:$0x2] =	sbarrier.arrive $0xFFFF  }
0x26b: {  	p0 =	sne.s32 s0, $0x0;
	s0 =	rddreg [dreg:$0xa]  }
0x26c: {  	s0 =	sadd.s32 @!p0 $0x100000, s0  }
0x26d: {  	[sflag:s0] =	ssyncadd.tile.s32 @!p0 $0x1;
	_ =	shalt  }
.Lfunc_end2:
_tile_overlayer_lowered:
.L_overlay_start_2:
0x26e: {  	(tag) =	ssettag $0x2  }
0x26f: {  	s0 =	rddreg [dreg:$0x0];
	s2 =	stileid.u32  }
0x270: {  	s1 =	rddreg [dreg:$0x1];
	p0 =	sne.s32 s2, $0x0  }
0x271: {  	s3 =	rddreg [dreg:$0x2];
	[bflag:$0x3] =	sbarrier.arrive $0xFFFF;
	s2 =	simm.s32 @!p0 $0x1C03  }
0x272: {  	[timem:s3], [sflag:s2] =	dma.local @!p0 [hbm:s0], s1  }
0x273: {  	s0 =	simm.s32 @!p0 $0x3  }
0x274: {  	_ =	swait.ge @!p0 [sflag:s0], s1  }
0x275: {  	s1 =	ssub.s32 @!p0 $0x0, s1;
	[sflag:s0] =	ssyncset.done @!p0 $0x0  }
0x276: {  	[sflag:s0] =	ssyncadd.s32 @!p0 s1  }
0x277: {  	[bflag:$0x3] =	sbarrier.arrive $0xFFFF  }
0x278: {  	_ =	shalt  }

</sc_bundles>
